<compile_context>
chip_gen: v7x
topology: tpu7x:2x2x1
jax: 0.10.2.dev20260603
libtpu: 0.0.44.dev20260713+nightly
codegen_flags: <defaults>
</compile_context>

<pallas_src>
import functools
import jax
import jax.numpy as jnp
from jax import lax
from jax.experimental import pallas as pl
from jax.experimental.pallas import tpu as pltpu
from jax.experimental.pallas import tpu_sc as plsc

N = 10000
D = 128
E = 160000
NCLS = 349

NC = 2
NS = 16
K = 128
PAD = 3840
EPAD = E + PAD
EPT = EPAD // NS
NA = 10240
RPT = NA // NS
NCH = EPT // K
NST4 = NCH // 4
CPT = NCH
CPC = EPAD // K

_f32 = jnp.float32


def _sum_pass(table, src2d, dst2d, acc, base_cid,
              sbufs, dbufs, isems, rows, gsems):

    def istart(q, b):
        pltpu.async_copy(src2d.at[base_cid + q], sbufs[b], isems[b])
        pltpu.async_copy(dst2d.at[base_cid + q], dbufs[b], isems[b])

    def iwait(b):
        pltpu.make_async_copy(src2d.at[0], sbufs[b], isems[b]).wait()
        pltpu.make_async_copy(dst2d.at[0], dbufs[b], isems[b]).wait()

    def gstart(b, rb):
        iwait(b)
        pltpu.async_copy(table.at[sbufs[b]], rows[rb], gsems[rb])

    def gwait(rb):
        pltpu.make_async_copy(table.at[sbufs[0]], rows[rb],
                              gsems[rb]).wait()

    for b in range(4):
        istart(b, b)
    gstart(0, 0)

    def step(i, carry):
        for t in range(4):
            rb = t % 2
            nrb = (t + 1) % 2
            if t < 3:
                gstart(t + 1, nrb)
            else:
                @pl.when(i < NST4 - 1)
                def _():
                    gstart(0, nrb)
            gwait(rb)
            pltpu.sync_copy(rows[rb], acc.at[dbufs[t]], add=True)

            @pl.when(i < NST4 - 1)
            def _():
                istart(4 * i + 4 + t, t)
        return carry

    lax.fori_loop(0, NST4, step, 0)


def _count_pass(dst2d, acc, base_cid, dbufs, isems, ones_v):

    def istart(q, b):
        pltpu.async_copy(dst2d.at[base_cid + q], dbufs[b], isems[b])

    def iwait(b):
        pltpu.make_async_copy(dst2d.at[0], dbufs[b], isems[b]).wait()

    for b in range(4):
        istart(b, b)

    def step(i, carry):
        for t in range(4):
            iwait(t)
            pltpu.sync_copy(ones_v, acc.at[dbufs[t]], add=True)

            @pl.when(i < NST4 - 1)
            def _():
                istart(4 * i + 4 + t, t)
        return carry

    lax.fori_loop(0, NST4, step, 0)


def _sc_body(table_p, table_a, src2d, dst2d, zeros, ones, sums, cnts, acc,
             sbuf0, sbuf1, sbuf2, sbuf3, dbuf0, dbuf1, dbuf2, dbuf3,
             rows0, rows1,
             isem0, isem1, isem2, isem3, gsem0, gsem1):
    c = lax.axis_index("c")
    s = lax.axis_index("s")
    r0 = s * RPT
    sbufs = (sbuf0, sbuf1, sbuf2, sbuf3)
    dbufs = (dbuf0, dbuf1, dbuf2, dbuf3)
    isems = (isem0, isem1, isem2, isem3)
    rows = (rows0, rows1)
    gsems = (gsem0, gsem1)
    with_counts = cnts is not None

    pltpu.sync_copy(zeros.at[pl.ds(r0, RPT)], acc.at[pl.ds(r0, RPT)])
    plsc.subcore_barrier()

    base_cid = c * CPC + s * CPT

    @pl.when(c == 0)
    def _():
        _sum_pass(table_p, src2d, dst2d, acc, base_cid,
                  sbufs, dbufs, isems, rows, gsems)

    @pl.when(c == 1)
    def _():
        _sum_pass(table_a, src2d, dst2d, acc, base_cid,
                  sbufs, dbufs, isems, rows, gsems)

    plsc.subcore_barrier()
    pltpu.sync_copy(acc.at[pl.ds(r0, RPT)], sums.at[c, pl.ds(r0, RPT)])

    if with_counts:
        plsc.subcore_barrier()
        pltpu.sync_copy(zeros.at[pl.ds(r0, RPT)], acc.at[pl.ds(r0, RPT)])
        pltpu.sync_copy(ones, rows0)
        plsc.subcore_barrier()
        _count_pass(dst2d, acc, base_cid, dbufs, isems, rows0)
        plsc.subcore_barrier()
        pltpu.sync_copy(acc.at[pl.ds(r0, RPT)], cnts.at[c, pl.ds(r0, RPT)])


def _sc_body_counts(table_p, table_a, src2d, dst2d, zeros, ones, sums, cnts,
                    acc, sbuf0, sbuf1, sbuf2, sbuf3,
                    dbuf0, dbuf1, dbuf2, dbuf3, rows0, rows1,
                    isem0, isem1, isem2, isem3, gsem0, gsem1):
    _sc_body(table_p, table_a, src2d, dst2d, zeros, ones, sums, cnts, acc,
             sbuf0, sbuf1, sbuf2, sbuf3, dbuf0, dbuf1, dbuf2, dbuf3,
             rows0, rows1, isem0, isem1, isem2, isem3, gsem0, gsem1)


def _sc_body_sums(table_p, table_a, src2d, dst2d, zeros, sums, acc,
                  sbuf0, sbuf1, sbuf2, sbuf3,
                  dbuf0, dbuf1, dbuf2, dbuf3, rows0, rows1,
                  isem0, isem1, isem2, isem3, gsem0, gsem1):
    _sc_body(table_p, table_a, src2d, dst2d, zeros, None, sums, None, acc,
             sbuf0, sbuf1, sbuf2, sbuf3, dbuf0, dbuf1, dbuf2, dbuf3,
             rows0, rows1, isem0, isem1, isem2, isem3, gsem0, gsem1)


def _sc_scratch():
    return ([pltpu.VMEM_SHARED((NA, D), _f32)]
            + [pltpu.VMEM((K,), jnp.int32) for _ in range(8)]
            + [pltpu.VMEM((K, D), _f32) for _ in range(2)]
            + [pltpu.SemaphoreType.DMA for _ in range(6)])


@functools.cache
def _sc_agg_counts():
    mesh = plsc.VectorSubcoreMesh(core_axis_name="c", subcore_axis_name="s",
                                  num_cores=NC, num_subcores=NS)
    return pl.kernel(
        _sc_body_counts,
        out_type=[jax.ShapeDtypeStruct((NC, NA, D), _f32),
                  jax.ShapeDtypeStruct((NC, NA, D), _f32)],
        mesh=mesh,
        scratch_types=_sc_scratch(),
    )


@functools.cache
def _sc_agg():
    mesh = plsc.VectorSubcoreMesh(core_axis_name="c", subcore_axis_name="s",
                                  num_cores=NC, num_subcores=NS)
    return pl.kernel(
        _sc_body_sums,
        out_type=[jax.ShapeDtypeStruct((NC, NA, D), _f32)],
        mesh=mesh,
        scratch_types=_sc_scratch(),
    )


BR = 1000


def _dot(a, b):
    return lax.dot_general(a, b, (((1,), (0,)), ((), ())),
                           preferred_element_type=_f32)


def _tc0_body(x_ref, emb_ref, sums_ref, cnts_ref, wrp_ref, brp_ref,
              wra_ref, bra_ref, rc_ref, rw_ref, h1_ref, a1_ref, h1t_ref):
    x = x_ref[...]
    cnt_c = jnp.maximum(cnts_ref[0, :, 0:1], 1.0)
    cnt_w = jnp.maximum(cnts_ref[1, :, 0:1], 1.0)
    agg_c = sums_ref[0] / cnt_c
    agg_w = sums_ref[1] / cnt_w
    wrp = wrp_ref[...]
    rc = rc_ref[...]
    rw = rw_ref[...]
    brp = brp_ref[...]
    out = _dot(x, wrp) + brp + _dot(agg_c, rc) + _dot(agg_w, rw)
    h1_ref[...] = jnp.maximum(out, 0.0)
    a1_ref[...] = jnp.maximum(_dot(emb_ref[...], wra_ref[...]) + bra_ref[...], 0.0)
    h1t_ref[...] = jnp.maximum(_dot(x, wrp + rc + rw) + brp, 0.0)


def _tc1_body(h1_ref, h1t_ref, sums_ref, cnts_ref, wrp_ref, brp_ref,
              rc_ref, rw_ref, wout_ref, bout_ref, logits_ref, alpha_ref):
    h1 = h1_ref[...]
    h1t = h1t_ref[...]
    cnt_c = jnp.maximum(cnts_ref[0, :, 0:1], 1.0)
    cnt_w = jnp.maximum(cnts_ref[1, :, 0:1], 1.0)
    agg_c = sums_ref[0] / cnt_c
    agg_w = sums_ref[1] / cnt_w
    wrp = wrp_ref[...]
    rc = rc_ref[...]
    rw = rw_ref[...]
    brp = brp_ref[...]
    h2 = jnp.maximum(_dot(h1, wrp) + brp + _dot(agg_c, rc) + _dot(agg_w, rw), 0.0)
    h2t = jnp.maximum(_dot(h1t, wrp + rc + rw) + brp, 0.0)
    num0 = jnp.sum(h1 * h1t, axis=-1, keepdims=True)
    den0 = (jnp.sqrt(jnp.sum(h1 * h1, axis=-1, keepdims=True))
            * jnp.sqrt(jnp.sum(h1t * h1t, axis=-1, keepdims=True)) + 1e-8)
    s0 = num0 / den0
    num1 = jnp.sum(h2 * h2t, axis=-1, keepdims=True)
    den1 = (jnp.sqrt(jnp.sum(h2 * h2, axis=-1, keepdims=True))
            * jnp.sqrt(jnp.sum(h2t * h2t, axis=-1, keepdims=True)) + 1e-8)
    s1 = num1 / den1
    m = jnp.maximum(s0, s1)
    e0 = jnp.exp(s0 - m)
    e1 = jnp.exp(s1 - m)
    tot = e0 + e1
    a0 = e0 / tot
    a1 = e1 / tot
    h = a0 * h1 + a1 * h2
    logits_ref[...] = _dot(h, wout_ref[...]) + bout_ref[...]
    lane = lax.broadcasted_iota(jnp.int32, (BR, D), 1)
    alpha_ref[...] = jnp.where(lane == 0, a0, jnp.where(lane == 1, a1, 0.0))


def _row_spec(shape):
    nd = len(shape)
    if nd == 2:
        return pl.BlockSpec((BR, shape[1]), lambda i: (i, 0))
    return pl.BlockSpec((shape[0], BR, shape[2]), lambda i: (0, i, 0))


def _full_spec(shape):
    nd = len(shape)
    return pl.BlockSpec(shape, lambda i: (0,) * nd)


def _tc_layer0(x, emb, sums, cnts, rc, rw, wrp, brp, wra, bra):
    grid = (N // BR,)
    return pl.pallas_call(
        _tc0_body,
        grid=grid,
        in_specs=[
            _row_spec((N, D)), _row_spec((N, D)),
            _row_spec((NC, N, D)), _row_spec((NC, N, D)),
            _full_spec((D, D)), _full_spec((1, D)),
            _full_spec((D, D)), _full_spec((1, D)),
            _full_spec((D, D)), _full_spec((D, D)),
        ],
        out_specs=[_row_spec((N, D)), _row_spec((N, D)), _row_spec((N, D))],
        out_shape=[jax.ShapeDtypeStruct((N, D), _f32)] * 3,
    )(x, emb, sums, cnts, wrp, brp.reshape(1, D), wra, bra.reshape(1, D), rc, rw)


def _tc_layer1(h1, h1t, sums, cnts, rc, rw, wrp, brp, wout_p, bout_p):
    grid = (N // BR,)
    return pl.pallas_call(
        _tc1_body,
        grid=grid,
        in_specs=[
            _row_spec((N, D)), _row_spec((N, D)),
            _row_spec((NC, N, D)), _row_spec((NC, N, D)),
            _full_spec((D, D)), _full_spec((1, D)),
            _full_spec((D, D)), _full_spec((D, D)),
            _full_spec((D, NCLS)), _full_spec((1, NCLS)),
        ],
        out_specs=[_row_spec((N, NCLS)), _row_spec((N, D))],
        out_shape=[jax.ShapeDtypeStruct((N, NCLS), _f32),
                   jax.ShapeDtypeStruct((N, D), _f32)],
    )(h1, h1t, sums, cnts, wrp, brp.reshape(1, D), rc, rw, wout_p, bout_p)


def kernel(x_paper, emb_author, edge_cites, edge_writes,
           w_rel_cites_0, w_rel_writes_0, w_root_paper_0, b_root_paper_0,
           w_root_author_0, b_root_author_0,
           w_rel_cites_1, w_rel_writes_1, w_root_paper_1, b_root_paper_1,
           w_root_author_1, b_root_author_1, w_out, b_out):
    i32 = jnp.int32
    pad_src = jnp.zeros((PAD,), i32)
    pad_dst = jnp.full((PAD,), N, i32)
    src2d = jnp.concatenate(
        [edge_cites[0], pad_src, edge_writes[0], pad_src]).reshape(-1, K)
    dst2d = jnp.concatenate(
        [edge_cites[1], pad_dst, edge_writes[1], pad_dst]).reshape(-1, K)
    zeros128 = jnp.zeros((NA, D), _f32)
    ones = jnp.ones((K, D), _f32)

    sums0, cnts = _sc_agg_counts()(x_paper, emb_author, src2d, dst2d,
                                   zeros128, ones)
    h1, a1, h1t = _tc_layer0(x_paper, emb_author, sums0, cnts,
                             w_rel_cites_0, w_rel_writes_0,
                             w_root_paper_0, b_root_paper_0,
                             w_root_author_0, b_root_author_0)
    (sums1,) = _sc_agg()(h1, a1, src2d, dst2d, zeros128)
    logits, alpha_p = _tc_layer1(h1, h1t, sums1, cnts,
                                 w_rel_cites_1, w_rel_writes_1,
                                 w_root_paper_1, b_root_paper_1,
                                 w_out, b_out.reshape(1, NCLS))
    return logits, alpha_p[:, :2]

# --- scband reference (transcript-rebuilt; emitter-appended) ---
"""Pipeline reference for scband-twin-rgcn-34548716929229 (READ-ONLY COPY).

The authoritative reference and input builder live on the scoring server;
editing this copy changes nothing except your own understanding.
"""

import jax, jax.numpy as jnp
import numpy as np

N_PAPER = 10000
N_AUTHOR = 10000
D_FEAT = 128
N_HID = 128
N_EDGE = 160000
N_CLASS = 349
N_LAYER = 2
TEMP = 1.0


def _agg_mean(x, src, dst, num_dst):
    msg = jnp.take(x, src, axis=0)
    s = jax.ops.segment_sum(msg, dst, num_segments=num_dst)
    cnt = jax.ops.segment_sum(jnp.ones((dst.shape[0],), x.dtype), dst, num_segments=num_dst)
    return s / jnp.clip(cnt, 1.0)[:, None]


def setup_inputs(seed: int = 0):
    key = jax.random.key(seed)
    ks = jax.random.split(key, 24)
    inp = {}
    inp["x_paper"] = jax.random.normal(ks[0], (N_PAPER, D_FEAT), jnp.float32)
    inp["emb_author"] = jax.random.normal(ks[1], (N_AUTHOR, D_FEAT), jnp.float32) * 0.1
    inp["edge_cites"] = jax.random.randint(ks[2], (2, N_EDGE), 0, N_PAPER, jnp.int32)
    src_w = jax.random.randint(ks[3], (N_EDGE,), 0, N_AUTHOR, jnp.int32)
    dst_w = jax.random.randint(ks[4], (N_EDGE,), 0, N_PAPER, jnp.int32)
    inp["edge_writes"] = jnp.stack([src_w, dst_w])
    i = 5
    dims = [(D_FEAT, N_HID), (N_HID, N_HID)]
    for l, (di, do) in enumerate(dims):
        inp[f"w_rel_cites_{l}"] = jax.random.normal(ks[i], (di, do), jnp.float32) * 0.05; i += 1
        inp[f"w_rel_writes_{l}"] = jax.random.normal(ks[i], (di, do), jnp.float32) * 0.05; i += 1
        inp[f"w_root_paper_{l}"] = jax.random.normal(ks[i], (di, do), jnp.float32) * 0.05; i += 1
        inp[f"b_root_paper_{l}"] = jnp.zeros((do,), jnp.float32)
        inp[f"w_root_author_{l}"] = jax.random.normal(ks[i], (di, do), jnp.float32) * 0.05; i += 1
        inp[f"b_root_author_{l}"] = jnp.zeros((do,), jnp.float32)
    inp["w_out"] = jax.random.normal(ks[i], (N_HID, N_CLASS), jnp.float32) * 0.05
    inp["b_out"] = jnp.zeros((N_CLASS,), jnp.float32)
    return inp


def reference(x_paper, emb_author, edge_cites, edge_writes,
              w_rel_cites_0, w_rel_writes_0, w_root_paper_0, b_root_paper_0, w_root_author_0, b_root_author_0,
              w_rel_cites_1, w_rel_writes_1, w_root_paper_1, b_root_paper_1, w_root_author_1, b_root_author_1,
              w_out, b_out):
    rel_c = [w_rel_cites_0, w_rel_cites_1]
    rel_w = [w_rel_writes_0, w_rel_writes_1]
    wrp = [w_root_paper_0, w_root_paper_1]
    brp = [b_root_paper_0, b_root_paper_1]
    wra = [w_root_author_0, w_root_author_1]
    bra = [b_root_author_0, b_root_author_1]
    # x_dict with learned author embedding inserted; x_dict_ is a twin copy
    x = {"paper": x_paper, "author": emb_author}
    x_ = dict(x)
    hs, hs_ = [], []
    for l in range(N_LAYER):
        # root linear transforms (with bias) per node type, for both twins
        out = {"paper": x["paper"] @ wrp[l] + brp[l], "author": x["author"] @ wra[l] + bra[l]}
        out_ = {"paper": x_["paper"] @ wrp[l] + brp[l], "author": x_["author"] @ wra[l] + bra[l]}
        # relation (paper, cites, paper): adj_t.matmul(x, reduce='mean') then rel linear
        agg_c = _agg_mean(x["paper"], edge_cites[0], edge_cites[1], N_PAPER)
        out["paper"] = out["paper"] + agg_c @ rel_c[l]
        # twin branch: rel linear applied to dst node's own features (no propagation)
        out_["paper"] = out_["paper"] + x_["paper"] @ rel_c[l]
        # relation (author, writes, paper)
        agg_w = _agg_mean(x["author"], edge_writes[0], edge_writes[1], N_PAPER)
        out["paper"] = out["paper"] + agg_w @ rel_w[l]
        out_["paper"] = out_["paper"] + x_["paper"] @ rel_w[l]
        # relu (dropout inactive in eval mode)
        x = {k: jax.nn.relu(v) for k, v in out.items()}
        x_ = {k: jax.nn.relu(v) for k, v in out_.items()}
        hs.append(x["paper"])
        hs_.append(x_["paper"])
    # Summarize: per-node attention over layers via cosine kernel between twins
    H = jnp.stack(hs)      # [L, N, d]
    H_ = jnp.stack(hs_)    # [L, N, d]
    num = jnp.sum(H * H_, axis=-1)
    den = jnp.linalg.norm(H, axis=-1) * jnp.linalg.norm(H_, axis=-1) + 1e-8
    alpha = jax.nn.softmax(num / den / TEMP, axis=0)  # [L, N]
    h = jnp.sum(alpha[..., None] * H, axis=0)         # [N, d]
    logits = h @ w_out + b_out
    return (logits, alpha.T)

if __name__ == "__main__":
    import jax
    _d = setup_inputs()
    print(jax.jit(kernel)(*tuple(_d.values())))

</pallas_src>

<mosaic_0001>
#map = affine_map<(d0, d1) -> (0, 0)>
#map1 = affine_map<(d0, d1) -> (0, 0, 0)>
module attributes {stable_mosaic.version = 14 : i64} {
  func.func @_sc_body_counts(%arg0: i32, %arg1: i32, %arg2: memref<10000x128xf32, #tpu.memory_space<hbm>>, %arg3: memref<10000x128xf32, #tpu.memory_space<hbm>>, %arg4: memref<2560x128xi32, #tpu.memory_space<hbm>>, %arg5: memref<2560x128xi32, #tpu.memory_space<hbm>>, %arg6: memref<10240x128xf32, #tpu.memory_space<hbm>>, %arg7: memref<128x128xf32, #tpu.memory_space<hbm>>, %arg8: memref<2x10240x128xf32, #tpu.memory_space<hbm>>, %arg9: memref<2x10240x128xf32, #tpu.memory_space<hbm>>, %arg10: memref<10240x128xf32, #tpu.memory_space<vmem_shared>>, %arg11: memref<128xi32, #tpu.memory_space<vmem>>, %arg12: memref<128xi32, #tpu.memory_space<vmem>>, %arg13: memref<128xi32, #tpu.memory_space<vmem>>, %arg14: memref<128xi32, #tpu.memory_space<vmem>>, %arg15: memref<128xi32, #tpu.memory_space<vmem>>, %arg16: memref<128xi32, #tpu.memory_space<vmem>>, %arg17: memref<128xi32, #tpu.memory_space<vmem>>, %arg18: memref<128xi32, #tpu.memory_space<vmem>>, %arg19: memref<128x128xf32, #tpu.memory_space<vmem>>, %arg20: memref<128x128xf32, #tpu.memory_space<vmem>>, %arg21: memref<!tpu.dma_semaphore, #tpu.memory_space<semaphore_mem>>, %arg22: memref<!tpu.dma_semaphore, #tpu.memory_space<semaphore_mem>>, %arg23: memref<!tpu.dma_semaphore, #tpu.memory_space<semaphore_mem>>, %arg24: memref<!tpu.dma_semaphore, #tpu.memory_space<semaphore_mem>>, %arg25: memref<!tpu.dma_semaphore, #tpu.memory_space<semaphore_mem>>, %arg26: memref<!tpu.dma_semaphore, #tpu.memory_space<semaphore_mem>>) attributes {dimension_semantics = [#tpu.dimension_semantics<core_parallel>, #tpu.dimension_semantics<subcore_parallel>], iteration_bounds = array<i64: 2, 16>, scalar_prefetch = 0 : i64, scratch_operands = 17 : i64, tpu.core_type = #tpu.core_type<sc_vector_subcore>, window_params = [{transform_indices = #map}, {transform_indices = #map}, {transform_indices = #map}, {transform_indices = #map}, {transform_indices = #map}, {transform_indices = #map}, {transform_indices = #map1}, {transform_indices = #map1}]} {
    %mul3A = arith.constant 640 : i32
    %mul3A_0 = arith.muli %arg1, %mul3A : i32
    "tpu.region"() ({
      %run_scoped3A = tpu.sem_alloc : memref<!tpu.dma_semaphore, #tpu.memory_space<semaphore_mem>>
      %dma_start3A_52 = arith.constant 0 : i32
      %dma_start3A_53 = tpu.memref_slice %arg10[%mul3A_0, %dma_start3A_52] : memref<10240x128xf32, #tpu.memory_space<vmem_shared>> -> memref<640x128xf32, #tpu.memory_space<vmem_shared>>
      %dma_start3A_54 = arith.constant 0 : i32
      %dma_start3A_55 = tpu.memref_slice %arg6[%mul3A_0, %dma_start3A_54] : memref<10240x128xf32, #tpu.memory_space<hbm>> -> memref<640x128xf32, #tpu.memory_space<hbm>>
      tpu.enqueue_dma source(%dma_start3A_55 : memref<640x128xf32, #tpu.memory_space<hbm>>) target(%dma_start3A_53 : memref<640x128xf32, #tpu.memory_space<vmem_shared>>) target_semaphore(%run_scoped3A : memref<!tpu.dma_semaphore, #tpu.memory_space<semaphore_mem>>)
      %dma_wait3A = arith.constant 0 : i32
      %dma_wait3A_56 = tpu.memref_slice %arg10[%mul3A_0, %dma_wait3A] : memref<10240x128xf32, #tpu.memory_space<vmem_shared>> -> memref<640x128xf32, #tpu.memory_space<vmem_shared>>
      %dma_wait3A_57 = arith.constant 0 : i32
      %dma_wait3A_58 = tpu.memref_slice %arg6[%mul3A_0, %dma_wait3A_57] : memref<10240x128xf32, #tpu.memory_space<hbm>> -> memref<640x128xf32, #tpu.memory_space<hbm>>
      tpu.wait_dma2 semaphore(%run_scoped3A : memref<!tpu.dma_semaphore, #tpu.memory_space<semaphore_mem>>) src(%dma_wait3A_58 : memref<640x128xf32, #tpu.memory_space<hbm>>) dst(%dma_wait3A_56 : memref<640x128xf32, #tpu.memory_space<vmem_shared>>)
      tpu.yield
    }) : () -> ()
    %barrier3A = arith.constant 0 : index
    tpu.barrier barrier_id(%barrier3A)
    %mul3A_1 = arith.constant 1280 : i32
    %mul3A_2 = arith.muli %arg0, %mul3A_1 : i32
    %mul3A_3 = arith.constant 80 : i32
    %mul3A_4 = arith.muli %arg1, %mul3A_3 : i32
    %add3A = arith.addi %mul3A_2, %mul3A_4 : i32
    %eq3A = arith.constant 0 : i32
    %eq3A_5 = arith.cmpi eq, %arg0, %eq3A : i32
    %convert_element_type3A = arith.extui %eq3A_5 : i1 to i32
    %cond3A = arith.constant 0 : i32
    %cond3A_6 = arith.cmpi ne, %convert_element_type3A, %cond3A : i32
    scf.if %cond3A_6 {
      %add3A_52 = arith.constant 0 : i32
      %add3A_53 = arith.addi %add3A, %add3A_52 : i32
      %dma_start3A_54 = arith.constant 0 : i32
      %dma_start3A_55 = tpu.memref_slice %arg4[%add3A_53, %dma_start3A_54] : memref<2560x128xi32, #tpu.memory_space<hbm>> -> memref<1x128xi32, #tpu.memory_space<hbm>>
      %dma_start3A_56 = tpu.memref_squeeze %dma_start3A_55 : memref<1x128xi32, #tpu.memory_space<hbm>> -> memref<128xi32, #tpu.memory_space<hbm>>
      %dma_start3A_57 = arith.constant 0 : i32
      %dma_start3A_58 = tpu.memref_slice %arg4[%add3A_53, %dma_start3A_57] : memref<2560x128xi32, #tpu.memory_space<hbm>> -> memref<1x128xi32, #tpu.memory_space<hbm>>
      %dma_start3A_59 = tpu.memref_squeeze %dma_start3A_58 : memref<1x128xi32, #tpu.memory_space<hbm>> -> memref<128xi32, #tpu.memory_space<hbm>>
      tpu.enqueue_dma source(%dma_start3A_59 : memref<128xi32, #tpu.memory_space<hbm>>) target(%arg11 : memref<128xi32, #tpu.memory_space<vmem>>) target_semaphore(%arg21 : memref<!tpu.dma_semaphore, #tpu.memory_space<semaphore_mem>>)
      %add3A_60 = arith.constant 0 : i32
      %add3A_61 = arith.addi %add3A, %add3A_60 : i32
      %dma_start3A_62 = arith.constant 0 : i32
      %dma_start3A_63 = tpu.memref_slice %arg5[%add3A_61, %dma_start3A_62] : memref<2560x128xi32, #tpu.memory_space<hbm>> -> memref<1x128xi32, #tpu.memory_space<hbm>>
      %dma_start3A_64 = tpu.memref_squeeze %dma_start3A_63 : memref<1x128xi32, #tpu.memory_space<hbm>> -> memref<128xi32, #tpu.memory_space<hbm>>
      %dma_start3A_65 = arith.constant 0 : i32
      %dma_start3A_66 = tpu.memref_slice %arg5[%add3A_61, %dma_start3A_65] : memref<2560x128xi32, #tpu.memory_space<hbm>> -> memref<1x128xi32, #tpu.memory_space<hbm>>
      %dma_start3A_67 = tpu.memref_squeeze %dma_start3A_66 : memref<1x128xi32, #tpu.memory_space<hbm>> -> memref<128xi32, #tpu.memory_space<hbm>>
      tpu.enqueue_dma source(%dma_start3A_67 : memref<128xi32, #tpu.memory_space<hbm>>) target(%arg15 : memref<128xi32, #tpu.memory_space<vmem>>) target_semaphore(%arg21 : memref<!tpu.dma_semaphore, #tpu.memory_space<semaphore_mem>>)
      %add3A_68 = arith.constant 1 : i32
      %add3A_69 = arith.addi %add3A, %add3A_68 : i32
      %dma_start3A_70 = arith.constant 0 : i32
      %dma_start3A_71 = tpu.memref_slice %arg4[%add3A_69, %dma_start3A_70] : memref<2560x128xi32, #tpu.memory_space<hbm>> -> memref<1x128xi32, #tpu.memory_space<hbm>>
      %dma_start3A_72 = tpu.memref_squeeze %dma_start3A_71 : memref<1x128xi32, #tpu.memory_space<hbm>> -> memref<128xi32, #tpu.memory_space<hbm>>
      %dma_start3A_73 = arith.constant 0 : i32
      %dma_start3A_74 = tpu.memref_slice %arg4[%add3A_69, %dma_start3A_73] : memref<2560x128xi32, #tpu.memory_space<hbm>> -> memref<1x128xi32, #tpu.memory_space<hbm>>
      %dma_start3A_75 = tpu.memref_squeeze %dma_start3A_74 : memref<1x128xi32, #tpu.memory_space<hbm>> -> memref<128xi32, #tpu.memory_space<hbm>>
      tpu.enqueue_dma source(%dma_start3A_75 : memref<128xi32, #tpu.memory_space<hbm>>) target(%arg12 : memref<128xi32, #tpu.memory_space<vmem>>) target_semaphore(%arg22 : memref<!tpu.dma_semaphore, #tpu.memory_space<semaphore_mem>>)
      %add3A_76 = arith.constant 1 : i32
      %add3A_77 = arith.addi %add3A, %add3A_76 : i32
      %dma_start3A_78 = arith.constant 0 : i32
      %dma_start3A_79 = tpu.memref_slice %arg5[%add3A_77, %dma_start3A_78] : memref<2560x128xi32, #tpu.memory_space<hbm>> -> memref<1x128xi32, #tpu.memory_space<hbm>>
      %dma_start3A_80 = tpu.memref_squeeze %dma_start3A_79 : memref<1x128xi32, #tpu.memory_space<hbm>> -> memref<128xi32, #tpu.memory_space<hbm>>
      %dma_start3A_81 = arith.constant 0 : i32
      %dma_start3A_82 = tpu.memref_slice %arg5[%add3A_77, %dma_start3A_81] : memref<2560x128xi32, #tpu.memory_space<hbm>> -> memref<1x128xi32, #tpu.memory_space<hbm>>
      %dma_start3A_83 = tpu.memref_squeeze %dma_start3A_82 : memref<1x128xi32, #tpu.memory_space<hbm>> -> memref<128xi32, #tpu.memory_space<hbm>>
      tpu.enqueue_dma source(%dma_start3A_83 : memref<128xi32, #tpu.memory_space<hbm>>) target(%arg16 : memref<128xi32, #tpu.memory_space<vmem>>) target_semaphore(%arg22 : memref<!tpu.dma_semaphore, #tpu.memory_space<semaphore_mem>>)
      %add3A_84 = arith.constant 2 : i32
      %add3A_85 = arith.addi %add3A, %add3A_84 : i32
      %dma_start3A_86 = arith.constant 0 : i32
      %dma_start3A_87 = tpu.memref_slice %arg4[%add3A_85, %dma_start3A_86] : memref<2560x128xi32, #tpu.memory_space<hbm>> -> memref<1x128xi32, #tpu.memory_space<hbm>>
      %dma_start3A_88 = tpu.memref_squeeze %dma_start3A_87 : memref<1x128xi32, #tpu.memory_space<hbm>> -> memref<128xi32, #tpu.memory_space<hbm>>
      %dma_start3A_89 = arith.constant 0 : i32
      %dma_start3A_90 = tpu.memref_slice %arg4[%add3A_85, %dma_start3A_89] : memref<2560x128xi32, #tpu.memory_space<hbm>> -> memref<1x128xi32, #tpu.memory_space<hbm>>
      %dma_start3A_91 = tpu.memref_squeeze %dma_start3A_90 : memref<1x128xi32, #tpu.memory_space<hbm>> -> memref<128xi32, #tpu.memory_space<hbm>>
      tpu.enqueue_dma source(%dma_start3A_91 : memref<128xi32, #tpu.memory_space<hbm>>) target(%arg13 : memref<128xi32, #tpu.memory_space<vmem>>) target_semaphore(%arg23 : memref<!tpu.dma_semaphore, #tpu.memory_space<semaphore_mem>>)
      %add3A_92 = arith.constant 2 : i32
      %add3A_93 = arith.addi %add3A, %add3A_92 : i32
      %dma_start3A_94 = arith.constant 0 : i32
      %dma_start3A_95 = tpu.memref_slice %arg5[%add3A_93, %dma_start3A_94] : memref<2560x128xi32, #tpu.memory_space<hbm>> -> memref<1x128xi32, #tpu.memory_space<hbm>>
      %dma_start3A_96 = tpu.memref_squeeze %dma_start3A_95 : memref<1x128xi32, #tpu.memory_space<hbm>> -> memref<128xi32, #tpu.memory_space<hbm>>
      %dma_start3A_97 = arith.constant 0 : i32
      %dma_start3A_98 = tpu.memref_slice %arg5[%add3A_93, %dma_start3A_97] : memref<2560x128xi32, #tpu.memory_space<hbm>> -> memref<1x128xi32, #tpu.memory_space<hbm>>
      %dma_start3A_99 = tpu.memref_squeeze %dma_start3A_98 : memref<1x128xi32, #tpu.memory_space<hbm>> -> memref<128xi32, #tpu.memory_space<hbm>>
      tpu.enqueue_dma source(%dma_start3A_99 : memref<128xi32, #tpu.memory_space<hbm>>) target(%arg17 : memref<128xi32, #tpu.memory_space<vmem>>) target_semaphore(%arg23 : memref<!tpu.dma_semaphore, #tpu.memory_space<semaphore_mem>>)
      %add3A_100 = arith.constant 3 : i32
      %add3A_101 = arith.addi %add3A, %add3A_100 : i32
      %dma_start3A_102 = arith.constant 0 : i32
      %dma_start3A_103 = tpu.memref_slice %arg4[%add3A_101, %dma_start3A_102] : memref<2560x128xi32, #tpu.memory_space<hbm>> -> memref<1x128xi32, #tpu.memory_space<hbm>>
      %dma_start3A_104 = tpu.memref_squeeze %dma_start3A_103 : memref<1x128xi32, #tpu.memory_space<hbm>> -> memref<128xi32, #tpu.memory_space<hbm>>
      %dma_start3A_105 = arith.constant 0 : i32
      %dma_start3A_106 = tpu.memref_slice %arg4[%add3A_101, %dma_start3A_105] : memref<2560x128xi32, #tpu.memory_space<hbm>> -> memref<1x128xi32, #tpu.memory_space<hbm>>
      %dma_start3A_107 = tpu.memref_squeeze %dma_start3A_106 : memref<1x128xi32, #tpu.memory_space<hbm>> -> memref<128xi32, #tpu.memory_space<hbm>>
      tpu.enqueue_dma source(%dma_start3A_107 : memref<128xi32, #tpu.memory_space<hbm>>) target(%arg14 : memref<128xi32, #tpu.memory_space<vmem>>) target_semaphore(%arg24 : memref<!tpu.dma_semaphore, #tpu.memory_space<semaphore_mem>>)
      %add3A_108 = arith.constant 3 : i32
      %add3A_109 = arith.addi %add3A, %add3A_108 : i32
      %dma_start3A_110 = arith.constant 0 : i32
      %dma_start3A_111 = tpu.memref_slice %arg5[%add3A_109, %dma_start3A_110] : memref<2560x128xi32, #tpu.memory_space<hbm>> -> memref<1x128xi32, #tpu.memory_space<hbm>>
      %dma_start3A_112 = tpu.memref_squeeze %dma_start3A_111 : memref<1x128xi32, #tpu.memory_space<hbm>> -> memref<128xi32, #tpu.memory_space<hbm>>
      %dma_start3A_113 = arith.constant 0 : i32
      %dma_start3A_114 = tpu.memref_slice %arg5[%add3A_109, %dma_start3A_113] : memref<2560x128xi32, #tpu.memory_space<hbm>> -> memref<1x128xi32, #tpu.memory_space<hbm>>
      %dma_start3A_115 = tpu.memref_squeeze %dma_start3A_114 : memref<1x128xi32, #tpu.memory_space<hbm>> -> memref<128xi32, #tpu.memory_space<hbm>>
      tpu.enqueue_dma source(%dma_start3A_115 : memref<128xi32, #tpu.memory_space<hbm>>) target(%arg18 : memref<128xi32, #tpu.memory_space<vmem>>) target_semaphore(%arg24 : memref<!tpu.dma_semaphore, #tpu.memory_space<semaphore_mem>>)
      %dma_wait3A = arith.constant 0 : i32
      %dma_wait3A_116 = arith.constant 0 : i32
      %dma_wait3A_117 = tpu.memref_slice %arg4[%dma_wait3A, %dma_wait3A_116] : memref<2560x128xi32, #tpu.memory_space<hbm>> -> memref<1x128xi32, #tpu.memory_space<hbm>>
      %dma_wait3A_118 = tpu.memref_squeeze %dma_wait3A_117 : memref<1x128xi32, #tpu.memory_space<hbm>> -> memref<128xi32, #tpu.memory_space<hbm>>
      %dma_wait3A_119 = arith.constant 0 : i32
      %dma_wait3A_120 = tpu.memref_slice %arg4[%dma_wait3A, %dma_wait3A_119] : memref<2560x128xi32, #tpu.memory_space<hbm>> -> memref<1x128xi32, #tpu.memory_space<hbm>>
      %dma_wait3A_121 = tpu.memref_squeeze %dma_wait3A_120 : memref<1x128xi32, #tpu.memory_space<hbm>> -> memref<128xi32, #tpu.memory_space<hbm>>
      tpu.wait_dma2 semaphore(%arg21 : memref<!tpu.dma_semaphore, #tpu.memory_space<semaphore_mem>>) src(%dma_wait3A_121 : memref<128xi32, #tpu.memory_space<hbm>>) dst(%arg11 : memref<128xi32, #tpu.memory_space<vmem>>)
      %dma_wait3A_122 = arith.constant 0 : i32
      %dma_wait3A_123 = arith.constant 0 : i32
      %dma_wait3A_124 = tpu.memref_slice %arg5[%dma_wait3A_122, %dma_wait3A_123] : memref<2560x128xi32, #tpu.memory_space<hbm>> -> memref<1x128xi32, #tpu.memory_space<hbm>>
      %dma_wait3A_125 = tpu.memref_squeeze %dma_wait3A_124 : memref<1x128xi32, #tpu.memory_space<hbm>> -> memref<128xi32, #tpu.memory_space<hbm>>
      %dma_wait3A_126 = arith.constant 0 : i32
      %dma_wait3A_127 = tpu.memref_slice %arg5[%dma_wait3A_122, %dma_wait3A_126] : memref<2560x128xi32, #tpu.memory_space<hbm>> -> memref<1x128xi32, #tpu.memory_space<hbm>>
      %dma_wait3A_128 = tpu.memref_squeeze %dma_wait3A_127 : memref<1x128xi32, #tpu.memory_space<hbm>> -> memref<128xi32, #tpu.memory_space<hbm>>
      tpu.wait_dma2 semaphore(%arg21 : memref<!tpu.dma_semaphore, #tpu.memory_space<semaphore_mem>>) src(%dma_wait3A_128 : memref<128xi32, #tpu.memory_space<hbm>>) dst(%arg15 : memref<128xi32, #tpu.memory_space<vmem>>)
      %dma_start3A_129 = arith.constant 0 : i32
      %dma_start3A_130 = arith.constant 0 : i32
      %dma_start3A_131 = tpu.memref_slice %arg2[%dma_start3A_129, %dma_start3A_130] : memref<10000x128xf32, #tpu.memory_space<hbm>> -> memref<10000x128xf32, #tpu.memory_space<hbm>>
      tpu.enqueue_indirect_dma source(%dma_start3A_131 : memref<10000x128xf32, #tpu.memory_space<hbm>>) target(%arg19 : memref<128x128xf32, #tpu.memory_space<vmem>>) offsets(%arg11 : memref<128xi32, #tpu.memory_space<vmem>>) semaphore(%arg25 : memref<!tpu.dma_semaphore, #tpu.memory_space<semaphore_mem>>)
      %scan3A_132 = arith.constant 0 : i32
      %scan3A_133 = arith.constant 0 : i32
      %scan3A_134 = arith.constant 20 : i32
      %scan3A_135 = arith.addi %scan3A_133, %scan3A_134 : i32
      %scan3A_136 = arith.constant 1 : i32
      scf.for %scan3A_138 = %scan3A_133 to %scan3A_135 step %scan3A_136  : i32 {
        %dma_wait3A_139 = arith.constant 0 : i32
        %dma_wait3A_140 = arith.constant 0 : i32
        %dma_wait3A_141 = tpu.memref_slice %arg4[%dma_wait3A_139, %dma_wait3A_140] : memref<2560x128xi32, #tpu.memory_space<hbm>> -> memref<1x128xi32, #tpu.memory_space<hbm>>
        %dma_wait3A_142 = tpu.memref_squeeze %dma_wait3A_141 : memref<1x128xi32, #tpu.memory_space<hbm>> -> memref<128xi32, #tpu.memory_space<hbm>>
        %dma_wait3A_143 = arith.constant 0 : i32
        %dma_wait3A_144 = tpu.memref_slice %arg4[%dma_wait3A_139, %dma_wait3A_143] : memref<2560x128xi32, #tpu.memory_space<hbm>> -> memref<1x128xi32, #tpu.memory_space<hbm>>
        %dma_wait3A_145 = tpu.memref_squeeze %dma_wait3A_144 : memref<1x128xi32, #tpu.memory_space<hbm>> -> memref<128xi32, #tpu.memory_space<hbm>>
        tpu.wait_dma2 semaphore(%arg22 : memref<!tpu.dma_semaphore, #tpu.memory_space<semaphore_mem>>) src(%dma_wait3A_145 : memref<128xi32, #tpu.memory_space<hbm>>) dst(%arg12 : memref<128xi32, #tpu.memory_space<vmem>>)
        %dma_wait3A_146 = arith.constant 0 : i32
        %dma_wait3A_147 = arith.constant 0 : i32
        %dma_wait3A_148 = tpu.memref_slice %arg5[%dma_wait3A_146, %dma_wait3A_147] : memref<2560x128xi32, #tpu.memory_space<hbm>> -> memref<1x128xi32, #tpu.memory_space<hbm>>
        %dma_wait3A_149 = tpu.memref_squeeze %dma_wait3A_148 : memref<1x128xi32, #tpu.memory_space<hbm>> -> memref<128xi32, #tpu.memory_space<hbm>>
        %dma_wait3A_150 = arith.constant 0 : i32
        %dma_wait3A_151 = tpu.memref_slice %arg5[%dma_wait3A_146, %dma_wait3A_150] : memref<2560x128xi32, #tpu.memory_space<hbm>> -> memref<1x128xi32, #tpu.memory_space<hbm>>
        %dma_wait3A_152 = tpu.memref_squeeze %dma_wait3A_151 : memref<1x128xi32, #tpu.memory_space<hbm>> -> memref<128xi32, #tpu.memory_space<hbm>>
        tpu.wait_dma2 semaphore(%arg22 : memref<!tpu.dma_semaphore, #tpu.memory_space<semaphore_mem>>) src(%dma_wait3A_152 : memref<128xi32, #tpu.memory_space<hbm>>) dst(%arg16 : memref<128xi32, #tpu.memory_space<vmem>>)
        %dma_start3A_153 = arith.constant 0 : i32
        %dma_start3A_154 = arith.constant 0 : i32
        %dma_start3A_155 = tpu.memref_slice %arg2[%dma_start3A_153, %dma_start3A_154] : memref<10000x128xf32, #tpu.memory_space<hbm>> -> memref<10000x128xf32, #tpu.memory_space<hbm>>
        tpu.enqueue_indirect_dma source(%dma_start3A_155 : memref<10000x128xf32, #tpu.memory_space<hbm>>) target(%arg20 : memref<128x128xf32, #tpu.memory_space<vmem>>) offsets(%arg12 : memref<128xi32, #tpu.memory_space<vmem>>) semaphore(%arg26 : memref<!tpu.dma_semaphore, #tpu.memory_space<semaphore_mem>>)
        %dma_wait3A_156 = arith.constant 0 : i32
        %dma_wait3A_157 = arith.constant 0 : i32
        %dma_wait3A_158 = tpu.memref_slice %arg2[%dma_wait3A_156, %dma_wait3A_157] : memref<10000x128xf32, #tpu.memory_space<hbm>> -> memref<10000x128xf32, #tpu.memory_space<hbm>>
        tpu.wait_indirect_dma semaphore(%arg25 : memref<!tpu.dma_semaphore, #tpu.memory_space<semaphore_mem>>) src(%dma_wait3A_158 : memref<10000x128xf32, #tpu.memory_space<hbm>>) dst(%arg19 : memref<128x128xf32, #tpu.memory_space<vmem>>)
        "tpu.region"() ({
          %run_scoped3A = tpu.sem_alloc : memref<!tpu.dma_semaphore, #tpu.memory_space<semaphore_mem>>
          %dma_start3A_226 = arith.constant 0 : i32
          %dma_start3A_227 = arith.constant 0 : i32
          %dma_start3A_228 = tpu.memref_slice %arg10[%dma_start3A_226, %dma_start3A_227] : memref<10240x128xf32, #tpu.memory_space<vmem_shared>> -> memref<10240x128xf32, #tpu.memory_space<vmem_shared>>
          tpu.enqueue_indirect_dma source(%arg19 : memref<128x128xf32, #tpu.memory_space<vmem>>) target(%dma_start3A_228 : memref<10240x128xf32, #tpu.memory_space<vmem_shared>>) offsets(%arg15 : memref<128xi32, #tpu.memory_space<vmem>>) semaphore(%run_scoped3A : memref<!tpu.dma_semaphore, #tpu.memory_space<semaphore_mem>>) {add = true}
          %dma_wait3A_229 = arith.constant 0 : i32
          %dma_wait3A_230 = arith.constant 0 : i32
          %dma_wait3A_231 = tpu.memref_slice %arg10[%dma_wait3A_229, %dma_wait3A_230] : memref<10240x128xf32, #tpu.memory_space<vmem_shared>> -> memref<10240x128xf32, #tpu.memory_space<vmem_shared>>
          tpu.wait_indirect_dma semaphore(%run_scoped3A : memref<!tpu.dma_semaphore, #tpu.memory_space<semaphore_mem>>) src(%arg19 : memref<128x128xf32, #tpu.memory_space<vmem>>) dst(%dma_wait3A_231 : memref<10240x128xf32, #tpu.memory_space<vmem_shared>>)
          tpu.yield
        }) : () -> ()
        %lt3A = arith.constant 19 : i32
        %lt3A_159 = arith.cmpi slt, %scan3A_138, %lt3A : i32
        %convert_element_type3A_160 = arith.extui %lt3A_159 : i1 to i32
        %cond3A_161 = arith.constant 0 : i32
        %cond3A_162 = arith.cmpi ne, %convert_element_type3A_160, %cond3A_161 : i32
        scf.if %cond3A_162 {
          %mul3A_226 = arith.constant 4 : i32
          %mul3A_227 = arith.muli %mul3A_226, %scan3A_138 : i32
          %add3A_228 = arith.constant 4 : i32
          %add3A_229 = arith.addi %mul3A_227, %add3A_228 : i32
          %add3A_230 = arith.constant 0 : i32
          %add3A_231 = arith.addi %add3A_229, %add3A_230 : i32
          %add3A_232 = arith.addi %add3A, %add3A_231 : i32
          %dma_start3A_233 = arith.constant 0 : i32
          %dma_start3A_234 = tpu.memref_slice %arg4[%add3A_232, %dma_start3A_233] : memref<2560x128xi32, #tpu.memory_space<hbm>> -> memref<1x128xi32, #tpu.memory_space<hbm>>
          %dma_start3A_235 = tpu.memref_squeeze %dma_start3A_234 : memref<1x128xi32, #tpu.memory_space<hbm>> -> memref<128xi32, #tpu.memory_space<hbm>>
          %dma_start3A_236 = arith.constant 0 : i32
          %dma_start3A_237 = tpu.memref_slice %arg4[%add3A_232, %dma_start3A_236] : memref<2560x128xi32, #tpu.memory_space<hbm>> -> memref<1x128xi32, #tpu.memory_space<hbm>>
          %dma_start3A_238 = tpu.memref_squeeze %dma_start3A_237 : memref<1x128xi32, #tpu.memory_space<hbm>> -> memref<128xi32, #tpu.memory_space<hbm>>
          tpu.enqueue_dma source(%dma_start3A_238 : memref<128xi32, #tpu.memory_space<hbm>>) target(%arg11 : memref<128xi32, #tpu.memory_space<vmem>>) target_semaphore(%arg21 : memref<!tpu.dma_semaphore, #tpu.memory_space<semaphore_mem>>)
          %add3A_239 = arith.addi %add3A, %add3A_231 : i32
          %dma_start3A_240 = arith.constant 0 : i32
          %dma_start3A_241 = tpu.memref_slice %arg5[%add3A_239, %dma_start3A_240] : memref<2560x128xi32, #tpu.memory_space<hbm>> -> memref<1x128xi32, #tpu.memory_space<hbm>>
          %dma_start3A_242 = tpu.memref_squeeze %dma_start3A_241 : memref<1x128xi32, #tpu.memory_space<hbm>> -> memref<128xi32, #tpu.memory_space<hbm>>
          %dma_start3A_243 = arith.constant 0 : i32
          %dma_start3A_244 = tpu.memref_slice %arg5[%add3A_239, %dma_start3A_243] : memref<2560x128xi32, #tpu.memory_space<hbm>> -> memref<1x128xi32, #tpu.memory_space<hbm>>
          %dma_start3A_245 = tpu.memref_squeeze %dma_start3A_244 : memref<1x128xi32, #tpu.memory_space<hbm>> -> memref<128xi32, #tpu.memory_space<hbm>>
          tpu.enqueue_dma source(%dma_start3A_245 : memref<128xi32, #tpu.memory_space<hbm>>) target(%arg15 : memref<128xi32, #tpu.memory_space<vmem>>) target_semaphore(%arg21 : memref<!tpu.dma_semaphore, #tpu.memory_space<semaphore_mem>>)
        } else {
        }
        %dma_wait3A_163 = arith.constant 0 : i32
        %dma_wait3A_164 = arith.constant 0 : i32
        %dma_wait3A_165 = tpu.memref_slice %arg4[%dma_wait3A_163, %dma_wait3A_164] : memref<2560x128xi32, #tpu.memory_space<hbm>> -> memref<1x128xi32, #tpu.memory_space<hbm>>
        %dma_wait3A_166 = tpu.memref_squeeze %dma_wait3A_165 : memref<1x128xi32, #tpu.memory_space<hbm>> -> memref<128xi32, #tpu.memory_space<hbm>>
        %dma_wait3A_167 = arith.constant 0 : i32
        %dma_wait3A_168 = tpu.memref_slice %arg4[%dma_wait3A_163, %dma_wait3A_167] : memref<2560x128xi32, #tpu.memory_space<hbm>> -> memref<1x128xi32, #tpu.memory_space<hbm>>
        %dma_wait3A_169 = tpu.memref_squeeze %dma_wait3A_168 : memref<1x128xi32, #tpu.memory_space<hbm>> -> memref<128xi32, #tpu.memory_space<hbm>>
        tpu.wait_dma2 semaphore(%arg23 : memref<!tpu.dma_semaphore, #tpu.memory_space<semaphore_mem>>) src(%dma_wait3A_169 : memref<128xi32, #tpu.memory_space<hbm>>) dst(%arg13 : memref<128xi32, #tpu.memory_space<vmem>>)
        %dma_wait3A_170 = arith.constant 0 : i32
        %dma_wait3A_171 = arith.constant 0 : i32
        %dma_wait3A_172 = tpu.memref_slice %arg5[%dma_wait3A_170, %dma_wait3A_171] : memref<2560x128xi32, #tpu.memory_space<hbm>> -> memref<1x128xi32, #tpu.memory_space<hbm>>
        %dma_wait3A_173 = tpu.memref_squeeze %dma_wait3A_172 : memref<1x128xi32, #tpu.memory_space<hbm>> -> memref<128xi32, #tpu.memory_space<hbm>>
        %dma_wait3A_174 = arith.constant 0 : i32
        %dma_wait3A_175 = tpu.memref_slice %arg5[%dma_wait3A_170, %dma_wait3A_174] : memref<2560x128xi32, #tpu.memory_space<hbm>> -> memref<1x128xi32, #tpu.memory_space<hbm>>
        %dma_wait3A_176 = tpu.memref_squeeze %dma_wait3A_175 : memref<1x128xi32, #tpu.memory_space<hbm>> -> memref<128xi32, #tpu.memory_space<hbm>>
        tpu.wait_dma2 semaphore(%arg23 : memref<!tpu.dma_semaphore, #tpu.memory_space<semaphore_mem>>) src(%dma_wait3A_176 : memref<128xi32, #tpu.memory_space<hbm>>) dst(%arg17 : memref<128xi32, #tpu.memory_space<vmem>>)
        %dma_start3A_177 = arith.constant 0 : i32
        %dma_start3A_178 = arith.constant 0 : i32
        %dma_start3A_179 = tpu.memref_slice %arg2[%dma_start3A_177, %dma_start3A_178] : memref<10000x128xf32, #tpu.memory_space<hbm>> -> memref<10000x128xf32, #tpu.memory_space<hbm>>
        tpu.enqueue_indirect_dma source(%dma_start3A_179 : memref<10000x128xf32, #tpu.memory_space<hbm>>) target(%arg19 : memref<128x128xf32, #tpu.memory_space<vmem>>) offsets(%arg13 : memref<128xi32, #tpu.memory_space<vmem>>) semaphore(%arg25 : memref<!tpu.dma_semaphore, #tpu.memory_space<semaphore_mem>>)
        %dma_wait3A_180 = arith.constant 0 : i32
        %dma_wait3A_181 = arith.constant 0 : i32
        %dma_wait3A_182 = tpu.memref_slice %arg2[%dma_wait3A_180, %dma_wait3A_181] : memref<10000x128xf32, #tpu.memory_space<hbm>> -> memref<10000x128xf32, #tpu.memory_space<hbm>>
        tpu.wait_indirect_dma semaphore(%arg26 : memref<!tpu.dma_semaphore, #tpu.memory_space<semaphore_mem>>) src(%dma_wait3A_182 : memref<10000x128xf32, #tpu.memory_space<hbm>>) dst(%arg20 : memref<128x128xf32, #tpu.memory_space<vmem>>)
        "tpu.region"() ({
          %run_scoped3A = tpu.sem_alloc : memref<!tpu.dma_semaphore, #tpu.memory_space<semaphore_mem>>
          %dma_start3A_226 = arith.constant 0 : i32
          %dma_start3A_227 = arith.constant 0 : i32
          %dma_start3A_228 = tpu.memref_slice %arg10[%dma_start3A_226, %dma_start3A_227] : memref<10240x128xf32, #tpu.memory_space<vmem_shared>> -> memref<10240x128xf32, #tpu.memory_space<vmem_shared>>
          tpu.enqueue_indirect_dma source(%arg20 : memref<128x128xf32, #tpu.memory_space<vmem>>) target(%dma_start3A_228 : memref<10240x128xf32, #tpu.memory_space<vmem_shared>>) offsets(%arg16 : memref<128xi32, #tpu.memory_space<vmem>>) semaphore(%run_scoped3A : memref<!tpu.dma_semaphore, #tpu.memory_space<semaphore_mem>>) {add = true}
          %dma_wait3A_229 = arith.constant 0 : i32
          %dma_wait3A_230 = arith.constant 0 : i32
          %dma_wait3A_231 = tpu.memref_slice %arg10[%dma_wait3A_229, %dma_wait3A_230] : memref<10240x128xf32, #tpu.memory_space<vmem_shared>> -> memref<10240x128xf32, #tpu.memory_space<vmem_shared>>
          tpu.wait_indirect_dma semaphore(%run_scoped3A : memref<!tpu.dma_semaphore, #tpu.memory_space<semaphore_mem>>) src(%arg20 : memref<128x128xf32, #tpu.memory_space<vmem>>) dst(%dma_wait3A_231 : memref<10240x128xf32, #tpu.memory_space<vmem_shared>>)
          tpu.yield
        }) : () -> ()
        %lt3A_183 = arith.constant 19 : i32
        %lt3A_184 = arith.cmpi slt, %scan3A_138, %lt3A_183 : i32
        %convert_element_type3A_185 = arith.extui %lt3A_184 : i1 to i32
        %cond3A_186 = arith.constant 0 : i32
        %cond3A_187 = arith.cmpi ne, %convert_element_type3A_185, %cond3A_186 : i32
        scf.if %cond3A_187 {
          %mul3A_226 = arith.constant 4 : i32
          %mul3A_227 = arith.muli %mul3A_226, %scan3A_138 : i32
          %add3A_228 = arith.constant 4 : i32
          %add3A_229 = arith.addi %mul3A_227, %add3A_228 : i32
          %add3A_230 = arith.constant 1 : i32
          %add3A_231 = arith.addi %add3A_229, %add3A_230 : i32
          %add3A_232 = arith.addi %add3A, %add3A_231 : i32
          %dma_start3A_233 = arith.constant 0 : i32
          %dma_start3A_234 = tpu.memref_slice %arg4[%add3A_232, %dma_start3A_233] : memref<2560x128xi32, #tpu.memory_space<hbm>> -> memref<1x128xi32, #tpu.memory_space<hbm>>
          %dma_start3A_235 = tpu.memref_squeeze %dma_start3A_234 : memref<1x128xi32, #tpu.memory_space<hbm>> -> memref<128xi32, #tpu.memory_space<hbm>>
          %dma_start3A_236 = arith.constant 0 : i32
          %dma_start3A_237 = tpu.memref_slice %arg4[%add3A_232, %dma_start3A_236] : memref<2560x128xi32, #tpu.memory_space<hbm>> -> memref<1x128xi32, #tpu.memory_space<hbm>>
          %dma_start3A_238 = tpu.memref_squeeze %dma_start3A_237 : memref<1x128xi32, #tpu.memory_space<hbm>> -> memref<128xi32, #tpu.memory_space<hbm>>
          tpu.enqueue_dma source(%dma_start3A_238 : memref<128xi32, #tpu.memory_space<hbm>>) target(%arg12 : memref<128xi32, #tpu.memory_space<vmem>>) target_semaphore(%arg22 : memref<!tpu.dma_semaphore, #tpu.memory_space<semaphore_mem>>)
          %add3A_239 = arith.addi %add3A, %add3A_231 : i32
          %dma_start3A_240 = arith.constant 0 : i32
          %dma_start3A_241 = tpu.memref_slice %arg5[%add3A_239, %dma_start3A_240] : memref<2560x128xi32, #tpu.memory_space<hbm>> -> memref<1x128xi32, #tpu.memory_space<hbm>>
          %dma_start3A_242 = tpu.memref_squeeze %dma_start3A_241 : memref<1x128xi32, #tpu.memory_space<hbm>> -> memref<128xi32, #tpu.memory_space<hbm>>
          %dma_start3A_243 = arith.constant 0 : i32
          %dma_start3A_244 = tpu.memref_slice %arg5[%add3A_239, %dma_start3A_243] : memref<2560x128xi32, #tpu.memory_space<hbm>> -> memref<1x128xi32, #tpu.memory_space<hbm>>
          %dma_start3A_245 = tpu.memref_squeeze %dma_start3A_244 : memref<1x128xi32, #tpu.memory_space<hbm>> -> memref<128xi32, #tpu.memory_space<hbm>>
          tpu.enqueue_dma source(%dma_start3A_245 : memref<128xi32, #tpu.memory_space<hbm>>) target(%arg16 : memref<128xi32, #tpu.memory_space<vmem>>) target_semaphore(%arg22 : memref<!tpu.dma_semaphore, #tpu.memory_space<semaphore_mem>>)
        } else {
        }
        %dma_wait3A_188 = arith.constant 0 : i32
        %dma_wait3A_189 = arith.constant 0 : i32
        %dma_wait3A_190 = tpu.memref_slice %arg4[%dma_wait3A_188, %dma_wait3A_189] : memref<2560x128xi32, #tpu.memory_space<hbm>> -> memref<1x128xi32, #tpu.memory_space<hbm>>
        %dma_wait3A_191 = tpu.memref_squeeze %dma_wait3A_190 : memref<1x128xi32, #tpu.memory_space<hbm>> -> memref<128xi32, #tpu.memory_space<hbm>>
        %dma_wait3A_192 = arith.constant 0 : i32
        %dma_wait3A_193 = tpu.memref_slice %arg4[%dma_wait3A_188, %dma_wait3A_192] : memref<2560x128xi32, #tpu.memory_space<hbm>> -> memref<1x128xi32, #tpu.memory_space<hbm>>
        %dma_wait3A_194 = tpu.memref_squeeze %dma_wait3A_193 : memref<1x128xi32, #tpu.memory_space<hbm>> -> memref<128xi32, #tpu.memory_space<hbm>>
        tpu.wait_dma2 semaphore(%arg24 : memref<!tpu.dma_semaphore, #tpu.memory_space<semaphore_mem>>) src(%dma_wait3A_194 : memref<128xi32, #tpu.memory_space<hbm>>) dst(%arg14 : memref<128xi32, #tpu.memory_space<vmem>>)
        %dma_wait3A_195 = arith.constant 0 : i32
        %dma_wait3A_196 = arith.constant 0 : i32
        %dma_wait3A_197 = tpu.memref_slice %arg5[%dma_wait3A_195, %dma_wait3A_196] : memref<2560x128xi32, #tpu.memory_space<hbm>> -> memref<1x128xi32, #tpu.memory_space<hbm>>
        %dma_wait3A_198 = tpu.memref_squeeze %dma_wait3A_197 : memref<1x128xi32, #tpu.memory_space<hbm>> -> memref<128xi32, #tpu.memory_space<hbm>>
        %dma_wait3A_199 = arith.constant 0 : i32
        %dma_wait3A_200 = tpu.memref_slice %arg5[%dma_wait3A_195, %dma_wait3A_199] : memref<2560x128xi32, #tpu.memory_space<hbm>> -> memref<1x128xi32, #tpu.memory_space<hbm>>
        %dma_wait3A_201 = tpu.memref_squeeze %dma_wait3A_200 : memref<1x128xi32, #tpu.memory_space<hbm>> -> memref<128xi32, #tpu.memory_space<hbm>>
        tpu.wait_dma2 semaphore(%arg24 : memref<!tpu.dma_semaphore, #tpu.memory_space<semaphore_mem>>) src(%dma_wait3A_201 : memref<128xi32, #tpu.memory_space<hbm>>) dst(%arg18 : memref<128xi32, #tpu.memory_space<vmem>>)
        %dma_start3A_202 = arith.constant 0 : i32
        %dma_start3A_203 = arith.constant 0 : i32
        %dma_start3A_204 = tpu.memref_slice %arg2[%dma_start3A_202, %dma_start3A_203] : memref<10000x128xf32, #tpu.memory_space<hbm>> -> memref<10000x128xf32, #tpu.memory_space<hbm>>
        tpu.enqueue_indirect_dma source(%dma_start3A_204 : memref<10000x128xf32, #tpu.memory_space<hbm>>) target(%arg20 : memref<128x128xf32, #tpu.memory_space<vmem>>) offsets(%arg14 : memref<128xi32, #tpu.memory_space<vmem>>) semaphore(%arg26 : memref<!tpu.dma_semaphore, #tpu.memory_space<semaphore_mem>>)
        %dma_wait3A_205 = arith.constant 0 : i32
        %dma_wait3A_206 = arith.constant 0 : i32
        %dma_wait3A_207 = tpu.memref_slice %arg2[%dma_wait3A_205, %dma_wait3A_206] : memref<10000x128xf32, #tpu.memory_space<hbm>> -> memref<10000x128xf32, #tpu.memory_space<hbm>>
        tpu.wait_indirect_dma semaphore(%arg25 : memref<!tpu.dma_semaphore, #tpu.memory_space<semaphore_mem>>) src(%dma_wait3A_207 : memref<10000x128xf32, #tpu.memory_space<hbm>>) dst(%arg19 : memref<128x128xf32, #tpu.memory_space<vmem>>)
        "tpu.region"() ({
          %run_scoped3A = tpu.sem_alloc : memref<!tpu.dma_semaphore, #tpu.memory_space<semaphore_mem>>
          %dma_start3A_226 = arith.constant 0 : i32
          %dma_start3A_227 = arith.constant 0 : i32
          %dma_start3A_228 = tpu.memref_slice %arg10[%dma_start3A_226, %dma_start3A_227] : memref<10240x128xf32, #tpu.memory_space<vmem_shared>> -> memref<10240x128xf32, #tpu.memory_space<vmem_shared>>
          tpu.enqueue_indirect_dma source(%arg19 : memref<128x128xf32, #tpu.memory_space<vmem>>) target(%dma_start3A_228 : memref<10240x128xf32, #tpu.memory_space<vmem_shared>>) offsets(%arg17 : memref<128xi32, #tpu.memory_space<vmem>>) semaphore(%run_scoped3A : memref<!tpu.dma_semaphore, #tpu.memory_space<semaphore_mem>>) {add = true}
          %dma_wait3A_229 = arith.constant 0 : i32
          %dma_wait3A_230 = arith.constant 0 : i32
          %dma_wait3A_231 = tpu.memref_slice %arg10[%dma_wait3A_229, %dma_wait3A_230] : memref<10240x128xf32, #tpu.memory_space<vmem_shared>> -> memref<10240x128xf32, #tpu.memory_space<vmem_shared>>
          tpu.wait_indirect_dma semaphore(%run_scoped3A : memref<!tpu.dma_semaphore, #tpu.memory_space<semaphore_mem>>) src(%arg19 : memref<128x128xf32, #tpu.memory_space<vmem>>) dst(%dma_wait3A_231 : memref<10240x128xf32, #tpu.memory_space<vmem_shared>>)
          tpu.yield
        }) : () -> ()
        %lt3A_208 = arith.constant 19 : i32
        %lt3A_209 = arith.cmpi slt, %scan3A_138, %lt3A_208 : i32
        %convert_element_type3A_210 = arith.extui %lt3A_209 : i1 to i32
        %cond3A_211 = arith.constant 0 : i32
        %cond3A_212 = arith.cmpi ne, %convert_element_type3A_210, %cond3A_211 : i32
        scf.if %cond3A_212 {
          %mul3A_226 = arith.constant 4 : i32
          %mul3A_227 = arith.muli %mul3A_226, %scan3A_138 : i32
          %add3A_228 = arith.constant 4 : i32
          %add3A_229 = arith.addi %mul3A_227, %add3A_228 : i32
          %add3A_230 = arith.constant 2 : i32
          %add3A_231 = arith.addi %add3A_229, %add3A_230 : i32
          %add3A_232 = arith.addi %add3A, %add3A_231 : i32
          %dma_start3A_233 = arith.constant 0 : i32
          %dma_start3A_234 = tpu.memref_slice %arg4[%add3A_232, %dma_start3A_233] : memref<2560x128xi32, #tpu.memory_space<hbm>> -> memref<1x128xi32, #tpu.memory_space<hbm>>
          %dma_start3A_235 = tpu.memref_squeeze %dma_start3A_234 : memref<1x128xi32, #tpu.memory_space<hbm>> -> memref<128xi32, #tpu.memory_space<hbm>>
          %dma_start3A_236 = arith.constant 0 : i32
          %dma_start3A_237 = tpu.memref_slice %arg4[%add3A_232, %dma_start3A_236] : memref<2560x128xi32, #tpu.memory_space<hbm>> -> memref<1x128xi32, #tpu.memory_space<hbm>>
          %dma_start3A_238 = tpu.memref_squeeze %dma_start3A_237 : memref<1x128xi32, #tpu.memory_space<hbm>> -> memref<128xi32, #tpu.memory_space<hbm>>
          tpu.enqueue_dma source(%dma_start3A_238 : memref<128xi32, #tpu.memory_space<hbm>>) target(%arg13 : memref<128xi32, #tpu.memory_space<vmem>>) target_semaphore(%arg23 : memref<!tpu.dma_semaphore, #tpu.memory_space<semaphore_mem>>)
          %add3A_239 = arith.addi %add3A, %add3A_231 : i32
          %dma_start3A_240 = arith.constant 0 : i32
          %dma_start3A_241 = tpu.memref_slice %arg5[%add3A_239, %dma_start3A_240] : memref<2560x128xi32, #tpu.memory_space<hbm>> -> memref<1x128xi32, #tpu.memory_space<hbm>>
          %dma_start3A_242 = tpu.memref_squeeze %dma_start3A_241 : memref<1x128xi32, #tpu.memory_space<hbm>> -> memref<128xi32, #tpu.memory_space<hbm>>
          %dma_start3A_243 = arith.constant 0 : i32
          %dma_start3A_244 = tpu.memref_slice %arg5[%add3A_239, %dma_start3A_243] : memref<2560x128xi32, #tpu.memory_space<hbm>> -> memref<1x128xi32, #tpu.memory_space<hbm>>
          %dma_start3A_245 = tpu.memref_squeeze %dma_start3A_244 : memref<1x128xi32, #tpu.memory_space<hbm>> -> memref<128xi32, #tpu.memory_space<hbm>>
          tpu.enqueue_dma source(%dma_start3A_245 : memref<128xi32, #tpu.memory_space<hbm>>) target(%arg17 : memref<128xi32, #tpu.memory_space<vmem>>) target_semaphore(%arg23 : memref<!tpu.dma_semaphore, #tpu.memory_space<semaphore_mem>>)
        } else {
        }
        %lt3A_213 = arith.constant 19 : i32
        %lt3A_214 = arith.cmpi slt, %scan3A_138, %lt3A_213 : i32
        %convert_element_type3A_215 = arith.extui %lt3A_214 : i1 to i32
        %cond3A_216 = arith.constant 0 : i32
        %cond3A_217 = arith.cmpi ne, %convert_element_type3A_215, %cond3A_216 : i32
        scf.if %cond3A_217 {
          %dma_wait3A_226 = arith.constant 0 : i32
          %dma_wait3A_227 = arith.constant 0 : i32
          %dma_wait3A_228 = tpu.memref_slice %arg4[%dma_wait3A_226, %dma_wait3A_227] : memref<2560x128xi32, #tpu.memory_space<hbm>> -> memref<1x128xi32, #tpu.memory_space<hbm>>
          %dma_wait3A_229 = tpu.memref_squeeze %dma_wait3A_228 : memref<1x128xi32, #tpu.memory_space<hbm>> -> memref<128xi32, #tpu.memory_space<hbm>>
          %dma_wait3A_230 = arith.constant 0 : i32
          %dma_wait3A_231 = tpu.memref_slice %arg4[%dma_wait3A_226, %dma_wait3A_230] : memref<2560x128xi32, #tpu.memory_space<hbm>> -> memref<1x128xi32, #tpu.memory_space<hbm>>
          %dma_wait3A_232 = tpu.memref_squeeze %dma_wait3A_231 : memref<1x128xi32, #tpu.memory_space<hbm>> -> memref<128xi32, #tpu.memory_space<hbm>>
          tpu.wait_dma2 semaphore(%arg21 : memref<!tpu.dma_semaphore, #tpu.memory_space<semaphore_mem>>) src(%dma_wait3A_232 : memref<128xi32, #tpu.memory_space<hbm>>) dst(%arg11 : memref<128xi32, #tpu.memory_space<vmem>>)
          %dma_wait3A_233 = arith.constant 0 : i32
          %dma_wait3A_234 = arith.constant 0 : i32
          %dma_wait3A_235 = tpu.memref_slice %arg5[%dma_wait3A_233, %dma_wait3A_234] : memref<2560x128xi32, #tpu.memory_space<hbm>> -> memref<1x128xi32, #tpu.memory_space<hbm>>
          %dma_wait3A_236 = tpu.memref_squeeze %dma_wait3A_235 : memref<1x128xi32, #tpu.memory_space<hbm>> -> memref<128xi32, #tpu.memory_space<hbm>>
          %dma_wait3A_237 = arith.constant 0 : i32
          %dma_wait3A_238 = tpu.memref_slice %arg5[%dma_wait3A_233, %dma_wait3A_237] : memref<2560x128xi32, #tpu.memory_space<hbm>> -> memref<1x128xi32, #tpu.memory_space<hbm>>
          %dma_wait3A_239 = tpu.memref_squeeze %dma_wait3A_238 : memref<1x128xi32, #tpu.memory_space<hbm>> -> memref<128xi32, #tpu.memory_space<hbm>>
          tpu.wait_dma2 semaphore(%arg21 : memref<!tpu.dma_semaphore, #tpu.memory_space<semaphore_mem>>) src(%dma_wait3A_239 : memref<128xi32, #tpu.memory_space<hbm>>) dst(%arg15 : memref<128xi32, #tpu.memory_space<vmem>>)
          %dma_start3A_240 = arith.constant 0 : i32
          %dma_start3A_241 = arith.constant 0 : i32
          %dma_start3A_242 = tpu.memref_slice %arg2[%dma_start3A_240, %dma_start3A_241] : memref<10000x128xf32, #tpu.memory_space<hbm>> -> memref<10000x128xf32, #tpu.memory_space<hbm>>
          tpu.enqueue_indirect_dma source(%dma_start3A_242 : memref<10000x128xf32, #tpu.memory_space<hbm>>) target(%arg19 : memref<128x128xf32, #tpu.memory_space<vmem>>) offsets(%arg11 : memref<128xi32, #tpu.memory_space<vmem>>) semaphore(%arg25 : memref<!tpu.dma_semaphore, #tpu.memory_space<semaphore_mem>>)
        } else {
        }
        %dma_wait3A_218 = arith.constant 0 : i32
        %dma_wait3A_219 = arith.constant 0 : i32
        %dma_wait3A_220 = tpu.memref_slice %arg2[%dma_wait3A_218, %dma_wait3A_219] : memref<10000x128xf32, #tpu.memory_space<hbm>> -> memref<10000x128xf32, #tpu.memory_space<hbm>>
        tpu.wait_indirect_dma semaphore(%arg26 : memref<!tpu.dma_semaphore, #tpu.memory_space<semaphore_mem>>) src(%dma_wait3A_220 : memref<10000x128xf32, #tpu.memory_space<hbm>>) dst(%arg20 : memref<128x128xf32, #tpu.memory_space<vmem>>)
        "tpu.region"() ({
          %run_scoped3A = tpu.sem_alloc : memref<!tpu.dma_semaphore, #tpu.memory_space<semaphore_mem>>
          %dma_start3A_226 = arith.constant 0 : i32
          %dma_start3A_227 = arith.constant 0 : i32
          %dma_start3A_228 = tpu.memref_slice %arg10[%dma_start3A_226, %dma_start3A_227] : memref<10240x128xf32, #tpu.memory_space<vmem_shared>> -> memref<10240x128xf32, #tpu.memory_space<vmem_shared>>
          tpu.enqueue_indirect_dma source(%arg20 : memref<128x128xf32, #tpu.memory_space<vmem>>) target(%dma_start3A_228 : memref<10240x128xf32, #tpu.memory_space<vmem_shared>>) offsets(%arg18 : memref<128xi32, #tpu.memory_space<vmem>>) semaphore(%run_scoped3A : memref<!tpu.dma_semaphore, #tpu.memory_space<semaphore_mem>>) {add = true}
          %dma_wait3A_229 = arith.constant 0 : i32
          %dma_wait3A_230 = arith.constant 0 : i32
          %dma_wait3A_231 = tpu.memref_slice %arg10[%dma_wait3A_229, %dma_wait3A_230] : memref<10240x128xf32, #tpu.memory_space<vmem_shared>> -> memref<10240x128xf32, #tpu.memory_space<vmem_shared>>
          tpu.wait_indirect_dma semaphore(%run_scoped3A : memref<!tpu.dma_semaphore, #tpu.memory_space<semaphore_mem>>) src(%arg20 : memref<128x128xf32, #tpu.memory_space<vmem>>) dst(%dma_wait3A_231 : memref<10240x128xf32, #tpu.memory_space<vmem_shared>>)
          tpu.yield
        }) : () -> ()
        %lt3A_221 = arith.constant 19 : i32
        %lt3A_222 = arith.cmpi slt, %scan3A_138, %lt3A_221 : i32
        %convert_element_type3A_223 = arith.extui %lt3A_222 : i1 to i32
        %cond3A_224 = arith.constant 0 : i32
        %cond3A_225 = arith.cmpi ne, %convert_element_type3A_223, %cond3A_224 : i32
        scf.if %cond3A_225 {
          %mul3A_226 = arith.constant 4 : i32
          %mul3A_227 = arith.muli %mul3A_226, %scan3A_138 : i32
          %add3A_228 = arith.constant 4 : i32
          %add3A_229 = arith.addi %mul3A_227, %add3A_228 : i32
          %add3A_230 = arith.constant 3 : i32
          %add3A_231 = arith.addi %add3A_229, %add3A_230 : i32
          %add3A_232 = arith.addi %add3A, %add3A_231 : i32
          %dma_start3A_233 = arith.constant 0 : i32
          %dma_start3A_234 = tpu.memref_slice %arg4[%add3A_232, %dma_start3A_233] : memref<2560x128xi32, #tpu.memory_space<hbm>> -> memref<1x128xi32, #tpu.memory_space<hbm>>
          %dma_start3A_235 = tpu.memref_squeeze %dma_start3A_234 : memref<1x128xi32, #tpu.memory_space<hbm>> -> memref<128xi32, #tpu.memory_space<hbm>>
          %dma_start3A_236 = arith.constant 0 : i32
          %dma_start3A_237 = tpu.memref_slice %arg4[%add3A_232, %dma_start3A_236] : memref<2560x128xi32, #tpu.memory_space<hbm>> -> memref<1x128xi32, #tpu.memory_space<hbm>>
          %dma_start3A_238 = tpu.memref_squeeze %dma_start3A_237 : memref<1x128xi32, #tpu.memory_space<hbm>> -> memref<128xi32, #tpu.memory_space<hbm>>
          tpu.enqueue_dma source(%dma_start3A_238 : memref<128xi32, #tpu.memory_space<hbm>>) target(%arg14 : memref<128xi32, #tpu.memory_space<vmem>>) target_semaphore(%arg24 : memref<!tpu.dma_semaphore, #tpu.memory_space<semaphore_mem>>)
          %add3A_239 = arith.addi %add3A, %add3A_231 : i32
          %dma_start3A_240 = arith.constant 0 : i32
          %dma_start3A_241 = tpu.memref_slice %arg5[%add3A_239, %dma_start3A_240] : memref<2560x128xi32, #tpu.memory_space<hbm>> -> memref<1x128xi32, #tpu.memory_space<hbm>>
          %dma_start3A_242 = tpu.memref_squeeze %dma_start3A_241 : memref<1x128xi32, #tpu.memory_space<hbm>> -> memref<128xi32, #tpu.memory_space<hbm>>
          %dma_start3A_243 = arith.constant 0 : i32
          %dma_start3A_244 = tpu.memref_slice %arg5[%add3A_239, %dma_start3A_243] : memref<2560x128xi32, #tpu.memory_space<hbm>> -> memref<1x128xi32, #tpu.memory_space<hbm>>
          %dma_start3A_245 = tpu.memref_squeeze %dma_start3A_244 : memref<1x128xi32, #tpu.memory_space<hbm>> -> memref<128xi32, #tpu.memory_space<hbm>>
          tpu.enqueue_dma source(%dma_start3A_245 : memref<128xi32, #tpu.memory_space<hbm>>) target(%arg18 : memref<128xi32, #tpu.memory_space<vmem>>) target_semaphore(%arg24 : memref<!tpu.dma_semaphore, #tpu.memory_space<semaphore_mem>>)
        } else {
        }
      }
      %scan3A_137 = arith.constant 20 : i32
    } else {
    }
    %eq3A_7 = arith.constant 1 : i32
    %eq3A_8 = arith.cmpi eq, %arg0, %eq3A_7 : i32
    %convert_element_type3A_9 = arith.extui %eq3A_8 : i1 to i32
    %cond3A_10 = arith.constant 0 : i32
    %cond3A_11 = arith.cmpi ne, %convert_element_type3A_9, %cond3A_10 : i32
    scf.if %cond3A_11 {
      %add3A_52 = arith.constant 0 : i32
      %add3A_53 = arith.addi %add3A, %add3A_52 : i32
      %dma_start3A_54 = arith.constant 0 : i32
      %dma_start3A_55 = tpu.memref_slice %arg4[%add3A_53, %dma_start3A_54] : memref<2560x128xi32, #tpu.memory_space<hbm>> -> memref<1x128xi32, #tpu.memory_space<hbm>>
      %dma_start3A_56 = tpu.memref_squeeze %dma_start3A_55 : memref<1x128xi32, #tpu.memory_space<hbm>> -> memref<128xi32, #tpu.memory_space<hbm>>
      %dma_start3A_57 = arith.constant 0 : i32
      %dma_start3A_58 = tpu.memref_slice %arg4[%add3A_53, %dma_start3A_57] : memref<2560x128xi32, #tpu.memory_space<hbm>> -> memref<1x128xi32, #tpu.memory_space<hbm>>
      %dma_start3A_59 = tpu.memref_squeeze %dma_start3A_58 : memref<1x128xi32, #tpu.memory_space<hbm>> -> memref<128xi32, #tpu.memory_space<hbm>>
      tpu.enqueue_dma source(%dma_start3A_59 : memref<128xi32, #tpu.memory_space<hbm>>) target(%arg11 : memref<128xi32, #tpu.memory_space<vmem>>) target_semaphore(%arg21 : memref<!tpu.dma_semaphore, #tpu.memory_space<semaphore_mem>>)
      %add3A_60 = arith.constant 0 : i32
      %add3A_61 = arith.addi %add3A, %add3A_60 : i32
      %dma_start3A_62 = arith.constant 0 : i32
      %dma_start3A_63 = tpu.memref_slice %arg5[%add3A_61, %dma_start3A_62] : memref<2560x128xi32, #tpu.memory_space<hbm>> -> memref<1x128xi32, #tpu.memory_space<hbm>>
      %dma_start3A_64 = tpu.memref_squeeze %dma_start3A_63 : memref<1x128xi32, #tpu.memory_space<hbm>> -> memref<128xi32, #tpu.memory_space<hbm>>
      %dma_start3A_65 = arith.constant 0 : i32
      %dma_start3A_66 = tpu.memref_slice %arg5[%add3A_61, %dma_start3A_65] : memref<2560x128xi32, #tpu.memory_space<hbm>> -> memref<1x128xi32, #tpu.memory_space<hbm>>
      %dma_start3A_67 = tpu.memref_squeeze %dma_start3A_66 : memref<1x128xi32, #tpu.memory_space<hbm>> -> memref<128xi32, #tpu.memory_space<hbm>>
      tpu.enqueue_dma source(%dma_start3A_67 : memref<128xi32, #tpu.memory_space<hbm>>) target(%arg15 : memref<128xi32, #tpu.memory_space<vmem>>) target_semaphore(%arg21 : memref<!tpu.dma_semaphore, #tpu.memory_space<semaphore_mem>>)
      %add3A_68 = arith.constant 1 : i32
      %add3A_69 = arith.addi %add3A, %add3A_68 : i32
      %dma_start3A_70 = arith.constant 0 : i32
      %dma_start3A_71 = tpu.memref_slice %arg4[%add3A_69, %dma_start3A_70] : memref<2560x128xi32, #tpu.memory_space<hbm>> -> memref<1x128xi32, #tpu.memory_space<hbm>>
      %dma_start3A_72 = tpu.memref_squeeze %dma_start3A_71 : memref<1x128xi32, #tpu.memory_space<hbm>> -> memref<128xi32, #tpu.memory_space<hbm>>
      %dma_start3A_73 = arith.constant 0 : i32
      %dma_start3A_74 = tpu.memref_slice %arg4[%add3A_69, %dma_start3A_73] : memref<2560x128xi32, #tpu.memory_space<hbm>> -> memref<1x128xi32, #tpu.memory_space<hbm>>
      %dma_start3A_75 = tpu.memref_squeeze %dma_start3A_74 : memref<1x128xi32, #tpu.memory_space<hbm>> -> memref<128xi32, #tpu.memory_space<hbm>>
      tpu.enqueue_dma source(%dma_start3A_75 : memref<128xi32, #tpu.memory_space<hbm>>) target(%arg12 : memref<128xi32, #tpu.memory_space<vmem>>) target_semaphore(%arg22 : memref<!tpu.dma_semaphore, #tpu.memory_space<semaphore_mem>>)
      %add3A_76 = arith.constant 1 : i32
      %add3A_77 = arith.addi %add3A, %add3A_76 : i32
      %dma_start3A_78 = arith.constant 0 : i32
      %dma_start3A_79 = tpu.memref_slice %arg5[%add3A_77, %dma_start3A_78] : memref<2560x128xi32, #tpu.memory_space<hbm>> -> memref<1x128xi32, #tpu.memory_space<hbm>>
      %dma_start3A_80 = tpu.memref_squeeze %dma_start3A_79 : memref<1x128xi32, #tpu.memory_space<hbm>> -> memref<128xi32, #tpu.memory_space<hbm>>
      %dma_start3A_81 = arith.constant 0 : i32
      %dma_start3A_82 = tpu.memref_slice %arg5[%add3A_77, %dma_start3A_81] : memref<2560x128xi32, #tpu.memory_space<hbm>> -> memref<1x128xi32, #tpu.memory_space<hbm>>
      %dma_start3A_83 = tpu.memref_squeeze %dma_start3A_82 : memref<1x128xi32, #tpu.memory_space<hbm>> -> memref<128xi32, #tpu.memory_space<hbm>>
      tpu.enqueue_dma source(%dma_start3A_83 : memref<128xi32, #tpu.memory_space<hbm>>) target(%arg16 : memref<128xi32, #tpu.memory_space<vmem>>) target_semaphore(%arg22 : memref<!tpu.dma_semaphore, #tpu.memory_space<semaphore_mem>>)
      %add3A_84 = arith.constant 2 : i32
      %add3A_85 = arith.addi %add3A, %add3A_84 : i32
      %dma_start3A_86 = arith.constant 0 : i32
      %dma_start3A_87 = tpu.memref_slice %arg4[%add3A_85, %dma_start3A_86] : memref<2560x128xi32, #tpu.memory_space<hbm>> -> memref<1x128xi32, #tpu.memory_space<hbm>>
      %dma_start3A_88 = tpu.memref_squeeze %dma_start3A_87 : memref<1x128xi32, #tpu.memory_space<hbm>> -> memref<128xi32, #tpu.memory_space<hbm>>
      %dma_start3A_89 = arith.constant 0 : i32
      %dma_start3A_90 = tpu.memref_slice %arg4[%add3A_85, %dma_start3A_89] : memref<2560x128xi32, #tpu.memory_space<hbm>> -> memref<1x128xi32, #tpu.memory_space<hbm>>
      %dma_start3A_91 = tpu.memref_squeeze %dma_start3A_90 : memref<1x128xi32, #tpu.memory_space<hbm>> -> memref<128xi32, #tpu.memory_space<hbm>>
      tpu.enqueue_dma source(%dma_start3A_91 : memref<128xi32, #tpu.memory_space<hbm>>) target(%arg13 : memref<128xi32, #tpu.memory_space<vmem>>) target_semaphore(%arg23 : memref<!tpu.dma_semaphore, #tpu.memory_space<semaphore_mem>>)
      %add3A_92 = arith.constant 2 : i32
      %add3A_93 = arith.addi %add3A, %add3A_92 : i32
      %dma_start3A_94 = arith.constant 0 : i32
      %dma_start3A_95 = tpu.memref_slice %arg5[%add3A_93, %dma_start3A_94] : memref<2560x128xi32, #tpu.memory_space<hbm>> -> memref<1x128xi32, #tpu.memory_space<hbm>>
      %dma_start3A_96 = tpu.memref_squeeze %dma_start3A_95 : memref<1x128xi32, #tpu.memory_space<hbm>> -> memref<128xi32, #tpu.memory_space<hbm>>
      %dma_start3A_97 = arith.constant 0 : i32
      %dma_start3A_98 = tpu.memref_slice %arg5[%add3A_93, %dma_start3A_97] : memref<2560x128xi32, #tpu.memory_space<hbm>> -> memref<1x128xi32, #tpu.memory_space<hbm>>
      %dma_start3A_99 = tpu.memref_squeeze %dma_start3A_98 : memref<1x128xi32, #tpu.memory_space<hbm>> -> memref<128xi32, #tpu.memory_space<hbm>>
      tpu.enqueue_dma source(%dma_start3A_99 : memref<128xi32, #tpu.memory_space<hbm>>) target(%arg17 : memref<128xi32, #tpu.memory_space<vmem>>) target_semaphore(%arg23 : memref<!tpu.dma_semaphore, #tpu.memory_space<semaphore_mem>>)
      %add3A_100 = arith.constant 3 : i32
      %add3A_101 = arith.addi %add3A, %add3A_100 : i32
      %dma_start3A_102 = arith.constant 0 : i32
      %dma_start3A_103 = tpu.memref_slice %arg4[%add3A_101, %dma_start3A_102] : memref<2560x128xi32, #tpu.memory_space<hbm>> -> memref<1x128xi32, #tpu.memory_space<hbm>>
      %dma_start3A_104 = tpu.memref_squeeze %dma_start3A_103 : memref<1x128xi32, #tpu.memory_space<hbm>> -> memref<128xi32, #tpu.memory_space<hbm>>
      %dma_start3A_105 = arith.constant 0 : i32
      %dma_start3A_106 = tpu.memref_slice %arg4[%add3A_101, %dma_start3A_105] : memref<2560x128xi32, #tpu.memory_space<hbm>> -> memref<1x128xi32, #tpu.memory_space<hbm>>
      %dma_start3A_107 = tpu.memref_squeeze %dma_start3A_106 : memref<1x128xi32, #tpu.memory_space<hbm>> -> memref<128xi32, #tpu.memory_space<hbm>>
      tpu.enqueue_dma source(%dma_start3A_107 : memref<128xi32, #tpu.memory_space<hbm>>) target(%arg14 : memref<128xi32, #tpu.memory_space<vmem>>) target_semaphore(%arg24 : memref<!tpu.dma_semaphore, #tpu.memory_space<semaphore_mem>>)
      %add3A_108 = arith.constant 3 : i32
      %add3A_109 = arith.addi %add3A, %add3A_108 : i32
      %dma_start3A_110 = arith.constant 0 : i32
      %dma_start3A_111 = tpu.memref_slice %arg5[%add3A_109, %dma_start3A_110] : memref<2560x128xi32, #tpu.memory_space<hbm>> -> memref<1x128xi32, #tpu.memory_space<hbm>>
      %dma_start3A_112 = tpu.memref_squeeze %dma_start3A_111 : memref<1x128xi32, #tpu.memory_space<hbm>> -> memref<128xi32, #tpu.memory_space<hbm>>
      %dma_start3A_113 = arith.constant 0 : i32
      %dma_start3A_114 = tpu.memref_slice %arg5[%add3A_109, %dma_start3A_113] : memref<2560x128xi32, #tpu.memory_space<hbm>> -> memref<1x128xi32, #tpu.memory_space<hbm>>
      %dma_start3A_115 = tpu.memref_squeeze %dma_start3A_114 : memref<1x128xi32, #tpu.memory_space<hbm>> -> memref<128xi32, #tpu.memory_space<hbm>>
      tpu.enqueue_dma source(%dma_start3A_115 : memref<128xi32, #tpu.memory_space<hbm>>) target(%arg18 : memref<128xi32, #tpu.memory_space<vmem>>) target_semaphore(%arg24 : memref<!tpu.dma_semaphore, #tpu.memory_space<semaphore_mem>>)
      %dma_wait3A = arith.constant 0 : i32
      %dma_wait3A_116 = arith.constant 0 : i32
      %dma_wait3A_117 = tpu.memref_slice %arg4[%dma_wait3A, %dma_wait3A_116] : memref<2560x128xi32, #tpu.memory_space<hbm>> -> memref<1x128xi32, #tpu.memory_space<hbm>>
      %dma_wait3A_118 = tpu.memref_squeeze %dma_wait3A_117 : memref<1x128xi32, #tpu.memory_space<hbm>> -> memref<128xi32, #tpu.memory_space<hbm>>
      %dma_wait3A_119 = arith.constant 0 : i32
      %dma_wait3A_120 = tpu.memref_slice %arg4[%dma_wait3A, %dma_wait3A_119] : memref<2560x128xi32, #tpu.memory_space<hbm>> -> memref<1x128xi32, #tpu.memory_space<hbm>>
      %dma_wait3A_121 = tpu.memref_squeeze %dma_wait3A_120 : memref<1x128xi32, #tpu.memory_space<hbm>> -> memref<128xi32, #tpu.memory_space<hbm>>
      tpu.wait_dma2 semaphore(%arg21 : memref<!tpu.dma_semaphore, #tpu.memory_space<semaphore_mem>>) src(%dma_wait3A_121 : memref<128xi32, #tpu.memory_space<hbm>>) dst(%arg11 : memref<128xi32, #tpu.memory_space<vmem>>)
      %dma_wait3A_122 = arith.constant 0 : i32
      %dma_wait3A_123 = arith.constant 0 : i32
      %dma_wait3A_124 = tpu.memref_slice %arg5[%dma_wait3A_122, %dma_wait3A_123] : memref<2560x128xi32, #tpu.memory_space<hbm>> -> memref<1x128xi32, #tpu.memory_space<hbm>>
      %dma_wait3A_125 = tpu.memref_squeeze %dma_wait3A_124 : memref<1x128xi32, #tpu.memory_space<hbm>> -> memref<128xi32, #tpu.memory_space<hbm>>
      %dma_wait3A_126 = arith.constant 0 : i32
      %dma_wait3A_127 = tpu.memref_slice %arg5[%dma_wait3A_122, %dma_wait3A_126] : memref<2560x128xi32, #tpu.memory_space<hbm>> -> memref<1x128xi32, #tpu.memory_space<hbm>>
      %dma_wait3A_128 = tpu.memref_squeeze %dma_wait3A_127 : memref<1x128xi32, #tpu.memory_space<hbm>> -> memref<128xi32, #tpu.memory_space<hbm>>
      tpu.wait_dma2 semaphore(%arg21 : memref<!tpu.dma_semaphore, #tpu.memory_space<semaphore_mem>>) src(%dma_wait3A_128 : memref<128xi32, #tpu.memory_space<hbm>>) dst(%arg15 : memref<128xi32, #tpu.memory_space<vmem>>)
      %dma_start3A_129 = arith.constant 0 : i32
      %dma_start3A_130 = arith.constant 0 : i32
      %dma_start3A_131 = tpu.memref_slice %arg3[%dma_start3A_129, %dma_start3A_130] : memref<10000x128xf32, #tpu.memory_space<hbm>> -> memref<10000x128xf32, #tpu.memory_space<hbm>>
      tpu.enqueue_indirect_dma source(%dma_start3A_131 : memref<10000x128xf32, #tpu.memory_space<hbm>>) target(%arg19 : memref<128x128xf32, #tpu.memory_space<vmem>>) offsets(%arg11 : memref<128xi32, #tpu.memory_space<vmem>>) semaphore(%arg25 : memref<!tpu.dma_semaphore, #tpu.memory_space<semaphore_mem>>)
      %scan3A_132 = arith.constant 0 : i32
      %scan3A_133 = arith.constant 0 : i32
      %scan3A_134 = arith.constant 20 : i32
      %scan3A_135 = arith.addi %scan3A_133, %scan3A_134 : i32
      %scan3A_136 = arith.constant 1 : i32
      scf.for %scan3A_138 = %scan3A_133 to %scan3A_135 step %scan3A_136  : i32 {
        %dma_wait3A_139 = arith.constant 0 : i32
        %dma_wait3A_140 = arith.constant 0 : i32
        %dma_wait3A_141 = tpu.memref_slice %arg4[%dma_wait3A_139, %dma_wait3A_140] : memref<2560x128xi32, #tpu.memory_space<hbm>> -> memref<1x128xi32, #tpu.memory_space<hbm>>
        %dma_wait3A_142 = tpu.memref_squeeze %dma_wait3A_141 : memref<1x128xi32, #tpu.memory_space<hbm>> -> memref<128xi32, #tpu.memory_space<hbm>>
        %dma_wait3A_143 = arith.constant 0 : i32
        %dma_wait3A_144 = tpu.memref_slice %arg4[%dma_wait3A_139, %dma_wait3A_143] : memref<2560x128xi32, #tpu.memory_space<hbm>> -> memref<1x128xi32, #tpu.memory_space<hbm>>
        %dma_wait3A_145 = tpu.memref_squeeze %dma_wait3A_144 : memref<1x128xi32, #tpu.memory_space<hbm>> -> memref<128xi32, #tpu.memory_space<hbm>>
        tpu.wait_dma2 semaphore(%arg22 : memref<!tpu.dma_semaphore, #tpu.memory_space<semaphore_mem>>) src(%dma_wait3A_145 : memref<128xi32, #tpu.memory_space<hbm>>) dst(%arg12 : memref<128xi32, #tpu.memory_space<vmem>>)
        %dma_wait3A_146 = arith.constant 0 : i32
        %dma_wait3A_147 = arith.constant 0 : i32
        %dma_wait3A_148 = tpu.memref_slice %arg5[%dma_wait3A_146, %dma_wait3A_147] : memref<2560x128xi32, #tpu.memory_space<hbm>> -> memref<1x128xi32, #tpu.memory_space<hbm>>
        %dma_wait3A_149 = tpu.memref_squeeze %dma_wait3A_148 : memref<1x128xi32, #tpu.memory_space<hbm>> -> memref<128xi32, #tpu.memory_space<hbm>>
        %dma_wait3A_150 = arith.constant 0 : i32
        %dma_wait3A_151 = tpu.memref_slice %arg5[%dma_wait3A_146, %dma_wait3A_150] : memref<2560x128xi32, #tpu.memory_space<hbm>> -> memref<1x128xi32, #tpu.memory_space<hbm>>
        %dma_wait3A_152 = tpu.memref_squeeze %dma_wait3A_151 : memref<1x128xi32, #tpu.memory_space<hbm>> -> memref<128xi32, #tpu.memory_space<hbm>>
        tpu.wait_dma2 semaphore(%arg22 : memref<!tpu.dma_semaphore, #tpu.memory_space<semaphore_mem>>) src(%dma_wait3A_152 : memref<128xi32, #tpu.memory_space<hbm>>) dst(%arg16 : memref<128xi32, #tpu.memory_space<vmem>>)
        %dma_start3A_153 = arith.constant 0 : i32
        %dma_start3A_154 = arith.constant 0 : i32
        %dma_start3A_155 = tpu.memref_slice %arg3[%dma_start3A_153, %dma_start3A_154] : memref<10000x128xf32, #tpu.memory_space<hbm>> -> memref<10000x128xf32, #tpu.memory_space<hbm>>
        tpu.enqueue_indirect_dma source(%dma_start3A_155 : memref<10000x128xf32, #tpu.memory_space<hbm>>) target(%arg20 : memref<128x128xf32, #tpu.memory_space<vmem>>) offsets(%arg12 : memref<128xi32, #tpu.memory_space<vmem>>) semaphore(%arg26 : memref<!tpu.dma_semaphore, #tpu.memory_space<semaphore_mem>>)
        %dma_wait3A_156 = arith.constant 0 : i32
        %dma_wait3A_157 = arith.constant 0 : i32
        %dma_wait3A_158 = tpu.memref_slice %arg3[%dma_wait3A_156, %dma_wait3A_157] : memref<10000x128xf32, #tpu.memory_space<hbm>> -> memref<10000x128xf32, #tpu.memory_space<hbm>>
        tpu.wait_indirect_dma semaphore(%arg25 : memref<!tpu.dma_semaphore, #tpu.memory_space<semaphore_mem>>) src(%dma_wait3A_158 : memref<10000x128xf32, #tpu.memory_space<hbm>>) dst(%arg19 : memref<128x128xf32, #tpu.memory_space<vmem>>)
        "tpu.region"() ({
          %run_scoped3A = tpu.sem_alloc : memref<!tpu.dma_semaphore, #tpu.memory_space<semaphore_mem>>
          %dma_start3A_226 = arith.constant 0 : i32
          %dma_start3A_227 = arith.constant 0 : i32
          %dma_start3A_228 = tpu.memref_slice %arg10[%dma_start3A_226, %dma_start3A_227] : memref<10240x128xf32, #tpu.memory_space<vmem_shared>> -> memref<10240x128xf32, #tpu.memory_space<vmem_shared>>
          tpu.enqueue_indirect_dma source(%arg19 : memref<128x128xf32, #tpu.memory_space<vmem>>) target(%dma_start3A_228 : memref<10240x128xf32, #tpu.memory_space<vmem_shared>>) offsets(%arg15 : memref<128xi32, #tpu.memory_space<vmem>>) semaphore(%run_scoped3A : memref<!tpu.dma_semaphore, #tpu.memory_space<semaphore_mem>>) {add = true}
          %dma_wait3A_229 = arith.constant 0 : i32
          %dma_wait3A_230 = arith.constant 0 : i32
          %dma_wait3A_231 = tpu.memref_slice %arg10[%dma_wait3A_229, %dma_wait3A_230] : memref<10240x128xf32, #tpu.memory_space<vmem_shared>> -> memref<10240x128xf32, #tpu.memory_space<vmem_shared>>
          tpu.wait_indirect_dma semaphore(%run_scoped3A : memref<!tpu.dma_semaphore, #tpu.memory_space<semaphore_mem>>) src(%arg19 : memref<128x128xf32, #tpu.memory_space<vmem>>) dst(%dma_wait3A_231 : memref<10240x128xf32, #tpu.memory_space<vmem_shared>>)
          tpu.yield
        }) : () -> ()
        %lt3A = arith.constant 19 : i32
        %lt3A_159 = arith.cmpi slt, %scan3A_138, %lt3A : i32
        %convert_element_type3A_160 = arith.extui %lt3A_159 : i1 to i32
        %cond3A_161 = arith.constant 0 : i32
        %cond3A_162 = arith.cmpi ne, %convert_element_type3A_160, %cond3A_161 : i32
        scf.if %cond3A_162 {
          %mul3A_226 = arith.constant 4 : i32
          %mul3A_227 = arith.muli %mul3A_226, %scan3A_138 : i32
          %add3A_228 = arith.constant 4 : i32
          %add3A_229 = arith.addi %mul3A_227, %add3A_228 : i32
          %add3A_230 = arith.constant 0 : i32
          %add3A_231 = arith.addi %add3A_229, %add3A_230 : i32
          %add3A_232 = arith.addi %add3A, %add3A_231 : i32
          %dma_start3A_233 = arith.constant 0 : i32
          %dma_start3A_234 = tpu.memref_slice %arg4[%add3A_232, %dma_start3A_233] : memref<2560x128xi32, #tpu.memory_space<hbm>> -> memref<1x128xi32, #tpu.memory_space<hbm>>
          %dma_start3A_235 = tpu.memref_squeeze %dma_start3A_234 : memref<1x128xi32, #tpu.memory_space<hbm>> -> memref<128xi32, #tpu.memory_space<hbm>>
          %dma_start3A_236 = arith.constant 0 : i32
          %dma_start3A_237 = tpu.memref_slice %arg4[%add3A_232, %dma_start3A_236] : memref<2560x128xi32, #tpu.memory_space<hbm>> -> memref<1x128xi32, #tpu.memory_space<hbm>>
          %dma_start3A_238 = tpu.memref_squeeze %dma_start3A_237 : memref<1x128xi32, #tpu.memory_space<hbm>> -> memref<128xi32, #tpu.memory_space<hbm>>
          tpu.enqueue_dma source(%dma_start3A_238 : memref<128xi32, #tpu.memory_space<hbm>>) target(%arg11 : memref<128xi32, #tpu.memory_space<vmem>>) target_semaphore(%arg21 : memref<!tpu.dma_semaphore, #tpu.memory_space<semaphore_mem>>)
          %add3A_239 = arith.addi %add3A, %add3A_231 : i32
          %dma_start3A_240 = arith.constant 0 : i32
          %dma_start3A_241 = tpu.memref_slice %arg5[%add3A_239, %dma_start3A_240] : memref<2560x128xi32, #tpu.memory_space<hbm>> -> memref<1x128xi32, #tpu.memory_space<hbm>>
          %dma_start3A_242 = tpu.memref_squeeze %dma_start3A_241 : memref<1x128xi32, #tpu.memory_space<hbm>> -> memref<128xi32, #tpu.memory_space<hbm>>
          %dma_start3A_243 = arith.constant 0 : i32
          %dma_start3A_244 = tpu.memref_slice %arg5[%add3A_239, %dma_start3A_243] : memref<2560x128xi32, #tpu.memory_space<hbm>> -> memref<1x128xi32, #tpu.memory_space<hbm>>
          %dma_start3A_245 = tpu.memref_squeeze %dma_start3A_244 : memref<1x128xi32, #tpu.memory_space<hbm>> -> memref<128xi32, #tpu.memory_space<hbm>>
          tpu.enqueue_dma source(%dma_start3A_245 : memref<128xi32, #tpu.memory_space<hbm>>) target(%arg15 : memref<128xi32, #tpu.memory_space<vmem>>) target_semaphore(%arg21 : memref<!tpu.dma_semaphore, #tpu.memory_space<semaphore_mem>>)
        } else {
        }
        %dma_wait3A_163 = arith.constant 0 : i32
        %dma_wait3A_164 = arith.constant 0 : i32
        %dma_wait3A_165 = tpu.memref_slice %arg4[%dma_wait3A_163, %dma_wait3A_164] : memref<2560x128xi32, #tpu.memory_space<hbm>> -> memref<1x128xi32, #tpu.memory_space<hbm>>
        %dma_wait3A_166 = tpu.memref_squeeze %dma_wait3A_165 : memref<1x128xi32, #tpu.memory_space<hbm>> -> memref<128xi32, #tpu.memory_space<hbm>>
        %dma_wait3A_167 = arith.constant 0 : i32
        %dma_wait3A_168 = tpu.memref_slice %arg4[%dma_wait3A_163, %dma_wait3A_167] : memref<2560x128xi32, #tpu.memory_space<hbm>> -> memref<1x128xi32, #tpu.memory_space<hbm>>
        %dma_wait3A_169 = tpu.memref_squeeze %dma_wait3A_168 : memref<1x128xi32, #tpu.memory_space<hbm>> -> memref<128xi32, #tpu.memory_space<hbm>>
        tpu.wait_dma2 semaphore(%arg23 : memref<!tpu.dma_semaphore, #tpu.memory_space<semaphore_mem>>) src(%dma_wait3A_169 : memref<128xi32, #tpu.memory_space<hbm>>) dst(%arg13 : memref<128xi32, #tpu.memory_space<vmem>>)
        %dma_wait3A_170 = arith.constant 0 : i32
        %dma_wait3A_171 = arith.constant 0 : i32
        %dma_wait3A_172 = tpu.memref_slice %arg5[%dma_wait3A_170, %dma_wait3A_171] : memref<2560x128xi32, #tpu.memory_space<hbm>> -> memref<1x128xi32, #tpu.memory_space<hbm>>
        %dma_wait3A_173 = tpu.memref_squeeze %dma_wait3A_172 : memref<1x128xi32, #tpu.memory_space<hbm>> -> memref<128xi32, #tpu.memory_space<hbm>>
        %dma_wait3A_174 = arith.constant 0 : i32
        %dma_wait3A_175 = tpu.memref_slice %arg5[%dma_wait3A_170, %dma_wait3A_174] : memref<2560x128xi32, #tpu.memory_space<hbm>> -> memref<1x128xi32, #tpu.memory_space<hbm>>
        %dma_wait3A_176 = tpu.memref_squeeze %dma_wait3A_175 : memref<1x128xi32, #tpu.memory_space<hbm>> -> memref<128xi32, #tpu.memory_space<hbm>>
        tpu.wait_dma2 semaphore(%arg23 : memref<!tpu.dma_semaphore, #tpu.memory_space<semaphore_mem>>) src(%dma_wait3A_176 : memref<128xi32, #tpu.memory_space<hbm>>) dst(%arg17 : memref<128xi32, #tpu.memory_space<vmem>>)
        %dma_start3A_177 = arith.constant 0 : i32
        %dma_start3A_178 = arith.constant 0 : i32
        %dma_start3A_179 = tpu.memref_slice %arg3[%dma_start3A_177, %dma_start3A_178] : memref<10000x128xf32, #tpu.memory_space<hbm>> -> memref<10000x128xf32, #tpu.memory_space<hbm>>
        tpu.enqueue_indirect_dma source(%dma_start3A_179 : memref<10000x128xf32, #tpu.memory_space<hbm>>) target(%arg19 : memref<128x128xf32, #tpu.memory_space<vmem>>) offsets(%arg13 : memref<128xi32, #tpu.memory_space<vmem>>) semaphore(%arg25 : memref<!tpu.dma_semaphore, #tpu.memory_space<semaphore_mem>>)
        %dma_wait3A_180 = arith.constant 0 : i32
        %dma_wait3A_181 = arith.constant 0 : i32
        %dma_wait3A_182 = tpu.memref_slice %arg3[%dma_wait3A_180, %dma_wait3A_181] : memref<10000x128xf32, #tpu.memory_space<hbm>> -> memref<10000x128xf32, #tpu.memory_space<hbm>>
        tpu.wait_indirect_dma semaphore(%arg26 : memref<!tpu.dma_semaphore, #tpu.memory_space<semaphore_mem>>) src(%dma_wait3A_182 : memref<10000x128xf32, #tpu.memory_space<hbm>>) dst(%arg20 : memref<128x128xf32, #tpu.memory_space<vmem>>)
        "tpu.region"() ({
          %run_scoped3A = tpu.sem_alloc : memref<!tpu.dma_semaphore, #tpu.memory_space<semaphore_mem>>
          %dma_start3A_226 = arith.constant 0 : i32
          %dma_start3A_227 = arith.constant 0 : i32
          %dma_start3A_228 = tpu.memref_slice %arg10[%dma_start3A_226, %dma_start3A_227] : memref<10240x128xf32, #tpu.memory_space<vmem_shared>> -> memref<10240x128xf32, #tpu.memory_space<vmem_shared>>
          tpu.enqueue_indirect_dma source(%arg20 : memref<128x128xf32, #tpu.memory_space<vmem>>) target(%dma_start3A_228 : memref<10240x128xf32, #tpu.memory_space<vmem_shared>>) offsets(%arg16 : memref<128xi32, #tpu.memory_space<vmem>>) semaphore(%run_scoped3A : memref<!tpu.dma_semaphore, #tpu.memory_space<semaphore_mem>>) {add = true}
          %dma_wait3A_229 = arith.constant 0 : i32
          %dma_wait3A_230 = arith.constant 0 : i32
          %dma_wait3A_231 = tpu.memref_slice %arg10[%dma_wait3A_229, %dma_wait3A_230] : memref<10240x128xf32, #tpu.memory_space<vmem_shared>> -> memref<10240x128xf32, #tpu.memory_space<vmem_shared>>
          tpu.wait_indirect_dma semaphore(%run_scoped3A : memref<!tpu.dma_semaphore, #tpu.memory_space<semaphore_mem>>) src(%arg20 : memref<128x128xf32, #tpu.memory_space<vmem>>) dst(%dma_wait3A_231 : memref<10240x128xf32, #tpu.memory_space<vmem_shared>>)
          tpu.yield
        }) : () -> ()
        %lt3A_183 = arith.constant 19 : i32
        %lt3A_184 = arith.cmpi slt, %scan3A_138, %lt3A_183 : i32
        %convert_element_type3A_185 = arith.extui %lt3A_184 : i1 to i32
        %cond3A_186 = arith.constant 0 : i32
        %cond3A_187 = arith.cmpi ne, %convert_element_type3A_185, %cond3A_186 : i32
        scf.if %cond3A_187 {
          %mul3A_226 = arith.constant 4 : i32
          %mul3A_227 = arith.muli %mul3A_226, %scan3A_138 : i32
          %add3A_228 = arith.constant 4 : i32
          %add3A_229 = arith.addi %mul3A_227, %add3A_228 : i32
          %add3A_230 = arith.constant 1 : i32
          %add3A_231 = arith.addi %add3A_229, %add3A_230 : i32
          %add3A_232 = arith.addi %add3A, %add3A_231 : i32
          %dma_start3A_233 = arith.constant 0 : i32
          %dma_start3A_234 = tpu.memref_slice %arg4[%add3A_232, %dma_start3A_233] : memref<2560x128xi32, #tpu.memory_space<hbm>> -> memref<1x128xi32, #tpu.memory_space<hbm>>
          %dma_start3A_235 = tpu.memref_squeeze %dma_start3A_234 : memref<1x128xi32, #tpu.memory_space<hbm>> -> memref<128xi32, #tpu.memory_space<hbm>>
          %dma_start3A_236 = arith.constant 0 : i32
          %dma_start3A_237 = tpu.memref_slice %arg4[%add3A_232, %dma_start3A_236] : memref<2560x128xi32, #tpu.memory_space<hbm>> -> memref<1x128xi32, #tpu.memory_space<hbm>>
          %dma_start3A_238 = tpu.memref_squeeze %dma_start3A_237 : memref<1x128xi32, #tpu.memory_space<hbm>> -> memref<128xi32, #tpu.memory_space<hbm>>
          tpu.enqueue_dma source(%dma_start3A_238 : memref<128xi32, #tpu.memory_space<hbm>>) target(%arg12 : memref<128xi32, #tpu.memory_space<vmem>>) target_semaphore(%arg22 : memref<!tpu.dma_semaphore, #tpu.memory_space<semaphore_mem>>)
          %add3A_239 = arith.addi %add3A, %add3A_231 : i32
          %dma_start3A_240 = arith.constant 0 : i32
          %dma_start3A_241 = tpu.memref_slice %arg5[%add3A_239, %dma_start3A_240] : memref<2560x128xi32, #tpu.memory_space<hbm>> -> memref<1x128xi32, #tpu.memory_space<hbm>>
          %dma_start3A_242 = tpu.memref_squeeze %dma_start3A_241 : memref<1x128xi32, #tpu.memory_space<hbm>> -> memref<128xi32, #tpu.memory_space<hbm>>
          %dma_start3A_243 = arith.constant 0 : i32
          %dma_start3A_244 = tpu.memref_slice %arg5[%add3A_239, %dma_start3A_243] : memref<2560x128xi32, #tpu.memory_space<hbm>> -> memref<1x128xi32, #tpu.memory_space<hbm>>
          %dma_start3A_245 = tpu.memref_squeeze %dma_start3A_244 : memref<1x128xi32, #tpu.memory_space<hbm>> -> memref<128xi32, #tpu.memory_space<hbm>>
          tpu.enqueue_dma source(%dma_start3A_245 : memref<128xi32, #tpu.memory_space<hbm>>) target(%arg16 : memref<128xi32, #tpu.memory_space<vmem>>) target_semaphore(%arg22 : memref<!tpu.dma_semaphore, #tpu.memory_space<semaphore_mem>>)
        } else {
        }
        %dma_wait3A_188 = arith.constant 0 : i32
        %dma_wait3A_189 = arith.constant 0 : i32
        %dma_wait3A_190 = tpu.memref_slice %arg4[%dma_wait3A_188, %dma_wait3A_189] : memref<2560x128xi32, #tpu.memory_space<hbm>> -> memref<1x128xi32, #tpu.memory_space<hbm>>
        %dma_wait3A_191 = tpu.memref_squeeze %dma_wait3A_190 : memref<1x128xi32, #tpu.memory_space<hbm>> -> memref<128xi32, #tpu.memory_space<hbm>>
        %dma_wait3A_192 = arith.constant 0 : i32
        %dma_wait3A_193 = tpu.memref_slice %arg4[%dma_wait3A_188, %dma_wait3A_192] : memref<2560x128xi32, #tpu.memory_space<hbm>> -> memref<1x128xi32, #tpu.memory_space<hbm>>
        %dma_wait3A_194 = tpu.memref_squeeze %dma_wait3A_193 : memref<1x128xi32, #tpu.memory_space<hbm>> -> memref<128xi32, #tpu.memory_space<hbm>>
        tpu.wait_dma2 semaphore(%arg24 : memref<!tpu.dma_semaphore, #tpu.memory_space<semaphore_mem>>) src(%dma_wait3A_194 : memref<128xi32, #tpu.memory_space<hbm>>) dst(%arg14 : memref<128xi32, #tpu.memory_space<vmem>>)
        %dma_wait3A_195 = arith.constant 0 : i32
        %dma_wait3A_196 = arith.constant 0 : i32
        %dma_wait3A_197 = tpu.memref_slice %arg5[%dma_wait3A_195, %dma_wait3A_196] : memref<2560x128xi32, #tpu.memory_space<hbm>> -> memref<1x128xi32, #tpu.memory_space<hbm>>
        %dma_wait3A_198 = tpu.memref_squeeze %dma_wait3A_197 : memref<1x128xi32, #tpu.memory_space<hbm>> -> memref<128xi32, #tpu.memory_space<hbm>>
        %dma_wait3A_199 = arith.constant 0 : i32
        %dma_wait3A_200 = tpu.memref_slice %arg5[%dma_wait3A_195, %dma_wait3A_199] : memref<2560x128xi32, #tpu.memory_space<hbm>> -> memref<1x128xi32, #tpu.memory_space<hbm>>
        %dma_wait3A_201 = tpu.memref_squeeze %dma_wait3A_200 : memref<1x128xi32, #tpu.memory_space<hbm>> -> memref<128xi32, #tpu.memory_space<hbm>>
        tpu.wait_dma2 semaphore(%arg24 : memref<!tpu.dma_semaphore, #tpu.memory_space<semaphore_mem>>) src(%dma_wait3A_201 : memref<128xi32, #tpu.memory_space<hbm>>) dst(%arg18 : memref<128xi32, #tpu.memory_space<vmem>>)
        %dma_start3A_202 = arith.constant 0 : i32
        %dma_start3A_203 = arith.constant 0 : i32
        %dma_start3A_204 = tpu.memref_slice %arg3[%dma_start3A_202, %dma_start3A_203] : memref<10000x128xf32, #tpu.memory_space<hbm>> -> memref<10000x128xf32, #tpu.memory_space<hbm>>
        tpu.enqueue_indirect_dma source(%dma_start3A_204 : memref<10000x128xf32, #tpu.memory_space<hbm>>) target(%arg20 : memref<128x128xf32, #tpu.memory_space<vmem>>) offsets(%arg14 : memref<128xi32, #tpu.memory_space<vmem>>) semaphore(%arg26 : memref<!tpu.dma_semaphore, #tpu.memory_space<semaphore_mem>>)
        %dma_wait3A_205 = arith.constant 0 : i32
        %dma_wait3A_206 = arith.constant 0 : i32
        %dma_wait3A_207 = tpu.memref_slice %arg3[%dma_wait3A_205, %dma_wait3A_206] : memref<10000x128xf32, #tpu.memory_space<hbm>> -> memref<10000x128xf32, #tpu.memory_space<hbm>>
        tpu.wait_indirect_dma semaphore(%arg25 : memref<!tpu.dma_semaphore, #tpu.memory_space<semaphore_mem>>) src(%dma_wait3A_207 : memref<10000x128xf32, #tpu.memory_space<hbm>>) dst(%arg19 : memref<128x128xf32, #tpu.memory_space<vmem>>)
        "tpu.region"() ({
          %run_scoped3A = tpu.sem_alloc : memref<!tpu.dma_semaphore, #tpu.memory_space<semaphore_mem>>
          %dma_start3A_226 = arith.constant 0 : i32
          %dma_start3A_227 = arith.constant 0 : i32
          %dma_start3A_228 = tpu.memref_slice %arg10[%dma_start3A_226, %dma_start3A_227] : memref<10240x128xf32, #tpu.memory_space<vmem_shared>> -> memref<10240x128xf32, #tpu.memory_space<vmem_shared>>
          tpu.enqueue_indirect_dma source(%arg19 : memref<128x128xf32, #tpu.memory_space<vmem>>) target(%dma_start3A_228 : memref<10240x128xf32, #tpu.memory_space<vmem_shared>>) offsets(%arg17 : memref<128xi32, #tpu.memory_space<vmem>>) semaphore(%run_scoped3A : memref<!tpu.dma_semaphore, #tpu.memory_space<semaphore_mem>>) {add = true}
          %dma_wait3A_229 = arith.constant 0 : i32
          %dma_wait3A_230 = arith.constant 0 : i32
          %dma_wait3A_231 = tpu.memref_slice %arg10[%dma_wait3A_229, %dma_wait3A_230] : memref<10240x128xf32, #tpu.memory_space<vmem_shared>> -> memref<10240x128xf32, #tpu.memory_space<vmem_shared>>
          tpu.wait_indirect_dma semaphore(%run_scoped3A : memref<!tpu.dma_semaphore, #tpu.memory_space<semaphore_mem>>) src(%arg19 : memref<128x128xf32, #tpu.memory_space<vmem>>) dst(%dma_wait3A_231 : memref<10240x128xf32, #tpu.memory_space<vmem_shared>>)
          tpu.yield
        }) : () -> ()
        %lt3A_208 = arith.constant 19 : i32
        %lt3A_209 = arith.cmpi slt, %scan3A_138, %lt3A_208 : i32
        %convert_element_type3A_210 = arith.extui %lt3A_209 : i1 to i32
        %cond3A_211 = arith.constant 0 : i32
        %cond3A_212 = arith.cmpi ne, %convert_element_type3A_210, %cond3A_211 : i32
        scf.if %cond3A_212 {
          %mul3A_226 = arith.constant 4 : i32
          %mul3A_227 = arith.muli %mul3A_226, %scan3A_138 : i32
          %add3A_228 = arith.constant 4 : i32
          %add3A_229 = arith.addi %mul3A_227, %add3A_228 : i32
          %add3A_230 = arith.constant 2 : i32
          %add3A_231 = arith.addi %add3A_229, %add3A_230 : i32
          %add3A_232 = arith.addi %add3A, %add3A_231 : i32
          %dma_start3A_233 = arith.constant 0 : i32
          %dma_start3A_234 = tpu.memref_slice %arg4[%add3A_232, %dma_start3A_233] : memref<2560x128xi32, #tpu.memory_space<hbm>> -> memref<1x128xi32, #tpu.memory_space<hbm>>
          %dma_start3A_235 = tpu.memref_squeeze %dma_start3A_234 : memref<1x128xi32, #tpu.memory_space<hbm>> -> memref<128xi32, #tpu.memory_space<hbm>>
          %dma_start3A_236 = arith.constant 0 : i32
          %dma_start3A_237 = tpu.memref_slice %arg4[%add3A_232, %dma_start3A_236] : memref<2560x128xi32, #tpu.memory_space<hbm>> -> memref<1x128xi32, #tpu.memory_space<hbm>>
          %dma_start3A_238 = tpu.memref_squeeze %dma_start3A_237 : memref<1x128xi32, #tpu.memory_space<hbm>> -> memref<128xi32, #tpu.memory_space<hbm>>
          tpu.enqueue_dma source(%dma_start3A_238 : memref<128xi32, #tpu.memory_space<hbm>>) target(%arg13 : memref<128xi32, #tpu.memory_space<vmem>>) target_semaphore(%arg23 : memref<!tpu.dma_semaphore, #tpu.memory_space<semaphore_mem>>)
          %add3A_239 = arith.addi %add3A, %add3A_231 : i32
          %dma_start3A_240 = arith.constant 0 : i32
          %dma_start3A_241 = tpu.memref_slice %arg5[%add3A_239, %dma_start3A_240] : memref<2560x128xi32, #tpu.memory_space<hbm>> -> memref<1x128xi32, #tpu.memory_space<hbm>>
          %dma_start3A_242 = tpu.memref_squeeze %dma_start3A_241 : memref<1x128xi32, #tpu.memory_space<hbm>> -> memref<128xi32, #tpu.memory_space<hbm>>
          %dma_start3A_243 = arith.constant 0 : i32
          %dma_start3A_244 = tpu.memref_slice %arg5[%add3A_239, %dma_start3A_243] : memref<2560x128xi32, #tpu.memory_space<hbm>> -> memref<1x128xi32, #tpu.memory_space<hbm>>
          %dma_start3A_245 = tpu.memref_squeeze %dma_start3A_244 : memref<1x128xi32, #tpu.memory_space<hbm>> -> memref<128xi32, #tpu.memory_space<hbm>>
          tpu.enqueue_dma source(%dma_start3A_245 : memref<128xi32, #tpu.memory_space<hbm>>) target(%arg17 : memref<128xi32, #tpu.memory_space<vmem>>) target_semaphore(%arg23 : memref<!tpu.dma_semaphore, #tpu.memory_space<semaphore_mem>>)
        } else {
        }
        %lt3A_213 = arith.constant 19 : i32
        %lt3A_214 = arith.cmpi slt, %scan3A_138, %lt3A_213 : i32
        %convert_element_type3A_215 = arith.extui %lt3A_214 : i1 to i32
        %cond3A_216 = arith.constant 0 : i32
        %cond3A_217 = arith.cmpi ne, %convert_element_type3A_215, %cond3A_216 : i32
        scf.if %cond3A_217 {
          %dma_wait3A_226 = arith.constant 0 : i32
          %dma_wait3A_227 = arith.constant 0 : i32
          %dma_wait3A_228 = tpu.memref_slice %arg4[%dma_wait3A_226, %dma_wait3A_227] : memref<2560x128xi32, #tpu.memory_space<hbm>> -> memref<1x128xi32, #tpu.memory_space<hbm>>
          %dma_wait3A_229 = tpu.memref_squeeze %dma_wait3A_228 : memref<1x128xi32, #tpu.memory_space<hbm>> -> memref<128xi32, #tpu.memory_space<hbm>>
          %dma_wait3A_230 = arith.constant 0 : i32
          %dma_wait3A_231 = tpu.memref_slice %arg4[%dma_wait3A_226, %dma_wait3A_230] : memref<2560x128xi32, #tpu.memory_space<hbm>> -> memref<1x128xi32, #tpu.memory_space<hbm>>
          %dma_wait3A_232 = tpu.memref_squeeze %dma_wait3A_231 : memref<1x128xi32, #tpu.memory_space<hbm>> -> memref<128xi32, #tpu.memory_space<hbm>>
          tpu.wait_dma2 semaphore(%arg21 : memref<!tpu.dma_semaphore, #tpu.memory_space<semaphore_mem>>) src(%dma_wait3A_232 : memref<128xi32, #tpu.memory_space<hbm>>) dst(%arg11 : memref<128xi32, #tpu.memory_space<vmem>>)
          %dma_wait3A_233 = arith.constant 0 : i32
          %dma_wait3A_234 = arith.constant 0 : i32
          %dma_wait3A_235 = tpu.memref_slice %arg5[%dma_wait3A_233, %dma_wait3A_234] : memref<2560x128xi32, #tpu.memory_space<hbm>> -> memref<1x128xi32, #tpu.memory_space<hbm>>
          %dma_wait3A_236 = tpu.memref_squeeze %dma_wait3A_235 : memref<1x128xi32, #tpu.memory_space<hbm>> -> memref<128xi32, #tpu.memory_space<hbm>>
          %dma_wait3A_237 = arith.constant 0 : i32
          %dma_wait3A_238 = tpu.memref_slice %arg5[%dma_wait3A_233, %dma_wait3A_237] : memref<2560x128xi32, #tpu.memory_space<hbm>> -> memref<1x128xi32, #tpu.memory_space<hbm>>
          %dma_wait3A_239 = tpu.memref_squeeze %dma_wait3A_238 : memref<1x128xi32, #tpu.memory_space<hbm>> -> memref<128xi32, #tpu.memory_space<hbm>>
          tpu.wait_dma2 semaphore(%arg21 : memref<!tpu.dma_semaphore, #tpu.memory_space<semaphore_mem>>) src(%dma_wait3A_239 : memref<128xi32, #tpu.memory_space<hbm>>) dst(%arg15 : memref<128xi32, #tpu.memory_space<vmem>>)
          %dma_start3A_240 = arith.constant 0 : i32
          %dma_start3A_241 = arith.constant 0 : i32
          %dma_start3A_242 = tpu.memref_slice %arg3[%dma_start3A_240, %dma_start3A_241] : memref<10000x128xf32, #tpu.memory_space<hbm>> -> memref<10000x128xf32, #tpu.memory_space<hbm>>
          tpu.enqueue_indirect_dma source(%dma_start3A_242 : memref<10000x128xf32, #tpu.memory_space<hbm>>) target(%arg19 : memref<128x128xf32, #tpu.memory_space<vmem>>) offsets(%arg11 : memref<128xi32, #tpu.memory_space<vmem>>) semaphore(%arg25 : memref<!tpu.dma_semaphore, #tpu.memory_space<semaphore_mem>>)
        } else {
        }
        %dma_wait3A_218 = arith.constant 0 : i32
        %dma_wait3A_219 = arith.constant 0 : i32
        %dma_wait3A_220 = tpu.memref_slice %arg3[%dma_wait3A_218, %dma_wait3A_219] : memref<10000x128xf32, #tpu.memory_space<hbm>> -> memref<10000x128xf32, #tpu.memory_space<hbm>>
        tpu.wait_indirect_dma semaphore(%arg26 : memref<!tpu.dma_semaphore, #tpu.memory_space<semaphore_mem>>) src(%dma_wait3A_220 : memref<10000x128xf32, #tpu.memory_space<hbm>>) dst(%arg20 : memref<128x128xf32, #tpu.memory_space<vmem>>)
        "tpu.region"() ({
          %run_scoped3A = tpu.sem_alloc : memref<!tpu.dma_semaphore, #tpu.memory_space<semaphore_mem>>
          %dma_start3A_226 = arith.constant 0 : i32
          %dma_start3A_227 = arith.constant 0 : i32
          %dma_start3A_228 = tpu.memref_slice %arg10[%dma_start3A_226, %dma_start3A_227] : memref<10240x128xf32, #tpu.memory_space<vmem_shared>> -> memref<10240x128xf32, #tpu.memory_space<vmem_shared>>
          tpu.enqueue_indirect_dma source(%arg20 : memref<128x128xf32, #tpu.memory_space<vmem>>) target(%dma_start3A_228 : memref<10240x128xf32, #tpu.memory_space<vmem_shared>>) offsets(%arg18 : memref<128xi32, #tpu.memory_space<vmem>>) semaphore(%run_scoped3A : memref<!tpu.dma_semaphore, #tpu.memory_space<semaphore_mem>>) {add = true}
          %dma_wait3A_229 = arith.constant 0 : i32
          %dma_wait3A_230 = arith.constant 0 : i32
          %dma_wait3A_231 = tpu.memref_slice %arg10[%dma_wait3A_229, %dma_wait3A_230] : memref<10240x128xf32, #tpu.memory_space<vmem_shared>> -> memref<10240x128xf32, #tpu.memory_space<vmem_shared>>
          tpu.wait_indirect_dma semaphore(%run_scoped3A : memref<!tpu.dma_semaphore, #tpu.memory_space<semaphore_mem>>) src(%arg20 : memref<128x128xf32, #tpu.memory_space<vmem>>) dst(%dma_wait3A_231 : memref<10240x128xf32, #tpu.memory_space<vmem_shared>>)
          tpu.yield
        }) : () -> ()
        %lt3A_221 = arith.constant 19 : i32
        %lt3A_222 = arith.cmpi slt, %scan3A_138, %lt3A_221 : i32
        %convert_element_type3A_223 = arith.extui %lt3A_222 : i1 to i32
        %cond3A_224 = arith.constant 0 : i32
        %cond3A_225 = arith.cmpi ne, %convert_element_type3A_223, %cond3A_224 : i32
        scf.if %cond3A_225 {
          %mul3A_226 = arith.constant 4 : i32
          %mul3A_227 = arith.muli %mul3A_226, %scan3A_138 : i32
          %add3A_228 = arith.constant 4 : i32
          %add3A_229 = arith.addi %mul3A_227, %add3A_228 : i32
          %add3A_230 = arith.constant 3 : i32
          %add3A_231 = arith.addi %add3A_229, %add3A_230 : i32
          %add3A_232 = arith.addi %add3A, %add3A_231 : i32
          %dma_start3A_233 = arith.constant 0 : i32
          %dma_start3A_234 = tpu.memref_slice %arg4[%add3A_232, %dma_start3A_233] : memref<2560x128xi32, #tpu.memory_space<hbm>> -> memref<1x128xi32, #tpu.memory_space<hbm>>
          %dma_start3A_235 = tpu.memref_squeeze %dma_start3A_234 : memref<1x128xi32, #tpu.memory_space<hbm>> -> memref<128xi32, #tpu.memory_space<hbm>>
          %dma_start3A_236 = arith.constant 0 : i32
          %dma_start3A_237 = tpu.memref_slice %arg4[%add3A_232, %dma_start3A_236] : memref<2560x128xi32, #tpu.memory_space<hbm>> -> memref<1x128xi32, #tpu.memory_space<hbm>>
          %dma_start3A_238 = tpu.memref_squeeze %dma_start3A_237 : memref<1x128xi32, #tpu.memory_space<hbm>> -> memref<128xi32, #tpu.memory_space<hbm>>
          tpu.enqueue_dma source(%dma_start3A_238 : memref<128xi32, #tpu.memory_space<hbm>>) target(%arg14 : memref<128xi32, #tpu.memory_space<vmem>>) target_semaphore(%arg24 : memref<!tpu.dma_semaphore, #tpu.memory_space<semaphore_mem>>)
          %add3A_239 = arith.addi %add3A, %add3A_231 : i32
          %dma_start3A_240 = arith.constant 0 : i32
          %dma_start3A_241 = tpu.memref_slice %arg5[%add3A_239, %dma_start3A_240] : memref<2560x128xi32, #tpu.memory_space<hbm>> -> memref<1x128xi32, #tpu.memory_space<hbm>>
          %dma_start3A_242 = tpu.memref_squeeze %dma_start3A_241 : memref<1x128xi32, #tpu.memory_space<hbm>> -> memref<128xi32, #tpu.memory_space<hbm>>
          %dma_start3A_243 = arith.constant 0 : i32
          %dma_start3A_244 = tpu.memref_slice %arg5[%add3A_239, %dma_start3A_243] : memref<2560x128xi32, #tpu.memory_space<hbm>> -> memref<1x128xi32, #tpu.memory_space<hbm>>
          %dma_start3A_245 = tpu.memref_squeeze %dma_start3A_244 : memref<1x128xi32, #tpu.memory_space<hbm>> -> memref<128xi32, #tpu.memory_space<hbm>>
          tpu.enqueue_dma source(%dma_start3A_245 : memref<128xi32, #tpu.memory_space<hbm>>) target(%arg18 : memref<128xi32, #tpu.memory_space<vmem>>) target_semaphore(%arg24 : memref<!tpu.dma_semaphore, #tpu.memory_space<semaphore_mem>>)
        } else {
        }
      }
      %scan3A_137 = arith.constant 20 : i32
    } else {
    }
    %barrier3A_12 = arith.constant 0 : index
    tpu.barrier barrier_id(%barrier3A_12)
    "tpu.region"() ({
      %run_scoped3A = tpu.sem_alloc : memref<!tpu.dma_semaphore, #tpu.memory_space<semaphore_mem>>
      %dma_start3A_52 = arith.constant 0 : i32
      %dma_start3A_53 = tpu.memref_slice %arg8[%arg0, %mul3A_0, %dma_start3A_52] : memref<2x10240x128xf32, #tpu.memory_space<hbm>> -> memref<1x640x128xf32, #tpu.memory_space<hbm>>
      %dma_start3A_54 = tpu.memref_squeeze %dma_start3A_53 : memref<1x640x128xf32, #tpu.memory_space<hbm>> -> memref<640x128xf32, #tpu.memory_space<hbm>>
      %dma_start3A_55 = arith.constant 0 : i32
      %dma_start3A_56 = tpu.memref_slice %arg10[%mul3A_0, %dma_start3A_55] : memref<10240x128xf32, #tpu.memory_space<vmem_shared>> -> memref<640x128xf32, #tpu.memory_space<vmem_shared>>
      tpu.enqueue_dma source(%dma_start3A_56 : memref<640x128xf32, #tpu.memory_space<vmem_shared>>) target(%dma_start3A_54 : memref<640x128xf32, #tpu.memory_space<hbm>>) target_semaphore(%run_scoped3A : memref<!tpu.dma_semaphore, #tpu.memory_space<semaphore_mem>>)
      %dma_wait3A = arith.constant 0 : i32
      %dma_wait3A_57 = tpu.memref_slice %arg8[%arg0, %mul3A_0, %dma_wait3A] : memref<2x10240x128xf32, #tpu.memory_space<hbm>> -> memref<1x640x128xf32, #tpu.memory_space<hbm>>
      %dma_wait3A_58 = tpu.memref_squeeze %dma_wait3A_57 : memref<1x640x128xf32, #tpu.memory_space<hbm>> -> memref<640x128xf32, #tpu.memory_space<hbm>>
      %dma_wait3A_59 = arith.constant 0 : i32
      %dma_wait3A_60 = tpu.memref_slice %arg10[%mul3A_0, %dma_wait3A_59] : memref<10240x128xf32, #tpu.memory_space<vmem_shared>> -> memref<640x128xf32, #tpu.memory_space<vmem_shared>>
      tpu.wait_dma2 semaphore(%run_scoped3A : memref<!tpu.dma_semaphore, #tpu.memory_space<semaphore_mem>>) src(%dma_wait3A_60 : memref<640x128xf32, #tpu.memory_space<vmem_shared>>) dst(%dma_wait3A_58 : memref<640x128xf32, #tpu.memory_space<hbm>>)
      tpu.yield
    }) : () -> ()
    %barrier3A_13 = arith.constant 0 : index
    tpu.barrier barrier_id(%barrier3A_13)
    "tpu.region"() ({
      %run_scoped3A = tpu.sem_alloc : memref<!tpu.dma_semaphore, #tpu.memory_space<semaphore_mem>>
      %dma_start3A_52 = arith.constant 0 : i32
      %dma_start3A_53 = tpu.memref_slice %arg10[%mul3A_0, %dma_start3A_52] : memref<10240x128xf32, #tpu.memory_space<vmem_shared>> -> memref<640x128xf32, #tpu.memory_space<vmem_shared>>
      %dma_start3A_54 = arith.constant 0 : i32
      %dma_start3A_55 = tpu.memref_slice %arg6[%mul3A_0, %dma_start3A_54] : memref<10240x128xf32, #tpu.memory_space<hbm>> -> memref<640x128xf32, #tpu.memory_space<hbm>>
      tpu.enqueue_dma source(%dma_start3A_55 : memref<640x128xf32, #tpu.memory_space<hbm>>) target(%dma_start3A_53 : memref<640x128xf32, #tpu.memory_space<vmem_shared>>) target_semaphore(%run_scoped3A : memref<!tpu.dma_semaphore, #tpu.memory_space<semaphore_mem>>)
      %dma_wait3A = arith.constant 0 : i32
      %dma_wait3A_56 = tpu.memref_slice %arg10[%mul3A_0, %dma_wait3A] : memref<10240x128xf32, #tpu.memory_space<vmem_shared>> -> memref<640x128xf32, #tpu.memory_space<vmem_shared>>
      %dma_wait3A_57 = arith.constant 0 : i32
      %dma_wait3A_58 = tpu.memref_slice %arg6[%mul3A_0, %dma_wait3A_57] : memref<10240x128xf32, #tpu.memory_space<hbm>> -> memref<640x128xf32, #tpu.memory_space<hbm>>
      tpu.wait_dma2 semaphore(%run_scoped3A : memref<!tpu.dma_semaphore, #tpu.memory_space<semaphore_mem>>) src(%dma_wait3A_58 : memref<640x128xf32, #tpu.memory_space<hbm>>) dst(%dma_wait3A_56 : memref<640x128xf32, #tpu.memory_space<vmem_shared>>)
      tpu.yield
    }) : () -> ()
    "tpu.region"() ({
      %run_scoped3A = tpu.sem_alloc : memref<!tpu.dma_semaphore, #tpu.memory_space<semaphore_mem>>
      tpu.enqueue_dma source(%arg7 : memref<128x128xf32, #tpu.memory_space<hbm>>) target(%arg19 : memref<128x128xf32, #tpu.memory_space<vmem>>) target_semaphore(%run_scoped3A : memref<!tpu.dma_semaphore, #tpu.memory_space<semaphore_mem>>)
      tpu.wait_dma2 semaphore(%run_scoped3A : memref<!tpu.dma_semaphore, #tpu.memory_space<semaphore_mem>>) src(%arg7 : memref<128x128xf32, #tpu.memory_space<hbm>>) dst(%arg19 : memref<128x128xf32, #tpu.memory_space<vmem>>)
      tpu.yield
    }) : () -> ()
    %barrier3A_14 = arith.constant 0 : index
    tpu.barrier barrier_id(%barrier3A_14)
    %add3A_15 = arith.constant 0 : i32
    %add3A_16 = arith.addi %add3A, %add3A_15 : i32
    %dma_start3A = arith.constant 0 : i32
    %dma_start3A_17 = tpu.memref_slice %arg5[%add3A_16, %dma_start3A] : memref<2560x128xi32, #tpu.memory_space<hbm>> -> memref<1x128xi32, #tpu.memory_space<hbm>>
    %dma_start3A_18 = tpu.memref_squeeze %dma_start3A_17 : memref<1x128xi32, #tpu.memory_space<hbm>> -> memref<128xi32, #tpu.memory_space<hbm>>
    %dma_start3A_19 = arith.constant 0 : i32
    %dma_start3A_20 = tpu.memref_slice %arg5[%add3A_16, %dma_start3A_19] : memref<2560x128xi32, #tpu.memory_space<hbm>> -> memref<1x128xi32, #tpu.memory_space<hbm>>
    %dma_start3A_21 = tpu.memref_squeeze %dma_start3A_20 : memref<1x128xi32, #tpu.memory_space<hbm>> -> memref<128xi32, #tpu.memory_space<hbm>>
    tpu.enqueue_dma source(%dma_start3A_21 : memref<128xi32, #tpu.memory_space<hbm>>) target(%arg15 : memref<128xi32, #tpu.memory_space<vmem>>) target_semaphore(%arg21 : memref<!tpu.dma_semaphore, #tpu.memory_space<semaphore_mem>>)
    %add3A_22 = arith.constant 1 : i32
    %add3A_23 = arith.addi %add3A, %add3A_22 : i32
    %dma_start3A_24 = arith.constant 0 : i32
    %dma_start3A_25 = tpu.memref_slice %arg5[%add3A_23, %dma_start3A_24] : memref<2560x128xi32, #tpu.memory_space<hbm>> -> memref<1x128xi32, #tpu.memory_space<hbm>>
    %dma_start3A_26 = tpu.memref_squeeze %dma_start3A_25 : memref<1x128xi32, #tpu.memory_space<hbm>> -> memref<128xi32, #tpu.memory_space<hbm>>
    %dma_start3A_27 = arith.constant 0 : i32
    %dma_start3A_28 = tpu.memref_slice %arg5[%add3A_23, %dma_start3A_27] : memref<2560x128xi32, #tpu.memory_space<hbm>> -> memref<1x128xi32, #tpu.memory_space<hbm>>
    %dma_start3A_29 = tpu.memref_squeeze %dma_start3A_28 : memref<1x128xi32, #tpu.memory_space<hbm>> -> memref<128xi32, #tpu.memory_space<hbm>>
    tpu.enqueue_dma source(%dma_start3A_29 : memref<128xi32, #tpu.memory_space<hbm>>) target(%arg16 : memref<128xi32, #tpu.memory_space<vmem>>) target_semaphore(%arg22 : memref<!tpu.dma_semaphore, #tpu.memory_space<semaphore_mem>>)
    %add3A_30 = arith.constant 2 : i32
    %add3A_31 = arith.addi %add3A, %add3A_30 : i32
    %dma_start3A_32 = arith.constant 0 : i32
    %dma_start3A_33 = tpu.memref_slice %arg5[%add3A_31, %dma_start3A_32] : memref<2560x128xi32, #tpu.memory_space<hbm>> -> memref<1x128xi32, #tpu.memory_space<hbm>>
    %dma_start3A_34 = tpu.memref_squeeze %dma_start3A_33 : memref<1x128xi32, #tpu.memory_space<hbm>> -> memref<128xi32, #tpu.memory_space<hbm>>
    %dma_start3A_35 = arith.constant 0 : i32
    %dma_start3A_36 = tpu.memref_slice %arg5[%add3A_31, %dma_start3A_35] : memref<2560x128xi32, #tpu.memory_space<hbm>> -> memref<1x128xi32, #tpu.memory_space<hbm>>
    %dma_start3A_37 = tpu.memref_squeeze %dma_start3A_36 : memref<1x128xi32, #tpu.memory_space<hbm>> -> memref<128xi32, #tpu.memory_space<hbm>>
    tpu.enqueue_dma source(%dma_start3A_37 : memref<128xi32, #tpu.memory_space<hbm>>) target(%arg17 : memref<128xi32, #tpu.memory_space<vmem>>) target_semaphore(%arg23 : memref<!tpu.dma_semaphore, #tpu.memory_space<semaphore_mem>>)
    %add3A_38 = arith.constant 3 : i32
    %add3A_39 = arith.addi %add3A, %add3A_38 : i32
    %dma_start3A_40 = arith.constant 0 : i32
    %dma_start3A_41 = tpu.memref_slice %arg5[%add3A_39, %dma_start3A_40] : memref<2560x128xi32, #tpu.memory_space<hbm>> -> memref<1x128xi32, #tpu.memory_space<hbm>>
    %dma_start3A_42 = tpu.memref_squeeze %dma_start3A_41 : memref<1x128xi32, #tpu.memory_space<hbm>> -> memref<128xi32, #tpu.memory_space<hbm>>
    %dma_start3A_43 = arith.constant 0 : i32
    %dma_start3A_44 = tpu.memref_slice %arg5[%add3A_39, %dma_start3A_43] : memref<2560x128xi32, #tpu.memory_space<hbm>> -> memref<1x128xi32, #tpu.memory_space<hbm>>
    %dma_start3A_45 = tpu.memref_squeeze %dma_start3A_44 : memref<1x128xi32, #tpu.memory_space<hbm>> -> memref<128xi32, #tpu.memory_space<hbm>>
    tpu.enqueue_dma source(%dma_start3A_45 : memref<128xi32, #tpu.memory_space<hbm>>) target(%arg18 : memref<128xi32, #tpu.memory_space<vmem>>) target_semaphore(%arg24 : memref<!tpu.dma_semaphore, #tpu.memory_space<semaphore_mem>>)
    %scan3A = arith.constant 0 : i32
    %scan3A_46 = arith.constant 0 : i32
    %scan3A_47 = arith.constant 20 : i32
    %scan3A_48 = arith.addi %scan3A_46, %scan3A_47 : i32
    %scan3A_49 = arith.constant 1 : i32
    scf.for %scan3A_52 = %scan3A_46 to %scan3A_48 step %scan3A_49  : i32 {
      %dma_wait3A = arith.constant 0 : i32
      %dma_wait3A_53 = arith.constant 0 : i32
      %dma_wait3A_54 = tpu.memref_slice %arg5[%dma_wait3A, %dma_wait3A_53] : memref<2560x128xi32, #tpu.memory_space<hbm>> -> memref<1x128xi32, #tpu.memory_space<hbm>>
      %dma_wait3A_55 = tpu.memref_squeeze %dma_wait3A_54 : memref<1x128xi32, #tpu.memory_space<hbm>> -> memref<128xi32, #tpu.memory_space<hbm>>
      %dma_wait3A_56 = arith.constant 0 : i32
      %dma_wait3A_57 = tpu.memref_slice %arg5[%dma_wait3A, %dma_wait3A_56] : memref<2560x128xi32, #tpu.memory_space<hbm>> -> memref<1x128xi32, #tpu.memory_space<hbm>>
      %dma_wait3A_58 = tpu.memref_squeeze %dma_wait3A_57 : memref<1x128xi32, #tpu.memory_space<hbm>> -> memref<128xi32, #tpu.memory_space<hbm>>
      tpu.wait_dma2 semaphore(%arg21 : memref<!tpu.dma_semaphore, #tpu.memory_space<semaphore_mem>>) src(%dma_wait3A_58 : memref<128xi32, #tpu.memory_space<hbm>>) dst(%arg15 : memref<128xi32, #tpu.memory_space<vmem>>)
      "tpu.region"() ({
        %run_scoped3A = tpu.sem_alloc : memref<!tpu.dma_semaphore, #tpu.memory_space<semaphore_mem>>
        %dma_start3A_99 = arith.constant 0 : i32
        %dma_start3A_100 = arith.constant 0 : i32
        %dma_start3A_101 = tpu.memref_slice %arg10[%dma_start3A_99, %dma_start3A_100] : memref<10240x128xf32, #tpu.memory_space<vmem_shared>> -> memref<10240x128xf32, #tpu.memory_space<vmem_shared>>
        tpu.enqueue_indirect_dma source(%arg19 : memref<128x128xf32, #tpu.memory_space<vmem>>) target(%dma_start3A_101 : memref<10240x128xf32, #tpu.memory_space<vmem_shared>>) offsets(%arg15 : memref<128xi32, #tpu.memory_space<vmem>>) semaphore(%run_scoped3A : memref<!tpu.dma_semaphore, #tpu.memory_space<semaphore_mem>>) {add = true}
        %dma_wait3A_102 = arith.constant 0 : i32
        %dma_wait3A_103 = arith.constant 0 : i32
        %dma_wait3A_104 = tpu.memref_slice %arg10[%dma_wait3A_102, %dma_wait3A_103] : memref<10240x128xf32, #tpu.memory_space<vmem_shared>> -> memref<10240x128xf32, #tpu.memory_space<vmem_shared>>
        tpu.wait_indirect_dma semaphore(%run_scoped3A : memref<!tpu.dma_semaphore, #tpu.memory_space<semaphore_mem>>) src(%arg19 : memref<128x128xf32, #tpu.memory_space<vmem>>) dst(%dma_wait3A_104 : memref<10240x128xf32, #tpu.memory_space<vmem_shared>>)
        tpu.yield
      }) : () -> ()
      %lt3A = arith.constant 19 : i32
      %lt3A_59 = arith.cmpi slt, %scan3A_52, %lt3A : i32
      %convert_element_type3A_60 = arith.extui %lt3A_59 : i1 to i32
      %cond3A_61 = arith.constant 0 : i32
      %cond3A_62 = arith.cmpi ne, %convert_element_type3A_60, %cond3A_61 : i32
      scf.if %cond3A_62 {
        %mul3A_99 = arith.constant 4 : i32
        %mul3A_100 = arith.muli %mul3A_99, %scan3A_52 : i32
        %add3A_101 = arith.constant 4 : i32
        %add3A_102 = arith.addi %mul3A_100, %add3A_101 : i32
        %add3A_103 = arith.constant 0 : i32
        %add3A_104 = arith.addi %add3A_102, %add3A_103 : i32
        %add3A_105 = arith.addi %add3A, %add3A_104 : i32
        %dma_start3A_106 = arith.constant 0 : i32
        %dma_start3A_107 = tpu.memref_slice %arg5[%add3A_105, %dma_start3A_106] : memref<2560x128xi32, #tpu.memory_space<hbm>> -> memref<1x128xi32, #tpu.memory_space<hbm>>
        %dma_start3A_108 = tpu.memref_squeeze %dma_start3A_107 : memref<1x128xi32, #tpu.memory_space<hbm>> -> memref<128xi32, #tpu.memory_space<hbm>>
        %dma_start3A_109 = arith.constant 0 : i32
        %dma_start3A_110 = tpu.memref_slice %arg5[%add3A_105, %dma_start3A_109] : memref<2560x128xi32, #tpu.memory_space<hbm>> -> memref<1x128xi32, #tpu.memory_space<hbm>>
        %dma_start3A_111 = tpu.memref_squeeze %dma_start3A_110 : memref<1x128xi32, #tpu.memory_space<hbm>> -> memref<128xi32, #tpu.memory_space<hbm>>
        tpu.enqueue_dma source(%dma_start3A_111 : memref<128xi32, #tpu.memory_space<hbm>>) target(%arg15 : memref<128xi32, #tpu.memory_space<vmem>>) target_semaphore(%arg21 : memref<!tpu.dma_semaphore, #tpu.memory_space<semaphore_mem>>)
      } else {
      }
      %dma_wait3A_63 = arith.constant 0 : i32
      %dma_wait3A_64 = arith.constant 0 : i32
      %dma_wait3A_65 = tpu.memref_slice %arg5[%dma_wait3A_63, %dma_wait3A_64] : memref<2560x128xi32, #tpu.memory_space<hbm>> -> memref<1x128xi32, #tpu.memory_space<hbm>>
      %dma_wait3A_66 = tpu.memref_squeeze %dma_wait3A_65 : memref<1x128xi32, #tpu.memory_space<hbm>> -> memref<128xi32, #tpu.memory_space<hbm>>
      %dma_wait3A_67 = arith.constant 0 : i32
      %dma_wait3A_68 = tpu.memref_slice %arg5[%dma_wait3A_63, %dma_wait3A_67] : memref<2560x128xi32, #tpu.memory_space<hbm>> -> memref<1x128xi32, #tpu.memory_space<hbm>>
      %dma_wait3A_69 = tpu.memref_squeeze %dma_wait3A_68 : memref<1x128xi32, #tpu.memory_space<hbm>> -> memref<128xi32, #tpu.memory_space<hbm>>
      tpu.wait_dma2 semaphore(%arg22 : memref<!tpu.dma_semaphore, #tpu.memory_space<semaphore_mem>>) src(%dma_wait3A_69 : memref<128xi32, #tpu.memory_space<hbm>>) dst(%arg16 : memref<128xi32, #tpu.memory_space<vmem>>)
      "tpu.region"() ({
        %run_scoped3A = tpu.sem_alloc : memref<!tpu.dma_semaphore, #tpu.memory_space<semaphore_mem>>
        %dma_start3A_99 = arith.constant 0 : i32
        %dma_start3A_100 = arith.constant 0 : i32
        %dma_start3A_101 = tpu.memref_slice %arg10[%dma_start3A_99, %dma_start3A_100] : memref<10240x128xf32, #tpu.memory_space<vmem_shared>> -> memref<10240x128xf32, #tpu.memory_space<vmem_shared>>
        tpu.enqueue_indirect_dma source(%arg19 : memref<128x128xf32, #tpu.memory_space<vmem>>) target(%dma_start3A_101 : memref<10240x128xf32, #tpu.memory_space<vmem_shared>>) offsets(%arg16 : memref<128xi32, #tpu.memory_space<vmem>>) semaphore(%run_scoped3A : memref<!tpu.dma_semaphore, #tpu.memory_space<semaphore_mem>>) {add = true}
        %dma_wait3A_102 = arith.constant 0 : i32
        %dma_wait3A_103 = arith.constant 0 : i32
        %dma_wait3A_104 = tpu.memref_slice %arg10[%dma_wait3A_102, %dma_wait3A_103] : memref<10240x128xf32, #tpu.memory_space<vmem_shared>> -> memref<10240x128xf32, #tpu.memory_space<vmem_shared>>
        tpu.wait_indirect_dma semaphore(%run_scoped3A : memref<!tpu.dma_semaphore, #tpu.memory_space<semaphore_mem>>) src(%arg19 : memref<128x128xf32, #tpu.memory_space<vmem>>) dst(%dma_wait3A_104 : memref<10240x128xf32, #tpu.memory_space<vmem_shared>>)
        tpu.yield
      }) : () -> ()
      %lt3A_70 = arith.constant 19 : i32
      %lt3A_71 = arith.cmpi slt, %scan3A_52, %lt3A_70 : i32
      %convert_element_type3A_72 = arith.extui %lt3A_71 : i1 to i32
      %cond3A_73 = arith.constant 0 : i32
      %cond3A_74 = arith.cmpi ne, %convert_element_type3A_72, %cond3A_73 : i32
      scf.if %cond3A_74 {
        %mul3A_99 = arith.constant 4 : i32
        %mul3A_100 = arith.muli %mul3A_99, %scan3A_52 : i32
        %add3A_101 = arith.constant 4 : i32
        %add3A_102 = arith.addi %mul3A_100, %add3A_101 : i32
        %add3A_103 = arith.constant 1 : i32
        %add3A_104 = arith.addi %add3A_102, %add3A_103 : i32
        %add3A_105 = arith.addi %add3A, %add3A_104 : i32
        %dma_start3A_106 = arith.constant 0 : i32
        %dma_start3A_107 = tpu.memref_slice %arg5[%add3A_105, %dma_start3A_106] : memref<2560x128xi32, #tpu.memory_space<hbm>> -> memref<1x128xi32, #tpu.memory_space<hbm>>
        %dma_start3A_108 = tpu.memref_squeeze %dma_start3A_107 : memref<1x128xi32, #tpu.memory_space<hbm>> -> memref<128xi32, #tpu.memory_space<hbm>>
        %dma_start3A_109 = arith.constant 0 : i32
        %dma_start3A_110 = tpu.memref_slice %arg5[%add3A_105, %dma_start3A_109] : memref<2560x128xi32, #tpu.memory_space<hbm>> -> memref<1x128xi32, #tpu.memory_space<hbm>>
        %dma_start3A_111 = tpu.memref_squeeze %dma_start3A_110 : memref<1x128xi32, #tpu.memory_space<hbm>> -> memref<128xi32, #tpu.memory_space<hbm>>
        tpu.enqueue_dma source(%dma_start3A_111 : memref<128xi32, #tpu.memory_space<hbm>>) target(%arg16 : memref<128xi32, #tpu.memory_space<vmem>>) target_semaphore(%arg22 : memref<!tpu.dma_semaphore, #tpu.memory_space<semaphore_mem>>)
      } else {
      }
      %dma_wait3A_75 = arith.constant 0 : i32
      %dma_wait3A_76 = arith.constant 0 : i32
      %dma_wait3A_77 = tpu.memref_slice %arg5[%dma_wait3A_75, %dma_wait3A_76] : memref<2560x128xi32, #tpu.memory_space<hbm>> -> memref<1x128xi32, #tpu.memory_space<hbm>>
      %dma_wait3A_78 = tpu.memref_squeeze %dma_wait3A_77 : memref<1x128xi32, #tpu.memory_space<hbm>> -> memref<128xi32, #tpu.memory_space<hbm>>
      %dma_wait3A_79 = arith.constant 0 : i32
      %dma_wait3A_80 = tpu.memref_slice %arg5[%dma_wait3A_75, %dma_wait3A_79] : memref<2560x128xi32, #tpu.memory_space<hbm>> -> memref<1x128xi32, #tpu.memory_space<hbm>>
      %dma_wait3A_81 = tpu.memref_squeeze %dma_wait3A_80 : memref<1x128xi32, #tpu.memory_space<hbm>> -> memref<128xi32, #tpu.memory_space<hbm>>
      tpu.wait_dma2 semaphore(%arg23 : memref<!tpu.dma_semaphore, #tpu.memory_space<semaphore_mem>>) src(%dma_wait3A_81 : memref<128xi32, #tpu.memory_space<hbm>>) dst(%arg17 : memref<128xi32, #tpu.memory_space<vmem>>)
      "tpu.region"() ({
        %run_scoped3A = tpu.sem_alloc : memref<!tpu.dma_semaphore, #tpu.memory_space<semaphore_mem>>
        %dma_start3A_99 = arith.constant 0 : i32
        %dma_start3A_100 = arith.constant 0 : i32
        %dma_start3A_101 = tpu.memref_slice %arg10[%dma_start3A_99, %dma_start3A_100] : memref<10240x128xf32, #tpu.memory_space<vmem_shared>> -> memref<10240x128xf32, #tpu.memory_space<vmem_shared>>
        tpu.enqueue_indirect_dma source(%arg19 : memref<128x128xf32, #tpu.memory_space<vmem>>) target(%dma_start3A_101 : memref<10240x128xf32, #tpu.memory_space<vmem_shared>>) offsets(%arg17 : memref<128xi32, #tpu.memory_space<vmem>>) semaphore(%run_scoped3A : memref<!tpu.dma_semaphore, #tpu.memory_space<semaphore_mem>>) {add = true}
        %dma_wait3A_102 = arith.constant 0 : i32
        %dma_wait3A_103 = arith.constant 0 : i32
        %dma_wait3A_104 = tpu.memref_slice %arg10[%dma_wait3A_102, %dma_wait3A_103] : memref<10240x128xf32, #tpu.memory_space<vmem_shared>> -> memref<10240x128xf32, #tpu.memory_space<vmem_shared>>
        tpu.wait_indirect_dma semaphore(%run_scoped3A : memref<!tpu.dma_semaphore, #tpu.memory_space<semaphore_mem>>) src(%arg19 : memref<128x128xf32, #tpu.memory_space<vmem>>) dst(%dma_wait3A_104 : memref<10240x128xf32, #tpu.memory_space<vmem_shared>>)
        tpu.yield
      }) : () -> ()
      %lt3A_82 = arith.constant 19 : i32
      %lt3A_83 = arith.cmpi slt, %scan3A_52, %lt3A_82 : i32
      %convert_element_type3A_84 = arith.extui %lt3A_83 : i1 to i32
      %cond3A_85 = arith.constant 0 : i32
      %cond3A_86 = arith.cmpi ne, %convert_element_type3A_84, %cond3A_85 : i32
      scf.if %cond3A_86 {
        %mul3A_99 = arith.constant 4 : i32
        %mul3A_100 = arith.muli %mul3A_99, %scan3A_52 : i32
        %add3A_101 = arith.constant 4 : i32
        %add3A_102 = arith.addi %mul3A_100, %add3A_101 : i32
        %add3A_103 = arith.constant 2 : i32
        %add3A_104 = arith.addi %add3A_102, %add3A_103 : i32
        %add3A_105 = arith.addi %add3A, %add3A_104 : i32
        %dma_start3A_106 = arith.constant 0 : i32
        %dma_start3A_107 = tpu.memref_slice %arg5[%add3A_105, %dma_start3A_106] : memref<2560x128xi32, #tpu.memory_space<hbm>> -> memref<1x128xi32, #tpu.memory_space<hbm>>
        %dma_start3A_108 = tpu.memref_squeeze %dma_start3A_107 : memref<1x128xi32, #tpu.memory_space<hbm>> -> memref<128xi32, #tpu.memory_space<hbm>>
        %dma_start3A_109 = arith.constant 0 : i32
        %dma_start3A_110 = tpu.memref_slice %arg5[%add3A_105, %dma_start3A_109] : memref<2560x128xi32, #tpu.memory_space<hbm>> -> memref<1x128xi32, #tpu.memory_space<hbm>>
        %dma_start3A_111 = tpu.memref_squeeze %dma_start3A_110 : memref<1x128xi32, #tpu.memory_space<hbm>> -> memref<128xi32, #tpu.memory_space<hbm>>
        tpu.enqueue_dma source(%dma_start3A_111 : memref<128xi32, #tpu.memory_space<hbm>>) target(%arg17 : memref<128xi32, #tpu.memory_space<vmem>>) target_semaphore(%arg23 : memref<!tpu.dma_semaphore, #tpu.memory_space<semaphore_mem>>)
      } else {
      }
      %dma_wait3A_87 = arith.constant 0 : i32
      %dma_wait3A_88 = arith.constant 0 : i32
      %dma_wait3A_89 = tpu.memref_slice %arg5[%dma_wait3A_87, %dma_wait3A_88] : memref<2560x128xi32, #tpu.memory_space<hbm>> -> memref<1x128xi32, #tpu.memory_space<hbm>>
      %dma_wait3A_90 = tpu.memref_squeeze %dma_wait3A_89 : memref<1x128xi32, #tpu.memory_space<hbm>> -> memref<128xi32, #tpu.memory_space<hbm>>
      %dma_wait3A_91 = arith.constant 0 : i32
      %dma_wait3A_92 = tpu.memref_slice %arg5[%dma_wait3A_87, %dma_wait3A_91] : memref<2560x128xi32, #tpu.memory_space<hbm>> -> memref<1x128xi32, #tpu.memory_space<hbm>>
      %dma_wait3A_93 = tpu.memref_squeeze %dma_wait3A_92 : memref<1x128xi32, #tpu.memory_space<hbm>> -> memref<128xi32, #tpu.memory_space<hbm>>
      tpu.wait_dma2 semaphore(%arg24 : memref<!tpu.dma_semaphore, #tpu.memory_space<semaphore_mem>>) src(%dma_wait3A_93 : memref<128xi32, #tpu.memory_space<hbm>>) dst(%arg18 : memref<128xi32, #tpu.memory_space<vmem>>)
      "tpu.region"() ({
        %run_scoped3A = tpu.sem_alloc : memref<!tpu.dma_semaphore, #tpu.memory_space<semaphore_mem>>
        %dma_start3A_99 = arith.constant 0 : i32
        %dma_start3A_100 = arith.constant 0 : i32
        %dma_start3A_101 = tpu.memref_slice %arg10[%dma_start3A_99, %dma_start3A_100] : memref<10240x128xf32, #tpu.memory_space<vmem_shared>> -> memref<10240x128xf32, #tpu.memory_space<vmem_shared>>
        tpu.enqueue_indirect_dma source(%arg19 : memref<128x128xf32, #tpu.memory_space<vmem>>) target(%dma_start3A_101 : memref<10240x128xf32, #tpu.memory_space<vmem_shared>>) offsets(%arg18 : memref<128xi32, #tpu.memory_space<vmem>>) semaphore(%run_scoped3A : memref<!tpu.dma_semaphore, #tpu.memory_space<semaphore_mem>>) {add = true}
        %dma_wait3A_102 = arith.constant 0 : i32
        %dma_wait3A_103 = arith.constant 0 : i32
        %dma_wait3A_104 = tpu.memref_slice %arg10[%dma_wait3A_102, %dma_wait3A_103] : memref<10240x128xf32, #tpu.memory_space<vmem_shared>> -> memref<10240x128xf32, #tpu.memory_space<vmem_shared>>
        tpu.wait_indirect_dma semaphore(%run_scoped3A : memref<!tpu.dma_semaphore, #tpu.memory_space<semaphore_mem>>) src(%arg19 : memref<128x128xf32, #tpu.memory_space<vmem>>) dst(%dma_wait3A_104 : memref<10240x128xf32, #tpu.memory_space<vmem_shared>>)
        tpu.yield
      }) : () -> ()
      %lt3A_94 = arith.constant 19 : i32
      %lt3A_95 = arith.cmpi slt, %scan3A_52, %lt3A_94 : i32
      %convert_element_type3A_96 = arith.extui %lt3A_95 : i1 to i32
      %cond3A_97 = arith.constant 0 : i32
      %cond3A_98 = arith.cmpi ne, %convert_element_type3A_96, %cond3A_97 : i32
      scf.if %cond3A_98 {
        %mul3A_99 = arith.constant 4 : i32
        %mul3A_100 = arith.muli %mul3A_99, %scan3A_52 : i32
        %add3A_101 = arith.constant 4 : i32
        %add3A_102 = arith.addi %mul3A_100, %add3A_101 : i32
        %add3A_103 = arith.constant 3 : i32
        %add3A_104 = arith.addi %add3A_102, %add3A_103 : i32
        %add3A_105 = arith.addi %add3A, %add3A_104 : i32
        %dma_start3A_106 = arith.constant 0 : i32
        %dma_start3A_107 = tpu.memref_slice %arg5[%add3A_105, %dma_start3A_106] : memref<2560x128xi32, #tpu.memory_space<hbm>> -> memref<1x128xi32, #tpu.memory_space<hbm>>
        %dma_start3A_108 = tpu.memref_squeeze %dma_start3A_107 : memref<1x128xi32, #tpu.memory_space<hbm>> -> memref<128xi32, #tpu.memory_space<hbm>>
        %dma_start3A_109 = arith.constant 0 : i32
        %dma_start3A_110 = tpu.memref_slice %arg5[%add3A_105, %dma_start3A_109] : memref<2560x128xi32, #tpu.memory_space<hbm>> -> memref<1x128xi32, #tpu.memory_space<hbm>>
        %dma_start3A_111 = tpu.memref_squeeze %dma_start3A_110 : memref<1x128xi32, #tpu.memory_space<hbm>> -> memref<128xi32, #tpu.memory_space<hbm>>
        tpu.enqueue_dma source(%dma_start3A_111 : memref<128xi32, #tpu.memory_space<hbm>>) target(%arg18 : memref<128xi32, #tpu.memory_space<vmem>>) target_semaphore(%arg24 : memref<!tpu.dma_semaphore, #tpu.memory_space<semaphore_mem>>)
      } else {
      }
    }
    %scan3A_50 = arith.constant 20 : i32
    %barrier3A_51 = arith.constant 0 : index
    tpu.barrier barrier_id(%barrier3A_51)
    "tpu.region"() ({
      %run_scoped3A = tpu.sem_alloc : memref<!tpu.dma_semaphore, #tpu.memory_space<semaphore_mem>>
      %dma_start3A_52 = arith.constant 0 : i32
      %dma_start3A_53 = tpu.memref_slice %arg9[%arg0, %mul3A_0, %dma_start3A_52] : memref<2x10240x128xf32, #tpu.memory_space<hbm>> -> memref<1x640x128xf32, #tpu.memory_space<hbm>>
      %dma_start3A_54 = tpu.memref_squeeze %dma_start3A_53 : memref<1x640x128xf32, #tpu.memory_space<hbm>> -> memref<640x128xf32, #tpu.memory_space<hbm>>
      %dma_start3A_55 = arith.constant 0 : i32
      %dma_start3A_56 = tpu.memref_slice %arg10[%mul3A_0, %dma_start3A_55] : memref<10240x128xf32, #tpu.memory_space<vmem_shared>> -> memref<640x128xf32, #tpu.memory_space<vmem_shared>>
      tpu.enqueue_dma source(%dma_start3A_56 : memref<640x128xf32, #tpu.memory_space<vmem_shared>>) target(%dma_start3A_54 : memref<640x128xf32, #tpu.memory_space<hbm>>) target_semaphore(%run_scoped3A : memref<!tpu.dma_semaphore, #tpu.memory_space<semaphore_mem>>)
      %dma_wait3A = arith.constant 0 : i32
      %dma_wait3A_57 = tpu.memref_slice %arg9[%arg0, %mul3A_0, %dma_wait3A] : memref<2x10240x128xf32, #tpu.memory_space<hbm>> -> memref<1x640x128xf32, #tpu.memory_space<hbm>>
      %dma_wait3A_58 = tpu.memref_squeeze %dma_wait3A_57 : memref<1x640x128xf32, #tpu.memory_space<hbm>> -> memref<640x128xf32, #tpu.memory_space<hbm>>
      %dma_wait3A_59 = arith.constant 0 : i32
      %dma_wait3A_60 = tpu.memref_slice %arg10[%mul3A_0, %dma_wait3A_59] : memref<10240x128xf32, #tpu.memory_space<vmem_shared>> -> memref<640x128xf32, #tpu.memory_space<vmem_shared>>
      tpu.wait_dma2 semaphore(%run_scoped3A : memref<!tpu.dma_semaphore, #tpu.memory_space<semaphore_mem>>) src(%dma_wait3A_60 : memref<640x128xf32, #tpu.memory_space<vmem_shared>>) dst(%dma_wait3A_58 : memref<640x128xf32, #tpu.memory_space<hbm>>)
      tpu.yield
    }) : () -> ()
    return
  }
}

#map = affine_map<(d0, d1) -> (0, 0)>
#map1 = affine_map<(d0, d1) -> (0, 0, 0)>
module attributes {stable_mosaic.version = 14 : i64} {
  func.func @_sc_body_sums(%arg0: i32, %arg1: i32, %arg2: memref<10000x128xf32, #tpu.memory_space<hbm>>, %arg3: memref<10000x128xf32, #tpu.memory_space<hbm>>, %arg4: memref<2560x128xi32, #tpu.memory_space<hbm>>, %arg5: memref<2560x128xi32, #tpu.memory_space<hbm>>, %arg6: memref<10240x128xf32, #tpu.memory_space<hbm>>, %arg7: memref<2x10240x128xf32, #tpu.memory_space<hbm>>, %arg8: memref<10240x128xf32, #tpu.memory_space<vmem_shared>>, %arg9: memref<128xi32, #tpu.memory_space<vmem>>, %arg10: memref<128xi32, #tpu.memory_space<vmem>>, %arg11: memref<128xi32, #tpu.memory_space<vmem>>, %arg12: memref<128xi32, #tpu.memory_space<vmem>>, %arg13: memref<128xi32, #tpu.memory_space<vmem>>, %arg14: memref<128xi32, #tpu.memory_space<vmem>>, %arg15: memref<128xi32, #tpu.memory_space<vmem>>, %arg16: memref<128xi32, #tpu.memory_space<vmem>>, %arg17: memref<128x128xf32, #tpu.memory_space<vmem>>, %arg18: memref<128x128xf32, #tpu.memory_space<vmem>>, %arg19: memref<!tpu.dma_semaphore, #tpu.memory_space<semaphore_mem>>, %arg20: memref<!tpu.dma_semaphore, #tpu.memory_space<semaphore_mem>>, %arg21: memref<!tpu.dma_semaphore, #tpu.memory_space<semaphore_mem>>, %arg22: memref<!tpu.dma_semaphore, #tpu.memory_space<semaphore_mem>>, %arg23: memref<!tpu.dma_semaphore, #tpu.memory_space<semaphore_mem>>, %arg24: memref<!tpu.dma_semaphore, #tpu.memory_space<semaphore_mem>>) attributes {dimension_semantics = [#tpu.dimension_semantics<core_parallel>, #tpu.dimension_semantics<subcore_parallel>], iteration_bounds = array<i64: 2, 16>, scalar_prefetch = 0 : i64, scratch_operands = 17 : i64, tpu.core_type = #tpu.core_type<sc_vector_subcore>, window_params = [{transform_indices = #map}, {transform_indices = #map}, {transform_indices = #map}, {transform_indices = #map}, {transform_indices = #map}, {transform_indices = #map1}]} {
    %mul3A = arith.constant 640 : i32
    %mul3A_0 = arith.muli %arg1, %mul3A : i32
    "tpu.region"() ({
      %run_scoped3A = tpu.sem_alloc : memref<!tpu.dma_semaphore, #tpu.memory_space<semaphore_mem>>
      %dma_start3A = arith.constant 0 : i32
      %dma_start3A_13 = tpu.memref_slice %arg8[%mul3A_0, %dma_start3A] : memref<10240x128xf32, #tpu.memory_space<vmem_shared>> -> memref<640x128xf32, #tpu.memory_space<vmem_shared>>
      %dma_start3A_14 = arith.constant 0 : i32
      %dma_start3A_15 = tpu.memref_slice %arg6[%mul3A_0, %dma_start3A_14] : memref<10240x128xf32, #tpu.memory_space<hbm>> -> memref<640x128xf32, #tpu.memory_space<hbm>>
      tpu.enqueue_dma source(%dma_start3A_15 : memref<640x128xf32, #tpu.memory_space<hbm>>) target(%dma_start3A_13 : memref<640x128xf32, #tpu.memory_space<vmem_shared>>) target_semaphore(%run_scoped3A : memref<!tpu.dma_semaphore, #tpu.memory_space<semaphore_mem>>)
      %dma_wait3A = arith.constant 0 : i32
      %dma_wait3A_16 = tpu.memref_slice %arg8[%mul3A_0, %dma_wait3A] : memref<10240x128xf32, #tpu.memory_space<vmem_shared>> -> memref<640x128xf32, #tpu.memory_space<vmem_shared>>
      %dma_wait3A_17 = arith.constant 0 : i32
      %dma_wait3A_18 = tpu.memref_slice %arg6[%mul3A_0, %dma_wait3A_17] : memref<10240x128xf32, #tpu.memory_space<hbm>> -> memref<640x128xf32, #tpu.memory_space<hbm>>
      tpu.wait_dma2 semaphore(%run_scoped3A : memref<!tpu.dma_semaphore, #tpu.memory_space<semaphore_mem>>) src(%dma_wait3A_18 : memref<640x128xf32, #tpu.memory_space<hbm>>) dst(%dma_wait3A_16 : memref<640x128xf32, #tpu.memory_space<vmem_shared>>)
      tpu.yield
    }) : () -> ()
    %barrier3A = arith.constant 0 : index
    tpu.barrier barrier_id(%barrier3A)
    %mul3A_1 = arith.constant 1280 : i32
    %mul3A_2 = arith.muli %arg0, %mul3A_1 : i32
    %mul3A_3 = arith.constant 80 : i32
    %mul3A_4 = arith.muli %arg1, %mul3A_3 : i32
    %add3A = arith.addi %mul3A_2, %mul3A_4 : i32
    %eq3A = arith.constant 0 : i32
    %eq3A_5 = arith.cmpi eq, %arg0, %eq3A : i32
    %convert_element_type3A = arith.extui %eq3A_5 : i1 to i32
    %cond3A = arith.constant 0 : i32
    %cond3A_6 = arith.cmpi ne, %convert_element_type3A, %cond3A : i32
    scf.if %cond3A_6 {
      %add3A_13 = arith.constant 0 : i32
      %add3A_14 = arith.addi %add3A, %add3A_13 : i32
      %dma_start3A = arith.constant 0 : i32
      %dma_start3A_15 = tpu.memref_slice %arg4[%add3A_14, %dma_start3A] : memref<2560x128xi32, #tpu.memory_space<hbm>> -> memref<1x128xi32, #tpu.memory_space<hbm>>
      %dma_start3A_16 = tpu.memref_squeeze %dma_start3A_15 : memref<1x128xi32, #tpu.memory_space<hbm>> -> memref<128xi32, #tpu.memory_space<hbm>>
      %dma_start3A_17 = arith.constant 0 : i32
      %dma_start3A_18 = tpu.memref_slice %arg4[%add3A_14, %dma_start3A_17] : memref<2560x128xi32, #tpu.memory_space<hbm>> -> memref<1x128xi32, #tpu.memory_space<hbm>>
      %dma_start3A_19 = tpu.memref_squeeze %dma_start3A_18 : memref<1x128xi32, #tpu.memory_space<hbm>> -> memref<128xi32, #tpu.memory_space<hbm>>
      tpu.enqueue_dma source(%dma_start3A_19 : memref<128xi32, #tpu.memory_space<hbm>>) target(%arg9 : memref<128xi32, #tpu.memory_space<vmem>>) target_semaphore(%arg19 : memref<!tpu.dma_semaphore, #tpu.memory_space<semaphore_mem>>)
      %add3A_20 = arith.constant 0 : i32
      %add3A_21 = arith.addi %add3A, %add3A_20 : i32
      %dma_start3A_22 = arith.constant 0 : i32
      %dma_start3A_23 = tpu.memref_slice %arg5[%add3A_21, %dma_start3A_22] : memref<2560x128xi32, #tpu.memory_space<hbm>> -> memref<1x128xi32, #tpu.memory_space<hbm>>
      %dma_start3A_24 = tpu.memref_squeeze %dma_start3A_23 : memref<1x128xi32, #tpu.memory_space<hbm>> -> memref<128xi32, #tpu.memory_space<hbm>>
      %dma_start3A_25 = arith.constant 0 : i32
      %dma_start3A_26 = tpu.memref_slice %arg5[%add3A_21, %dma_start3A_25] : memref<2560x128xi32, #tpu.memory_space<hbm>> -> memref<1x128xi32, #tpu.memory_space<hbm>>
      %dma_start3A_27 = tpu.memref_squeeze %dma_start3A_26 : memref<1x128xi32, #tpu.memory_space<hbm>> -> memref<128xi32, #tpu.memory_space<hbm>>
      tpu.enqueue_dma source(%dma_start3A_27 : memref<128xi32, #tpu.memory_space<hbm>>) target(%arg13 : memref<128xi32, #tpu.memory_space<vmem>>) target_semaphore(%arg19 : memref<!tpu.dma_semaphore, #tpu.memory_space<semaphore_mem>>)
      %add3A_28 = arith.constant 1 : i32
      %add3A_29 = arith.addi %add3A, %add3A_28 : i32
      %dma_start3A_30 = arith.constant 0 : i32
      %dma_start3A_31 = tpu.memref_slice %arg4[%add3A_29, %dma_start3A_30] : memref<2560x128xi32, #tpu.memory_space<hbm>> -> memref<1x128xi32, #tpu.memory_space<hbm>>
      %dma_start3A_32 = tpu.memref_squeeze %dma_start3A_31 : memref<1x128xi32, #tpu.memory_space<hbm>> -> memref<128xi32, #tpu.memory_space<hbm>>
      %dma_start3A_33 = arith.constant 0 : i32
      %dma_start3A_34 = tpu.memref_slice %arg4[%add3A_29, %dma_start3A_33] : memref<2560x128xi32, #tpu.memory_space<hbm>> -> memref<1x128xi32, #tpu.memory_space<hbm>>
      %dma_start3A_35 = tpu.memref_squeeze %dma_start3A_34 : memref<1x128xi32, #tpu.memory_space<hbm>> -> memref<128xi32, #tpu.memory_space<hbm>>
      tpu.enqueue_dma source(%dma_start3A_35 : memref<128xi32, #tpu.memory_space<hbm>>) target(%arg10 : memref<128xi32, #tpu.memory_space<vmem>>) target_semaphore(%arg20 : memref<!tpu.dma_semaphore, #tpu.memory_space<semaphore_mem>>)
      %add3A_36 = arith.constant 1 : i32
      %add3A_37 = arith.addi %add3A, %add3A_36 : i32
      %dma_start3A_38 = arith.constant 0 : i32
      %dma_start3A_39 = tpu.memref_slice %arg5[%add3A_37, %dma_start3A_38] : memref<2560x128xi32, #tpu.memory_space<hbm>> -> memref<1x128xi32, #tpu.memory_space<hbm>>
      %dma_start3A_40 = tpu.memref_squeeze %dma_start3A_39 : memref<1x128xi32, #tpu.memory_space<hbm>> -> memref<128xi32, #tpu.memory_space<hbm>>
      %dma_start3A_41 = arith.constant 0 : i32
      %dma_start3A_42 = tpu.memref_slice %arg5[%add3A_37, %dma_start3A_41] : memref<2560x128xi32, #tpu.memory_space<hbm>> -> memref<1x128xi32, #tpu.memory_space<hbm>>
      %dma_start3A_43 = tpu.memref_squeeze %dma_start3A_42 : memref<1x128xi32, #tpu.memory_space<hbm>> -> memref<128xi32, #tpu.memory_space<hbm>>
      tpu.enqueue_dma source(%dma_start3A_43 : memref<128xi32, #tpu.memory_space<hbm>>) target(%arg14 : memref<128xi32, #tpu.memory_space<vmem>>) target_semaphore(%arg20 : memref<!tpu.dma_semaphore, #tpu.memory_space<semaphore_mem>>)
      %add3A_44 = arith.constant 2 : i32
      %add3A_45 = arith.addi %add3A, %add3A_44 : i32
      %dma_start3A_46 = arith.constant 0 : i32
      %dma_start3A_47 = tpu.memref_slice %arg4[%add3A_45, %dma_start3A_46] : memref<2560x128xi32, #tpu.memory_space<hbm>> -> memref<1x128xi32, #tpu.memory_space<hbm>>
      %dma_start3A_48 = tpu.memref_squeeze %dma_start3A_47 : memref<1x128xi32, #tpu.memory_space<hbm>> -> memref<128xi32, #tpu.memory_space<hbm>>
      %dma_start3A_49 = arith.constant 0 : i32
      %dma_start3A_50 = tpu.memref_slice %arg4[%add3A_45, %dma_start3A_49] : memref<2560x128xi32, #tpu.memory_space<hbm>> -> memref<1x128xi32, #tpu.memory_space<hbm>>
      %dma_start3A_51 = tpu.memref_squeeze %dma_start3A_50 : memref<1x128xi32, #tpu.memory_space<hbm>> -> memref<128xi32, #tpu.memory_space<hbm>>
      tpu.enqueue_dma source(%dma_start3A_51 : memref<128xi32, #tpu.memory_space<hbm>>) target(%arg11 : memref<128xi32, #tpu.memory_space<vmem>>) target_semaphore(%arg21 : memref<!tpu.dma_semaphore, #tpu.memory_space<semaphore_mem>>)
      %add3A_52 = arith.constant 2 : i32
      %add3A_53 = arith.addi %add3A, %add3A_52 : i32
      %dma_start3A_54 = arith.constant 0 : i32
      %dma_start3A_55 = tpu.memref_slice %arg5[%add3A_53, %dma_start3A_54] : memref<2560x128xi32, #tpu.memory_space<hbm>> -> memref<1x128xi32, #tpu.memory_space<hbm>>
      %dma_start3A_56 = tpu.memref_squeeze %dma_start3A_55 : memref<1x128xi32, #tpu.memory_space<hbm>> -> memref<128xi32, #tpu.memory_space<hbm>>
      %dma_start3A_57 = arith.constant 0 : i32
      %dma_start3A_58 = tpu.memref_slice %arg5[%add3A_53, %dma_start3A_57] : memref<2560x128xi32, #tpu.memory_space<hbm>> -> memref<1x128xi32, #tpu.memory_space<hbm>>
      %dma_start3A_59 = tpu.memref_squeeze %dma_start3A_58 : memref<1x128xi32, #tpu.memory_space<hbm>> -> memref<128xi32, #tpu.memory_space<hbm>>
      tpu.enqueue_dma source(%dma_start3A_59 : memref<128xi32, #tpu.memory_space<hbm>>) target(%arg15 : memref<128xi32, #tpu.memory_space<vmem>>) target_semaphore(%arg21 : memref<!tpu.dma_semaphore, #tpu.memory_space<semaphore_mem>>)
      %add3A_60 = arith.constant 3 : i32
      %add3A_61 = arith.addi %add3A, %add3A_60 : i32
      %dma_start3A_62 = arith.constant 0 : i32
      %dma_start3A_63 = tpu.memref_slice %arg4[%add3A_61, %dma_start3A_62] : memref<2560x128xi32, #tpu.memory_space<hbm>> -> memref<1x128xi32, #tpu.memory_space<hbm>>
      %dma_start3A_64 = tpu.memref_squeeze %dma_start3A_63 : memref<1x128xi32, #tpu.memory_space<hbm>> -> memref<128xi32, #tpu.memory_space<hbm>>
      %dma_start3A_65 = arith.constant 0 : i32
      %dma_start3A_66 = tpu.memref_slice %arg4[%add3A_61, %dma_start3A_65] : memref<2560x128xi32, #tpu.memory_space<hbm>> -> memref<1x128xi32, #tpu.memory_space<hbm>>
      %dma_start3A_67 = tpu.memref_squeeze %dma_start3A_66 : memref<1x128xi32, #tpu.memory_space<hbm>> -> memref<128xi32, #tpu.memory_space<hbm>>
      tpu.enqueue_dma source(%dma_start3A_67 : memref<128xi32, #tpu.memory_space<hbm>>) target(%arg12 : memref<128xi32, #tpu.memory_space<vmem>>) target_semaphore(%arg22 : memref<!tpu.dma_semaphore, #tpu.memory_space<semaphore_mem>>)
      %add3A_68 = arith.constant 3 : i32
      %add3A_69 = arith.addi %add3A, %add3A_68 : i32
      %dma_start3A_70 = arith.constant 0 : i32
      %dma_start3A_71 = tpu.memref_slice %arg5[%add3A_69, %dma_start3A_70] : memref<2560x128xi32, #tpu.memory_space<hbm>> -> memref<1x128xi32, #tpu.memory_space<hbm>>
      %dma_start3A_72 = tpu.memref_squeeze %dma_start3A_71 : memref<1x128xi32, #tpu.memory_space<hbm>> -> memref<128xi32, #tpu.memory_space<hbm>>
      %dma_start3A_73 = arith.constant 0 : i32
      %dma_start3A_74 = tpu.memref_slice %arg5[%add3A_69, %dma_start3A_73] : memref<2560x128xi32, #tpu.memory_space<hbm>> -> memref<1x128xi32, #tpu.memory_space<hbm>>
      %dma_start3A_75 = tpu.memref_squeeze %dma_start3A_74 : memref<1x128xi32, #tpu.memory_space<hbm>> -> memref<128xi32, #tpu.memory_space<hbm>>
      tpu.enqueue_dma source(%dma_start3A_75 : memref<128xi32, #tpu.memory_space<hbm>>) target(%arg16 : memref<128xi32, #tpu.memory_space<vmem>>) target_semaphore(%arg22 : memref<!tpu.dma_semaphore, #tpu.memory_space<semaphore_mem>>)
      %dma_wait3A = arith.constant 0 : i32
      %dma_wait3A_76 = arith.constant 0 : i32
      %dma_wait3A_77 = tpu.memref_slice %arg4[%dma_wait3A, %dma_wait3A_76] : memref<2560x128xi32, #tpu.memory_space<hbm>> -> memref<1x128xi32, #tpu.memory_space<hbm>>
      %dma_wait3A_78 = tpu.memref_squeeze %dma_wait3A_77 : memref<1x128xi32, #tpu.memory_space<hbm>> -> memref<128xi32, #tpu.memory_space<hbm>>
      %dma_wait3A_79 = arith.constant 0 : i32
      %dma_wait3A_80 = tpu.memref_slice %arg4[%dma_wait3A, %dma_wait3A_79] : memref<2560x128xi32, #tpu.memory_space<hbm>> -> memref<1x128xi32, #tpu.memory_space<hbm>>
      %dma_wait3A_81 = tpu.memref_squeeze %dma_wait3A_80 : memref<1x128xi32, #tpu.memory_space<hbm>> -> memref<128xi32, #tpu.memory_space<hbm>>
      tpu.wait_dma2 semaphore(%arg19 : memref<!tpu.dma_semaphore, #tpu.memory_space<semaphore_mem>>) src(%dma_wait3A_81 : memref<128xi32, #tpu.memory_space<hbm>>) dst(%arg9 : memref<128xi32, #tpu.memory_space<vmem>>)
      %dma_wait3A_82 = arith.constant 0 : i32
      %dma_wait3A_83 = arith.constant 0 : i32
      %dma_wait3A_84 = tpu.memref_slice %arg5[%dma_wait3A_82, %dma_wait3A_83] : memref<2560x128xi32, #tpu.memory_space<hbm>> -> memref<1x128xi32, #tpu.memory_space<hbm>>
      %dma_wait3A_85 = tpu.memref_squeeze %dma_wait3A_84 : memref<1x128xi32, #tpu.memory_space<hbm>> -> memref<128xi32, #tpu.memory_space<hbm>>
      %dma_wait3A_86 = arith.constant 0 : i32
      %dma_wait3A_87 = tpu.memref_slice %arg5[%dma_wait3A_82, %dma_wait3A_86] : memref<2560x128xi32, #tpu.memory_space<hbm>> -> memref<1x128xi32, #tpu.memory_space<hbm>>
      %dma_wait3A_88 = tpu.memref_squeeze %dma_wait3A_87 : memref<1x128xi32, #tpu.memory_space<hbm>> -> memref<128xi32, #tpu.memory_space<hbm>>
      tpu.wait_dma2 semaphore(%arg19 : memref<!tpu.dma_semaphore, #tpu.memory_space<semaphore_mem>>) src(%dma_wait3A_88 : memref<128xi32, #tpu.memory_space<hbm>>) dst(%arg13 : memref<128xi32, #tpu.memory_space<vmem>>)
      %dma_start3A_89 = arith.constant 0 : i32
      %dma_start3A_90 = arith.constant 0 : i32
      %dma_start3A_91 = tpu.memref_slice %arg2[%dma_start3A_89, %dma_start3A_90] : memref<10000x128xf32, #tpu.memory_space<hbm>> -> memref<10000x128xf32, #tpu.memory_space<hbm>>
      tpu.enqueue_indirect_dma source(%dma_start3A_91 : memref<10000x128xf32, #tpu.memory_space<hbm>>) target(%arg17 : memref<128x128xf32, #tpu.memory_space<vmem>>) offsets(%arg9 : memref<128xi32, #tpu.memory_space<vmem>>) semaphore(%arg23 : memref<!tpu.dma_semaphore, #tpu.memory_space<semaphore_mem>>)
      %scan3A = arith.constant 0 : i32
      %scan3A_92 = arith.constant 0 : i32
      %scan3A_93 = arith.constant 20 : i32
      %scan3A_94 = arith.addi %scan3A_92, %scan3A_93 : i32
      %scan3A_95 = arith.constant 1 : i32
      scf.for %scan3A_97 = %scan3A_92 to %scan3A_94 step %scan3A_95  : i32 {
        %dma_wait3A_98 = arith.constant 0 : i32
        %dma_wait3A_99 = arith.constant 0 : i32
        %dma_wait3A_100 = tpu.memref_slice %arg4[%dma_wait3A_98, %dma_wait3A_99] : memref<2560x128xi32, #tpu.memory_space<hbm>> -> memref<1x128xi32, #tpu.memory_space<hbm>>
        %dma_wait3A_101 = tpu.memref_squeeze %dma_wait3A_100 : memref<1x128xi32, #tpu.memory_space<hbm>> -> memref<128xi32, #tpu.memory_space<hbm>>
        %dma_wait3A_102 = arith.constant 0 : i32
        %dma_wait3A_103 = tpu.memref_slice %arg4[%dma_wait3A_98, %dma_wait3A_102] : memref<2560x128xi32, #tpu.memory_space<hbm>> -> memref<1x128xi32, #tpu.memory_space<hbm>>
        %dma_wait3A_104 = tpu.memref_squeeze %dma_wait3A_103 : memref<1x128xi32, #tpu.memory_space<hbm>> -> memref<128xi32, #tpu.memory_space<hbm>>
        tpu.wait_dma2 semaphore(%arg20 : memref<!tpu.dma_semaphore, #tpu.memory_space<semaphore_mem>>) src(%dma_wait3A_104 : memref<128xi32, #tpu.memory_space<hbm>>) dst(%arg10 : memref<128xi32, #tpu.memory_space<vmem>>)
        %dma_wait3A_105 = arith.constant 0 : i32
        %dma_wait3A_106 = arith.constant 0 : i32
        %dma_wait3A_107 = tpu.memref_slice %arg5[%dma_wait3A_105, %dma_wait3A_106] : memref<2560x128xi32, #tpu.memory_space<hbm>> -> memref<1x128xi32, #tpu.memory_space<hbm>>
        %dma_wait3A_108 = tpu.memref_squeeze %dma_wait3A_107 : memref<1x128xi32, #tpu.memory_space<hbm>> -> memref<128xi32, #tpu.memory_space<hbm>>
        %dma_wait3A_109 = arith.constant 0 : i32
        %dma_wait3A_110 = tpu.memref_slice %arg5[%dma_wait3A_105, %dma_wait3A_109] : memref<2560x128xi32, #tpu.memory_space<hbm>> -> memref<1x128xi32, #tpu.memory_space<hbm>>
        %dma_wait3A_111 = tpu.memref_squeeze %dma_wait3A_110 : memref<1x128xi32, #tpu.memory_space<hbm>> -> memref<128xi32, #tpu.memory_space<hbm>>
        tpu.wait_dma2 semaphore(%arg20 : memref<!tpu.dma_semaphore, #tpu.memory_space<semaphore_mem>>) src(%dma_wait3A_111 : memref<128xi32, #tpu.memory_space<hbm>>) dst(%arg14 : memref<128xi32, #tpu.memory_space<vmem>>)
        %dma_start3A_112 = arith.constant 0 : i32
        %dma_start3A_113 = arith.constant 0 : i32
        %dma_start3A_114 = tpu.memref_slice %arg2[%dma_start3A_112, %dma_start3A_113] : memref<10000x128xf32, #tpu.memory_space<hbm>> -> memref<10000x128xf32, #tpu.memory_space<hbm>>
        tpu.enqueue_indirect_dma source(%dma_start3A_114 : memref<10000x128xf32, #tpu.memory_space<hbm>>) target(%arg18 : memref<128x128xf32, #tpu.memory_space<vmem>>) offsets(%arg10 : memref<128xi32, #tpu.memory_space<vmem>>) semaphore(%arg24 : memref<!tpu.dma_semaphore, #tpu.memory_space<semaphore_mem>>)
        %dma_wait3A_115 = arith.constant 0 : i32
        %dma_wait3A_116 = arith.constant 0 : i32
        %dma_wait3A_117 = tpu.memref_slice %arg2[%dma_wait3A_115, %dma_wait3A_116] : memref<10000x128xf32, #tpu.memory_space<hbm>> -> memref<10000x128xf32, #tpu.memory_space<hbm>>
        tpu.wait_indirect_dma semaphore(%arg23 : memref<!tpu.dma_semaphore, #tpu.memory_space<semaphore_mem>>) src(%dma_wait3A_117 : memref<10000x128xf32, #tpu.memory_space<hbm>>) dst(%arg17 : memref<128x128xf32, #tpu.memory_space<vmem>>)
        "tpu.region"() ({
          %run_scoped3A = tpu.sem_alloc : memref<!tpu.dma_semaphore, #tpu.memory_space<semaphore_mem>>
          %dma_start3A_185 = arith.constant 0 : i32
          %dma_start3A_186 = arith.constant 0 : i32
          %dma_start3A_187 = tpu.memref_slice %arg8[%dma_start3A_185, %dma_start3A_186] : memref<10240x128xf32, #tpu.memory_space<vmem_shared>> -> memref<10240x128xf32, #tpu.memory_space<vmem_shared>>
          tpu.enqueue_indirect_dma source(%arg17 : memref<128x128xf32, #tpu.memory_space<vmem>>) target(%dma_start3A_187 : memref<10240x128xf32, #tpu.memory_space<vmem_shared>>) offsets(%arg13 : memref<128xi32, #tpu.memory_space<vmem>>) semaphore(%run_scoped3A : memref<!tpu.dma_semaphore, #tpu.memory_space<semaphore_mem>>) {add = true}
          %dma_wait3A_188 = arith.constant 0 : i32
          %dma_wait3A_189 = arith.constant 0 : i32
          %dma_wait3A_190 = tpu.memref_slice %arg8[%dma_wait3A_188, %dma_wait3A_189] : memref<10240x128xf32, #tpu.memory_space<vmem_shared>> -> memref<10240x128xf32, #tpu.memory_space<vmem_shared>>
          tpu.wait_indirect_dma semaphore(%run_scoped3A : memref<!tpu.dma_semaphore, #tpu.memory_space<semaphore_mem>>) src(%arg17 : memref<128x128xf32, #tpu.memory_space<vmem>>) dst(%dma_wait3A_190 : memref<10240x128xf32, #tpu.memory_space<vmem_shared>>)
          tpu.yield
        }) : () -> ()
        %lt3A = arith.constant 19 : i32
        %lt3A_118 = arith.cmpi slt, %scan3A_97, %lt3A : i32
        %convert_element_type3A_119 = arith.extui %lt3A_118 : i1 to i32
        %cond3A_120 = arith.constant 0 : i32
        %cond3A_121 = arith.cmpi ne, %convert_element_type3A_119, %cond3A_120 : i32
        scf.if %cond3A_121 {
          %mul3A_185 = arith.constant 4 : i32
          %mul3A_186 = arith.muli %mul3A_185, %scan3A_97 : i32
          %add3A_187 = arith.constant 4 : i32
          %add3A_188 = arith.addi %mul3A_186, %add3A_187 : i32
          %add3A_189 = arith.constant 0 : i32
          %add3A_190 = arith.addi %add3A_188, %add3A_189 : i32
          %add3A_191 = arith.addi %add3A, %add3A_190 : i32
          %dma_start3A_192 = arith.constant 0 : i32
          %dma_start3A_193 = tpu.memref_slice %arg4[%add3A_191, %dma_start3A_192] : memref<2560x128xi32, #tpu.memory_space<hbm>> -> memref<1x128xi32, #tpu.memory_space<hbm>>
          %dma_start3A_194 = tpu.memref_squeeze %dma_start3A_193 : memref<1x128xi32, #tpu.memory_space<hbm>> -> memref<128xi32, #tpu.memory_space<hbm>>
          %dma_start3A_195 = arith.constant 0 : i32
          %dma_start3A_196 = tpu.memref_slice %arg4[%add3A_191, %dma_start3A_195] : memref<2560x128xi32, #tpu.memory_space<hbm>> -> memref<1x128xi32, #tpu.memory_space<hbm>>
          %dma_start3A_197 = tpu.memref_squeeze %dma_start3A_196 : memref<1x128xi32, #tpu.memory_space<hbm>> -> memref<128xi32, #tpu.memory_space<hbm>>
          tpu.enqueue_dma source(%dma_start3A_197 : memref<128xi32, #tpu.memory_space<hbm>>) target(%arg9 : memref<128xi32, #tpu.memory_space<vmem>>) target_semaphore(%arg19 : memref<!tpu.dma_semaphore, #tpu.memory_space<semaphore_mem>>)
          %add3A_198 = arith.addi %add3A, %add3A_190 : i32
          %dma_start3A_199 = arith.constant 0 : i32
          %dma_start3A_200 = tpu.memref_slice %arg5[%add3A_198, %dma_start3A_199] : memref<2560x128xi32, #tpu.memory_space<hbm>> -> memref<1x128xi32, #tpu.memory_space<hbm>>
          %dma_start3A_201 = tpu.memref_squeeze %dma_start3A_200 : memref<1x128xi32, #tpu.memory_space<hbm>> -> memref<128xi32, #tpu.memory_space<hbm>>
          %dma_start3A_202 = arith.constant 0 : i32
          %dma_start3A_203 = tpu.memref_slice %arg5[%add3A_198, %dma_start3A_202] : memref<2560x128xi32, #tpu.memory_space<hbm>> -> memref<1x128xi32, #tpu.memory_space<hbm>>
          %dma_start3A_204 = tpu.memref_squeeze %dma_start3A_203 : memref<1x128xi32, #tpu.memory_space<hbm>> -> memref<128xi32, #tpu.memory_space<hbm>>
          tpu.enqueue_dma source(%dma_start3A_204 : memref<128xi32, #tpu.memory_space<hbm>>) target(%arg13 : memref<128xi32, #tpu.memory_space<vmem>>) target_semaphore(%arg19 : memref<!tpu.dma_semaphore, #tpu.memory_space<semaphore_mem>>)
        } else {
        }
        %dma_wait3A_122 = arith.constant 0 : i32
        %dma_wait3A_123 = arith.constant 0 : i32
        %dma_wait3A_124 = tpu.memref_slice %arg4[%dma_wait3A_122, %dma_wait3A_123] : memref<2560x128xi32, #tpu.memory_space<hbm>> -> memref<1x128xi32, #tpu.memory_space<hbm>>
        %dma_wait3A_125 = tpu.memref_squeeze %dma_wait3A_124 : memref<1x128xi32, #tpu.memory_space<hbm>> -> memref<128xi32, #tpu.memory_space<hbm>>
        %dma_wait3A_126 = arith.constant 0 : i32
        %dma_wait3A_127 = tpu.memref_slice %arg4[%dma_wait3A_122, %dma_wait3A_126] : memref<2560x128xi32, #tpu.memory_space<hbm>> -> memref<1x128xi32, #tpu.memory_space<hbm>>
        %dma_wait3A_128 = tpu.memref_squeeze %dma_wait3A_127 : memref<1x128xi32, #tpu.memory_space<hbm>> -> memref<128xi32, #tpu.memory_space<hbm>>
        tpu.wait_dma2 semaphore(%arg21 : memref<!tpu.dma_semaphore, #tpu.memory_space<semaphore_mem>>) src(%dma_wait3A_128 : memref<128xi32, #tpu.memory_space<hbm>>) dst(%arg11 : memref<128xi32, #tpu.memory_space<vmem>>)
        %dma_wait3A_129 = arith.constant 0 : i32
        %dma_wait3A_130 = arith.constant 0 : i32
        %dma_wait3A_131 = tpu.memref_slice %arg5[%dma_wait3A_129, %dma_wait3A_130] : memref<2560x128xi32, #tpu.memory_space<hbm>> -> memref<1x128xi32, #tpu.memory_space<hbm>>
        %dma_wait3A_132 = tpu.memref_squeeze %dma_wait3A_131 : memref<1x128xi32, #tpu.memory_space<hbm>> -> memref<128xi32, #tpu.memory_space<hbm>>
        %dma_wait3A_133 = arith.constant 0 : i32
        %dma_wait3A_134 = tpu.memref_slice %arg5[%dma_wait3A_129, %dma_wait3A_133] : memref<2560x128xi32, #tpu.memory_space<hbm>> -> memref<1x128xi32, #tpu.memory_space<hbm>>
        %dma_wait3A_135 = tpu.memref_squeeze %dma_wait3A_134 : memref<1x128xi32, #tpu.memory_space<hbm>> -> memref<128xi32, #tpu.memory_space<hbm>>
        tpu.wait_dma2 semaphore(%arg21 : memref<!tpu.dma_semaphore, #tpu.memory_space<semaphore_mem>>) src(%dma_wait3A_135 : memref<128xi32, #tpu.memory_space<hbm>>) dst(%arg15 : memref<128xi32, #tpu.memory_space<vmem>>)
        %dma_start3A_136 = arith.constant 0 : i32
        %dma_start3A_137 = arith.constant 0 : i32
        %dma_start3A_138 = tpu.memref_slice %arg2[%dma_start3A_136, %dma_start3A_137] : memref<10000x128xf32, #tpu.memory_space<hbm>> -> memref<10000x128xf32, #tpu.memory_space<hbm>>
        tpu.enqueue_indirect_dma source(%dma_start3A_138 : memref<10000x128xf32, #tpu.memory_space<hbm>>) target(%arg17 : memref<128x128xf32, #tpu.memory_space<vmem>>) offsets(%arg11 : memref<128xi32, #tpu.memory_space<vmem>>) semaphore(%arg23 : memref<!tpu.dma_semaphore, #tpu.memory_space<semaphore_mem>>)
        %dma_wait3A_139 = arith.constant 0 : i32
        %dma_wait3A_140 = arith.constant 0 : i32
        %dma_wait3A_141 = tpu.memref_slice %arg2[%dma_wait3A_139, %dma_wait3A_140] : memref<10000x128xf32, #tpu.memory_space<hbm>> -> memref<10000x128xf32, #tpu.memory_space<hbm>>
        tpu.wait_indirect_dma semaphore(%arg24 : memref<!tpu.dma_semaphore, #tpu.memory_space<semaphore_mem>>) src(%dma_wait3A_141 : memref<10000x128xf32, #tpu.memory_space<hbm>>) dst(%arg18 : memref<128x128xf32, #tpu.memory_space<vmem>>)
        "tpu.region"() ({
          %run_scoped3A = tpu.sem_alloc : memref<!tpu.dma_semaphore, #tpu.memory_space<semaphore_mem>>
          %dma_start3A_185 = arith.constant 0 : i32
          %dma_start3A_186 = arith.constant 0 : i32
          %dma_start3A_187 = tpu.memref_slice %arg8[%dma_start3A_185, %dma_start3A_186] : memref<10240x128xf32, #tpu.memory_space<vmem_shared>> -> memref<10240x128xf32, #tpu.memory_space<vmem_shared>>
          tpu.enqueue_indirect_dma source(%arg18 : memref<128x128xf32, #tpu.memory_space<vmem>>) target(%dma_start3A_187 : memref<10240x128xf32, #tpu.memory_space<vmem_shared>>) offsets(%arg14 : memref<128xi32, #tpu.memory_space<vmem>>) semaphore(%run_scoped3A : memref<!tpu.dma_semaphore, #tpu.memory_space<semaphore_mem>>) {add = true}
          %dma_wait3A_188 = arith.constant 0 : i32
          %dma_wait3A_189 = arith.constant 0 : i32
          %dma_wait3A_190 = tpu.memref_slice %arg8[%dma_wait3A_188, %dma_wait3A_189] : memref<10240x128xf32, #tpu.memory_space<vmem_shared>> -> memref<10240x128xf32, #tpu.memory_space<vmem_shared>>
          tpu.wait_indirect_dma semaphore(%run_scoped3A : memref<!tpu.dma_semaphore, #tpu.memory_space<semaphore_mem>>) src(%arg18 : memref<128x128xf32, #tpu.memory_space<vmem>>) dst(%dma_wait3A_190 : memref<10240x128xf32, #tpu.memory_space<vmem_shared>>)
          tpu.yield
        }) : () -> ()
        %lt3A_142 = arith.constant 19 : i32
        %lt3A_143 = arith.cmpi slt, %scan3A_97, %lt3A_142 : i32
        %convert_element_type3A_144 = arith.extui %lt3A_143 : i1 to i32
        %cond3A_145 = arith.constant 0 : i32
        %cond3A_146 = arith.cmpi ne, %convert_element_type3A_144, %cond3A_145 : i32
        scf.if %cond3A_146 {
          %mul3A_185 = arith.constant 4 : i32
          %mul3A_186 = arith.muli %mul3A_185, %scan3A_97 : i32
          %add3A_187 = arith.constant 4 : i32
          %add3A_188 = arith.addi %mul3A_186, %add3A_187 : i32
          %add3A_189 = arith.constant 1 : i32
          %add3A_190 = arith.addi %add3A_188, %add3A_189 : i32
          %add3A_191 = arith.addi %add3A, %add3A_190 : i32
          %dma_start3A_192 = arith.constant 0 : i32
          %dma_start3A_193 = tpu.memref_slice %arg4[%add3A_191, %dma_start3A_192] : memref<2560x128xi32, #tpu.memory_space<hbm>> -> memref<1x128xi32, #tpu.memory_space<hbm>>
          %dma_start3A_194 = tpu.memref_squeeze %dma_start3A_193 : memref<1x128xi32, #tpu.memory_space<hbm>> -> memref<128xi32, #tpu.memory_space<hbm>>
          %dma_start3A_195 = arith.constant 0 : i32
          %dma_start3A_196 = tpu.memref_slice %arg4[%add3A_191, %dma_start3A_195] : memref<2560x128xi32, #tpu.memory_space<hbm>> -> memref<1x128xi32, #tpu.memory_space<hbm>>
          %dma_start3A_197 = tpu.memref_squeeze %dma_start3A_196 : memref<1x128xi32, #tpu.memory_space<hbm>> -> memref<128xi32, #tpu.memory_space<hbm>>
          tpu.enqueue_dma source(%dma_start3A_197 : memref<128xi32, #tpu.memory_space<hbm>>) target(%arg10 : memref<128xi32, #tpu.memory_space<vmem>>) target_semaphore(%arg20 : memref<!tpu.dma_semaphore, #tpu.memory_space<semaphore_mem>>)
          %add3A_198 = arith.addi %add3A, %add3A_190 : i32
          %dma_start3A_199 = arith.constant 0 : i32
          %dma_start3A_200 = tpu.memref_slice %arg5[%add3A_198, %dma_start3A_199] : memref<2560x128xi32, #tpu.memory_space<hbm>> -> memref<1x128xi32, #tpu.memory_space<hbm>>
          %dma_start3A_201 = tpu.memref_squeeze %dma_start3A_200 : memref<1x128xi32, #tpu.memory_space<hbm>> -> memref<128xi32, #tpu.memory_space<hbm>>
          %dma_start3A_202 = arith.constant 0 : i32
          %dma_start3A_203 = tpu.memref_slice %arg5[%add3A_198, %dma_start3A_202] : memref<2560x128xi32, #tpu.memory_space<hbm>> -> memref<1x128xi32, #tpu.memory_space<hbm>>
          %dma_start3A_204 = tpu.memref_squeeze %dma_start3A_203 : memref<1x128xi32, #tpu.memory_space<hbm>> -> memref<128xi32, #tpu.memory_space<hbm>>
          tpu.enqueue_dma source(%dma_start3A_204 : memref<128xi32, #tpu.memory_space<hbm>>) target(%arg14 : memref<128xi32, #tpu.memory_space<vmem>>) target_semaphore(%arg20 : memref<!tpu.dma_semaphore, #tpu.memory_space<semaphore_mem>>)
        } else {
        }
        %dma_wait3A_147 = arith.constant 0 : i32
        %dma_wait3A_148 = arith.constant 0 : i32
        %dma_wait3A_149 = tpu.memref_slice %arg4[%dma_wait3A_147, %dma_wait3A_148] : memref<2560x128xi32, #tpu.memory_space<hbm>> -> memref<1x128xi32, #tpu.memory_space<hbm>>
        %dma_wait3A_150 = tpu.memref_squeeze %dma_wait3A_149 : memref<1x128xi32, #tpu.memory_space<hbm>> -> memref<128xi32, #tpu.memory_space<hbm>>
        %dma_wait3A_151 = arith.constant 0 : i32
        %dma_wait3A_152 = tpu.memref_slice %arg4[%dma_wait3A_147, %dma_wait3A_151] : memref<2560x128xi32, #tpu.memory_space<hbm>> -> memref<1x128xi32, #tpu.memory_space<hbm>>
        %dma_wait3A_153 = tpu.memref_squeeze %dma_wait3A_152 : memref<1x128xi32, #tpu.memory_space<hbm>> -> memref<128xi32, #tpu.memory_space<hbm>>
        tpu.wait_dma2 semaphore(%arg22 : memref<!tpu.dma_semaphore, #tpu.memory_space<semaphore_mem>>) src(%dma_wait3A_153 : memref<128xi32, #tpu.memory_space<hbm>>) dst(%arg12 : memref<128xi32, #tpu.memory_space<vmem>>)
        %dma_wait3A_154 = arith.constant 0 : i32
        %dma_wait3A_155 = arith.constant 0 : i32
        %dma_wait3A_156 = tpu.memref_slice %arg5[%dma_wait3A_154, %dma_wait3A_155] : memref<2560x128xi32, #tpu.memory_space<hbm>> -> memref<1x128xi32, #tpu.memory_space<hbm>>
        %dma_wait3A_157 = tpu.memref_squeeze %dma_wait3A_156 : memref<1x128xi32, #tpu.memory_space<hbm>> -> memref<128xi32, #tpu.memory_space<hbm>>
        %dma_wait3A_158 = arith.constant 0 : i32
        %dma_wait3A_159 = tpu.memref_slice %arg5[%dma_wait3A_154, %dma_wait3A_158] : memref<2560x128xi32, #tpu.memory_space<hbm>> -> memref<1x128xi32, #tpu.memory_space<hbm>>
        %dma_wait3A_160 = tpu.memref_squeeze %dma_wait3A_159 : memref<1x128xi32, #tpu.memory_space<hbm>> -> memref<128xi32, #tpu.memory_space<hbm>>
        tpu.wait_dma2 semaphore(%arg22 : memref<!tpu.dma_semaphore, #tpu.memory_space<semaphore_mem>>) src(%dma_wait3A_160 : memref<128xi32, #tpu.memory_space<hbm>>) dst(%arg16 : memref<128xi32, #tpu.memory_space<vmem>>)
        %dma_start3A_161 = arith.constant 0 : i32
        %dma_start3A_162 = arith.constant 0 : i32
        %dma_start3A_163 = tpu.memref_slice %arg2[%dma_start3A_161, %dma_start3A_162] : memref<10000x128xf32, #tpu.memory_space<hbm>> -> memref<10000x128xf32, #tpu.memory_space<hbm>>
        tpu.enqueue_indirect_dma source(%dma_start3A_163 : memref<10000x128xf32, #tpu.memory_space<hbm>>) target(%arg18 : memref<128x128xf32, #tpu.memory_space<vmem>>) offsets(%arg12 : memref<128xi32, #tpu.memory_space<vmem>>) semaphore(%arg24 : memref<!tpu.dma_semaphore, #tpu.memory_space<semaphore_mem>>)
        %dma_wait3A_164 = arith.constant 0 : i32
        %dma_wait3A_165 = arith.constant 0 : i32
        %dma_wait3A_166 = tpu.memref_slice %arg2[%dma_wait3A_164, %dma_wait3A_165] : memref<10000x128xf32, #tpu.memory_space<hbm>> -> memref<10000x128xf32, #tpu.memory_space<hbm>>
        tpu.wait_indirect_dma semaphore(%arg23 : memref<!tpu.dma_semaphore, #tpu.memory_space<semaphore_mem>>) src(%dma_wait3A_166 : memref<10000x128xf32, #tpu.memory_space<hbm>>) dst(%arg17 : memref<128x128xf32, #tpu.memory_space<vmem>>)
        "tpu.region"() ({
          %run_scoped3A = tpu.sem_alloc : memref<!tpu.dma_semaphore, #tpu.memory_space<semaphore_mem>>
          %dma_start3A_185 = arith.constant 0 : i32
          %dma_start3A_186 = arith.constant 0 : i32
          %dma_start3A_187 = tpu.memref_slice %arg8[%dma_start3A_185, %dma_start3A_186] : memref<10240x128xf32, #tpu.memory_space<vmem_shared>> -> memref<10240x128xf32, #tpu.memory_space<vmem_shared>>
          tpu.enqueue_indirect_dma source(%arg17 : memref<128x128xf32, #tpu.memory_space<vmem>>) target(%dma_start3A_187 : memref<10240x128xf32, #tpu.memory_space<vmem_shared>>) offsets(%arg15 : memref<128xi32, #tpu.memory_space<vmem>>) semaphore(%run_scoped3A : memref<!tpu.dma_semaphore, #tpu.memory_space<semaphore_mem>>) {add = true}
          %dma_wait3A_188 = arith.constant 0 : i32
          %dma_wait3A_189 = arith.constant 0 : i32
          %dma_wait3A_190 = tpu.memref_slice %arg8[%dma_wait3A_188, %dma_wait3A_189] : memref<10240x128xf32, #tpu.memory_space<vmem_shared>> -> memref<10240x128xf32, #tpu.memory_space<vmem_shared>>
          tpu.wait_indirect_dma semaphore(%run_scoped3A : memref<!tpu.dma_semaphore, #tpu.memory_space<semaphore_mem>>) src(%arg17 : memref<128x128xf32, #tpu.memory_space<vmem>>) dst(%dma_wait3A_190 : memref<10240x128xf32, #tpu.memory_space<vmem_shared>>)
          tpu.yield
        }) : () -> ()
        %lt3A_167 = arith.constant 19 : i32
        %lt3A_168 = arith.cmpi slt, %scan3A_97, %lt3A_167 : i32
        %convert_element_type3A_169 = arith.extui %lt3A_168 : i1 to i32
        %cond3A_170 = arith.constant 0 : i32
        %cond3A_171 = arith.cmpi ne, %convert_element_type3A_169, %cond3A_170 : i32
        scf.if %cond3A_171 {
          %mul3A_185 = arith.constant 4 : i32
          %mul3A_186 = arith.muli %mul3A_185, %scan3A_97 : i32
          %add3A_187 = arith.constant 4 : i32
          %add3A_188 = arith.addi %mul3A_186, %add3A_187 : i32
          %add3A_189 = arith.constant 2 : i32
          %add3A_190 = arith.addi %add3A_188, %add3A_189 : i32
          %add3A_191 = arith.addi %add3A, %add3A_190 : i32
          %dma_start3A_192 = arith.constant 0 : i32
          %dma_start3A_193 = tpu.memref_slice %arg4[%add3A_191, %dma_start3A_192] : memref<2560x128xi32, #tpu.memory_space<hbm>> -> memref<1x128xi32, #tpu.memory_space<hbm>>
          %dma_start3A_194 = tpu.memref_squeeze %dma_start3A_193 : memref<1x128xi32, #tpu.memory_space<hbm>> -> memref<128xi32, #tpu.memory_space<hbm>>
          %dma_start3A_195 = arith.constant 0 : i32
          %dma_start3A_196 = tpu.memref_slice %arg4[%add3A_191, %dma_start3A_195] : memref<2560x128xi32, #tpu.memory_space<hbm>> -> memref<1x128xi32, #tpu.memory_space<hbm>>
          %dma_start3A_197 = tpu.memref_squeeze %dma_start3A_196 : memref<1x128xi32, #tpu.memory_space<hbm>> -> memref<128xi32, #tpu.memory_space<hbm>>
          tpu.enqueue_dma source(%dma_start3A_197 : memref<128xi32, #tpu.memory_space<hbm>>) target(%arg11 : memref<128xi32, #tpu.memory_space<vmem>>) target_semaphore(%arg21 : memref<!tpu.dma_semaphore, #tpu.memory_space<semaphore_mem>>)
          %add3A_198 = arith.addi %add3A, %add3A_190 : i32
          %dma_start3A_199 = arith.constant 0 : i32
          %dma_start3A_200 = tpu.memref_slice %arg5[%add3A_198, %dma_start3A_199] : memref<2560x128xi32, #tpu.memory_space<hbm>> -> memref<1x128xi32, #tpu.memory_space<hbm>>
          %dma_start3A_201 = tpu.memref_squeeze %dma_start3A_200 : memref<1x128xi32, #tpu.memory_space<hbm>> -> memref<128xi32, #tpu.memory_space<hbm>>
          %dma_start3A_202 = arith.constant 0 : i32
          %dma_start3A_203 = tpu.memref_slice %arg5[%add3A_198, %dma_start3A_202] : memref<2560x128xi32, #tpu.memory_space<hbm>> -> memref<1x128xi32, #tpu.memory_space<hbm>>
          %dma_start3A_204 = tpu.memref_squeeze %dma_start3A_203 : memref<1x128xi32, #tpu.memory_space<hbm>> -> memref<128xi32, #tpu.memory_space<hbm>>
          tpu.enqueue_dma source(%dma_start3A_204 : memref<128xi32, #tpu.memory_space<hbm>>) target(%arg15 : memref<128xi32, #tpu.memory_space<vmem>>) target_semaphore(%arg21 : memref<!tpu.dma_semaphore, #tpu.memory_space<semaphore_mem>>)
        } else {
        }
        %lt3A_172 = arith.constant 19 : i32
        %lt3A_173 = arith.cmpi slt, %scan3A_97, %lt3A_172 : i32
        %convert_element_type3A_174 = arith.extui %lt3A_173 : i1 to i32
        %cond3A_175 = arith.constant 0 : i32
        %cond3A_176 = arith.cmpi ne, %convert_element_type3A_174, %cond3A_175 : i32
        scf.if %cond3A_176 {
          %dma_wait3A_185 = arith.constant 0 : i32
          %dma_wait3A_186 = arith.constant 0 : i32
          %dma_wait3A_187 = tpu.memref_slice %arg4[%dma_wait3A_185, %dma_wait3A_186] : memref<2560x128xi32, #tpu.memory_space<hbm>> -> memref<1x128xi32, #tpu.memory_space<hbm>>
          %dma_wait3A_188 = tpu.memref_squeeze %dma_wait3A_187 : memref<1x128xi32, #tpu.memory_space<hbm>> -> memref<128xi32, #tpu.memory_space<hbm>>
          %dma_wait3A_189 = arith.constant 0 : i32
          %dma_wait3A_190 = tpu.memref_slice %arg4[%dma_wait3A_185, %dma_wait3A_189] : memref<2560x128xi32, #tpu.memory_space<hbm>> -> memref<1x128xi32, #tpu.memory_space<hbm>>
          %dma_wait3A_191 = tpu.memref_squeeze %dma_wait3A_190 : memref<1x128xi32, #tpu.memory_space<hbm>> -> memref<128xi32, #tpu.memory_space<hbm>>
          tpu.wait_dma2 semaphore(%arg19 : memref<!tpu.dma_semaphore, #tpu.memory_space<semaphore_mem>>) src(%dma_wait3A_191 : memref<128xi32, #tpu.memory_space<hbm>>) dst(%arg9 : memref<128xi32, #tpu.memory_space<vmem>>)
          %dma_wait3A_192 = arith.constant 0 : i32
          %dma_wait3A_193 = arith.constant 0 : i32
          %dma_wait3A_194 = tpu.memref_slice %arg5[%dma_wait3A_192, %dma_wait3A_193] : memref<2560x128xi32, #tpu.memory_space<hbm>> -> memref<1x128xi32, #tpu.memory_space<hbm>>
          %dma_wait3A_195 = tpu.memref_squeeze %dma_wait3A_194 : memref<1x128xi32, #tpu.memory_space<hbm>> -> memref<128xi32, #tpu.memory_space<hbm>>
          %dma_wait3A_196 = arith.constant 0 : i32
          %dma_wait3A_197 = tpu.memref_slice %arg5[%dma_wait3A_192, %dma_wait3A_196] : memref<2560x128xi32, #tpu.memory_space<hbm>> -> memref<1x128xi32, #tpu.memory_space<hbm>>
          %dma_wait3A_198 = tpu.memref_squeeze %dma_wait3A_197 : memref<1x128xi32, #tpu.memory_space<hbm>> -> memref<128xi32, #tpu.memory_space<hbm>>
          tpu.wait_dma2 semaphore(%arg19 : memref<!tpu.dma_semaphore, #tpu.memory_space<semaphore_mem>>) src(%dma_wait3A_198 : memref<128xi32, #tpu.memory_space<hbm>>) dst(%arg13 : memref<128xi32, #tpu.memory_space<vmem>>)
          %dma_start3A_199 = arith.constant 0 : i32
          %dma_start3A_200 = arith.constant 0 : i32
          %dma_start3A_201 = tpu.memref_slice %arg2[%dma_start3A_199, %dma_start3A_200] : memref<10000x128xf32, #tpu.memory_space<hbm>> -> memref<10000x128xf32, #tpu.memory_space<hbm>>
          tpu.enqueue_indirect_dma source(%dma_start3A_201 : memref<10000x128xf32, #tpu.memory_space<hbm>>) target(%arg17 : memref<128x128xf32, #tpu.memory_space<vmem>>) offsets(%arg9 : memref<128xi32, #tpu.memory_space<vmem>>) semaphore(%arg23 : memref<!tpu.dma_semaphore, #tpu.memory_space<semaphore_mem>>)
        } else {
        }
        %dma_wait3A_177 = arith.constant 0 : i32
        %dma_wait3A_178 = arith.constant 0 : i32
        %dma_wait3A_179 = tpu.memref_slice %arg2[%dma_wait3A_177, %dma_wait3A_178] : memref<10000x128xf32, #tpu.memory_space<hbm>> -> memref<10000x128xf32, #tpu.memory_space<hbm>>
        tpu.wait_indirect_dma semaphore(%arg24 : memref<!tpu.dma_semaphore, #tpu.memory_space<semaphore_mem>>) src(%dma_wait3A_179 : memref<10000x128xf32, #tpu.memory_space<hbm>>) dst(%arg18 : memref<128x128xf32, #tpu.memory_space<vmem>>)
        "tpu.region"() ({
          %run_scoped3A = tpu.sem_alloc : memref<!tpu.dma_semaphore, #tpu.memory_space<semaphore_mem>>
          %dma_start3A_185 = arith.constant 0 : i32
          %dma_start3A_186 = arith.constant 0 : i32
          %dma_start3A_187 = tpu.memref_slice %arg8[%dma_start3A_185, %dma_start3A_186] : memref<10240x128xf32, #tpu.memory_space<vmem_shared>> -> memref<10240x128xf32, #tpu.memory_space<vmem_shared>>
          tpu.enqueue_indirect_dma source(%arg18 : memref<128x128xf32, #tpu.memory_space<vmem>>) target(%dma_start3A_187 : memref<10240x128xf32, #tpu.memory_space<vmem_shared>>) offsets(%arg16 : memref<128xi32, #tpu.memory_space<vmem>>) semaphore(%run_scoped3A : memref<!tpu.dma_semaphore, #tpu.memory_space<semaphore_mem>>) {add = true}
          %dma_wait3A_188 = arith.constant 0 : i32
          %dma_wait3A_189 = arith.constant 0 : i32
          %dma_wait3A_190 = tpu.memref_slice %arg8[%dma_wait3A_188, %dma_wait3A_189] : memref<10240x128xf32, #tpu.memory_space<vmem_shared>> -> memref<10240x128xf32, #tpu.memory_space<vmem_shared>>
          tpu.wait_indirect_dma semaphore(%run_scoped3A : memref<!tpu.dma_semaphore, #tpu.memory_space<semaphore_mem>>) src(%arg18 : memref<128x128xf32, #tpu.memory_space<vmem>>) dst(%dma_wait3A_190 : memref<10240x128xf32, #tpu.memory_space<vmem_shared>>)
          tpu.yield
        }) : () -> ()
        %lt3A_180 = arith.constant 19 : i32
        %lt3A_181 = arith.cmpi slt, %scan3A_97, %lt3A_180 : i32
        %convert_element_type3A_182 = arith.extui %lt3A_181 : i1 to i32
        %cond3A_183 = arith.constant 0 : i32
        %cond3A_184 = arith.cmpi ne, %convert_element_type3A_182, %cond3A_183 : i32
        scf.if %cond3A_184 {
          %mul3A_185 = arith.constant 4 : i32
          %mul3A_186 = arith.muli %mul3A_185, %scan3A_97 : i32
          %add3A_187 = arith.constant 4 : i32
          %add3A_188 = arith.addi %mul3A_186, %add3A_187 : i32
          %add3A_189 = arith.constant 3 : i32
          %add3A_190 = arith.addi %add3A_188, %add3A_189 : i32
          %add3A_191 = arith.addi %add3A, %add3A_190 : i32
          %dma_start3A_192 = arith.constant 0 : i32
          %dma_start3A_193 = tpu.memref_slice %arg4[%add3A_191, %dma_start3A_192] : memref<2560x128xi32, #tpu.memory_space<hbm>> -> memref<1x128xi32, #tpu.memory_space<hbm>>
          %dma_start3A_194 = tpu.memref_squeeze %dma_start3A_193 : memref<1x128xi32, #tpu.memory_space<hbm>> -> memref<128xi32, #tpu.memory_space<hbm>>
          %dma_start3A_195 = arith.constant 0 : i32
          %dma_start3A_196 = tpu.memref_slice %arg4[%add3A_191, %dma_start3A_195] : memref<2560x128xi32, #tpu.memory_space<hbm>> -> memref<1x128xi32, #tpu.memory_space<hbm>>
          %dma_start3A_197 = tpu.memref_squeeze %dma_start3A_196 : memref<1x128xi32, #tpu.memory_space<hbm>> -> memref<128xi32, #tpu.memory_space<hbm>>
          tpu.enqueue_dma source(%dma_start3A_197 : memref<128xi32, #tpu.memory_space<hbm>>) target(%arg12 : memref<128xi32, #tpu.memory_space<vmem>>) target_semaphore(%arg22 : memref<!tpu.dma_semaphore, #tpu.memory_space<semaphore_mem>>)
          %add3A_198 = arith.addi %add3A, %add3A_190 : i32
          %dma_start3A_199 = arith.constant 0 : i32
          %dma_start3A_200 = tpu.memref_slice %arg5[%add3A_198, %dma_start3A_199] : memref<2560x128xi32, #tpu.memory_space<hbm>> -> memref<1x128xi32, #tpu.memory_space<hbm>>
          %dma_start3A_201 = tpu.memref_squeeze %dma_start3A_200 : memref<1x128xi32, #tpu.memory_space<hbm>> -> memref<128xi32, #tpu.memory_space<hbm>>
          %dma_start3A_202 = arith.constant 0 : i32
          %dma_start3A_203 = tpu.memref_slice %arg5[%add3A_198, %dma_start3A_202] : memref<2560x128xi32, #tpu.memory_space<hbm>> -> memref<1x128xi32, #tpu.memory_space<hbm>>
          %dma_start3A_204 = tpu.memref_squeeze %dma_start3A_203 : memref<1x128xi32, #tpu.memory_space<hbm>> -> memref<128xi32, #tpu.memory_space<hbm>>
          tpu.enqueue_dma source(%dma_start3A_204 : memref<128xi32, #tpu.memory_space<hbm>>) target(%arg16 : memref<128xi32, #tpu.memory_space<vmem>>) target_semaphore(%arg22 : memref<!tpu.dma_semaphore, #tpu.memory_space<semaphore_mem>>)
        } else {
        }
      }
      %scan3A_96 = arith.constant 20 : i32
    } else {
    }
    %eq3A_7 = arith.constant 1 : i32
    %eq3A_8 = arith.cmpi eq, %arg0, %eq3A_7 : i32
    %convert_element_type3A_9 = arith.extui %eq3A_8 : i1 to i32
    %cond3A_10 = arith.constant 0 : i32
    %cond3A_11 = arith.cmpi ne, %convert_element_type3A_9, %cond3A_10 : i32
    scf.if %cond3A_11 {
      %add3A_13 = arith.constant 0 : i32
      %add3A_14 = arith.addi %add3A, %add3A_13 : i32
      %dma_start3A = arith.constant 0 : i32
      %dma_start3A_15 = tpu.memref_slice %arg4[%add3A_14, %dma_start3A] : memref<2560x128xi32, #tpu.memory_space<hbm>> -> memref<1x128xi32, #tpu.memory_space<hbm>>
      %dma_start3A_16 = tpu.memref_squeeze %dma_start3A_15 : memref<1x128xi32, #tpu.memory_space<hbm>> -> memref<128xi32, #tpu.memory_space<hbm>>
      %dma_start3A_17 = arith.constant 0 : i32
      %dma_start3A_18 = tpu.memref_slice %arg4[%add3A_14, %dma_start3A_17] : memref<2560x128xi32, #tpu.memory_space<hbm>> -> memref<1x128xi32, #tpu.memory_space<hbm>>
      %dma_start3A_19 = tpu.memref_squeeze %dma_start3A_18 : memref<1x128xi32, #tpu.memory_space<hbm>> -> memref<128xi32, #tpu.memory_space<hbm>>
      tpu.enqueue_dma source(%dma_start3A_19 : memref<128xi32, #tpu.memory_space<hbm>>) target(%arg9 : memref<128xi32, #tpu.memory_space<vmem>>) target_semaphore(%arg19 : memref<!tpu.dma_semaphore, #tpu.memory_space<semaphore_mem>>)
      %add3A_20 = arith.constant 0 : i32
      %add3A_21 = arith.addi %add3A, %add3A_20 : i32
      %dma_start3A_22 = arith.constant 0 : i32
      %dma_start3A_23 = tpu.memref_slice %arg5[%add3A_21, %dma_start3A_22] : memref<2560x128xi32, #tpu.memory_space<hbm>> -> memref<1x128xi32, #tpu.memory_space<hbm>>
      %dma_start3A_24 = tpu.memref_squeeze %dma_start3A_23 : memref<1x128xi32, #tpu.memory_space<hbm>> -> memref<128xi32, #tpu.memory_space<hbm>>
      %dma_start3A_25 = arith.constant 0 : i32
      %dma_start3A_26 = tpu.memref_slice %arg5[%add3A_21, %dma_start3A_25] : memref<2560x128xi32, #tpu.memory_space<hbm>> -> memref<1x128xi32, #tpu.memory_space<hbm>>
      %dma_start3A_27 = tpu.memref_squeeze %dma_start3A_26 : memref<1x128xi32, #tpu.memory_space<hbm>> -> memref<128xi32, #tpu.memory_space<hbm>>
      tpu.enqueue_dma source(%dma_start3A_27 : memref<128xi32, #tpu.memory_space<hbm>>) target(%arg13 : memref<128xi32, #tpu.memory_space<vmem>>) target_semaphore(%arg19 : memref<!tpu.dma_semaphore, #tpu.memory_space<semaphore_mem>>)
      %add3A_28 = arith.constant 1 : i32
      %add3A_29 = arith.addi %add3A, %add3A_28 : i32
      %dma_start3A_30 = arith.constant 0 : i32
      %dma_start3A_31 = tpu.memref_slice %arg4[%add3A_29, %dma_start3A_30] : memref<2560x128xi32, #tpu.memory_space<hbm>> -> memref<1x128xi32, #tpu.memory_space<hbm>>
      %dma_start3A_32 = tpu.memref_squeeze %dma_start3A_31 : memref<1x128xi32, #tpu.memory_space<hbm>> -> memref<128xi32, #tpu.memory_space<hbm>>
      %dma_start3A_33 = arith.constant 0 : i32
      %dma_start3A_34 = tpu.memref_slice %arg4[%add3A_29, %dma_start3A_33] : memref<2560x128xi32, #tpu.memory_space<hbm>> -> memref<1x128xi32, #tpu.memory_space<hbm>>
      %dma_start3A_35 = tpu.memref_squeeze %dma_start3A_34 : memref<1x128xi32, #tpu.memory_space<hbm>> -> memref<128xi32, #tpu.memory_space<hbm>>
      tpu.enqueue_dma source(%dma_start3A_35 : memref<128xi32, #tpu.memory_space<hbm>>) target(%arg10 : memref<128xi32, #tpu.memory_space<vmem>>) target_semaphore(%arg20 : memref<!tpu.dma_semaphore, #tpu.memory_space<semaphore_mem>>)
      %add3A_36 = arith.constant 1 : i32
      %add3A_37 = arith.addi %add3A, %add3A_36 : i32
      %dma_start3A_38 = arith.constant 0 : i32
      %dma_start3A_39 = tpu.memref_slice %arg5[%add3A_37, %dma_start3A_38] : memref<2560x128xi32, #tpu.memory_space<hbm>> -> memref<1x128xi32, #tpu.memory_space<hbm>>
      %dma_start3A_40 = tpu.memref_squeeze %dma_start3A_39 : memref<1x128xi32, #tpu.memory_space<hbm>> -> memref<128xi32, #tpu.memory_space<hbm>>
      %dma_start3A_41 = arith.constant 0 : i32
      %dma_start3A_42 = tpu.memref_slice %arg5[%add3A_37, %dma_start3A_41] : memref<2560x128xi32, #tpu.memory_space<hbm>> -> memref<1x128xi32, #tpu.memory_space<hbm>>
      %dma_start3A_43 = tpu.memref_squeeze %dma_start3A_42 : memref<1x128xi32, #tpu.memory_space<hbm>> -> memref<128xi32, #tpu.memory_space<hbm>>
      tpu.enqueue_dma source(%dma_start3A_43 : memref<128xi32, #tpu.memory_space<hbm>>) target(%arg14 : memref<128xi32, #tpu.memory_space<vmem>>) target_semaphore(%arg20 : memref<!tpu.dma_semaphore, #tpu.memory_space<semaphore_mem>>)
      %add3A_44 = arith.constant 2 : i32
      %add3A_45 = arith.addi %add3A, %add3A_44 : i32
      %dma_start3A_46 = arith.constant 0 : i32
      %dma_start3A_47 = tpu.memref_slice %arg4[%add3A_45, %dma_start3A_46] : memref<2560x128xi32, #tpu.memory_space<hbm>> -> memref<1x128xi32, #tpu.memory_space<hbm>>
      %dma_start3A_48 = tpu.memref_squeeze %dma_start3A_47 : memref<1x128xi32, #tpu.memory_space<hbm>> -> memref<128xi32, #tpu.memory_space<hbm>>
      %dma_start3A_49 = arith.constant 0 : i32
      %dma_start3A_50 = tpu.memref_slice %arg4[%add3A_45, %dma_start3A_49] : memref<2560x128xi32, #tpu.memory_space<hbm>> -> memref<1x128xi32, #tpu.memory_space<hbm>>
      %dma_start3A_51 = tpu.memref_squeeze %dma_start3A_50 : memref<1x128xi32, #tpu.memory_space<hbm>> -> memref<128xi32, #tpu.memory_space<hbm>>
      tpu.enqueue_dma source(%dma_start3A_51 : memref<128xi32, #tpu.memory_space<hbm>>) target(%arg11 : memref<128xi32, #tpu.memory_space<vmem>>) target_semaphore(%arg21 : memref<!tpu.dma_semaphore, #tpu.memory_space<semaphore_mem>>)
      %add3A_52 = arith.constant 2 : i32
      %add3A_53 = arith.addi %add3A, %add3A_52 : i32
      %dma_start3A_54 = arith.constant 0 : i32
      %dma_start3A_55 = tpu.memref_slice %arg5[%add3A_53, %dma_start3A_54] : memref<2560x128xi32, #tpu.memory_space<hbm>> -> memref<1x128xi32, #tpu.memory_space<hbm>>
      %dma_start3A_56 = tpu.memref_squeeze %dma_start3A_55 : memref<1x128xi32, #tpu.memory_space<hbm>> -> memref<128xi32, #tpu.memory_space<hbm>>
      %dma_start3A_57 = arith.constant 0 : i32
      %dma_start3A_58 = tpu.memref_slice %arg5[%add3A_53, %dma_start3A_57] : memref<2560x128xi32, #tpu.memory_space<hbm>> -> memref<1x128xi32, #tpu.memory_space<hbm>>
      %dma_start3A_59 = tpu.memref_squeeze %dma_start3A_58 : memref<1x128xi32, #tpu.memory_space<hbm>> -> memref<128xi32, #tpu.memory_space<hbm>>
      tpu.enqueue_dma source(%dma_start3A_59 : memref<128xi32, #tpu.memory_space<hbm>>) target(%arg15 : memref<128xi32, #tpu.memory_space<vmem>>) target_semaphore(%arg21 : memref<!tpu.dma_semaphore, #tpu.memory_space<semaphore_mem>>)
      %add3A_60 = arith.constant 3 : i32
      %add3A_61 = arith.addi %add3A, %add3A_60 : i32
      %dma_start3A_62 = arith.constant 0 : i32
      %dma_start3A_63 = tpu.memref_slice %arg4[%add3A_61, %dma_start3A_62] : memref<2560x128xi32, #tpu.memory_space<hbm>> -> memref<1x128xi32, #tpu.memory_space<hbm>>
      %dma_start3A_64 = tpu.memref_squeeze %dma_start3A_63 : memref<1x128xi32, #tpu.memory_space<hbm>> -> memref<128xi32, #tpu.memory_space<hbm>>
      %dma_start3A_65 = arith.constant 0 : i32
      %dma_start3A_66 = tpu.memref_slice %arg4[%add3A_61, %dma_start3A_65] : memref<2560x128xi32, #tpu.memory_space<hbm>> -> memref<1x128xi32, #tpu.memory_space<hbm>>
      %dma_start3A_67 = tpu.memref_squeeze %dma_start3A_66 : memref<1x128xi32, #tpu.memory_space<hbm>> -> memref<128xi32, #tpu.memory_space<hbm>>
      tpu.enqueue_dma source(%dma_start3A_67 : memref<128xi32, #tpu.memory_space<hbm>>) target(%arg12 : memref<128xi32, #tpu.memory_space<vmem>>) target_semaphore(%arg22 : memref<!tpu.dma_semaphore, #tpu.memory_space<semaphore_mem>>)
      %add3A_68 = arith.constant 3 : i32
      %add3A_69 = arith.addi %add3A, %add3A_68 : i32
      %dma_start3A_70 = arith.constant 0 : i32
      %dma_start3A_71 = tpu.memref_slice %arg5[%add3A_69, %dma_start3A_70] : memref<2560x128xi32, #tpu.memory_space<hbm>> -> memref<1x128xi32, #tpu.memory_space<hbm>>
      %dma_start3A_72 = tpu.memref_squeeze %dma_start3A_71 : memref<1x128xi32, #tpu.memory_space<hbm>> -> memref<128xi32, #tpu.memory_space<hbm>>
      %dma_start3A_73 = arith.constant 0 : i32
      %dma_start3A_74 = tpu.memref_slice %arg5[%add3A_69, %dma_start3A_73] : memref<2560x128xi32, #tpu.memory_space<hbm>> -> memref<1x128xi32, #tpu.memory_space<hbm>>
      %dma_start3A_75 = tpu.memref_squeeze %dma_start3A_74 : memref<1x128xi32, #tpu.memory_space<hbm>> -> memref<128xi32, #tpu.memory_space<hbm>>
      tpu.enqueue_dma source(%dma_start3A_75 : memref<128xi32, #tpu.memory_space<hbm>>) target(%arg16 : memref<128xi32, #tpu.memory_space<vmem>>) target_semaphore(%arg22 : memref<!tpu.dma_semaphore, #tpu.memory_space<semaphore_mem>>)
      %dma_wait3A = arith.constant 0 : i32
      %dma_wait3A_76 = arith.constant 0 : i32
      %dma_wait3A_77 = tpu.memref_slice %arg4[%dma_wait3A, %dma_wait3A_76] : memref<2560x128xi32, #tpu.memory_space<hbm>> -> memref<1x128xi32, #tpu.memory_space<hbm>>
      %dma_wait3A_78 = tpu.memref_squeeze %dma_wait3A_77 : memref<1x128xi32, #tpu.memory_space<hbm>> -> memref<128xi32, #tpu.memory_space<hbm>>
      %dma_wait3A_79 = arith.constant 0 : i32
      %dma_wait3A_80 = tpu.memref_slice %arg4[%dma_wait3A, %dma_wait3A_79] : memref<2560x128xi32, #tpu.memory_space<hbm>> -> memref<1x128xi32, #tpu.memory_space<hbm>>
      %dma_wait3A_81 = tpu.memref_squeeze %dma_wait3A_80 : memref<1x128xi32, #tpu.memory_space<hbm>> -> memref<128xi32, #tpu.memory_space<hbm>>
      tpu.wait_dma2 semaphore(%arg19 : memref<!tpu.dma_semaphore, #tpu.memory_space<semaphore_mem>>) src(%dma_wait3A_81 : memref<128xi32, #tpu.memory_space<hbm>>) dst(%arg9 : memref<128xi32, #tpu.memory_space<vmem>>)
      %dma_wait3A_82 = arith.constant 0 : i32
      %dma_wait3A_83 = arith.constant 0 : i32
      %dma_wait3A_84 = tpu.memref_slice %arg5[%dma_wait3A_82, %dma_wait3A_83] : memref<2560x128xi32, #tpu.memory_space<hbm>> -> memref<1x128xi32, #tpu.memory_space<hbm>>
      %dma_wait3A_85 = tpu.memref_squeeze %dma_wait3A_84 : memref<1x128xi32, #tpu.memory_space<hbm>> -> memref<128xi32, #tpu.memory_space<hbm>>
      %dma_wait3A_86 = arith.constant 0 : i32
      %dma_wait3A_87 = tpu.memref_slice %arg5[%dma_wait3A_82, %dma_wait3A_86] : memref<2560x128xi32, #tpu.memory_space<hbm>> -> memref<1x128xi32, #tpu.memory_space<hbm>>
      %dma_wait3A_88 = tpu.memref_squeeze %dma_wait3A_87 : memref<1x128xi32, #tpu.memory_space<hbm>> -> memref<128xi32, #tpu.memory_space<hbm>>
      tpu.wait_dma2 semaphore(%arg19 : memref<!tpu.dma_semaphore, #tpu.memory_space<semaphore_mem>>) src(%dma_wait3A_88 : memref<128xi32, #tpu.memory_space<hbm>>) dst(%arg13 : memref<128xi32, #tpu.memory_space<vmem>>)
      %dma_start3A_89 = arith.constant 0 : i32
      %dma_start3A_90 = arith.constant 0 : i32
      %dma_start3A_91 = tpu.memref_slice %arg3[%dma_start3A_89, %dma_start3A_90] : memref<10000x128xf32, #tpu.memory_space<hbm>> -> memref<10000x128xf32, #tpu.memory_space<hbm>>
      tpu.enqueue_indirect_dma source(%dma_start3A_91 : memref<10000x128xf32, #tpu.memory_space<hbm>>) target(%arg17 : memref<128x128xf32, #tpu.memory_space<vmem>>) offsets(%arg9 : memref<128xi32, #tpu.memory_space<vmem>>) semaphore(%arg23 : memref<!tpu.dma_semaphore, #tpu.memory_space<semaphore_mem>>)
      %scan3A = arith.constant 0 : i32
      %scan3A_92 = arith.constant 0 : i32
      %scan3A_93 = arith.constant 20 : i32
      %scan3A_94 = arith.addi %scan3A_92, %scan3A_93 : i32
      %scan3A_95 = arith.constant 1 : i32
      scf.for %scan3A_97 = %scan3A_92 to %scan3A_94 step %scan3A_95  : i32 {
        %dma_wait3A_98 = arith.constant 0 : i32
        %dma_wait3A_99 = arith.constant 0 : i32
        %dma_wait3A_100 = tpu.memref_slice %arg4[%dma_wait3A_98, %dma_wait3A_99] : memref<2560x128xi32, #tpu.memory_space<hbm>> -> memref<1x128xi32, #tpu.memory_space<hbm>>
        %dma_wait3A_101 = tpu.memref_squeeze %dma_wait3A_100 : memref<1x128xi32, #tpu.memory_space<hbm>> -> memref<128xi32, #tpu.memory_space<hbm>>
        %dma_wait3A_102 = arith.constant 0 : i32
        %dma_wait3A_103 = tpu.memref_slice %arg4[%dma_wait3A_98, %dma_wait3A_102] : memref<2560x128xi32, #tpu.memory_space<hbm>> -> memref<1x128xi32, #tpu.memory_space<hbm>>
        %dma_wait3A_104 = tpu.memref_squeeze %dma_wait3A_103 : memref<1x128xi32, #tpu.memory_space<hbm>> -> memref<128xi32, #tpu.memory_space<hbm>>
        tpu.wait_dma2 semaphore(%arg20 : memref<!tpu.dma_semaphore, #tpu.memory_space<semaphore_mem>>) src(%dma_wait3A_104 : memref<128xi32, #tpu.memory_space<hbm>>) dst(%arg10 : memref<128xi32, #tpu.memory_space<vmem>>)
        %dma_wait3A_105 = arith.constant 0 : i32
        %dma_wait3A_106 = arith.constant 0 : i32
        %dma_wait3A_107 = tpu.memref_slice %arg5[%dma_wait3A_105, %dma_wait3A_106] : memref<2560x128xi32, #tpu.memory_space<hbm>> -> memref<1x128xi32, #tpu.memory_space<hbm>>
        %dma_wait3A_108 = tpu.memref_squeeze %dma_wait3A_107 : memref<1x128xi32, #tpu.memory_space<hbm>> -> memref<128xi32, #tpu.memory_space<hbm>>
        %dma_wait3A_109 = arith.constant 0 : i32
        %dma_wait3A_110 = tpu.memref_slice %arg5[%dma_wait3A_105, %dma_wait3A_109] : memref<2560x128xi32, #tpu.memory_space<hbm>> -> memref<1x128xi32, #tpu.memory_space<hbm>>
        %dma_wait3A_111 = tpu.memref_squeeze %dma_wait3A_110 : memref<1x128xi32, #tpu.memory_space<hbm>> -> memref<128xi32, #tpu.memory_space<hbm>>
        tpu.wait_dma2 semaphore(%arg20 : memref<!tpu.dma_semaphore, #tpu.memory_space<semaphore_mem>>) src(%dma_wait3A_111 : memref<128xi32, #tpu.memory_space<hbm>>) dst(%arg14 : memref<128xi32, #tpu.memory_space<vmem>>)
        %dma_start3A_112 = arith.constant 0 : i32
        %dma_start3A_113 = arith.constant 0 : i32
        %dma_start3A_114 = tpu.memref_slice %arg3[%dma_start3A_112, %dma_start3A_113] : memref<10000x128xf32, #tpu.memory_space<hbm>> -> memref<10000x128xf32, #tpu.memory_space<hbm>>
        tpu.enqueue_indirect_dma source(%dma_start3A_114 : memref<10000x128xf32, #tpu.memory_space<hbm>>) target(%arg18 : memref<128x128xf32, #tpu.memory_space<vmem>>) offsets(%arg10 : memref<128xi32, #tpu.memory_space<vmem>>) semaphore(%arg24 : memref<!tpu.dma_semaphore, #tpu.memory_space<semaphore_mem>>)
        %dma_wait3A_115 = arith.constant 0 : i32
        %dma_wait3A_116 = arith.constant 0 : i32
        %dma_wait3A_117 = tpu.memref_slice %arg3[%dma_wait3A_115, %dma_wait3A_116] : memref<10000x128xf32, #tpu.memory_space<hbm>> -> memref<10000x128xf32, #tpu.memory_space<hbm>>
        tpu.wait_indirect_dma semaphore(%arg23 : memref<!tpu.dma_semaphore, #tpu.memory_space<semaphore_mem>>) src(%dma_wait3A_117 : memref<10000x128xf32, #tpu.memory_space<hbm>>) dst(%arg17 : memref<128x128xf32, #tpu.memory_space<vmem>>)
        "tpu.region"() ({
          %run_scoped3A = tpu.sem_alloc : memref<!tpu.dma_semaphore, #tpu.memory_space<semaphore_mem>>
          %dma_start3A_185 = arith.constant 0 : i32
          %dma_start3A_186 = arith.constant 0 : i32
          %dma_start3A_187 = tpu.memref_slice %arg8[%dma_start3A_185, %dma_start3A_186] : memref<10240x128xf32, #tpu.memory_space<vmem_shared>> -> memref<10240x128xf32, #tpu.memory_space<vmem_shared>>
          tpu.enqueue_indirect_dma source(%arg17 : memref<128x128xf32, #tpu.memory_space<vmem>>) target(%dma_start3A_187 : memref<10240x128xf32, #tpu.memory_space<vmem_shared>>) offsets(%arg13 : memref<128xi32, #tpu.memory_space<vmem>>) semaphore(%run_scoped3A : memref<!tpu.dma_semaphore, #tpu.memory_space<semaphore_mem>>) {add = true}
          %dma_wait3A_188 = arith.constant 0 : i32
          %dma_wait3A_189 = arith.constant 0 : i32
          %dma_wait3A_190 = tpu.memref_slice %arg8[%dma_wait3A_188, %dma_wait3A_189] : memref<10240x128xf32, #tpu.memory_space<vmem_shared>> -> memref<10240x128xf32, #tpu.memory_space<vmem_shared>>
          tpu.wait_indirect_dma semaphore(%run_scoped3A : memref<!tpu.dma_semaphore, #tpu.memory_space<semaphore_mem>>) src(%arg17 : memref<128x128xf32, #tpu.memory_space<vmem>>) dst(%dma_wait3A_190 : memref<10240x128xf32, #tpu.memory_space<vmem_shared>>)
          tpu.yield
        }) : () -> ()
        %lt3A = arith.constant 19 : i32
        %lt3A_118 = arith.cmpi slt, %scan3A_97, %lt3A : i32
        %convert_element_type3A_119 = arith.extui %lt3A_118 : i1 to i32
        %cond3A_120 = arith.constant 0 : i32
        %cond3A_121 = arith.cmpi ne, %convert_element_type3A_119, %cond3A_120 : i32
        scf.if %cond3A_121 {
          %mul3A_185 = arith.constant 4 : i32
          %mul3A_186 = arith.muli %mul3A_185, %scan3A_97 : i32
          %add3A_187 = arith.constant 4 : i32
          %add3A_188 = arith.addi %mul3A_186, %add3A_187 : i32
          %add3A_189 = arith.constant 0 : i32
          %add3A_190 = arith.addi %add3A_188, %add3A_189 : i32
          %add3A_191 = arith.addi %add3A, %add3A_190 : i32
          %dma_start3A_192 = arith.constant 0 : i32
          %dma_start3A_193 = tpu.memref_slice %arg4[%add3A_191, %dma_start3A_192] : memref<2560x128xi32, #tpu.memory_space<hbm>> -> memref<1x128xi32, #tpu.memory_space<hbm>>
          %dma_start3A_194 = tpu.memref_squeeze %dma_start3A_193 : memref<1x128xi32, #tpu.memory_space<hbm>> -> memref<128xi32, #tpu.memory_space<hbm>>
          %dma_start3A_195 = arith.constant 0 : i32
          %dma_start3A_196 = tpu.memref_slice %arg4[%add3A_191, %dma_start3A_195] : memref<2560x128xi32, #tpu.memory_space<hbm>> -> memref<1x128xi32, #tpu.memory_space<hbm>>
          %dma_start3A_197 = tpu.memref_squeeze %dma_start3A_196 : memref<1x128xi32, #tpu.memory_space<hbm>> -> memref<128xi32, #tpu.memory_space<hbm>>
          tpu.enqueue_dma source(%dma_start3A_197 : memref<128xi32, #tpu.memory_space<hbm>>) target(%arg9 : memref<128xi32, #tpu.memory_space<vmem>>) target_semaphore(%arg19 : memref<!tpu.dma_semaphore, #tpu.memory_space<semaphore_mem>>)
          %add3A_198 = arith.addi %add3A, %add3A_190 : i32
          %dma_start3A_199 = arith.constant 0 : i32
          %dma_start3A_200 = tpu.memref_slice %arg5[%add3A_198, %dma_start3A_199] : memref<2560x128xi32, #tpu.memory_space<hbm>> -> memref<1x128xi32, #tpu.memory_space<hbm>>
          %dma_start3A_201 = tpu.memref_squeeze %dma_start3A_200 : memref<1x128xi32, #tpu.memory_space<hbm>> -> memref<128xi32, #tpu.memory_space<hbm>>
          %dma_start3A_202 = arith.constant 0 : i32
          %dma_start3A_203 = tpu.memref_slice %arg5[%add3A_198, %dma_start3A_202] : memref<2560x128xi32, #tpu.memory_space<hbm>> -> memref<1x128xi32, #tpu.memory_space<hbm>>
          %dma_start3A_204 = tpu.memref_squeeze %dma_start3A_203 : memref<1x128xi32, #tpu.memory_space<hbm>> -> memref<128xi32, #tpu.memory_space<hbm>>
          tpu.enqueue_dma source(%dma_start3A_204 : memref<128xi32, #tpu.memory_space<hbm>>) target(%arg13 : memref<128xi32, #tpu.memory_space<vmem>>) target_semaphore(%arg19 : memref<!tpu.dma_semaphore, #tpu.memory_space<semaphore_mem>>)
        } else {
        }
        %dma_wait3A_122 = arith.constant 0 : i32
        %dma_wait3A_123 = arith.constant 0 : i32
        %dma_wait3A_124 = tpu.memref_slice %arg4[%dma_wait3A_122, %dma_wait3A_123] : memref<2560x128xi32, #tpu.memory_space<hbm>> -> memref<1x128xi32, #tpu.memory_space<hbm>>
        %dma_wait3A_125 = tpu.memref_squeeze %dma_wait3A_124 : memref<1x128xi32, #tpu.memory_space<hbm>> -> memref<128xi32, #tpu.memory_space<hbm>>
        %dma_wait3A_126 = arith.constant 0 : i32
        %dma_wait3A_127 = tpu.memref_slice %arg4[%dma_wait3A_122, %dma_wait3A_126] : memref<2560x128xi32, #tpu.memory_space<hbm>> -> memref<1x128xi32, #tpu.memory_space<hbm>>
        %dma_wait3A_128 = tpu.memref_squeeze %dma_wait3A_127 : memref<1x128xi32, #tpu.memory_space<hbm>> -> memref<128xi32, #tpu.memory_space<hbm>>
        tpu.wait_dma2 semaphore(%arg21 : memref<!tpu.dma_semaphore, #tpu.memory_space<semaphore_mem>>) src(%dma_wait3A_128 : memref<128xi32, #tpu.memory_space<hbm>>) dst(%arg11 : memref<128xi32, #tpu.memory_space<vmem>>)
        %dma_wait3A_129 = arith.constant 0 : i32
        %dma_wait3A_130 = arith.constant 0 : i32
        %dma_wait3A_131 = tpu.memref_slice %arg5[%dma_wait3A_129, %dma_wait3A_130] : memref<2560x128xi32, #tpu.memory_space<hbm>> -> memref<1x128xi32, #tpu.memory_space<hbm>>
        %dma_wait3A_132 = tpu.memref_squeeze %dma_wait3A_131 : memref<1x128xi32, #tpu.memory_space<hbm>> -> memref<128xi32, #tpu.memory_space<hbm>>
        %dma_wait3A_133 = arith.constant 0 : i32
        %dma_wait3A_134 = tpu.memref_slice %arg5[%dma_wait3A_129, %dma_wait3A_133] : memref<2560x128xi32, #tpu.memory_space<hbm>> -> memref<1x128xi32, #tpu.memory_space<hbm>>
        %dma_wait3A_135 = tpu.memref_squeeze %dma_wait3A_134 : memref<1x128xi32, #tpu.memory_space<hbm>> -> memref<128xi32, #tpu.memory_space<hbm>>
        tpu.wait_dma2 semaphore(%arg21 : memref<!tpu.dma_semaphore, #tpu.memory_space<semaphore_mem>>) src(%dma_wait3A_135 : memref<128xi32, #tpu.memory_space<hbm>>) dst(%arg15 : memref<128xi32, #tpu.memory_space<vmem>>)
        %dma_start3A_136 = arith.constant 0 : i32
        %dma_start3A_137 = arith.constant 0 : i32
        %dma_start3A_138 = tpu.memref_slice %arg3[%dma_start3A_136, %dma_start3A_137] : memref<10000x128xf32, #tpu.memory_space<hbm>> -> memref<10000x128xf32, #tpu.memory_space<hbm>>
        tpu.enqueue_indirect_dma source(%dma_start3A_138 : memref<10000x128xf32, #tpu.memory_space<hbm>>) target(%arg17 : memref<128x128xf32, #tpu.memory_space<vmem>>) offsets(%arg11 : memref<128xi32, #tpu.memory_space<vmem>>) semaphore(%arg23 : memref<!tpu.dma_semaphore, #tpu.memory_space<semaphore_mem>>)
        %dma_wait3A_139 = arith.constant 0 : i32
        %dma_wait3A_140 = arith.constant 0 : i32
        %dma_wait3A_141 = tpu.memref_slice %arg3[%dma_wait3A_139, %dma_wait3A_140] : memref<10000x128xf32, #tpu.memory_space<hbm>> -> memref<10000x128xf32, #tpu.memory_space<hbm>>
        tpu.wait_indirect_dma semaphore(%arg24 : memref<!tpu.dma_semaphore, #tpu.memory_space<semaphore_mem>>) src(%dma_wait3A_141 : memref<10000x128xf32, #tpu.memory_space<hbm>>) dst(%arg18 : memref<128x128xf32, #tpu.memory_space<vmem>>)
        "tpu.region"() ({
          %run_scoped3A = tpu.sem_alloc : memref<!tpu.dma_semaphore, #tpu.memory_space<semaphore_mem>>
          %dma_start3A_185 = arith.constant 0 : i32
          %dma_start3A_186 = arith.constant 0 : i32
          %dma_start3A_187 = tpu.memref_slice %arg8[%dma_start3A_185, %dma_start3A_186] : memref<10240x128xf32, #tpu.memory_space<vmem_shared>> -> memref<10240x128xf32, #tpu.memory_space<vmem_shared>>
          tpu.enqueue_indirect_dma source(%arg18 : memref<128x128xf32, #tpu.memory_space<vmem>>) target(%dma_start3A_187 : memref<10240x128xf32, #tpu.memory_space<vmem_shared>>) offsets(%arg14 : memref<128xi32, #tpu.memory_space<vmem>>) semaphore(%run_scoped3A : memref<!tpu.dma_semaphore, #tpu.memory_space<semaphore_mem>>) {add = true}
          %dma_wait3A_188 = arith.constant 0 : i32
          %dma_wait3A_189 = arith.constant 0 : i32
          %dma_wait3A_190 = tpu.memref_slice %arg8[%dma_wait3A_188, %dma_wait3A_189] : memref<10240x128xf32, #tpu.memory_space<vmem_shared>> -> memref<10240x128xf32, #tpu.memory_space<vmem_shared>>
          tpu.wait_indirect_dma semaphore(%run_scoped3A : memref<!tpu.dma_semaphore, #tpu.memory_space<semaphore_mem>>) src(%arg18 : memref<128x128xf32, #tpu.memory_space<vmem>>) dst(%dma_wait3A_190 : memref<10240x128xf32, #tpu.memory_space<vmem_shared>>)
          tpu.yield
        }) : () -> ()
        %lt3A_142 = arith.constant 19 : i32
        %lt3A_143 = arith.cmpi slt, %scan3A_97, %lt3A_142 : i32
        %convert_element_type3A_144 = arith.extui %lt3A_143 : i1 to i32
        %cond3A_145 = arith.constant 0 : i32
        %cond3A_146 = arith.cmpi ne, %convert_element_type3A_144, %cond3A_145 : i32
        scf.if %cond3A_146 {
          %mul3A_185 = arith.constant 4 : i32
          %mul3A_186 = arith.muli %mul3A_185, %scan3A_97 : i32
          %add3A_187 = arith.constant 4 : i32
          %add3A_188 = arith.addi %mul3A_186, %add3A_187 : i32
          %add3A_189 = arith.constant 1 : i32
          %add3A_190 = arith.addi %add3A_188, %add3A_189 : i32
          %add3A_191 = arith.addi %add3A, %add3A_190 : i32
          %dma_start3A_192 = arith.constant 0 : i32
          %dma_start3A_193 = tpu.memref_slice %arg4[%add3A_191, %dma_start3A_192] : memref<2560x128xi32, #tpu.memory_space<hbm>> -> memref<1x128xi32, #tpu.memory_space<hbm>>
          %dma_start3A_194 = tpu.memref_squeeze %dma_start3A_193 : memref<1x128xi32, #tpu.memory_space<hbm>> -> memref<128xi32, #tpu.memory_space<hbm>>
          %dma_start3A_195 = arith.constant 0 : i32
          %dma_start3A_196 = tpu.memref_slice %arg4[%add3A_191, %dma_start3A_195] : memref<2560x128xi32, #tpu.memory_space<hbm>> -> memref<1x128xi32, #tpu.memory_space<hbm>>
          %dma_start3A_197 = tpu.memref_squeeze %dma_start3A_196 : memref<1x128xi32, #tpu.memory_space<hbm>> -> memref<128xi32, #tpu.memory_space<hbm>>
          tpu.enqueue_dma source(%dma_start3A_197 : memref<128xi32, #tpu.memory_space<hbm>>) target(%arg10 : memref<128xi32, #tpu.memory_space<vmem>>) target_semaphore(%arg20 : memref<!tpu.dma_semaphore, #tpu.memory_space<semaphore_mem>>)
          %add3A_198 = arith.addi %add3A, %add3A_190 : i32
          %dma_start3A_199 = arith.constant 0 : i32
          %dma_start3A_200 = tpu.memref_slice %arg5[%add3A_198, %dma_start3A_199] : memref<2560x128xi32, #tpu.memory_space<hbm>> -> memref<1x128xi32, #tpu.memory_space<hbm>>
          %dma_start3A_201 = tpu.memref_squeeze %dma_start3A_200 : memref<1x128xi32, #tpu.memory_space<hbm>> -> memref<128xi32, #tpu.memory_space<hbm>>
          %dma_start3A_202 = arith.constant 0 : i32
          %dma_start3A_203 = tpu.memref_slice %arg5[%add3A_198, %dma_start3A_202] : memref<2560x128xi32, #tpu.memory_space<hbm>> -> memref<1x128xi32, #tpu.memory_space<hbm>>
          %dma_start3A_204 = tpu.memref_squeeze %dma_start3A_203 : memref<1x128xi32, #tpu.memory_space<hbm>> -> memref<128xi32, #tpu.memory_space<hbm>>
          tpu.enqueue_dma source(%dma_start3A_204 : memref<128xi32, #tpu.memory_space<hbm>>) target(%arg14 : memref<128xi32, #tpu.memory_space<vmem>>) target_semaphore(%arg20 : memref<!tpu.dma_semaphore, #tpu.memory_space<semaphore_mem>>)
        } else {
        }
        %dma_wait3A_147 = arith.constant 0 : i32
        %dma_wait3A_148 = arith.constant 0 : i32
        %dma_wait3A_149 = tpu.memref_slice %arg4[%dma_wait3A_147, %dma_wait3A_148] : memref<2560x128xi32, #tpu.memory_space<hbm>> -> memref<1x128xi32, #tpu.memory_space<hbm>>
        %dma_wait3A_150 = tpu.memref_squeeze %dma_wait3A_149 : memref<1x128xi32, #tpu.memory_space<hbm>> -> memref<128xi32, #tpu.memory_space<hbm>>
        %dma_wait3A_151 = arith.constant 0 : i32
        %dma_wait3A_152 = tpu.memref_slice %arg4[%dma_wait3A_147, %dma_wait3A_151] : memref<2560x128xi32, #tpu.memory_space<hbm>> -> memref<1x128xi32, #tpu.memory_space<hbm>>
        %dma_wait3A_153 = tpu.memref_squeeze %dma_wait3A_152 : memref<1x128xi32, #tpu.memory_space<hbm>> -> memref<128xi32, #tpu.memory_space<hbm>>
        tpu.wait_dma2 semaphore(%arg22 : memref<!tpu.dma_semaphore, #tpu.memory_space<semaphore_mem>>) src(%dma_wait3A_153 : memref<128xi32, #tpu.memory_space<hbm>>) dst(%arg12 : memref<128xi32, #tpu.memory_space<vmem>>)
        %dma_wait3A_154 = arith.constant 0 : i32
        %dma_wait3A_155 = arith.constant 0 : i32
        %dma_wait3A_156 = tpu.memref_slice %arg5[%dma_wait3A_154, %dma_wait3A_155] : memref<2560x128xi32, #tpu.memory_space<hbm>> -> memref<1x128xi32, #tpu.memory_space<hbm>>
        %dma_wait3A_157 = tpu.memref_squeeze %dma_wait3A_156 : memref<1x128xi32, #tpu.memory_space<hbm>> -> memref<128xi32, #tpu.memory_space<hbm>>
        %dma_wait3A_158 = arith.constant 0 : i32
        %dma_wait3A_159 = tpu.memref_slice %arg5[%dma_wait3A_154, %dma_wait3A_158] : memref<2560x128xi32, #tpu.memory_space<hbm>> -> memref<1x128xi32, #tpu.memory_space<hbm>>
        %dma_wait3A_160 = tpu.memref_squeeze %dma_wait3A_159 : memref<1x128xi32, #tpu.memory_space<hbm>> -> memref<128xi32, #tpu.memory_space<hbm>>
        tpu.wait_dma2 semaphore(%arg22 : memref<!tpu.dma_semaphore, #tpu.memory_space<semaphore_mem>>) src(%dma_wait3A_160 : memref<128xi32, #tpu.memory_space<hbm>>) dst(%arg16 : memref<128xi32, #tpu.memory_space<vmem>>)
        %dma_start3A_161 = arith.constant 0 : i32
        %dma_start3A_162 = arith.constant 0 : i32
        %dma_start3A_163 = tpu.memref_slice %arg3[%dma_start3A_161, %dma_start3A_162] : memref<10000x128xf32, #tpu.memory_space<hbm>> -> memref<10000x128xf32, #tpu.memory_space<hbm>>
        tpu.enqueue_indirect_dma source(%dma_start3A_163 : memref<10000x128xf32, #tpu.memory_space<hbm>>) target(%arg18 : memref<128x128xf32, #tpu.memory_space<vmem>>) offsets(%arg12 : memref<128xi32, #tpu.memory_space<vmem>>) semaphore(%arg24 : memref<!tpu.dma_semaphore, #tpu.memory_space<semaphore_mem>>)
        %dma_wait3A_164 = arith.constant 0 : i32
        %dma_wait3A_165 = arith.constant 0 : i32
        %dma_wait3A_166 = tpu.memref_slice %arg3[%dma_wait3A_164, %dma_wait3A_165] : memref<10000x128xf32, #tpu.memory_space<hbm>> -> memref<10000x128xf32, #tpu.memory_space<hbm>>
        tpu.wait_indirect_dma semaphore(%arg23 : memref<!tpu.dma_semaphore, #tpu.memory_space<semaphore_mem>>) src(%dma_wait3A_166 : memref<10000x128xf32, #tpu.memory_space<hbm>>) dst(%arg17 : memref<128x128xf32, #tpu.memory_space<vmem>>)
        "tpu.region"() ({
          %run_scoped3A = tpu.sem_alloc : memref<!tpu.dma_semaphore, #tpu.memory_space<semaphore_mem>>
          %dma_start3A_185 = arith.constant 0 : i32
          %dma_start3A_186 = arith.constant 0 : i32
          %dma_start3A_187 = tpu.memref_slice %arg8[%dma_start3A_185, %dma_start3A_186] : memref<10240x128xf32, #tpu.memory_space<vmem_shared>> -> memref<10240x128xf32, #tpu.memory_space<vmem_shared>>
          tpu.enqueue_indirect_dma source(%arg17 : memref<128x128xf32, #tpu.memory_space<vmem>>) target(%dma_start3A_187 : memref<10240x128xf32, #tpu.memory_space<vmem_shared>>) offsets(%arg15 : memref<128xi32, #tpu.memory_space<vmem>>) semaphore(%run_scoped3A : memref<!tpu.dma_semaphore, #tpu.memory_space<semaphore_mem>>) {add = true}
          %dma_wait3A_188 = arith.constant 0 : i32
          %dma_wait3A_189 = arith.constant 0 : i32
          %dma_wait3A_190 = tpu.memref_slice %arg8[%dma_wait3A_188, %dma_wait3A_189] : memref<10240x128xf32, #tpu.memory_space<vmem_shared>> -> memref<10240x128xf32, #tpu.memory_space<vmem_shared>>
          tpu.wait_indirect_dma semaphore(%run_scoped3A : memref<!tpu.dma_semaphore, #tpu.memory_space<semaphore_mem>>) src(%arg17 : memref<128x128xf32, #tpu.memory_space<vmem>>) dst(%dma_wait3A_190 : memref<10240x128xf32, #tpu.memory_space<vmem_shared>>)
          tpu.yield
        }) : () -> ()
        %lt3A_167 = arith.constant 19 : i32
        %lt3A_168 = arith.cmpi slt, %scan3A_97, %lt3A_167 : i32
        %convert_element_type3A_169 = arith.extui %lt3A_168 : i1 to i32
        %cond3A_170 = arith.constant 0 : i32
        %cond3A_171 = arith.cmpi ne, %convert_element_type3A_169, %cond3A_170 : i32
        scf.if %cond3A_171 {
          %mul3A_185 = arith.constant 4 : i32
          %mul3A_186 = arith.muli %mul3A_185, %scan3A_97 : i32
          %add3A_187 = arith.constant 4 : i32
          %add3A_188 = arith.addi %mul3A_186, %add3A_187 : i32
          %add3A_189 = arith.constant 2 : i32
          %add3A_190 = arith.addi %add3A_188, %add3A_189 : i32
          %add3A_191 = arith.addi %add3A, %add3A_190 : i32
          %dma_start3A_192 = arith.constant 0 : i32
          %dma_start3A_193 = tpu.memref_slice %arg4[%add3A_191, %dma_start3A_192] : memref<2560x128xi32, #tpu.memory_space<hbm>> -> memref<1x128xi32, #tpu.memory_space<hbm>>
          %dma_start3A_194 = tpu.memref_squeeze %dma_start3A_193 : memref<1x128xi32, #tpu.memory_space<hbm>> -> memref<128xi32, #tpu.memory_space<hbm>>
          %dma_start3A_195 = arith.constant 0 : i32
          %dma_start3A_196 = tpu.memref_slice %arg4[%add3A_191, %dma_start3A_195] : memref<2560x128xi32, #tpu.memory_space<hbm>> -> memref<1x128xi32, #tpu.memory_space<hbm>>
          %dma_start3A_197 = tpu.memref_squeeze %dma_start3A_196 : memref<1x128xi32, #tpu.memory_space<hbm>> -> memref<128xi32, #tpu.memory_space<hbm>>
          tpu.enqueue_dma source(%dma_start3A_197 : memref<128xi32, #tpu.memory_space<hbm>>) target(%arg11 : memref<128xi32, #tpu.memory_space<vmem>>) target_semaphore(%arg21 : memref<!tpu.dma_semaphore, #tpu.memory_space<semaphore_mem>>)
          %add3A_198 = arith.addi %add3A, %add3A_190 : i32
          %dma_start3A_199 = arith.constant 0 : i32
          %dma_start3A_200 = tpu.memref_slice %arg5[%add3A_198, %dma_start3A_199] : memref<2560x128xi32, #tpu.memory_space<hbm>> -> memref<1x128xi32, #tpu.memory_space<hbm>>
          %dma_start3A_201 = tpu.memref_squeeze %dma_start3A_200 : memref<1x128xi32, #tpu.memory_space<hbm>> -> memref<128xi32, #tpu.memory_space<hbm>>
          %dma_start3A_202 = arith.constant 0 : i32
          %dma_start3A_203 = tpu.memref_slice %arg5[%add3A_198, %dma_start3A_202] : memref<2560x128xi32, #tpu.memory_space<hbm>> -> memref<1x128xi32, #tpu.memory_space<hbm>>
          %dma_start3A_204 = tpu.memref_squeeze %dma_start3A_203 : memref<1x128xi32, #tpu.memory_space<hbm>> -> memref<128xi32, #tpu.memory_space<hbm>>
          tpu.enqueue_dma source(%dma_start3A_204 : memref<128xi32, #tpu.memory_space<hbm>>) target(%arg15 : memref<128xi32, #tpu.memory_space<vmem>>) target_semaphore(%arg21 : memref<!tpu.dma_semaphore, #tpu.memory_space<semaphore_mem>>)
        } else {
        }
        %lt3A_172 = arith.constant 19 : i32
        %lt3A_173 = arith.cmpi slt, %scan3A_97, %lt3A_172 : i32
        %convert_element_type3A_174 = arith.extui %lt3A_173 : i1 to i32
        %cond3A_175 = arith.constant 0 : i32
        %cond3A_176 = arith.cmpi ne, %convert_element_type3A_174, %cond3A_175 : i32
        scf.if %cond3A_176 {
          %dma_wait3A_185 = arith.constant 0 : i32
          %dma_wait3A_186 = arith.constant 0 : i32
          %dma_wait3A_187 = tpu.memref_slice %arg4[%dma_wait3A_185, %dma_wait3A_186] : memref<2560x128xi32, #tpu.memory_space<hbm>> -> memref<1x128xi32, #tpu.memory_space<hbm>>
          %dma_wait3A_188 = tpu.memref_squeeze %dma_wait3A_187 : memref<1x128xi32, #tpu.memory_space<hbm>> -> memref<128xi32, #tpu.memory_space<hbm>>
          %dma_wait3A_189 = arith.constant 0 : i32
          %dma_wait3A_190 = tpu.memref_slice %arg4[%dma_wait3A_185, %dma_wait3A_189] : memref<2560x128xi32, #tpu.memory_space<hbm>> -> memref<1x128xi32, #tpu.memory_space<hbm>>
          %dma_wait3A_191 = tpu.memref_squeeze %dma_wait3A_190 : memref<1x128xi32, #tpu.memory_space<hbm>> -> memref<128xi32, #tpu.memory_space<hbm>>
          tpu.wait_dma2 semaphore(%arg19 : memref<!tpu.dma_semaphore, #tpu.memory_space<semaphore_mem>>) src(%dma_wait3A_191 : memref<128xi32, #tpu.memory_space<hbm>>) dst(%arg9 : memref<128xi32, #tpu.memory_space<vmem>>)
          %dma_wait3A_192 = arith.constant 0 : i32
          %dma_wait3A_193 = arith.constant 0 : i32
          %dma_wait3A_194 = tpu.memref_slice %arg5[%dma_wait3A_192, %dma_wait3A_193] : memref<2560x128xi32, #tpu.memory_space<hbm>> -> memref<1x128xi32, #tpu.memory_space<hbm>>
          %dma_wait3A_195 = tpu.memref_squeeze %dma_wait3A_194 : memref<1x128xi32, #tpu.memory_space<hbm>> -> memref<128xi32, #tpu.memory_space<hbm>>
          %dma_wait3A_196 = arith.constant 0 : i32
          %dma_wait3A_197 = tpu.memref_slice %arg5[%dma_wait3A_192, %dma_wait3A_196] : memref<2560x128xi32, #tpu.memory_space<hbm>> -> memref<1x128xi32, #tpu.memory_space<hbm>>
          %dma_wait3A_198 = tpu.memref_squeeze %dma_wait3A_197 : memref<1x128xi32, #tpu.memory_space<hbm>> -> memref<128xi32, #tpu.memory_space<hbm>>
          tpu.wait_dma2 semaphore(%arg19 : memref<!tpu.dma_semaphore, #tpu.memory_space<semaphore_mem>>) src(%dma_wait3A_198 : memref<128xi32, #tpu.memory_space<hbm>>) dst(%arg13 : memref<128xi32, #tpu.memory_space<vmem>>)
          %dma_start3A_199 = arith.constant 0 : i32
          %dma_start3A_200 = arith.constant 0 : i32
          %dma_start3A_201 = tpu.memref_slice %arg3[%dma_start3A_199, %dma_start3A_200] : memref<10000x128xf32, #tpu.memory_space<hbm>> -> memref<10000x128xf32, #tpu.memory_space<hbm>>
          tpu.enqueue_indirect_dma source(%dma_start3A_201 : memref<10000x128xf32, #tpu.memory_space<hbm>>) target(%arg17 : memref<128x128xf32, #tpu.memory_space<vmem>>) offsets(%arg9 : memref<128xi32, #tpu.memory_space<vmem>>) semaphore(%arg23 : memref<!tpu.dma_semaphore, #tpu.memory_space<semaphore_mem>>)
        } else {
        }
        %dma_wait3A_177 = arith.constant 0 : i32
        %dma_wait3A_178 = arith.constant 0 : i32
        %dma_wait3A_179 = tpu.memref_slice %arg3[%dma_wait3A_177, %dma_wait3A_178] : memref<10000x128xf32, #tpu.memory_space<hbm>> -> memref<10000x128xf32, #tpu.memory_space<hbm>>
        tpu.wait_indirect_dma semaphore(%arg24 : memref<!tpu.dma_semaphore, #tpu.memory_space<semaphore_mem>>) src(%dma_wait3A_179 : memref<10000x128xf32, #tpu.memory_space<hbm>>) dst(%arg18 : memref<128x128xf32, #tpu.memory_space<vmem>>)
        "tpu.region"() ({
          %run_scoped3A = tpu.sem_alloc : memref<!tpu.dma_semaphore, #tpu.memory_space<semaphore_mem>>
          %dma_start3A_185 = arith.constant 0 : i32
          %dma_start3A_186 = arith.constant 0 : i32
          %dma_start3A_187 = tpu.memref_slice %arg8[%dma_start3A_185, %dma_start3A_186] : memref<10240x128xf32, #tpu.memory_space<vmem_shared>> -> memref<10240x128xf32, #tpu.memory_space<vmem_shared>>
          tpu.enqueue_indirect_dma source(%arg18 : memref<128x128xf32, #tpu.memory_space<vmem>>) target(%dma_start3A_187 : memref<10240x128xf32, #tpu.memory_space<vmem_shared>>) offsets(%arg16 : memref<128xi32, #tpu.memory_space<vmem>>) semaphore(%run_scoped3A : memref<!tpu.dma_semaphore, #tpu.memory_space<semaphore_mem>>) {add = true}
          %dma_wait3A_188 = arith.constant 0 : i32
          %dma_wait3A_189 = arith.constant 0 : i32
          %dma_wait3A_190 = tpu.memref_slice %arg8[%dma_wait3A_188, %dma_wait3A_189] : memref<10240x128xf32, #tpu.memory_space<vmem_shared>> -> memref<10240x128xf32, #tpu.memory_space<vmem_shared>>
          tpu.wait_indirect_dma semaphore(%run_scoped3A : memref<!tpu.dma_semaphore, #tpu.memory_space<semaphore_mem>>) src(%arg18 : memref<128x128xf32, #tpu.memory_space<vmem>>) dst(%dma_wait3A_190 : memref<10240x128xf32, #tpu.memory_space<vmem_shared>>)
          tpu.yield
        }) : () -> ()
        %lt3A_180 = arith.constant 19 : i32
        %lt3A_181 = arith.cmpi slt, %scan3A_97, %lt3A_180 : i32
        %convert_element_type3A_182 = arith.extui %lt3A_181 : i1 to i32
        %cond3A_183 = arith.constant 0 : i32
        %cond3A_184 = arith.cmpi ne, %convert_element_type3A_182, %cond3A_183 : i32
        scf.if %cond3A_184 {
          %mul3A_185 = arith.constant 4 : i32
          %mul3A_186 = arith.muli %mul3A_185, %scan3A_97 : i32
          %add3A_187 = arith.constant 4 : i32
          %add3A_188 = arith.addi %mul3A_186, %add3A_187 : i32
          %add3A_189 = arith.constant 3 : i32
          %add3A_190 = arith.addi %add3A_188, %add3A_189 : i32
          %add3A_191 = arith.addi %add3A, %add3A_190 : i32
          %dma_start3A_192 = arith.constant 0 : i32
          %dma_start3A_193 = tpu.memref_slice %arg4[%add3A_191, %dma_start3A_192] : memref<2560x128xi32, #tpu.memory_space<hbm>> -> memref<1x128xi32, #tpu.memory_space<hbm>>
          %dma_start3A_194 = tpu.memref_squeeze %dma_start3A_193 : memref<1x128xi32, #tpu.memory_space<hbm>> -> memref<128xi32, #tpu.memory_space<hbm>>
          %dma_start3A_195 = arith.constant 0 : i32
          %dma_start3A_196 = tpu.memref_slice %arg4[%add3A_191, %dma_start3A_195] : memref<2560x128xi32, #tpu.memory_space<hbm>> -> memref<1x128xi32, #tpu.memory_space<hbm>>
          %dma_start3A_197 = tpu.memref_squeeze %dma_start3A_196 : memref<1x128xi32, #tpu.memory_space<hbm>> -> memref<128xi32, #tpu.memory_space<hbm>>
          tpu.enqueue_dma source(%dma_start3A_197 : memref<128xi32, #tpu.memory_space<hbm>>) target(%arg12 : memref<128xi32, #tpu.memory_space<vmem>>) target_semaphore(%arg22 : memref<!tpu.dma_semaphore, #tpu.memory_space<semaphore_mem>>)
          %add3A_198 = arith.addi %add3A, %add3A_190 : i32
          %dma_start3A_199 = arith.constant 0 : i32
          %dma_start3A_200 = tpu.memref_slice %arg5[%add3A_198, %dma_start3A_199] : memref<2560x128xi32, #tpu.memory_space<hbm>> -> memref<1x128xi32, #tpu.memory_space<hbm>>
          %dma_start3A_201 = tpu.memref_squeeze %dma_start3A_200 : memref<1x128xi32, #tpu.memory_space<hbm>> -> memref<128xi32, #tpu.memory_space<hbm>>
          %dma_start3A_202 = arith.constant 0 : i32
          %dma_start3A_203 = tpu.memref_slice %arg5[%add3A_198, %dma_start3A_202] : memref<2560x128xi32, #tpu.memory_space<hbm>> -> memref<1x128xi32, #tpu.memory_space<hbm>>
          %dma_start3A_204 = tpu.memref_squeeze %dma_start3A_203 : memref<1x128xi32, #tpu.memory_space<hbm>> -> memref<128xi32, #tpu.memory_space<hbm>>
          tpu.enqueue_dma source(%dma_start3A_204 : memref<128xi32, #tpu.memory_space<hbm>>) target(%arg16 : memref<128xi32, #tpu.memory_space<vmem>>) target_semaphore(%arg22 : memref<!tpu.dma_semaphore, #tpu.memory_space<semaphore_mem>>)
        } else {
        }
      }
      %scan3A_96 = arith.constant 20 : i32
    } else {
    }
    %barrier3A_12 = arith.constant 0 : index
    tpu.barrier barrier_id(%barrier3A_12)
    "tpu.region"() ({
      %run_scoped3A = tpu.sem_alloc : memref<!tpu.dma_semaphore, #tpu.memory_space<semaphore_mem>>
      %dma_start3A = arith.constant 0 : i32
      %dma_start3A_13 = tpu.memref_slice %arg7[%arg0, %mul3A_0, %dma_start3A] : memref<2x10240x128xf32, #tpu.memory_space<hbm>> -> memref<1x640x128xf32, #tpu.memory_space<hbm>>
      %dma_start3A_14 = tpu.memref_squeeze %dma_start3A_13 : memref<1x640x128xf32, #tpu.memory_space<hbm>> -> memref<640x128xf32, #tpu.memory_space<hbm>>
      %dma_start3A_15 = arith.constant 0 : i32
      %dma_start3A_16 = tpu.memref_slice %arg8[%mul3A_0, %dma_start3A_15] : memref<10240x128xf32, #tpu.memory_space<vmem_shared>> -> memref<640x128xf32, #tpu.memory_space<vmem_shared>>
      tpu.enqueue_dma source(%dma_start3A_16 : memref<640x128xf32, #tpu.memory_space<vmem_shared>>) target(%dma_start3A_14 : memref<640x128xf32, #tpu.memory_space<hbm>>) target_semaphore(%run_scoped3A : memref<!tpu.dma_semaphore, #tpu.memory_space<semaphore_mem>>)
      %dma_wait3A = arith.constant 0 : i32
      %dma_wait3A_17 = tpu.memref_slice %arg7[%arg0, %mul3A_0, %dma_wait3A] : memref<2x10240x128xf32, #tpu.memory_space<hbm>> -> memref<1x640x128xf32, #tpu.memory_space<hbm>>
      %dma_wait3A_18 = tpu.memref_squeeze %dma_wait3A_17 : memref<1x640x128xf32, #tpu.memory_space<hbm>> -> memref<640x128xf32, #tpu.memory_space<hbm>>
      %dma_wait3A_19 = arith.constant 0 : i32
      %dma_wait3A_20 = tpu.memref_slice %arg8[%mul3A_0, %dma_wait3A_19] : memref<10240x128xf32, #tpu.memory_space<vmem_shared>> -> memref<640x128xf32, #tpu.memory_space<vmem_shared>>
      tpu.wait_dma2 semaphore(%run_scoped3A : memref<!tpu.dma_semaphore, #tpu.memory_space<semaphore_mem>>) src(%dma_wait3A_20 : memref<640x128xf32, #tpu.memory_space<vmem_shared>>) dst(%dma_wait3A_18 : memref<640x128xf32, #tpu.memory_space<hbm>>)
      tpu.yield
    }) : () -> ()
    return
  }
}

module attributes {stable_mosaic.version = 14 : i64} {
  func.func @_tc0_body(%arg0: i32, %arg1: memref<1000x128xf32, #tpu.memory_space<vmem>>, %arg2: memref<1000x128xf32, #tpu.memory_space<vmem>>, %arg3: memref<2x1000x128xf32, #tpu.memory_space<vmem>>, %arg4: memref<2x1000x128xf32, #tpu.memory_space<vmem>>, %arg5: memref<128x128xf32, #tpu.memory_space<vmem>>, %arg6: memref<1x128xf32, #tpu.memory_space<vmem>>, %arg7: memref<128x128xf32, #tpu.memory_space<vmem>>, %arg8: memref<1x128xf32, #tpu.memory_space<vmem>>, %arg9: memref<128x128xf32, #tpu.memory_space<vmem>>, %arg10: memref<128x128xf32, #tpu.memory_space<vmem>>, %arg11: memref<1000x128xf32, #tpu.memory_space<vmem>>, %arg12: memref<1000x128xf32, #tpu.memory_space<vmem>>, %arg13: memref<1000x128xf32, #tpu.memory_space<vmem>>) attributes {dimension_semantics = [#tpu.dimension_semantics<arbitrary>], iteration_bounds = array<i64: 10>, scalar_prefetch = 0 : i64, scratch_operands = 0 : i64, tpu.core_type = #tpu.core_type<tc>, window_params = [{transform_indices = @transform_0, window_bounds = array<i64: 1000, 128>}, {transform_indices = @transform_1, window_bounds = array<i64: 1000, 128>}, {transform_indices = @transform_2, window_bounds = array<i64: 2, 1000, 128>}, {transform_indices = @transform_3, window_bounds = array<i64: 2, 1000, 128>}, {pipeline_mode = #tpu.pipeline_mode<synchronous>, transform_indices = @transform_4, window_bounds = array<i64: 128, 128>}, {pipeline_mode = #tpu.pipeline_mode<synchronous>, transform_indices = @transform_5, window_bounds = array<i64: 1, 128>}, {pipeline_mode = #tpu.pipeline_mode<synchronous>, transform_indices = @transform_6, window_bounds = array<i64: 128, 128>}, {pipeline_mode = #tpu.pipeline_mode<synchronous>, transform_indices = @transform_7, window_bounds = array<i64: 1, 128>}, {pipeline_mode = #tpu.pipeline_mode<synchronous>, transform_indices = @transform_8, window_bounds = array<i64: 128, 128>}, {pipeline_mode = #tpu.pipeline_mode<synchronous>, transform_indices = @transform_9, window_bounds = array<i64: 128, 128>}, {transform_indices = @transform_10, window_bounds = array<i64: 1000, 128>}, {transform_indices = @transform_11, window_bounds = array<i64: 1000, 128>}, {transform_indices = @transform_12, window_bounds = array<i64: 1000, 128>}]} {
    %get3A = arith.constant 0 : index
    %get3A_0 = arith.constant 0 : index
    %get3A_1 = vector.load %arg1[%get3A, %get3A_0] : memref<1000x128xf32, #tpu.memory_space<vmem>>, vector<1000x128xf32>
    %get3A_2 = arith.constant 0 : index
    %get3A_3 = arith.constant 0 : index
    %get3A_4 = arith.constant 0 : index
    %get3A_5 = vector.load %arg4[%get3A_2, %get3A_3, %get3A_4] : memref<2x1000x128xf32, #tpu.memory_space<vmem>>, vector<1x1000x1xf32>
    %get3A_6 = vector.shape_cast %get3A_5 : vector<1x1000x1xf32> to vector<1000x1xf32>
    %max3A = arith.constant 1.000000e+00 : f32
    %max3A_7 = vector.broadcast %max3A : f32 to vector<1000x1xf32>
    %max3A_8 = arith.maximumf %get3A_6, %max3A_7 : vector<1000x1xf32>
    %get3A_9 = arith.constant 1 : index
    %get3A_10 = arith.constant 0 : index
    %get3A_11 = arith.constant 0 : index
    %get3A_12 = vector.load %arg4[%get3A_9, %get3A_10, %get3A_11] : memref<2x1000x128xf32, #tpu.memory_space<vmem>>, vector<1x1000x1xf32>
    %get3A_13 = vector.shape_cast %get3A_12 : vector<1x1000x1xf32> to vector<1000x1xf32>
    %max3A_14 = arith.constant 1.000000e+00 : f32
    %max3A_15 = vector.broadcast %max3A_14 : f32 to vector<1000x1xf32>
    %max3A_16 = arith.maximumf %get3A_13, %max3A_15 : vector<1000x1xf32>
    %get3A_17 = arith.constant 0 : index
    %get3A_18 = arith.constant 0 : index
    %get3A_19 = arith.constant 0 : index
    %get3A_20 = vector.load %arg3[%get3A_17, %get3A_18, %get3A_19] : memref<2x1000x128xf32, #tpu.memory_space<vmem>>, vector<1x1000x128xf32>
    %get3A_21 = vector.shape_cast %get3A_20 : vector<1x1000x128xf32> to vector<1000x128xf32>
    %div3A = vector.broadcast %max3A_8 : vector<1000x1xf32> to vector<1000x128xf32>
    %div3A_22 = arith.divf %get3A_21, %div3A : vector<1000x128xf32>
    %get3A_23 = arith.constant 1 : index
    %get3A_24 = arith.constant 0 : index
    %get3A_25 = arith.constant 0 : index
    %get3A_26 = vector.load %arg3[%get3A_23, %get3A_24, %get3A_25] : memref<2x1000x128xf32, #tpu.memory_space<vmem>>, vector<1x1000x128xf32>
    %get3A_27 = vector.shape_cast %get3A_26 : vector<1x1000x128xf32> to vector<1000x128xf32>
    %div3A_28 = vector.broadcast %max3A_16 : vector<1000x1xf32> to vector<1000x128xf32>
    %div3A_29 = arith.divf %get3A_27, %div3A_28 : vector<1000x128xf32>
    %get3A_30 = arith.constant 0 : index
    %get3A_31 = arith.constant 0 : index
    %get3A_32 = vector.load %arg5[%get3A_30, %get3A_31] : memref<128x128xf32, #tpu.memory_space<vmem>>, vector<128x128xf32>
    %get3A_33 = arith.constant 0 : index
    %get3A_34 = arith.constant 0 : index
    %get3A_35 = vector.load %arg9[%get3A_33, %get3A_34] : memref<128x128xf32, #tpu.memory_space<vmem>>, vector<128x128xf32>
    %get3A_36 = arith.constant 0 : index
    %get3A_37 = arith.constant 0 : index
    %get3A_38 = vector.load %arg10[%get3A_36, %get3A_37] : memref<128x128xf32, #tpu.memory_space<vmem>>, vector<128x128xf32>
    %get3A_39 = arith.constant 0 : index
    %get3A_40 = arith.constant 0 : index
    %get3A_41 = vector.load %arg6[%get3A_39, %get3A_40] : memref<1x128xf32, #tpu.memory_space<vmem>>, vector<1x128xf32>
    %dot_general3A = arith.constant dense<0.000000e+00> : vector<1000x128xf32>
    %dot_general3A_42 = tpu.matmul %get3A_1, %get3A_32, %dot_general3A {dimension_numbers = #tpu.dot_dimension_numbers<[1], [0], [0], [1], [0, 0, 1, 1], [], []>, transpose_lhs_hint = false} : vector<1000x128xf32>, vector<128x128xf32>, vector<1000x128xf32> -> vector<1000x128xf32>
    %add3A = vector.broadcast %get3A_41 : vector<1x128xf32> to vector<1000x128xf32>
    %add3A_43 = arith.addf %dot_general3A_42, %add3A : vector<1000x128xf32>
    %dot_general3A_44 = arith.constant dense<0.000000e+00> : vector<1000x128xf32>
    %dot_general3A_45 = tpu.matmul %div3A_22, %get3A_35, %dot_general3A_44 {dimension_numbers = #tpu.dot_dimension_numbers<[1], [0], [0], [1], [0, 0, 1, 1], [], []>, transpose_lhs_hint = false} : vector<1000x128xf32>, vector<128x128xf32>, vector<1000x128xf32> -> vector<1000x128xf32>
    %add3A_46 = arith.addf %add3A_43, %dot_general3A_45 : vector<1000x128xf32>
    %dot_general3A_47 = arith.constant dense<0.000000e+00> : vector<1000x128xf32>
    %dot_general3A_48 = tpu.matmul %div3A_29, %get3A_38, %dot_general3A_47 {dimension_numbers = #tpu.dot_dimension_numbers<[1], [0], [0], [1], [0, 0, 1, 1], [], []>, transpose_lhs_hint = false} : vector<1000x128xf32>, vector<128x128xf32>, vector<1000x128xf32> -> vector<1000x128xf32>
    %add3A_49 = arith.addf %add3A_46, %dot_general3A_48 : vector<1000x128xf32>
    %max3A_50 = arith.constant 0.000000e+00 : f32
    %max3A_51 = vector.broadcast %max3A_50 : f32 to vector<1000x128xf32>
    %max3A_52 = arith.maximumf %add3A_49, %max3A_51 : vector<1000x128xf32>
    %swap3A = arith.constant 0 : index
    %swap3A_53 = arith.constant 0 : index
    %swap3A_54 = vector.load %arg11[%swap3A, %swap3A_53] : memref<1000x128xf32, #tpu.memory_space<vmem>>, vector<1000x128xf32>
    tpu.vector_store %arg11[%swap3A, %swap3A_53], %max3A_52 {strides = array<i32>} : memref<1000x128xf32, #tpu.memory_space<vmem>>, vector<1000x128xf32>,
    %get3A_55 = arith.constant 0 : index
    %get3A_56 = arith.constant 0 : index
    %get3A_57 = vector.load %arg2[%get3A_55, %get3A_56] : memref<1000x128xf32, #tpu.memory_space<vmem>>, vector<1000x128xf32>
    %get3A_58 = arith.constant 0 : index
    %get3A_59 = arith.constant 0 : index
    %get3A_60 = vector.load %arg7[%get3A_58, %get3A_59] : memref<128x128xf32, #tpu.memory_space<vmem>>, vector<128x128xf32>
    %dot_general3A_61 = arith.constant dense<0.000000e+00> : vector<1000x128xf32>
    %dot_general3A_62 = tpu.matmul %get3A_57, %get3A_60, %dot_general3A_61 {dimension_numbers = #tpu.dot_dimension_numbers<[1], [0], [0], [1], [0, 0, 1, 1], [], []>, transpose_lhs_hint = false} : vector<1000x128xf32>, vector<128x128xf32>, vector<1000x128xf32> -> vector<1000x128xf32>
    %get3A_63 = arith.constant 0 : index
    %get3A_64 = arith.constant 0 : index
    %get3A_65 = vector.load %arg8[%get3A_63, %get3A_64] : memref<1x128xf32, #tpu.memory_space<vmem>>, vector<1x128xf32>
    %add3A_66 = vector.broadcast %get3A_65 : vector<1x128xf32> to vector<1000x128xf32>
    %add3A_67 = arith.addf %dot_general3A_62, %add3A_66 : vector<1000x128xf32>
    %max3A_68 = arith.constant 0.000000e+00 : f32
    %max3A_69 = vector.broadcast %max3A_68 : f32 to vector<1000x128xf32>
    %max3A_70 = arith.maximumf %add3A_67, %max3A_69 : vector<1000x128xf32>
    %swap3A_71 = arith.constant 0 : index
    %swap3A_72 = arith.constant 0 : index
    %swap3A_73 = vector.load %arg12[%swap3A_71, %swap3A_72] : memref<1000x128xf32, #tpu.memory_space<vmem>>, vector<1000x128xf32>
    tpu.vector_store %arg12[%swap3A_71, %swap3A_72], %max3A_70 {strides = array<i32>} : memref<1000x128xf32, #tpu.memory_space<vmem>>, vector<1000x128xf32>,
    %add3A_74 = arith.addf %get3A_32, %get3A_35 : vector<128x128xf32>
    %add3A_75 = arith.addf %add3A_74, %get3A_38 : vector<128x128xf32>
    %dot_general3A_76 = arith.constant dense<0.000000e+00> : vector<1000x128xf32>
    %dot_general3A_77 = tpu.matmul %get3A_1, %add3A_75, %dot_general3A_76 {dimension_numbers = #tpu.dot_dimension_numbers<[1], [0], [0], [1], [0, 0, 1, 1], [], []>, transpose_lhs_hint = false} : vector<1000x128xf32>, vector<128x128xf32>, vector<1000x128xf32> -> vector<1000x128xf32>
    %add3A_78 = vector.broadcast %get3A_41 : vector<1x128xf32> to vector<1000x128xf32>
    %add3A_79 = arith.addf %dot_general3A_77, %add3A_78 : vector<1000x128xf32>
    %max3A_80 = arith.constant 0.000000e+00 : f32
    %max3A_81 = vector.broadcast %max3A_80 : f32 to vector<1000x128xf32>
    %max3A_82 = arith.maximumf %add3A_79, %max3A_81 : vector<1000x128xf32>
    %swap3A_83 = arith.constant 0 : index
    %swap3A_84 = arith.constant 0 : index
    %swap3A_85 = vector.load %arg13[%swap3A_83, %swap3A_84] : memref<1000x128xf32, #tpu.memory_space<vmem>>, vector<1000x128xf32>
    tpu.vector_store %arg13[%swap3A_83, %swap3A_84], %max3A_82 {strides = array<i32>} : memref<1000x128xf32, #tpu.memory_space<vmem>>, vector<1000x128xf32>,
    return
  }
  func.func @transform_0(%arg0: i32) -> (i32, i32) {
    %c0_i32 = arith.constant 0 : i32
    %c0_i32_0 = arith.constant 0 : i32
    return %arg0, %c0_i32 : i32, i32
  }
  func.func @transform_1(%arg0: i32) -> (i32, i32) {
    %c0_i32 = arith.constant 0 : i32
    %c0_i32_0 = arith.constant 0 : i32
    return %arg0, %c0_i32 : i32, i32
  }
  func.func @transform_2(%arg0: i32) -> (i32, i32, i32) {
    %c0_i32 = arith.constant 0 : i32
    %c0_i32_0 = arith.constant 0 : i32
    %c0_i32_1 = arith.constant 0 : i32
    return %c0_i32, %arg0, %c0_i32_0 : i32, i32, i32
  }
  func.func @transform_3(%arg0: i32) -> (i32, i32, i32) {
    %c0_i32 = arith.constant 0 : i32
    %c0_i32_0 = arith.constant 0 : i32
    %c0_i32_1 = arith.constant 0 : i32
    return %c0_i32, %arg0, %c0_i32_0 : i32, i32, i32
  }
  func.func @transform_4(%arg0: i32) -> (i32, i32) {
    %c0_i32 = arith.constant 0 : i32
    %c0_i32_0 = arith.constant 0 : i32
    %c0_i32_1 = arith.constant 0 : i32
    return %c0_i32, %c0_i32_0 : i32, i32
  }
  func.func @transform_5(%arg0: i32) -> (i32, i32) {
    %c0_i32 = arith.constant 0 : i32
    %c0_i32_0 = arith.constant 0 : i32
    %c0_i32_1 = arith.constant 0 : i32
    return %c0_i32, %c0_i32_0 : i32, i32
  }
  func.func @transform_6(%arg0: i32) -> (i32, i32) {
    %c0_i32 = arith.constant 0 : i32
    %c0_i32_0 = arith.constant 0 : i32
    %c0_i32_1 = arith.constant 0 : i32
    return %c0_i32, %c0_i32_0 : i32, i32
  }
  func.func @transform_7(%arg0: i32) -> (i32, i32) {
    %c0_i32 = arith.constant 0 : i32
    %c0_i32_0 = arith.constant 0 : i32
    %c0_i32_1 = arith.constant 0 : i32
    return %c0_i32, %c0_i32_0 : i32, i32
  }
  func.func @transform_8(%arg0: i32) -> (i32, i32) {
    %c0_i32 = arith.constant 0 : i32
    %c0_i32_0 = arith.constant 0 : i32
    %c0_i32_1 = arith.constant 0 : i32
    return %c0_i32, %c0_i32_0 : i32, i32
  }
  func.func @transform_9(%arg0: i32) -> (i32, i32) {
    %c0_i32 = arith.constant 0 : i32
    %c0_i32_0 = arith.constant 0 : i32
    %c0_i32_1 = arith.constant 0 : i32
    return %c0_i32, %c0_i32_0 : i32, i32
  }
  func.func @transform_10(%arg0: i32) -> (i32, i32) {
    %c0_i32 = arith.constant 0 : i32
    %c0_i32_0 = arith.constant 0 : i32
    return %arg0, %c0_i32 : i32, i32
  }
  func.func @transform_11(%arg0: i32) -> (i32, i32) {
    %c0_i32 = arith.constant 0 : i32
    %c0_i32_0 = arith.constant 0 : i32
    return %arg0, %c0_i32 : i32, i32
  }
  func.func @transform_12(%arg0: i32) -> (i32, i32) {
    %c0_i32 = arith.constant 0 : i32
    %c0_i32_0 = arith.constant 0 : i32
    return %arg0, %c0_i32 : i32, i32
  }
}

module attributes {stable_mosaic.version = 14 : i64} {
  func.func @_tc1_body(%arg0: i32, %arg1: memref<1000x128xf32, #tpu.memory_space<vmem>>, %arg2: memref<1000x128xf32, #tpu.memory_space<vmem>>, %arg3: memref<2x1000x128xf32, #tpu.memory_space<vmem>>, %arg4: memref<2x1000x128xf32, #tpu.memory_space<vmem>>, %arg5: memref<128x128xf32, #tpu.memory_space<vmem>>, %arg6: memref<1x128xf32, #tpu.memory_space<vmem>>, %arg7: memref<128x128xf32, #tpu.memory_space<vmem>>, %arg8: memref<128x128xf32, #tpu.memory_space<vmem>>, %arg9: memref<128x349xf32, #tpu.memory_space<vmem>>, %arg10: memref<1x349xf32, #tpu.memory_space<vmem>>, %arg11: memref<1000x349xf32, #tpu.memory_space<vmem>>, %arg12: memref<1000x128xf32, #tpu.memory_space<vmem>>) attributes {dimension_semantics = [#tpu.dimension_semantics<arbitrary>], iteration_bounds = array<i64: 10>, scalar_prefetch = 0 : i64, scratch_operands = 0 : i64, tpu.core_type = #tpu.core_type<tc>, window_params = [{transform_indices = @transform_0, window_bounds = array<i64: 1000, 128>}, {transform_indices = @transform_1, window_bounds = array<i64: 1000, 128>}, {transform_indices = @transform_2, window_bounds = array<i64: 2, 1000, 128>}, {transform_indices = @transform_3, window_bounds = array<i64: 2, 1000, 128>}, {pipeline_mode = #tpu.pipeline_mode<synchronous>, transform_indices = @transform_4, window_bounds = array<i64: 128, 128>}, {pipeline_mode = #tpu.pipeline_mode<synchronous>, transform_indices = @transform_5, window_bounds = array<i64: 1, 128>}, {pipeline_mode = #tpu.pipeline_mode<synchronous>, transform_indices = @transform_6, window_bounds = array<i64: 128, 128>}, {pipeline_mode = #tpu.pipeline_mode<synchronous>, transform_indices = @transform_7, window_bounds = array<i64: 128, 128>}, {pipeline_mode = #tpu.pipeline_mode<synchronous>, transform_indices = @transform_8, window_bounds = array<i64: 128, 349>}, {pipeline_mode = #tpu.pipeline_mode<synchronous>, transform_indices = @transform_9, window_bounds = array<i64: 1, 349>}, {transform_indices = @transform_10, window_bounds = array<i64: 1000, 349>}, {transform_indices = @transform_11, window_bounds = array<i64: 1000, 128>}]} {
    %get3A = arith.constant 0 : index
    %get3A_0 = arith.constant 0 : index
    %get3A_1 = vector.load %arg1[%get3A, %get3A_0] : memref<1000x128xf32, #tpu.memory_space<vmem>>, vector<1000x128xf32>
    %get3A_2 = arith.constant 0 : index
    %get3A_3 = arith.constant 0 : index
    %get3A_4 = vector.load %arg2[%get3A_2, %get3A_3] : memref<1000x128xf32, #tpu.memory_space<vmem>>, vector<1000x128xf32>
    %get3A_5 = arith.constant 0 : index
    %get3A_6 = arith.constant 0 : index
    %get3A_7 = arith.constant 0 : index
    %get3A_8 = vector.load %arg4[%get3A_5, %get3A_6, %get3A_7] : memref<2x1000x128xf32, #tpu.memory_space<vmem>>, vector<1x1000x1xf32>
    %get3A_9 = vector.shape_cast %get3A_8 : vector<1x1000x1xf32> to vector<1000x1xf32>
    %max3A = arith.constant 1.000000e+00 : f32
    %max3A_10 = vector.broadcast %max3A : f32 to vector<1000x1xf32>
    %max3A_11 = arith.maximumf %get3A_9, %max3A_10 : vector<1000x1xf32>
    %get3A_12 = arith.constant 1 : index
    %get3A_13 = arith.constant 0 : index
    %get3A_14 = arith.constant 0 : index
    %get3A_15 = vector.load %arg4[%get3A_12, %get3A_13, %get3A_14] : memref<2x1000x128xf32, #tpu.memory_space<vmem>>, vector<1x1000x1xf32>
    %get3A_16 = vector.shape_cast %get3A_15 : vector<1x1000x1xf32> to vector<1000x1xf32>
    %max3A_17 = arith.constant 1.000000e+00 : f32
    %max3A_18 = vector.broadcast %max3A_17 : f32 to vector<1000x1xf32>
    %max3A_19 = arith.maximumf %get3A_16, %max3A_18 : vector<1000x1xf32>
    %get3A_20 = arith.constant 0 : index
    %get3A_21 = arith.constant 0 : index
    %get3A_22 = arith.constant 0 : index
    %get3A_23 = vector.load %arg3[%get3A_20, %get3A_21, %get3A_22] : memref<2x1000x128xf32, #tpu.memory_space<vmem>>, vector<1x1000x128xf32>
    %get3A_24 = vector.shape_cast %get3A_23 : vector<1x1000x128xf32> to vector<1000x128xf32>
    %div3A = vector.broadcast %max3A_11 : vector<1000x1xf32> to vector<1000x128xf32>
    %div3A_25 = arith.divf %get3A_24, %div3A : vector<1000x128xf32>
    %get3A_26 = arith.constant 1 : index
    %get3A_27 = arith.constant 0 : index
    %get3A_28 = arith.constant 0 : index
    %get3A_29 = vector.load %arg3[%get3A_26, %get3A_27, %get3A_28] : memref<2x1000x128xf32, #tpu.memory_space<vmem>>, vector<1x1000x128xf32>
    %get3A_30 = vector.shape_cast %get3A_29 : vector<1x1000x128xf32> to vector<1000x128xf32>
    %div3A_31 = vector.broadcast %max3A_19 : vector<1000x1xf32> to vector<1000x128xf32>
    %div3A_32 = arith.divf %get3A_30, %div3A_31 : vector<1000x128xf32>
    %get3A_33 = arith.constant 0 : index
    %get3A_34 = arith.constant 0 : index
    %get3A_35 = vector.load %arg5[%get3A_33, %get3A_34] : memref<128x128xf32, #tpu.memory_space<vmem>>, vector<128x128xf32>
    %get3A_36 = arith.constant 0 : index
    %get3A_37 = arith.constant 0 : index
    %get3A_38 = vector.load %arg7[%get3A_36, %get3A_37] : memref<128x128xf32, #tpu.memory_space<vmem>>, vector<128x128xf32>
    %get3A_39 = arith.constant 0 : index
    %get3A_40 = arith.constant 0 : index
    %get3A_41 = vector.load %arg8[%get3A_39, %get3A_40] : memref<128x128xf32, #tpu.memory_space<vmem>>, vector<128x128xf32>
    %get3A_42 = arith.constant 0 : index
    %get3A_43 = arith.constant 0 : index
    %get3A_44 = vector.load %arg6[%get3A_42, %get3A_43] : memref<1x128xf32, #tpu.memory_space<vmem>>, vector<1x128xf32>
    %dot_general3A = arith.constant dense<0.000000e+00> : vector<1000x128xf32>
    %dot_general3A_45 = tpu.matmul %get3A_1, %get3A_35, %dot_general3A {dimension_numbers = #tpu.dot_dimension_numbers<[1], [0], [0], [1], [0, 0, 1, 1], [], []>, transpose_lhs_hint = false} : vector<1000x128xf32>, vector<128x128xf32>, vector<1000x128xf32> -> vector<1000x128xf32>
    %add3A = vector.broadcast %get3A_44 : vector<1x128xf32> to vector<1000x128xf32>
    %add3A_46 = arith.addf %dot_general3A_45, %add3A : vector<1000x128xf32>
    %dot_general3A_47 = arith.constant dense<0.000000e+00> : vector<1000x128xf32>
    %dot_general3A_48 = tpu.matmul %div3A_25, %get3A_38, %dot_general3A_47 {dimension_numbers = #tpu.dot_dimension_numbers<[1], [0], [0], [1], [0, 0, 1, 1], [], []>, transpose_lhs_hint = false} : vector<1000x128xf32>, vector<128x128xf32>, vector<1000x128xf32> -> vector<1000x128xf32>
    %add3A_49 = arith.addf %add3A_46, %dot_general3A_48 : vector<1000x128xf32>
    %dot_general3A_50 = arith.constant dense<0.000000e+00> : vector<1000x128xf32>
    %dot_general3A_51 = tpu.matmul %div3A_32, %get3A_41, %dot_general3A_50 {dimension_numbers = #tpu.dot_dimension_numbers<[1], [0], [0], [1], [0, 0, 1, 1], [], []>, transpose_lhs_hint = false} : vector<1000x128xf32>, vector<128x128xf32>, vector<1000x128xf32> -> vector<1000x128xf32>
    %add3A_52 = arith.addf %add3A_49, %dot_general3A_51 : vector<1000x128xf32>
    %max3A_53 = arith.constant 0.000000e+00 : f32
    %max3A_54 = vector.broadcast %max3A_53 : f32 to vector<1000x128xf32>
    %max3A_55 = arith.maximumf %add3A_52, %max3A_54 : vector<1000x128xf32>
    %add3A_56 = arith.addf %get3A_35, %get3A_38 : vector<128x128xf32>
    %add3A_57 = arith.addf %add3A_56, %get3A_41 : vector<128x128xf32>
    %dot_general3A_58 = arith.constant dense<0.000000e+00> : vector<1000x128xf32>
    %dot_general3A_59 = tpu.matmul %get3A_4, %add3A_57, %dot_general3A_58 {dimension_numbers = #tpu.dot_dimension_numbers<[1], [0], [0], [1], [0, 0, 1, 1], [], []>, transpose_lhs_hint = false} : vector<1000x128xf32>, vector<128x128xf32>, vector<1000x128xf32> -> vector<1000x128xf32>
    %add3A_60 = vector.broadcast %get3A_44 : vector<1x128xf32> to vector<1000x128xf32>
    %add3A_61 = arith.addf %dot_general3A_59, %add3A_60 : vector<1000x128xf32>
    %max3A_62 = arith.constant 0.000000e+00 : f32
    %max3A_63 = vector.broadcast %max3A_62 : f32 to vector<1000x128xf32>
    %max3A_64 = arith.maximumf %add3A_61, %max3A_63 : vector<1000x128xf32>
    %mul3A = arith.mulf %get3A_1, %get3A_4 : vector<1000x128xf32>
    %reduce_sum3A = arith.constant dense<0.000000e+00> : vector<1000xf32>
    %reduce_sum3A_65 = vector.multi_reduction <add>, %mul3A, %reduce_sum3A [1] : vector<1000x128xf32> to vector<1000xf32>
    %broadcast_in_dim3A = vector.shape_cast %reduce_sum3A_65 : vector<1000xf32> to vector<1000x1xf32>
    %mul3A_66 = arith.mulf %get3A_1, %get3A_1 : vector<1000x128xf32>
    %reduce_sum3A_67 = arith.constant dense<0.000000e+00> : vector<1000xf32>
    %reduce_sum3A_68 = vector.multi_reduction <add>, %mul3A_66, %reduce_sum3A_67 [1] : vector<1000x128xf32> to vector<1000xf32>
    %broadcast_in_dim3A_69 = vector.shape_cast %reduce_sum3A_68 : vector<1000xf32> to vector<1000x1xf32>
    %sqrt3A = math.sqrt %broadcast_in_dim3A_69 : vector<1000x1xf32>
    %mul3A_70 = arith.mulf %get3A_4, %get3A_4 : vector<1000x128xf32>
    %reduce_sum3A_71 = arith.constant dense<0.000000e+00> : vector<1000xf32>
    %reduce_sum3A_72 = vector.multi_reduction <add>, %mul3A_70, %reduce_sum3A_71 [1] : vector<1000x128xf32> to vector<1000xf32>
    %broadcast_in_dim3A_73 = vector.shape_cast %reduce_sum3A_72 : vector<1000xf32> to vector<1000x1xf32>
    %sqrt3A_74 = math.sqrt %broadcast_in_dim3A_73 : vector<1000x1xf32>
    %mul3A_75 = arith.mulf %sqrt3A, %sqrt3A_74 : vector<1000x1xf32>
    %add3A_76 = arith.constant 9.99999993E-9 : f32
    %add3A_77 = vector.broadcast %add3A_76 : f32 to vector<1000x1xf32>
    %add3A_78 = arith.addf %mul3A_75, %add3A_77 : vector<1000x1xf32>
    %div3A_79 = arith.divf %broadcast_in_dim3A, %add3A_78 : vector<1000x1xf32>
    %mul3A_80 = arith.mulf %max3A_55, %max3A_64 : vector<1000x128xf32>
    %reduce_sum3A_81 = arith.constant dense<0.000000e+00> : vector<1000xf32>
    %reduce_sum3A_82 = vector.multi_reduction <add>, %mul3A_80, %reduce_sum3A_81 [1] : vector<1000x128xf32> to vector<1000xf32>
    %broadcast_in_dim3A_83 = vector.shape_cast %reduce_sum3A_82 : vector<1000xf32> to vector<1000x1xf32>
    %mul3A_84 = arith.mulf %max3A_55, %max3A_55 : vector<1000x128xf32>
    %reduce_sum3A_85 = arith.constant dense<0.000000e+00> : vector<1000xf32>
    %reduce_sum3A_86 = vector.multi_reduction <add>, %mul3A_84, %reduce_sum3A_85 [1] : vector<1000x128xf32> to vector<1000xf32>
    %broadcast_in_dim3A_87 = vector.shape_cast %reduce_sum3A_86 : vector<1000xf32> to vector<1000x1xf32>
    %sqrt3A_88 = math.sqrt %broadcast_in_dim3A_87 : vector<1000x1xf32>
    %mul3A_89 = arith.mulf %max3A_64, %max3A_64 : vector<1000x128xf32>
    %reduce_sum3A_90 = arith.constant dense<0.000000e+00> : vector<1000xf32>
    %reduce_sum3A_91 = vector.multi_reduction <add>, %mul3A_89, %reduce_sum3A_90 [1] : vector<1000x128xf32> to vector<1000xf32>
    %broadcast_in_dim3A_92 = vector.shape_cast %reduce_sum3A_91 : vector<1000xf32> to vector<1000x1xf32>
    %sqrt3A_93 = math.sqrt %broadcast_in_dim3A_92 : vector<1000x1xf32>
    %mul3A_94 = arith.mulf %sqrt3A_88, %sqrt3A_93 : vector<1000x1xf32>
    %add3A_95 = arith.constant 9.99999993E-9 : f32
    %add3A_96 = vector.broadcast %add3A_95 : f32 to vector<1000x1xf32>
    %add3A_97 = arith.addf %mul3A_94, %add3A_96 : vector<1000x1xf32>
    %div3A_98 = arith.divf %broadcast_in_dim3A_83, %add3A_97 : vector<1000x1xf32>
    %max3A_99 = arith.maximumf %div3A_79, %div3A_98 : vector<1000x1xf32>
    %sub3A = arith.subf %div3A_79, %max3A_99 : vector<1000x1xf32>
    %exp3A = math.exp %sub3A : vector<1000x1xf32>
    %sub3A_100 = arith.subf %div3A_98, %max3A_99 : vector<1000x1xf32>
    %exp3A_101 = math.exp %sub3A_100 : vector<1000x1xf32>
    %add3A_102 = arith.addf %exp3A, %exp3A_101 : vector<1000x1xf32>
    %div3A_103 = arith.divf %exp3A, %add3A_102 : vector<1000x1xf32>
    %div3A_104 = arith.divf %exp3A_101, %add3A_102 : vector<1000x1xf32>
    %mul3A_105 = vector.broadcast %div3A_103 : vector<1000x1xf32> to vector<1000x128xf32>
    %mul3A_106 = arith.mulf %mul3A_105, %get3A_1 : vector<1000x128xf32>
    %mul3A_107 = vector.broadcast %div3A_104 : vector<1000x1xf32> to vector<1000x128xf32>
    %mul3A_108 = arith.mulf %mul3A_107, %max3A_55 : vector<1000x128xf32>
    %add3A_109 = arith.addf %mul3A_106, %mul3A_108 : vector<1000x128xf32>
    %get3A_110 = arith.constant 0 : index
    %get3A_111 = arith.constant 0 : index
    %get3A_112 = vector.load %arg9[%get3A_110, %get3A_111] : memref<128x349xf32, #tpu.memory_space<vmem>>, vector<128x349xf32>
    %dot_general3A_113 = arith.constant dense<0.000000e+00> : vector<1000x349xf32>
    %dot_general3A_114 = tpu.matmul %add3A_109, %get3A_112, %dot_general3A_113 {dimension_numbers = #tpu.dot_dimension_numbers<[1], [0], [0], [1], [0, 0, 1, 1], [], []>, transpose_lhs_hint = false} : vector<1000x128xf32>, vector<128x349xf32>, vector<1000x349xf32> -> vector<1000x349xf32>
    %get3A_115 = arith.constant 0 : index
    %get3A_116 = arith.constant 0 : index
    %get3A_117 = vector.load %arg10[%get3A_115, %get3A_116] : memref<1x349xf32, #tpu.memory_space<vmem>>, vector<1x349xf32>
    %add3A_118 = vector.broadcast %get3A_117 : vector<1x349xf32> to vector<1000x349xf32>
    %add3A_119 = arith.addf %dot_general3A_114, %add3A_118 : vector<1000x349xf32>
    %swap3A = arith.constant 0 : index
    %swap3A_120 = arith.constant 0 : index
    %swap3A_121 = vector.load %arg11[%swap3A, %swap3A_120] : memref<1000x349xf32, #tpu.memory_space<vmem>>, vector<1000x349xf32>
    tpu.vector_store %arg11[%swap3A, %swap3A_120], %add3A_119 {strides = array<i32>} : memref<1000x349xf32, #tpu.memory_space<vmem>>, vector<1000x349xf32>,
    %iota3A = tpu.iota {dimensions = array<i32: 1>} : vector<1000x128xi32>
    %eq3A = arith.constant 0 : i32
    %eq3A_122 = vector.broadcast %eq3A : i32 to vector<1000x128xi32>
    %eq3A_123 = arith.cmpi eq, %iota3A, %eq3A_122 : vector<1000x128xi32>
    %eq3A_124 = arith.constant 1 : i32
    %eq3A_125 = vector.broadcast %eq3A_124 : i32 to vector<1000x128xi32>
    %eq3A_126 = arith.cmpi eq, %iota3A, %eq3A_125 : vector<1000x128xi32>
    %jit3A = arith.constant 0.000000e+00 : f32
    %broadcast_in_dim3A_127 = vector.shape_cast %div3A_104 : vector<1000x1xf32> to vector<1000x1xf32>
    %broadcast_in_dim3A_128 = vector.broadcast %broadcast_in_dim3A_127 : vector<1000x1xf32> to vector<1000x128xf32>
    %broadcast_in_dim3A_129 = vector.broadcast %jit3A : f32 to vector<1000x128xf32>
    %select_n3A = arith.select %eq3A_126, %broadcast_in_dim3A_128, %broadcast_in_dim3A_129 : vector<1000x128xi1>, vector<1000x128xf32>
    %broadcast_in_dim3A_130 = vector.shape_cast %div3A_103 : vector<1000x1xf32> to vector<1000x1xf32>
    %broadcast_in_dim3A_131 = vector.broadcast %broadcast_in_dim3A_130 : vector<1000x1xf32> to vector<1000x128xf32>
    %select_n3A_132 = arith.select %eq3A_123, %broadcast_in_dim3A_131, %select_n3A : vector<1000x128xi1>, vector<1000x128xf32>
    %swap3A_133 = arith.constant 0 : index
    %swap3A_134 = arith.constant 0 : index
    %swap3A_135 = vector.load %arg12[%swap3A_133, %swap3A_134] : memref<1000x128xf32, #tpu.memory_space<vmem>>, vector<1000x128xf32>
    tpu.vector_store %arg12[%swap3A_133, %swap3A_134], %select_n3A_132 {strides = array<i32>} : memref<1000x128xf32, #tpu.memory_space<vmem>>, vector<1000x128xf32>,
    return
  }
  func.func @transform_0(%arg0: i32) -> (i32, i32) {
    %c0_i32 = arith.constant 0 : i32
    %c0_i32_0 = arith.constant 0 : i32
    return %arg0, %c0_i32 : i32, i32
  }
  func.func @transform_1(%arg0: i32) -> (i32, i32) {
    %c0_i32 = arith.constant 0 : i32
    %c0_i32_0 = arith.constant 0 : i32
    return %arg0, %c0_i32 : i32, i32
  }
  func.func @transform_2(%arg0: i32) -> (i32, i32, i32) {
    %c0_i32 = arith.constant 0 : i32
    %c0_i32_0 = arith.constant 0 : i32
    %c0_i32_1 = arith.constant 0 : i32
    return %c0_i32, %arg0, %c0_i32_0 : i32, i32, i32
  }
  func.func @transform_3(%arg0: i32) -> (i32, i32, i32) {
    %c0_i32 = arith.constant 0 : i32
    %c0_i32_0 = arith.constant 0 : i32
    %c0_i32_1 = arith.constant 0 : i32
    return %c0_i32, %arg0, %c0_i32_0 : i32, i32, i32
  }
  func.func @transform_4(%arg0: i32) -> (i32, i32) {
    %c0_i32 = arith.constant 0 : i32
    %c0_i32_0 = arith.constant 0 : i32
    %c0_i32_1 = arith.constant 0 : i32
    return %c0_i32, %c0_i32_0 : i32, i32
  }
  func.func @transform_5(%arg0: i32) -> (i32, i32) {
    %c0_i32 = arith.constant 0 : i32
    %c0_i32_0 = arith.constant 0 : i32
    %c0_i32_1 = arith.constant 0 : i32
    return %c0_i32, %c0_i32_0 : i32, i32
  }
  func.func @transform_6(%arg0: i32) -> (i32, i32) {
    %c0_i32 = arith.constant 0 : i32
    %c0_i32_0 = arith.constant 0 : i32
    %c0_i32_1 = arith.constant 0 : i32
    return %c0_i32, %c0_i32_0 : i32, i32
  }
  func.func @transform_7(%arg0: i32) -> (i32, i32) {
    %c0_i32 = arith.constant 0 : i32
    %c0_i32_0 = arith.constant 0 : i32
    %c0_i32_1 = arith.constant 0 : i32
    return %c0_i32, %c0_i32_0 : i32, i32
  }
  func.func @transform_8(%arg0: i32) -> (i32, i32) {
    %c0_i32 = arith.constant 0 : i32
    %c0_i32_0 = arith.constant 0 : i32
    %c0_i32_1 = arith.constant 0 : i32
    return %c0_i32, %c0_i32_0 : i32, i32
  }
  func.func @transform_9(%arg0: i32) -> (i32, i32) {
    %c0_i32 = arith.constant 0 : i32
    %c0_i32_0 = arith.constant 0 : i32
    %c0_i32_1 = arith.constant 0 : i32
    return %c0_i32, %c0_i32_0 : i32, i32
  }
  func.func @transform_10(%arg0: i32) -> (i32, i32) {
    %c0_i32 = arith.constant 0 : i32
    %c0_i32_0 = arith.constant 0 : i32
    return %arg0, %c0_i32 : i32, i32
  }
  func.func @transform_11(%arg0: i32) -> (i32, i32) {
    %c0_i32 = arith.constant 0 : i32
    %c0_i32_0 = arith.constant 0 : i32
    return %arg0, %c0_i32 : i32, i32
  }
}

</mosaic_0001>

<sc_bundles>
// kernel: kernel.6.cloned.1.call-start
scs
__scs_entry_jumppad:
0x0: {  	(pc) =	sbr.rel $0x88, $3  }
0x1: {  	(tag) =	ssettag $0x0;
	lr =	simm.s32 $0x1  }
0x2: {  	[smem:$0x3F91] =	sst lr;
	_ =	strace $0xD0000000  }
0x3: {  	_ = 	snop  }
0x4: {  	_ = 	snop  }
0x5: {  	_ = 	snop  }
0x6: {  	_ = 	snop  }
0x7: {  	_ = 	snop  }
__scs_overlays_trampoline_lowered:
0x8: {  	[smem:$0x3FA0] =	sst s0  }
0x9: {  	[smem:$0x3FA1] =	sst s1  }
0xa: {  	[smem:$0x3FA2] =	sst s2  }
0xb: {  	[smem:$0x3FA3] =	sst s3  }
0xc: {  	[smem:$0x3FA4] =	sst s4  }
0xd: {  	[smem:$0x3FA5] =	sst s5  }
0xe: {  	[smem:$0x3FA6] =	sst s6  }
0xf: {  	[smem:$0x3FA7] =	sst s7  }
0x10: {  	[smem:$0x3FA8] =	sst s8  }
0x11: {  	[smem:$0x3FA9] =	sst s9;
	s0 =	simm.s32 @!p0 $0x0  }
0x12: {  	s1 =	sld [smem:$0x3F8F];
	s0 =	simm.s32 @p0 $0x1  }
0x13: {  	[smem:$0x3FAA] =	sst s0;
	s0 =	simm.s32 @!p1 $0x0  }
0x14: {  	s2 =	sld [smem:$0x3F8E];
	s0 =	simm.s32 @p1 $0x1  }
0x15: {  	[smem:$0x3FAB] =	sst s0;
	s0 =	simm.s32 @!p2 $0x0  }
0x16: {  	s3 =	sld [smem:$0x3FDB];
	s0 =	simm.s32 @p2 $0x1  }
0x17: {  	s4 =	simm.s32 $0x1BF5;
	[smem:$0x3FAD] =	sst s0  }
0x18: {  	s0 =	sld [smem:$0x3F90];
	_ =	swait.ge [sflag:s4], $0x0  }
0x19: {  	s7 =	sld [smem:$0x3F91]  }
0x1a: {  	s8 =	sadd.s32 $0xFFFFE003, lr  }
0x1b: {  	s9 =	sadd.s32 $0xFFFFFEF7, lr;
	s5 =	simm.s32 $0xFFFFFFFF;
	p2 =	slt.u32 s8, $0xFFFFF086  }
0x1c: {  	p1 =	slt.u32 s9, $0xF7A;
	s5 =	simm.s32 @!p2 $0x0  }
0x1d: {  	s5 =	simm.s32 @p1 $0x1;
	p0 =	seq.s32 s7, s2  }
0x1e: {  	s7 =	smul.u32 @!p0 $0xF7A, s2;
	p2 =	seq.s32 @!p0 s5, $0x0  }
0x1f: {  	s9 =	smul.u32 $0xF7A, s1;
	s8 =	simm.s32 @!p0 $0x1BF5;
	p2 =	por !p2, p0  }
0x20: {  	[sflag:s8] =	ssyncset.s32 @!p0 $0xFFFFF086;
	s6 =	sadd.s32 @!p0 s3, s7;
	s7 =	simm.s32 @!p0 $0x108  }
0x21: {  	s3 =	sadd.s32 s3, s9;
	s6 =	sadd.s32 @!p0 $0x88, s6;
	s7 =	simm.s32 @p2 $0x1082  }
0x22: {  	[simem:s7], [sflag:s8] =	dma.local @!p0 [hbm:s6], $0xF7A  }
0x23: {  	s9 =	sor.u32 $0xD0000000, s2;
	s6 =	simm.s32 $0x108;
	_ =	swait.ge @!p0 [sflag:s8], $0x0  }
0x24: {  	s3 =	sadd.s32 $0x88, s3;
	s6 =	simm.s32 @!p1 $0x1082;
	[sflag:s4] =	ssyncset.s32 $0xFFFFF086  }
0x25: {  	[simem:s6], [sflag:s4] =	dma.local [hbm:s3], $0xF7A  }
0x26: {  	[smem:$0x3F91] =	sst s1;
	(tag) =	ssettag s2;
	_ =	strace s9  }
0x27: {  	s1 =	sld [smem:$0x3FA1]  }
0x28: {  	s2 =	sld [smem:$0x3FA2]  }
0x29: {  	s4 =	sld [smem:$0x3FA4]  }
0x2a: {  	p0 =	seq.s32 s5, $0x0;
	s5 =	sld [smem:$0x3FA5]  }
0x2b: {  	s6 =	sld [smem:$0x3FA6]  }
0x2c: {  	s7 =	sld [smem:$0x3FA7]  }
0x2d: {  	s3 =	simm.s32 $0x108;
	s8 =	sld [smem:$0x3FA8]  }
0x2e: {  	s3 =	simm.s32 @!p0 $0x1082;
	s9 =	sld [smem:$0x3FA9]  }
0x2f: {  	lr =	sadd.s32 s0, s3;
	s0 =	sld [smem:$0x3FA0]  }
0x30: {  	s3 =	sld [smem:$0x3FA3]  }
0x31: {  	[smem:$0x3FAC] =	sst s10  }
0x32: {  	s10 =	sld [smem:$0x3FAA];
	_ =	sdelay $0x3  }
0x33: {  	p0 =	seq.s32 s10, $0x1;
	s10 =	sld [smem:$0x3FAC];
	_ =	sdelay $0x3  }
0x34: {  	[smem:$0x3FAC] =	sst s10  }
0x35: {  	s10 =	sld [smem:$0x3FAB];
	_ =	sdelay $0x3  }
0x36: {  	p1 =	seq.s32 s10, $0x1;
	s10 =	sld [smem:$0x3FAC];
	_ =	sdelay $0x3  }
0x37: {  	[smem:$0x3FAC] =	sst s10  }
0x38: {  	s10 =	sld [smem:$0x3FAD]  }
0x39: {  	_ = 	snop;
	(pc) =	sbr.ind lr, $3  }
0x3a: {  	_ = 	snop  }
0x3b: {  	_ = 	snop  }
0x3c: {  	p2 =	seq.s32 s10, $0x1;
	s10 =	sld [smem:$0x3FAC]  }
0x3d: {  	_ =	shalt  }
0x3e: {  	_ =	shalt  }
0x3f: {  	_ =	shalt  }
0x40: {  	_ =	shalt  }
0x41: {  	_ =	shalt  }
0x42: {  	_ =	shalt  }
0x43: {  	_ =	shalt  }
0x44: {  	_ =	shalt  }
0x45: {  	_ =	shalt  }
0x46: {  	_ =	shalt  }
0x47: {  	_ =	shalt  }
0x48: {  	_ =	shalt  }
0x49: {  	_ =	shalt  }
0x4a: {  	_ =	shalt  }
0x4b: {  	_ =	shalt  }
0x4c: {  	_ =	shalt  }
0x4d: {  	_ =	shalt  }
0x4e: {  	_ =	shalt  }
0x4f: {  	_ =	shalt  }
0x50: {  	_ =	shalt  }
0x51: {  	_ =	shalt  }
0x52: {  	_ =	shalt  }
0x53: {  	_ =	shalt  }
0x54: {  	_ =	shalt  }
0x55: {  	_ =	shalt  }
0x56: {  	_ =	shalt  }
0x57: {  	_ =	shalt  }
0x58: {  	_ =	shalt  }
0x59: {  	_ =	shalt  }
0x5a: {  	_ =	shalt  }
0x5b: {  	_ =	shalt  }
0x5c: {  	_ =	shalt  }
0x5d: {  	_ =	shalt  }
0x5e: {  	_ =	shalt  }
0x5f: {  	_ =	shalt  }
0x60: {  	_ =	shalt  }
0x61: {  	_ =	shalt  }
0x62: {  	_ =	shalt  }
0x63: {  	_ =	shalt  }
0x64: {  	_ =	shalt  }
0x65: {  	_ =	shalt  }
0x66: {  	_ =	shalt  }
0x67: {  	_ =	shalt  }
0x68: {  	_ =	shalt  }
0x69: {  	_ =	shalt  }
0x6a: {  	_ =	shalt  }
0x6b: {  	_ =	shalt  }
0x6c: {  	_ =	shalt  }
0x6d: {  	_ =	shalt  }
0x6e: {  	_ =	shalt  }
0x6f: {  	_ =	shalt  }
0x70: {  	_ =	shalt  }
0x71: {  	_ =	shalt  }
0x72: {  	_ =	shalt  }
0x73: {  	_ =	shalt  }
0x74: {  	_ =	shalt  }
0x75: {  	_ =	shalt  }
0x76: {  	_ =	shalt  }
0x77: {  	_ =	shalt  }
0x78: {  	_ =	shalt  }
0x79: {  	_ =	shalt  }
0x7a: {  	_ =	shalt  }
0x7b: {  	_ =	shalt  }
0x7c: {  	_ =	shalt  }
0x7d: {  	_ =	shalt  }
0x7e: {  	_ =	shalt  }
0x7f: {  	_ =	shalt  }
0x80: {  	_ =	shalt  }
0x81: {  	_ =	shalt  }
0x82: {  	_ =	shalt  }
0x83: {  	_ =	shalt  }
0x84: {  	_ =	shalt  }
0x85: {  	_ =	shalt  }
0x86: {  	_ =	shalt  }
0x87: {  	_ =	shalt  }
.Lfunc_end0:
.L_simem_size_0:
called_computation_lowered:
.L_overlay_start_0:
0x88: {  	s2 =	sld [smem:$0x3FD9]  }
0x89: {  	s3 =	sld [smem:$0x3FFE];
	_ =	sdelay $0x1  }
0x8a: {  	s1 =	srdreg.scid  }
0x8b: {  	s0 =	sand.u32 $0x1, s1  }
0x8c: {  	s14 =	sshll.u32 s0, $0xA;
	s2 =	sadd.s32 s3, s2  }
0x8d: {  	s2 =	sadd.s32 s2, s14  }
0x8e: {  	[smem:$0x3FB8] =	sst s2  }
0x8f: {  	_ = 	snop  }
0x90: {  	s2 =	sld [smem:$0x3FD0];
	_ =	sdelay $0x1  }
0x91: {  	s15 =	sld [smem:$0x3FC9]  }
0x92: {  	s5 =	simm.s32 $0xA;
	s6 =	simm.s32 $0x10;
	s4 =	sld [smem:$0x3FC8]  }
0x93: {  	[smem:s6], [sflag:s5] =	dma.local [hbm:s2], $0x1  }
0x94: {  	_ =	swait.eq [sflag:s5], $0x1  }
0x95: {  	[sflag:s5] =	ssyncset.done $0x0  }
0x96: {  	s16 =	sld [smem:$0x10];
	[sflag:s5] =	ssyncadd.s32 $0xFFFFFFFF  }
0x97: {  	s17 =	sld [smem:$0x11];
	(tm) =	ssettm $0x1  }
0x98: {  	s18 =	sld [smem:$0x3FFB];
	_ =	sdelay $0x3  }
0x99: {  	_ =	strace s18  }
0x9a: {  	s6 =	sld [smem:$0x3FFC];
	_ =	sdelay $0x3  }
0x9b: {  	_ =	strace s6  }
0x9c: {  	s6 =	sld [smem:$0x3FFD];
	_ =	sdelay $0x3  }
0x9d: {  	_ =	strace s6  }
0x9e: {  	_ =	strace $0x8FFFFFFF  }
0x9f: {  	s19 =	sld [smem:$0x3FDB];
	_ =	sdelay $0x1  }
0xa0: {  	s7 =	simm.s32 $_scs_section_size  }
0xa1: {  	s8 =	simm.s32 $_size__tile_overlayer_lowered;
	s9 =	simm.s32 $_tile_overlayer_lowered  }
0xa2: {  	s22 =	simm.s32 $0x1BFF;
	s21 =	sshll.u32 s9, $0x1;
	s6 =	sadd.s32 s7, s19  }
0xa3: {  	s10 =	simm.s32 $0x0;
	s20 =	sshll.u32 s8, $0x1;
	s8 =	sadd.s32 s21, s6  }
0xa4: {  	[timem:s10], [sflag:s22] =	dma.local [hbm:s8], s20  }
0xa5: {  	_ =	swait.ge [sflag:s22], s20  }
0xa6: {  	s7 =	ssub.s32 $0x0, s20;
	[sflag:s22] =	ssyncset.done $0x0  }
0xa7: {  	[sflag:s22] =	ssyncadd.s32 s7;
	_ =	sdelay $0x1  }
0xa8: {  	s23 =	simm.s32 $0x1B8B  }
0xa9: {  	_ =	swait.ge [sflag:s23], $0x1  }
0xaa: {  	[sflag:s23] =	ssyncset.done $0x0  }
0xab: {  	s25 =	simm.s32 $0x1B8E;
	s24 =	sld [smem:$0x3FFE];
	[sflag:s23] =	ssyncadd.s32 $0xFFFFFFFF  }
0xac: {  	s26 =	simm.s32 $execute0_lowered;
	[smem:$0x3FD2] =	sst s25  }
0xad: {  	s8 =	sshll.u32 s26, $0x1;
	_ =	strace $0x80000046;
	[dreg:$0x1] =	wrdreg $0xFFFFFFFF  }
0xae: {  	s28 =	simm.s32 $_size_execute0_lowered;
	s6 =	sadd.s32 s6, s8;
	[dreg:$0x0] =	wrdreg $0x0  }
0xaf: {  	s8 =	sshll.u32 s28, $0x1;
	[dreg:$0x2] =	wrdreg s6  }
0xb0: {  	[dreg:$0x3] =	wrdreg s8  }
0xb1: {  	[dreg:$0x4] =	wrdreg $0xC0  }
0xb2: {  	_ =	task [dreg:s10], $0x5FFFF  }
0xb3: {  	[dreg:$0x1] =	wrdreg $0xFFFFFFFF  }
0xb4: {  	[dreg:$0x0] =	wrdreg $0x60  }
0xb5: {  	[dreg:$0x2] =	wrdreg s15  }
0xb6: {  	[dreg:$0x3] =	wrdreg s4  }
0xb7: {  	[dreg:$0x4] =	wrdreg s24  }
0xb8: {  	[dreg:$0x5] =	wrdreg s17  }
0xb9: {  	[dreg:$0x6] =	wrdreg s16  }
0xba: {  	[dreg:$0x7] =	wrdreg $0x0  }
0xbb: {  	[dreg:$0x8] =	wrdreg $0x9  }
0xbc: {  	_ =	task.clear_ibuf [dreg:s10], $0x9FFFF;
	_ =	strace $0x90000046  }
0xbd: {  	s29 =	simm.s32 $0x9;
	_ =	strace $0x80000048  }
0xbe: {  	_ =	swait.ge [sflag:s29], $0x1  }
0xbf: {  	[sflag:s29] =	ssyncadd.s32 $0xFFFFFFFF  }
0xc0: {  	_ =	strace $0x90000048  }
0xc1: {  	_ =	sfence  }
0xc2: {  	s30 =	sld [smem:$0x0];
	_ =	sdelay $0x2  }
0xc3: {  	s31 =	sshll.u32 s1, $0xD;
	s1 =	sshrl.u32 s1, $0x2  }
0xc4: {  	s3 =	sand.u32 $0x4000, s31;
	s1 =	sadd.s32 s1, s30  }
0xc5: {  	s0 =	sor.u32 s3, s0;
	s1 =	sshll.u32 s1, $0x11  }
0xc6: {  	s0 =	sor.u32 s1, s0  }
0xc7: {  	s0 =	sadd.s32 $0x8F2B, s0  }
0xc8: {  	[sflag:s0] =	ssyncadd.remote.s32 $0x1  }
0xc9: {  	_ =	sfence.sel $0xFFFF  }
0xca: {  	[dreg:$0x0] =	wrdreg $0xFFFFFFFF;
	(pc) =	sbr.abs _section_cstart, $3  }
0xcb: {  	[dreg:$0x1] =	wrdreg $0xFFFFFFFF  }
0xcc: {  	_ =	task.clear_ibuf [dreg:s10], $0x2FFFF;
	_ =	strace $0x9FFFFFFF  }
0xcd: {  	(tm) =	ssettm $0x7FFFFFFF  }
tec
execute0_lowered:
.L_overlay_start_1:
0x0: {  	(tag) =	ssettag $0x1  }
0x1: {  	s1 =	rddreg [dreg:$0x0]  }
0x2: {  	s2 =	rddreg [dreg:$0x1]  }
0x3: {  	s0 =	rddreg [dreg:$0x2]  }
0x4: {  	s3 =	rddreg [dreg:$0x4]  }
0x5: {  	s5 =	rddreg [dreg:$0x5];
	s16 =	stileid.u32  }
0x6: {  	s4 =	srdreg.scid;
	s9 =	smul.u32 $0x14000, s16  }
0x7: {  	s6 =	simm.s32 $0x0;
	s28 =	simm.s32 $0x80;
	s12 =	smul.u32 $0x50000, s16  }
0x8: {  	s4 =	sand.u32 $0x1, s4;
	[smem:$0x7FF] =	sst s6;
	s15 =	smul.u32 $0x50, s16  }
0x9: {  	s7 =	sadd.s32 $0x2E00, s0;
	s8 =	sadd.s32 $0xCE00, s0;
	s10 =	smul.u32 $0x140000, s4  }
0xa: {  	s23 =	sshll.u32 s16, $0x6;
	_ =	strace $0x80000047;
	s14 =	smul.u32 $0x500, s4  }
0xb: {  	s24 =	sor.u32 $0x1C07, s23;
	s11 =	sshrl.u32 s9, $0x3;
	s22 =	sshrl.u32 s12, $0x2  }
0xc: {  	s11 =	sadd.s32 s11, s0;
	s9 =	sadd.s32 s9, s10;
	s10 =	sadd.s32 s22, s5  }
0xd: {  	s14 =	sadd.s32 s15, s14;
	s9 =	sshrl.u32 s9, $0x3;
	[dreg:$0x7] =	wrdreg s10  }
0xe: {  	s10 =	smul.u32 $0x500, s16;
	s11 =	sadd.s32 $0x16E00, s11;
	s14 =	sshll.u32 s14, $0x4  }
0xf: {  	[dreg:$0x8] =	wrdreg s11;
	s22 =	sor.u32 $0x10, s14;
	s3 =	sadd.s32 s3, s9  }
0x10: {  	s0 =	sadd.s32 s9, s0;
	[dreg:$0x10] =	wrdreg s3;
	s23 =	sadd.s32 s7, s22  }
0x11: {  	s25 =	sor.u32 $0x10, s10;
	s0 =	sadd.s32 $0x3EE00, s0;
	[dreg:$0x11] =	wrdreg s23  }
0x12: {  	s29 =	simm.s32 $0x3;
	s26 =	sadd.s32 s7, s25;
	[dreg:$0x19] =	wrdreg s0  }
0x13: {  	s16 =	sor.u32 $0x20, s10;
	s15 =	sadd.s32 s8, s25;
	[dreg:$0xa] =	wrdreg s26  }
0x14: {  	s21 =	ssub.s32 $0x2, s4;
	s17 =	sadd.s32 s7, s16;
	[dreg:$0xb] =	wrdreg s15  }
0x15: {  	s19 =	sor.u32 $0x30, s10;
	s18 =	sadd.s32 s8, s16;
	[dreg:$0xc] =	wrdreg s17  }
0x16: {  	s13 =	sshrl.u32 s21, $0x1;
	s20 =	sadd.s32 s7, s19;
	[dreg:$0xd] =	wrdreg s18  }
0x17: {  	s13 =	ssub.s32 s21, s13;
	s21 =	sadd.s32 s8, s19;
	[dreg:$0xe] =	wrdreg s20  }
0x18: {  	s16 =	smov.u32 s24;
	s24 =	sadd.s32 s8, s22;
	[dreg:$0xf] =	wrdreg s21  }
0x19: {  	s30 =	simm.s32 $0x6;
	s25 =	sadd.s32 s7, s14;
	[dreg:$0x12] =	wrdreg s24  }
0x1a: {  	p0 =	seq.s32 s4, $0x1;
	s22 =	sadd.s32 s7, s10;
	[dreg:$0x13] =	wrdreg s25  }
0x1b: {  	s4 =	smul.u32 $0x5000, s4;
	s23 =	sadd.s32 s8, s10;
	[dreg:$0x1b] =	wrdreg s22  }
0x1c: {  	s12 =	simm.s32 $0x0;
	s9 =	simm.s32 $0x18400;
	[dreg:$0x1c] =	wrdreg s23  }
0x1d: {  	s31 =	sadd.s32 s10, s4;
	s21 =	smax.u32 s13, $0x1;
	[dreg:$0x9] =	wrdreg s16  }
0x1e: {  	s26 =	sadd.s32 s8, s14;
	s15 =	sor.u32 $0x20, s14;
	[dreg:$0x1a] =	wrdreg s21  }
0x1f: {  	s4 =	simm.s32 $0x4;
	s18 =	sadd.s32 s7, s15;
	[dreg:$0x14] =	wrdreg s26  }
0x20: {  	s17 =	sor.u32 $0x30, s14;
	s3 =	sadd.s32 s8, s15;
	[dreg:$0x15] =	wrdreg s18  }
0x21: {  	s0 =	simm.s32 $0x14400;
	s19 =	sadd.s32 s7, s17;
	[dreg:$0x16] =	wrdreg s3  }
0x22: {  	s22 =	simm.s32 $0x14300;
	s20 =	sadd.s32 s8, s17;
	[dreg:$0x17] =	wrdreg s19  }
0x23: {  	s24 =	sadd.s32 $0x10, s26;
	s25 =	sadd.s32 $0x20, s26;
	[dreg:$0x18] =	wrdreg s20  }
.Ltmp0:
0x24: {  	s26 =	sadd.s32 $0x30, s26;
	[dreg:$0x1d] =	wrdreg s24;
	(pc) =	sbr.rel .LBB2_1-.Ltmp0, $4  }
0x25: {  	s15 =	simm.s32 $0x7;
	s17 =	simm.s32 $0x14200;
	[dreg:$0x1e] =	wrdreg s25  }
0x26: {  	s21 =	simm.s32 $0x14100;
	[dreg:$0x1f] =	wrdreg s26;
	s18 =	simm.s32 $0x14080  }
0x27: {  	s20 =	simm.s32 $0x14280;
	s24 =	simm.s32 $0x14180;
	s25 =	simm.s32 $0x14380  }
0x28: {  	s26 =	simm.s32 $0x1;
	s3 =	simm.s32 $0x2;
	s19 =	simm.s32 $0x5  }
.LBB2_11:
0x29: {  	_ =	swait.ge [sflag:s4], $0x80  }
0x2a: {  	[sflag:s4] =	ssyncset.done $0x0  }
0x2b: {  	[sflag:s4] =	ssyncadd.s32 $0xFFFFFF80  }
0x2c: {  	[spmem:s5] =	stream.indirect.scatter.add.f32 [tilespmem:s0], [sflag:$0x7], $0x80, s25, s28, $0xb8;
	[tilespmem:$0x1C400] =	vst v63  }
0x2d: {  	_ =	swait.ge [sflag:s15], $0x4000  }
0x2e: {  	[sflag:s15] =	ssyncset.done $0x0  }
0x2f: {  	[sflag:s15] =	ssyncadd.s32 $0xFFFFC000  }
0x30: {  	[bflag:$0x0] =	sbarrier.arrive $0xFFFF  }
0x31: {  	s12 =	sld [smem:$0x7FD]  }
0x32: {  	s16 =	rddreg [dreg:$0x9]  }
0x33: {  	s11 =	rddreg [dreg:$0x19]  }
0x34: {  	[hbm:s11], [sflag:s16] =	dma.local [spmem:s12], $0x2800  }
0x35: {  	_ =	swait.ge [sflag:s15], $0x2800  }
0x36: {  	s14 =	sld [smem:$0x7FC];
	_ =	sdelay $0x2  }
0x37: {  	s23 =	rddreg [dreg:$0x1a];
	s12 =	sadd.s32 $0x1, s14  }
0x38: {  	p1 =	sne.s32 s12, s23  }
.Ltmp1:
0x39: {  	_ = 	snop;
	(pc) =	sbr.rel @!p1 .LBB2_12-.Ltmp1, $3  }
0x3a: {  	_ =	sdelay $0x1  }
0x3b: {  	[sflag:s15] =	ssyncset.done $0x0  }
0x3c: {  	[sflag:s15] =	ssyncadd.s32 $0xFFFFD800  }
.LBB2_1:
0x3d: {  	[smem:$0x7FC] =	sst s12  }
0x3e: {  	s11 =	rddreg [dreg:$0x7]  }
0x3f: {  	s23 =	rddreg [dreg:$0x8];
	s14 =	sshrl.u32 s11, $0x3  }
0x40: {  	[smem:$0x7FD] =	sst s14  }
0x41: {  	[spmem:s14], [sflag:s16] =	dma.local [hbm:s23], $0x2800  }
.Ltmp2:
0x42: {  	_ =	swait.ge [sflag:s15], $0x2800;
	(pc) =	sbr.rel @!p0 .LBB2_2-.Ltmp2, $3  }
0x43: {  	[sflag:s15] =	ssyncset.done $0x0  }
0x44: {  	[sflag:s15] =	ssyncadd.s32 $0xFFFFD800  }
0x45: {  	[bflag:$0x0] =	sbarrier.arrive $0xFFFF;
	_ =	sdelay $0x1  }
0x46: {  	s11 =	rddreg [dreg:$0x13];
	s12 =	simm.s32 $0x14000  }
0x47: {  	[tilespmem:s12], [sflag:$0x1] =	stream.linear.gather [hbm4b:s11+s6], $0x80, $0x38;
	[tilespmem:$0x1C400] =	vst v63  }
0x48: {  	s14 =	rddreg [dreg:$0x14]  }
0x49: {  	[tilespmem:s17], [sflag:$0x1] =	stream.linear.gather [hbm4b:s14+s6], $0x80, $0x38;
	[tilespmem:$0x1C400] =	vst v63  }
0x4a: {  	s16 =	rddreg [dreg:$0x11]  }
0x4b: {  	[tilespmem:s18], [sflag:$0x2] =	stream.linear.gather [hbm4b:s16+s6], $0x80, $0x38;
	[tilespmem:$0x1C400] =	vst v63  }
0x4c: {  	s23 =	rddreg [dreg:$0x12]  }
0x4d: {  	[tilespmem:s20], [sflag:$0x2] =	stream.linear.gather [hbm4b:s23+s6], $0x80, $0x38;
	[tilespmem:$0x1C400] =	vst v63  }
0x4e: {  	s13 =	rddreg [dreg:$0x15]  }
0x4f: {  	[tilespmem:s21], [sflag:$0x3] =	stream.linear.gather [hbm4b:s13+s6], $0x80, $0x38;
	[tilespmem:$0x1C400] =	vst v63  }
0x50: {  	s14 =	rddreg [dreg:$0x16]  }
0x51: {  	[tilespmem:s22], [sflag:$0x3] =	stream.linear.gather [hbm4b:s14+s6], $0x80, $0x38;
	[tilespmem:$0x1C400] =	vst v63  }
0x52: {  	s16 =	rddreg [dreg:$0x17]  }
0x53: {  	[tilespmem:s24], [sflag:$0x4] =	stream.linear.gather [hbm4b:s16+s6], $0x80, $0x38;
	[tilespmem:$0x1C400] =	vst v63  }
0x54: {  	s23 =	rddreg [dreg:$0x18]  }
0x55: {  	[tilespmem:s25], [sflag:$0x4] =	stream.linear.gather [hbm4b:s23+s6], $0x80, $0x38;
	[tilespmem:$0x1C400] =	vst v63  }
0x56: {  	_ =	swait.ge [sflag:s26], $0x80  }
0x57: {  	[sflag:s26] =	ssyncset.done $0x0  }
0x58: {  	[sflag:s26] =	ssyncadd.s32 $0xFFFFFF80  }
0x59: {  	_ =	swait.ge [sflag:s26], $0x80  }
0x5a: {  	[sflag:s26] =	ssyncset.done $0x0  }
0x5b: {  	s16 =	simm.s32 $0x14000;
	s23 =	simm.s32 $0x70;
	[sflag:s26] =	ssyncadd.s32 $0xFFFFFF80  }
0x5c: {  	[tilespmem:s0], [sflag:$0x5] =	stream.indirect.gather [hbm4b:s2+s28], $0x80, s12, s28, $0xb8;
	[tilespmem:$0x1C400] =	vst v63  }
.LBB2_6:
0x5d: {  	_ =	swait.ge [sflag:s3], $0x80  }
0x5e: {  	[sflag:s3] =	ssyncset.done $0x0  }
0x5f: {  	[sflag:s3] =	ssyncadd.s32 $0xFFFFFF80  }
0x60: {  	_ =	swait.ge [sflag:s3], $0x80  }
0x61: {  	[sflag:s3] =	ssyncset.done $0x0  }
0x62: {  	[sflag:s3] =	ssyncadd.s32 $0xFFFFFF80  }
0x63: {  	[tilespmem:s9], [sflag:$0x6] =	stream.indirect.gather [hbm4b:s2+s28], $0x80, s18, s28, $0xb8;
	[tilespmem:$0x1C400] =	vst v63  }
0x64: {  	p1 =	seq.s32 s23, $0x530;
	_ =	swait.ge [sflag:s19], $0x4000  }
0x65: {  	s11 =	sadd.s32 @!p1 $0xFFFFFFD0, s23;
	[sflag:s19] =	ssyncset.done $0x0  }
0x66: {  	s12 =	sadd.s32 @!p1 s31, s11;
	[sflag:s19] =	ssyncadd.s32 $0xFFFFC000  }
0x67: {  	[spmem:s5] =	stream.indirect.scatter.add.f32 [tilespmem:s0], [sflag:$0x7], $0x80, s17, s28, $0xb8;
	[tilespmem:$0x1C400] =	vst v63  }
0x68: {  	s11 =	sand.u32 @!p1 $0x40, s11;
	s12 =	sand.u32 @!p1 $0x1FF80, s12;
	_ =	swait.ge [sflag:s15], $0x4000  }
0x69: {  	s13 =	simm.s32 @!p1 $0x0;
	s11 =	sor.u32 @!p1 s11, s12;
	[sflag:s15] =	ssyncset.done $0x0  }
0x6a: {  	s14 =	simm.s32 @!p1 $0x14000;
	s12 =	sadd.s32 @!p1 s7, s11;
	[sflag:s15] =	ssyncadd.s32 $0xFFFFC000  }
0x6b: {  	[tilespmem:s14], [sflag:$0x1] =	stream.linear.gather @!p1 [hbm4b:s12+s13], $0x80, $0x38;
	[tilespmem:$0x1C400] =	vst v63  }
0x6c: {  	s11 =	sadd.s32 @!p1 s8, s11;
	s12 =	simm.s32 @!p1 $0x14200  }
0x6d: {  	[tilespmem:s12], [sflag:$0x1] =	stream.linear.gather @!p1 [hbm4b:s11+s13], $0x80, $0x38;
	[tilespmem:$0x1C400] =	vst v63  }
0x6e: {  	_ =	swait.ge [sflag:s29], $0x80  }
0x6f: {  	[sflag:s29] =	ssyncset.done $0x0  }
0x70: {  	[sflag:s29] =	ssyncadd.s32 $0xFFFFFF80  }
0x71: {  	_ =	swait.ge [sflag:s29], $0x80  }
0x72: {  	[sflag:s29] =	ssyncset.done $0x0  }
0x73: {  	[sflag:s29] =	ssyncadd.s32 $0xFFFFFF80  }
0x74: {  	[tilespmem:s0], [sflag:$0x5] =	stream.indirect.gather [hbm4b:s2+s28], $0x80, s21, s28, $0xb8;
	[tilespmem:$0x1C400] =	vst v63  }
0x75: {  	_ =	swait.ge [sflag:s30], $0x4000  }
0x76: {  	s11 =	sadd.s32 @!p1 $0xFFFFFFE0, s23;
	[sflag:s30] =	ssyncset.done $0x0  }
0x77: {  	s12 =	sadd.s32 @!p1 s31, s11;
	[sflag:s30] =	ssyncadd.s32 $0xFFFFC000  }
0x78: {  	[spmem:s5] =	stream.indirect.scatter.add.f32 [tilespmem:s9], [sflag:$0x7], $0x80, s20, s28, $0xb8;
	[tilespmem:$0x1C400] =	vst v63  }
0x79: {  	s11 =	sand.u32 @!p1 $0x50, s11;
	s12 =	sand.u32 @!p1 $0x1FF80, s12;
	_ =	swait.ge [sflag:s15], $0x4000  }
0x7a: {  	s11 =	sor.u32 @!p1 s11, s12;
	[sflag:s15] =	ssyncset.done $0x0  }
0x7b: {  	s14 =	simm.s32 @!p1 $0x14080;
	s12 =	sadd.s32 @!p1 s7, s11;
	[sflag:s15] =	ssyncadd.s32 $0xFFFFC000  }
0x7c: {  	[tilespmem:s14], [sflag:$0x2] =	stream.linear.gather @!p1 [hbm4b:s12+s13], $0x80, $0x38;
	[tilespmem:$0x1C400] =	vst v63  }
0x7d: {  	s11 =	sadd.s32 @!p1 s8, s11;
	s12 =	simm.s32 @!p1 $0x14280  }
0x7e: {  	[tilespmem:s12], [sflag:$0x2] =	stream.linear.gather @!p1 [hbm4b:s11+s13], $0x80, $0x38;
	[tilespmem:$0x1C400] =	vst v63  }
0x7f: {  	_ =	swait.ge [sflag:s4], $0x80  }
0x80: {  	[sflag:s4] =	ssyncset.done $0x0  }
0x81: {  	[sflag:s4] =	ssyncadd.s32 $0xFFFFFF80  }
0x82: {  	_ =	swait.ge [sflag:s4], $0x80  }
0x83: {  	[sflag:s4] =	ssyncset.done $0x0  }
0x84: {  	[sflag:s4] =	ssyncadd.s32 $0xFFFFFF80  }
0x85: {  	[tilespmem:s9], [sflag:$0x6] =	stream.indirect.gather [hbm4b:s2+s28], $0x80, s24, s28, $0xb8;
	[tilespmem:$0x1C400] =	vst v63  }
0x86: {  	_ =	swait.ge [sflag:s19], $0x4000  }
0x87: {  	[sflag:s19] =	ssyncset.done $0x0  }
.Ltmp3:
0x88: {  	[sflag:s19] =	ssyncadd.s32 $0xFFFFC000;
	(pc) =	sbr.rel @p1 .LBB2_8-.Ltmp3, $4  }
0x89: {  	[spmem:s5] =	stream.indirect.scatter.add.f32 [tilespmem:s0], [sflag:$0x7], $0x80, s22, s28, $0xb8;
	[tilespmem:$0x1C400] =	vst v63  }
0x8a: {  	_ =	swait.ge [sflag:s15], $0x4000  }
0x8b: {  	[sflag:s15] =	ssyncset.done $0x0  }
0x8c: {  	[sflag:s15] =	ssyncadd.s32 $0xFFFFC000  }
0x8d: {  	s11 =	sadd.s32 s23, s31  }
0x8e: {  	s13 =	sadd.s32 $0xFFFFFFF0, s23;
	s12 =	sadd.s32 $0xFFFFFFF0, s11  }
0x8f: {  	s13 =	sand.u32 $0x60, s13;
	s12 =	sand.u32 $0x1FF80, s12  }
0x90: {  	s12 =	sor.u32 s13, s12  }
0x91: {  	s13 =	sadd.s32 s7, s12  }
0x92: {  	[tilespmem:s21], [sflag:$0x3] =	stream.linear.gather [hbm4b:s13+s6], $0x80, $0x38;
	[tilespmem:$0x1C400] =	vst v63  }
0x93: {  	s12 =	sadd.s32 s8, s12  }
0x94: {  	[tilespmem:s22], [sflag:$0x3] =	stream.linear.gather [hbm4b:s12+s6], $0x80, $0x38;
	[tilespmem:$0x1C400] =	vst v63  }
0x95: {  	_ =	swait.ge [sflag:s26], $0x80  }
0x96: {  	[sflag:s26] =	ssyncset.done $0x0  }
0x97: {  	[sflag:s26] =	ssyncadd.s32 $0xFFFFFF80  }
0x98: {  	_ =	swait.ge [sflag:s26], $0x80  }
0x99: {  	[sflag:s26] =	ssyncset.done $0x0  }
0x9a: {  	[sflag:s26] =	ssyncadd.s32 $0xFFFFFF80  }
0x9b: {  	[tilespmem:s0], [sflag:$0x5] =	stream.indirect.gather [hbm4b:s2+s28], $0x80, s16, s28, $0xb8;
	[tilespmem:$0x1C400] =	vst v63  }
0x9c: {  	_ =	swait.ge [sflag:s30], $0x4000  }
0x9d: {  	[sflag:s30] =	ssyncset.done $0x0  }
0x9e: {  	[sflag:s30] =	ssyncadd.s32 $0xFFFFC000  }
0x9f: {  	[spmem:s5] =	stream.indirect.scatter.add.f32 [tilespmem:s9], [sflag:$0x7], $0x80, s25, s28, $0xb8;
	[tilespmem:$0x1C400] =	vst v63  }
0xa0: {  	s14 =	sand.u32 $0x70, s23;
	s11 =	sand.u32 $0x1FF80, s11;
	_ =	swait.ge [sflag:s15], $0x4000  }
.Ltmp4:
0xa1: {  	s11 =	sor.u32 s14, s11;
	[sflag:s15] =	ssyncset.done $0x0;
	(pc) =	sbr.rel .LBB2_6-.Ltmp4, $4  }
0xa2: {  	s12 =	sadd.s32 s7, s11;
	[sflag:s15] =	ssyncadd.s32 $0xFFFFC000  }
0xa3: {  	[tilespmem:s24], [sflag:$0x4] =	stream.linear.gather [hbm4b:s12+s6], $0x80, $0x38;
	[tilespmem:$0x1C400] =	vst v63  }
0xa4: {  	s23 =	sadd.s32 $0x40, s23;
	s11 =	sadd.s32 s8, s11  }
0xa5: {  	[tilespmem:s25], [sflag:$0x4] =	stream.linear.gather [hbm4b:s11+s6], $0x80, $0x38;
	[tilespmem:$0x1C400] =	vst v63  }
.LBB2_2:
0xa6: {  	s11 =	rddreg [dreg:$0x1b];
	s12 =	simm.s32 $0x14000  }
0xa7: {  	[tilespmem:s12], [sflag:$0x1] =	stream.linear.gather [hbm4b:s11+s6], $0x80, $0x38;
	[tilespmem:$0x1C400] =	vst v63  }
0xa8: {  	s14 =	rddreg [dreg:$0x1c]  }
0xa9: {  	[tilespmem:s17], [sflag:$0x1] =	stream.linear.gather [hbm4b:s14+s6], $0x80, $0x38;
	[tilespmem:$0x1C400] =	vst v63  }
0xaa: {  	s16 =	rddreg [dreg:$0xa]  }
0xab: {  	[tilespmem:s18], [sflag:$0x2] =	stream.linear.gather [hbm4b:s16+s6], $0x80, $0x38;
	[tilespmem:$0x1C400] =	vst v63  }
0xac: {  	s23 =	rddreg [dreg:$0xb]  }
0xad: {  	[tilespmem:s20], [sflag:$0x2] =	stream.linear.gather [hbm4b:s23+s6], $0x80, $0x38;
	[tilespmem:$0x1C400] =	vst v63  }
0xae: {  	s13 =	rddreg [dreg:$0xc]  }
0xaf: {  	[tilespmem:s21], [sflag:$0x3] =	stream.linear.gather [hbm4b:s13+s6], $0x80, $0x38;
	[tilespmem:$0x1C400] =	vst v63  }
0xb0: {  	s14 =	rddreg [dreg:$0xd]  }
0xb1: {  	[tilespmem:s22], [sflag:$0x3] =	stream.linear.gather [hbm4b:s14+s6], $0x80, $0x38;
	[tilespmem:$0x1C400] =	vst v63  }
0xb2: {  	s16 =	rddreg [dreg:$0xe]  }
0xb3: {  	[tilespmem:s24], [sflag:$0x4] =	stream.linear.gather [hbm4b:s16+s6], $0x80, $0x38;
	[tilespmem:$0x1C400] =	vst v63  }
0xb4: {  	s23 =	rddreg [dreg:$0xf]  }
0xb5: {  	[tilespmem:s25], [sflag:$0x4] =	stream.linear.gather [hbm4b:s23+s6], $0x80, $0x38;
	[tilespmem:$0x1C400] =	vst v63  }
0xb6: {  	_ =	swait.ge [sflag:s26], $0x80  }
0xb7: {  	[sflag:s26] =	ssyncset.done $0x0  }
0xb8: {  	[sflag:s26] =	ssyncadd.s32 $0xFFFFFF80  }
0xb9: {  	_ =	swait.ge [sflag:s26], $0x80  }
0xba: {  	[sflag:s26] =	ssyncset.done $0x0  }
0xbb: {  	s16 =	simm.s32 $0x14000;
	s23 =	simm.s32 $0x70;
	[sflag:s26] =	ssyncadd.s32 $0xFFFFFF80  }
0xbc: {  	[tilespmem:s0], [sflag:$0x5] =	stream.indirect.gather [hbm4b:s1+s28], $0x80, s12, s28, $0xb8;
	[tilespmem:$0x1C400] =	vst v63  }
.LBB2_3:
0xbd: {  	_ =	swait.ge [sflag:s3], $0x80  }
0xbe: {  	[sflag:s3] =	ssyncset.done $0x0  }
0xbf: {  	[sflag:s3] =	ssyncadd.s32 $0xFFFFFF80  }
0xc0: {  	_ =	swait.ge [sflag:s3], $0x80  }
0xc1: {  	[sflag:s3] =	ssyncset.done $0x0  }
0xc2: {  	[sflag:s3] =	ssyncadd.s32 $0xFFFFFF80  }
0xc3: {  	[tilespmem:s9], [sflag:$0x6] =	stream.indirect.gather [hbm4b:s1+s28], $0x80, s18, s28, $0xb8;
	[tilespmem:$0x1C400] =	vst v63  }
0xc4: {  	p1 =	seq.s32 s23, $0x530;
	_ =	swait.ge [sflag:s19], $0x4000  }
0xc5: {  	s11 =	sadd.s32 @!p1 $0xFFFFFFD0, s23;
	[sflag:s19] =	ssyncset.done $0x0  }
0xc6: {  	s12 =	sadd.s32 @!p1 s10, s11;
	[sflag:s19] =	ssyncadd.s32 $0xFFFFC000  }
0xc7: {  	[spmem:s5] =	stream.indirect.scatter.add.f32 [tilespmem:s0], [sflag:$0x7], $0x80, s17, s28, $0xb8;
	[tilespmem:$0x1C400] =	vst v63  }
0xc8: {  	s11 =	sand.u32 @!p1 $0x40, s11;
	s12 =	sand.u32 @!p1 $0xFF80, s12;
	_ =	swait.ge [sflag:s15], $0x4000  }
0xc9: {  	s14 =	simm.s32 @!p1 $0x0;
	s11 =	sor.u32 @!p1 s11, s12;
	[sflag:s15] =	ssyncset.done $0x0  }
0xca: {  	s13 =	simm.s32 @!p1 $0x14000;
	s12 =	sadd.s32 @!p1 s7, s11;
	[sflag:s15] =	ssyncadd.s32 $0xFFFFC000  }
0xcb: {  	[tilespmem:s13], [sflag:$0x1] =	stream.linear.gather @!p1 [hbm4b:s12+s14], $0x80, $0x38;
	[tilespmem:$0x1C400] =	vst v63  }
0xcc: {  	s11 =	sadd.s32 @!p1 s8, s11;
	s12 =	simm.s32 @!p1 $0x14200  }
0xcd: {  	[tilespmem:s12], [sflag:$0x1] =	stream.linear.gather @!p1 [hbm4b:s11+s14], $0x80, $0x38;
	[tilespmem:$0x1C400] =	vst v63  }
0xce: {  	_ =	swait.ge [sflag:s29], $0x80  }
0xcf: {  	[sflag:s29] =	ssyncset.done $0x0  }
0xd0: {  	[sflag:s29] =	ssyncadd.s32 $0xFFFFFF80  }
0xd1: {  	_ =	swait.ge [sflag:s29], $0x80  }
0xd2: {  	[sflag:s29] =	ssyncset.done $0x0  }
0xd3: {  	[sflag:s29] =	ssyncadd.s32 $0xFFFFFF80  }
0xd4: {  	[tilespmem:s0], [sflag:$0x5] =	stream.indirect.gather [hbm4b:s1+s28], $0x80, s21, s28, $0xb8;
	[tilespmem:$0x1C400] =	vst v63  }
0xd5: {  	_ =	swait.ge [sflag:s30], $0x4000  }
0xd6: {  	s11 =	sadd.s32 @!p1 $0xFFFFFFE0, s23;
	[sflag:s30] =	ssyncset.done $0x0  }
0xd7: {  	s12 =	sadd.s32 @!p1 s10, s11;
	[sflag:s30] =	ssyncadd.s32 $0xFFFFC000  }
0xd8: {  	[spmem:s5] =	stream.indirect.scatter.add.f32 [tilespmem:s9], [sflag:$0x7], $0x80, s20, s28, $0xb8;
	[tilespmem:$0x1C400] =	vst v63  }
0xd9: {  	s11 =	sand.u32 @!p1 $0x50, s11;
	s12 =	sand.u32 @!p1 $0xFF80, s12;
	_ =	swait.ge [sflag:s15], $0x4000  }
0xda: {  	s11 =	sor.u32 @!p1 s11, s12;
	[sflag:s15] =	ssyncset.done $0x0  }
0xdb: {  	s13 =	simm.s32 @!p1 $0x14080;
	s12 =	sadd.s32 @!p1 s7, s11;
	[sflag:s15] =	ssyncadd.s32 $0xFFFFC000  }
0xdc: {  	[tilespmem:s13], [sflag:$0x2] =	stream.linear.gather @!p1 [hbm4b:s12+s14], $0x80, $0x38;
	[tilespmem:$0x1C400] =	vst v63  }
0xdd: {  	s11 =	sadd.s32 @!p1 s8, s11;
	s12 =	simm.s32 @!p1 $0x14280  }
0xde: {  	[tilespmem:s12], [sflag:$0x2] =	stream.linear.gather @!p1 [hbm4b:s11+s14], $0x80, $0x38;
	[tilespmem:$0x1C400] =	vst v63  }
0xdf: {  	_ =	swait.ge [sflag:s4], $0x80  }
0xe0: {  	[sflag:s4] =	ssyncset.done $0x0  }
0xe1: {  	[sflag:s4] =	ssyncadd.s32 $0xFFFFFF80  }
0xe2: {  	_ =	swait.ge [sflag:s4], $0x80  }
0xe3: {  	[sflag:s4] =	ssyncset.done $0x0  }
0xe4: {  	[sflag:s4] =	ssyncadd.s32 $0xFFFFFF80  }
0xe5: {  	[tilespmem:s9], [sflag:$0x6] =	stream.indirect.gather [hbm4b:s1+s28], $0x80, s24, s28, $0xb8;
	[tilespmem:$0x1C400] =	vst v63  }
0xe6: {  	_ =	swait.ge [sflag:s19], $0x4000  }
0xe7: {  	[sflag:s19] =	ssyncset.done $0x0  }
.Ltmp5:
0xe8: {  	[sflag:s19] =	ssyncadd.s32 $0xFFFFC000;
	(pc) =	sbr.rel @p1 .LBB2_8-.Ltmp5, $4  }
0xe9: {  	[spmem:s5] =	stream.indirect.scatter.add.f32 [tilespmem:s0], [sflag:$0x7], $0x80, s22, s28, $0xb8;
	[tilespmem:$0x1C400] =	vst v63  }
0xea: {  	_ =	swait.ge [sflag:s15], $0x4000  }
0xeb: {  	[sflag:s15] =	ssyncset.done $0x0  }
0xec: {  	[sflag:s15] =	ssyncadd.s32 $0xFFFFC000  }
0xed: {  	s11 =	sadd.s32 s23, s10  }
0xee: {  	s13 =	sadd.s32 $0xFFFFFFF0, s23;
	s12 =	sadd.s32 $0xFFFFFFF0, s11  }
0xef: {  	s13 =	sand.u32 $0x60, s13;
	s12 =	sand.u32 $0xFF80, s12  }
0xf0: {  	s12 =	sor.u32 s13, s12  }
0xf1: {  	s13 =	sadd.s32 s7, s12  }
0xf2: {  	[tilespmem:s21], [sflag:$0x3] =	stream.linear.gather [hbm4b:s13+s6], $0x80, $0x38;
	[tilespmem:$0x1C400] =	vst v63  }
0xf3: {  	s12 =	sadd.s32 s8, s12  }
0xf4: {  	[tilespmem:s22], [sflag:$0x3] =	stream.linear.gather [hbm4b:s12+s6], $0x80, $0x38;
	[tilespmem:$0x1C400] =	vst v63  }
0xf5: {  	_ =	swait.ge [sflag:s26], $0x80  }
0xf6: {  	[sflag:s26] =	ssyncset.done $0x0  }
0xf7: {  	[sflag:s26] =	ssyncadd.s32 $0xFFFFFF80  }
0xf8: {  	_ =	swait.ge [sflag:s26], $0x80  }
0xf9: {  	[sflag:s26] =	ssyncset.done $0x0  }
0xfa: {  	[sflag:s26] =	ssyncadd.s32 $0xFFFFFF80  }
0xfb: {  	[tilespmem:s0], [sflag:$0x5] =	stream.indirect.gather [hbm4b:s1+s28], $0x80, s16, s28, $0xb8;
	[tilespmem:$0x1C400] =	vst v63  }
0xfc: {  	_ =	swait.ge [sflag:s30], $0x4000  }
0xfd: {  	[sflag:s30] =	ssyncset.done $0x0  }
0xfe: {  	[sflag:s30] =	ssyncadd.s32 $0xFFFFC000  }
0xff: {  	[spmem:s5] =	stream.indirect.scatter.add.f32 [tilespmem:s9], [sflag:$0x7], $0x80, s25, s28, $0xb8;
	[tilespmem:$0x1C400] =	vst v63  }
0x100: {  	s14 =	sand.u32 $0x70, s23;
	s11 =	sand.u32 $0xFF80, s11;
	_ =	swait.ge [sflag:s15], $0x4000  }
.Ltmp6:
0x101: {  	s11 =	sor.u32 s14, s11;
	[sflag:s15] =	ssyncset.done $0x0;
	(pc) =	sbr.rel .LBB2_3-.Ltmp6, $4  }
0x102: {  	s12 =	sadd.s32 s7, s11;
	[sflag:s15] =	ssyncadd.s32 $0xFFFFC000  }
0x103: {  	[tilespmem:s24], [sflag:$0x4] =	stream.linear.gather [hbm4b:s12+s6], $0x80, $0x38;
	[tilespmem:$0x1C400] =	vst v63  }
0x104: {  	s23 =	sadd.s32 $0x40, s23;
	s11 =	sadd.s32 s8, s11  }
0x105: {  	[tilespmem:s25], [sflag:$0x4] =	stream.linear.gather [hbm4b:s11+s6], $0x80, $0x38;
	[tilespmem:$0x1C400] =	vst v63  }
.LBB2_8:
0x106: {  	_ =	swait.ge [sflag:s30], $0x4000  }
0x107: {  	[sflag:s30] =	ssyncset.done $0x0  }
0x108: {  	[sflag:s30] =	ssyncadd.s32 $0xFFFFC000  }
0x109: {  	[spmem:s5] =	stream.indirect.scatter.add.f32 [tilespmem:s9], [sflag:$0x7], $0x80, s25, s28, $0xb8;
	[tilespmem:$0x1C400] =	vst v63  }
0x10a: {  	_ =	swait.ge [sflag:s15], $0x4000  }
0x10b: {  	[sflag:s15] =	ssyncset.done $0x0  }
0x10c: {  	[sflag:s15] =	ssyncadd.s32 $0xFFFFC000  }
0x10d: {  	[bflag:$0x0] =	sbarrier.arrive $0xFFFF  }
0x10e: {  	s12 =	sld [smem:$0x7FD]  }
0x10f: {  	s11 =	rddreg [dreg:$0x10]  }
0x110: {  	s13 =	rddreg [dreg:$0x9]  }
0x111: {  	[hbm:s11], [sflag:s13] =	dma.local [spmem:s12], $0x2800  }
0x112: {  	_ =	swait.ge [sflag:s15], $0x2800  }
0x113: {  	[sflag:s15] =	ssyncset.done $0x0  }
0x114: {  	[sflag:s15] =	ssyncadd.s32 $0xFFFFD800  }
0x115: {  	[bflag:$0x0] =	sbarrier.arrive $0xFFFF  }
0x116: {  	s23 =	rddreg [dreg:$0x8]  }
0x117: {  	[spmem:s12], [sflag:s13] =	dma.local [hbm:s23], $0x2800  }
0x118: {  	_ =	swait.ge [sflag:s15], $0x2800  }
0x119: {  	[sflag:s15] =	ssyncset.done $0x0  }
0x11a: {  	[sflag:s15] =	ssyncadd.s32 $0xFFFFD800  }
0x11b: {  	s12 =	rddreg [dreg:$0x3]  }
0x11c: {  	[tilespmem:s0], [sflag:$0x7] =	stream.linear.gather [hbm4b:s12+s6], $0x4000, $0x38;
	[tilespmem:$0x1C400] =	vst v63  }
0x11d: {  	_ =	swait.ge [sflag:s15], $0x4000  }
0x11e: {  	[sflag:s15] =	ssyncset.done $0x0  }
0x11f: {  	[sflag:s15] =	ssyncadd.s32 $0xFFFFC000  }
0x120: {  	[bflag:$0x0] =	sbarrier.arrive $0xFFFF  }
0x121: {  	s13 =	rddreg [dreg:$0x14]  }
0x122: {  	[tilespmem:s17], [sflag:$0x1] =	stream.linear.gather [hbm4b:s13+s6], $0x80, $0x38;
	[tilespmem:$0x1C400] =	vst v63  }
0x123: {  	s14 =	rddreg [dreg:$0x1d]  }
0x124: {  	[tilespmem:s20], [sflag:$0x2] =	stream.linear.gather [hbm4b:s14+s6], $0x80, $0x38;
	[tilespmem:$0x1C400] =	vst v63  }
0x125: {  	s16 =	rddreg [dreg:$0x1e]  }
0x126: {  	[tilespmem:s22], [sflag:$0x3] =	stream.linear.gather [hbm4b:s16+s6], $0x80, $0x38;
	[tilespmem:$0x1C400] =	vst v63  }
0x127: {  	s23 =	rddreg [dreg:$0x1f]  }
0x128: {  	[tilespmem:s25], [sflag:$0x4] =	stream.linear.gather [hbm4b:s23+s6], $0x80, $0x38;
	[tilespmem:$0x1C400] =	vst v63  }
0x129: {  	s23 =	simm.s32 $0x70  }
.LBB2_9:
0x12a: {  	_ =	swait.ge [sflag:s26], $0x80  }
0x12b: {  	[sflag:s26] =	ssyncset.done $0x0  }
0x12c: {  	[sflag:s26] =	ssyncadd.s32 $0xFFFFFF80  }
0x12d: {  	[spmem:s5] =	stream.indirect.scatter.add.f32 [tilespmem:s0], [sflag:$0x7], $0x80, s17, s28, $0xb8;
	[tilespmem:$0x1C400] =	vst v63  }
0x12e: {  	_ =	swait.ge [sflag:s15], $0x4000  }
0x12f: {  	p1 =	seq.s32 s23, $0x530;
	[sflag:s15] =	ssyncset.done $0x0  }
0x130: {  	s11 =	simm.s32 @p1 $0x2;
	[sflag:s15] =	ssyncadd.s32 $0xFFFFC000  }
0x131: {  	_ =	swait.ge @p1 [sflag:s11], $0x80  }
0x132: {  	s12 =	simm.s32 @p1 $0x14280;
	[sflag:s11] =	ssyncset.done @p1 $0x0  }
0x133: {  	s13 =	simm.s32 @p1 $0x14400;
	[sflag:s11] =	ssyncadd.s32 @p1 $0xFFFFFF80;
	s11 =	simm.s32 @p1 $0x80  }
0x134: {  	[spmem:s5] =	stream.indirect.scatter.add.f32 @p1 [tilespmem:s13], [sflag:$0x7], $0x80, s12, s11, $0xb8;
	[tilespmem:$0x1C400] =	vst v63  }
0x135: {  	s11 =	simm.s32 @p1 $0x7  }
0x136: {  	s12 =	sadd.s32 @!p1 s23, s31;
	s13 =	sadd.s32 @!p1 $0xFFFFFFD0, s23;
	_ =	swait.ge @p1 [sflag:s11], $0x4000  }
0x137: {  	s14 =	sadd.s32 @!p1 $0xFFFFFFD0, s12;
	s13 =	sand.u32 @!p1 $0x40, s13;
	[sflag:s11] =	ssyncset.done @p1 $0x0  }
0x138: {  	s13 =	sadd.s32 @!p1 s8, s13;
	[sflag:s11] =	ssyncadd.s32 @p1 $0xFFFFC000;
	s11 =	sand.u32 @!p1 $0x1FF80, s14  }
0x139: {  	s14 =	simm.s32 @!p1 $0x14200;
	s11 =	sadd.s32 @!p1 s11, s13;
	s13 =	simm.s32 @!p1 $0x0  }
0x13a: {  	[tilespmem:s14], [sflag:$0x1] =	stream.linear.gather @!p1 [hbm4b:s11+s13], $0x80, $0x38;
	[tilespmem:$0x1C400] =	vst v63  }
0x13b: {  	s11 =	simm.s32 @!p1 $0x2  }
0x13c: {  	_ =	swait.ge @!p1 [sflag:s11], $0x80  }
0x13d: {  	s16 =	simm.s32 @!p1 $0x14400;
	[sflag:s11] =	ssyncset.done @!p1 $0x0  }
0x13e: {  	s14 =	simm.s32 @!p1 $0x14280;
	[sflag:s11] =	ssyncadd.s32 @!p1 $0xFFFFFF80;
	s11 =	simm.s32 @!p1 $0x80  }
0x13f: {  	[spmem:s5] =	stream.indirect.scatter.add.f32 @!p1 [tilespmem:s16], [sflag:$0x7], $0x80, s14, s11, $0xb8;
	[tilespmem:$0x1C400] =	vst v63  }
0x140: {  	s11 =	simm.s32 @!p1 $0x7;
	s16 =	sadd.s32 @!p1 $0xFFFFFFE0, s23  }
0x141: {  	s12 =	sadd.s32 @!p1 $0xFFFFFFE0, s12;
	_ =	swait.ge @!p1 [sflag:s11], $0x4000;
	s16 =	sand.u32 @!p1 $0x50, s16  }
0x142: {  	s12 =	sand.u32 @!p1 $0x1FF80, s12;
	[sflag:s11] =	ssyncset.done @!p1 $0x0;
	s16 =	sadd.s32 @!p1 s8, s16  }
0x143: {  	[sflag:s11] =	ssyncadd.s32 @!p1 $0xFFFFC000;
	s11 =	sadd.s32 @!p1 s12, s16  }
0x144: {  	[tilespmem:s14], [sflag:$0x2] =	stream.linear.gather @!p1 [hbm4b:s11+s13], $0x80, $0x38;
	[tilespmem:$0x1C400] =	vst v63  }
0x145: {  	_ =	swait.ge [sflag:s29], $0x80  }
0x146: {  	[sflag:s29] =	ssyncset.done $0x0  }
.Ltmp7:
0x147: {  	[sflag:s29] =	ssyncadd.s32 $0xFFFFFF80;
	(pc) =	sbr.rel @p1 .LBB2_11-.Ltmp7, $4  }
0x148: {  	[spmem:s5] =	stream.indirect.scatter.add.f32 [tilespmem:s0], [sflag:$0x7], $0x80, s22, s28, $0xb8;
	[tilespmem:$0x1C400] =	vst v63  }
0x149: {  	_ =	swait.ge [sflag:s15], $0x4000  }
0x14a: {  	[sflag:s15] =	ssyncset.done $0x0  }
0x14b: {  	[sflag:s15] =	ssyncadd.s32 $0xFFFFC000  }
0x14c: {  	s11 =	sadd.s32 s23, s31;
	s12 =	sadd.s32 $0xFFFFFFF0, s23  }
0x14d: {  	s13 =	sadd.s32 $0xFFFFFFF0, s11;
	s12 =	sand.u32 $0x60, s12  }
0x14e: {  	s13 =	sand.u32 $0x1FF80, s13;
	s12 =	sadd.s32 s8, s12  }
0x14f: {  	s12 =	sadd.s32 s13, s12  }
0x150: {  	[tilespmem:s22], [sflag:$0x3] =	stream.linear.gather [hbm4b:s12+s6], $0x80, $0x38;
	[tilespmem:$0x1C400] =	vst v63  }
0x151: {  	_ =	swait.ge [sflag:s4], $0x80  }
0x152: {  	[sflag:s4] =	ssyncset.done $0x0  }
0x153: {  	[sflag:s4] =	ssyncadd.s32 $0xFFFFFF80  }
0x154: {  	[spmem:s5] =	stream.indirect.scatter.add.f32 [tilespmem:s0], [sflag:$0x7], $0x80, s25, s28, $0xb8;
	[tilespmem:$0x1C400] =	vst v63  }
.Ltmp8:
0x155: {  	_ = 	snop;
	(pc) =	sbr.rel .LBB2_9-.Ltmp8, $4  }
0x156: {  	s16 =	sand.u32 $0x70, s23;
	_ =	swait.ge [sflag:s15], $0x4000  }
0x157: {  	s11 =	sand.u32 $0x1FF80, s11;
	s12 =	sadd.s32 s8, s16;
	[sflag:s15] =	ssyncset.done $0x0  }
0x158: {  	s23 =	sadd.s32 $0x40, s23;
	s11 =	sadd.s32 s11, s12;
	[sflag:s15] =	ssyncadd.s32 $0xFFFFC000  }
0x159: {  	[tilespmem:s25], [sflag:$0x4] =	stream.linear.gather [hbm4b:s11+s6], $0x80, $0x38;
	[tilespmem:$0x1C400] =	vst v63  }
.LBB2_12:
0x15a: {  	_ =	sfence.sel $0x180000  }
0x15b: {  	[bflag:$0x0] =	sbarrier.arrive $0xFFFF  }
0x15c: {  	_ =	strace $0x90000047  }
0x15d: {  	s0 =	stileid.u32;
	[bflag:$0x2] =	sbarrier.arrive $0xFFFF  }
0x15e: {  	p0 =	sne.s32 s0, $0x0;
	s0 =	rddreg [dreg:$0x6]  }
0x15f: {  	s0 =	sadd.s32 @!p0 $0x100000, s0  }
0x160: {  	[sflag:s0] =	ssyncadd.tile.s32 @!p0 $0x1;
	_ =	shalt  }
.Lfunc_end2:
_tile_overlayer_lowered:
.L_overlay_start_2:
0x161: {  	(tag) =	ssettag $0x2  }
0x162: {  	s0 =	rddreg [dreg:$0x0];
	s2 =	stileid.u32  }
0x163: {  	s1 =	rddreg [dreg:$0x1];
	p0 =	sne.s32 s2, $0x0  }
0x164: {  	s3 =	rddreg [dreg:$0x2];
	[bflag:$0x3] =	sbarrier.arrive $0xFFFF;
	s2 =	simm.s32 @!p0 $0x1C07  }
0x165: {  	[timem:s3], [sflag:s2] =	dma.local @!p0 [hbm:s0], s1  }
0x166: {  	s0 =	simm.s32 @!p0 $0x7  }
0x167: {  	_ =	swait.ge @!p0 [sflag:s0], s1  }
0x168: {  	s1 =	ssub.s32 @!p0 $0x0, s1;
	[sflag:s0] =	ssyncset.done @!p0 $0x0  }
0x169: {  	[sflag:s0] =	ssyncadd.s32 @!p0 s1  }
0x16a: {  	[bflag:$0x3] =	sbarrier.arrive $0xFFFF  }
0x16b: {  	_ =	shalt  }

// kernel: kernel.9.cloned.1.call-start
scs
__scs_entry_jumppad:
0x0: {  	(pc) =	sbr.rel $0x88, $3  }
0x1: {  	(tag) =	ssettag $0x0;
	lr =	simm.s32 $0x1  }
0x2: {  	[smem:$0x3F91] =	sst lr;
	_ =	strace $0xD0000000  }
0x3: {  	_ = 	snop  }
0x4: {  	_ = 	snop  }
0x5: {  	_ = 	snop  }
0x6: {  	_ = 	snop  }
0x7: {  	_ = 	snop  }
__scs_overlays_trampoline_lowered:
0x8: {  	[smem:$0x3FA0] =	sst s0  }
0x9: {  	[smem:$0x3FA1] =	sst s1  }
0xa: {  	[smem:$0x3FA2] =	sst s2  }
0xb: {  	[smem:$0x3FA3] =	sst s3  }
0xc: {  	[smem:$0x3FA4] =	sst s4  }
0xd: {  	[smem:$0x3FA5] =	sst s5  }
0xe: {  	[smem:$0x3FA6] =	sst s6  }
0xf: {  	[smem:$0x3FA7] =	sst s7  }
0x10: {  	[smem:$0x3FA8] =	sst s8  }
0x11: {  	[smem:$0x3FA9] =	sst s9;
	s0 =	simm.s32 @!p0 $0x0  }
0x12: {  	s1 =	sld [smem:$0x3F8F];
	s0 =	simm.s32 @p0 $0x1  }
0x13: {  	[smem:$0x3FAA] =	sst s0;
	s0 =	simm.s32 @!p1 $0x0  }
0x14: {  	s2 =	sld [smem:$0x3F8E];
	s0 =	simm.s32 @p1 $0x1  }
0x15: {  	[smem:$0x3FAB] =	sst s0;
	s0 =	simm.s32 @!p2 $0x0  }
0x16: {  	s3 =	sld [smem:$0x3FDB];
	s0 =	simm.s32 @p2 $0x1  }
0x17: {  	s4 =	simm.s32 $0x1BF5;
	[smem:$0x3FAD] =	sst s0  }
0x18: {  	s0 =	sld [smem:$0x3F90];
	_ =	swait.ge [sflag:s4], $0x0  }
0x19: {  	s7 =	sld [smem:$0x3F91]  }
0x1a: {  	s8 =	sadd.s32 $0xFFFFE003, lr  }
0x1b: {  	s9 =	sadd.s32 $0xFFFFFEF7, lr;
	s5 =	simm.s32 $0xFFFFFFFF;
	p2 =	slt.u32 s8, $0xFFFFF086  }
0x1c: {  	p1 =	slt.u32 s9, $0xF7A;
	s5 =	simm.s32 @!p2 $0x0  }
0x1d: {  	s5 =	simm.s32 @p1 $0x1;
	p0 =	seq.s32 s7, s2  }
0x1e: {  	s7 =	smul.u32 @!p0 $0xF7A, s2;
	p2 =	seq.s32 @!p0 s5, $0x0  }
0x1f: {  	s9 =	smul.u32 $0xF7A, s1;
	s8 =	simm.s32 @!p0 $0x1BF5;
	p2 =	por !p2, p0  }
0x20: {  	[sflag:s8] =	ssyncset.s32 @!p0 $0xFFFFF086;
	s6 =	sadd.s32 @!p0 s3, s7;
	s7 =	simm.s32 @!p0 $0x108  }
0x21: {  	s3 =	sadd.s32 s3, s9;
	s6 =	sadd.s32 @!p0 $0x88, s6;
	s7 =	simm.s32 @p2 $0x1082  }
0x22: {  	[simem:s7], [sflag:s8] =	dma.local @!p0 [hbm:s6], $0xF7A  }
0x23: {  	s9 =	sor.u32 $0xD0000000, s2;
	s6 =	simm.s32 $0x108;
	_ =	swait.ge @!p0 [sflag:s8], $0x0  }
0x24: {  	s3 =	sadd.s32 $0x88, s3;
	s6 =	simm.s32 @!p1 $0x1082;
	[sflag:s4] =	ssyncset.s32 $0xFFFFF086  }
0x25: {  	[simem:s6], [sflag:s4] =	dma.local [hbm:s3], $0xF7A  }
0x26: {  	[smem:$0x3F91] =	sst s1;
	(tag) =	ssettag s2;
	_ =	strace s9  }
0x27: {  	s1 =	sld [smem:$0x3FA1]  }
0x28: {  	s2 =	sld [smem:$0x3FA2]  }
0x29: {  	s4 =	sld [smem:$0x3FA4]  }
0x2a: {  	p0 =	seq.s32 s5, $0x0;
	s5 =	sld [smem:$0x3FA5]  }
0x2b: {  	s6 =	sld [smem:$0x3FA6]  }
0x2c: {  	s7 =	sld [smem:$0x3FA7]  }
0x2d: {  	s3 =	simm.s32 $0x108;
	s8 =	sld [smem:$0x3FA8]  }
0x2e: {  	s3 =	simm.s32 @!p0 $0x1082;
	s9 =	sld [smem:$0x3FA9]  }
0x2f: {  	lr =	sadd.s32 s0, s3;
	s0 =	sld [smem:$0x3FA0]  }
0x30: {  	s3 =	sld [smem:$0x3FA3]  }
0x31: {  	[smem:$0x3FAC] =	sst s10  }
0x32: {  	s10 =	sld [smem:$0x3FAA];
	_ =	sdelay $0x3  }
0x33: {  	p0 =	seq.s32 s10, $0x1;
	s10 =	sld [smem:$0x3FAC];
	_ =	sdelay $0x3  }
0x34: {  	[smem:$0x3FAC] =	sst s10  }
0x35: {  	s10 =	sld [smem:$0x3FAB];
	_ =	sdelay $0x3  }
0x36: {  	p1 =	seq.s32 s10, $0x1;
	s10 =	sld [smem:$0x3FAC];
	_ =	sdelay $0x3  }
0x37: {  	[smem:$0x3FAC] =	sst s10  }
0x38: {  	s10 =	sld [smem:$0x3FAD]  }
0x39: {  	_ = 	snop;
	(pc) =	sbr.ind lr, $3  }
0x3a: {  	_ = 	snop  }
0x3b: {  	_ = 	snop  }
0x3c: {  	p2 =	seq.s32 s10, $0x1;
	s10 =	sld [smem:$0x3FAC]  }
0x3d: {  	_ =	shalt  }
0x3e: {  	_ =	shalt  }
0x3f: {  	_ =	shalt  }
0x40: {  	_ =	shalt  }
0x41: {  	_ =	shalt  }
0x42: {  	_ =	shalt  }
0x43: {  	_ =	shalt  }
0x44: {  	_ =	shalt  }
0x45: {  	_ =	shalt  }
0x46: {  	_ =	shalt  }
0x47: {  	_ =	shalt  }
0x48: {  	_ =	shalt  }
0x49: {  	_ =	shalt  }
0x4a: {  	_ =	shalt  }
0x4b: {  	_ =	shalt  }
0x4c: {  	_ =	shalt  }
0x4d: {  	_ =	shalt  }
0x4e: {  	_ =	shalt  }
0x4f: {  	_ =	shalt  }
0x50: {  	_ =	shalt  }
0x51: {  	_ =	shalt  }
0x52: {  	_ =	shalt  }
0x53: {  	_ =	shalt  }
0x54: {  	_ =	shalt  }
0x55: {  	_ =	shalt  }
0x56: {  	_ =	shalt  }
0x57: {  	_ =	shalt  }
0x58: {  	_ =	shalt  }
0x59: {  	_ =	shalt  }
0x5a: {  	_ =	shalt  }
0x5b: {  	_ =	shalt  }
0x5c: {  	_ =	shalt  }
0x5d: {  	_ =	shalt  }
0x5e: {  	_ =	shalt  }
0x5f: {  	_ =	shalt  }
0x60: {  	_ =	shalt  }
0x61: {  	_ =	shalt  }
0x62: {  	_ =	shalt  }
0x63: {  	_ =	shalt  }
0x64: {  	_ =	shalt  }
0x65: {  	_ =	shalt  }
0x66: {  	_ =	shalt  }
0x67: {  	_ =	shalt  }
0x68: {  	_ =	shalt  }
0x69: {  	_ =	shalt  }
0x6a: {  	_ =	shalt  }
0x6b: {  	_ =	shalt  }
0x6c: {  	_ =	shalt  }
0x6d: {  	_ =	shalt  }
0x6e: {  	_ =	shalt  }
0x6f: {  	_ =	shalt  }
0x70: {  	_ =	shalt  }
0x71: {  	_ =	shalt  }
0x72: {  	_ =	shalt  }
0x73: {  	_ =	shalt  }
0x74: {  	_ =	shalt  }
0x75: {  	_ =	shalt  }
0x76: {  	_ =	shalt  }
0x77: {  	_ =	shalt  }
0x78: {  	_ =	shalt  }
0x79: {  	_ =	shalt  }
0x7a: {  	_ =	shalt  }
0x7b: {  	_ =	shalt  }
0x7c: {  	_ =	shalt  }
0x7d: {  	_ =	shalt  }
0x7e: {  	_ =	shalt  }
0x7f: {  	_ =	shalt  }
0x80: {  	_ =	shalt  }
0x81: {  	_ =	shalt  }
0x82: {  	_ =	shalt  }
0x83: {  	_ =	shalt  }
0x84: {  	_ =	shalt  }
0x85: {  	_ =	shalt  }
0x86: {  	_ =	shalt  }
0x87: {  	_ =	shalt  }
.Lfunc_end0:
.L_simem_size_0:
called_computation.1_lowered:
.L_overlay_start_0:
0x88: {  	s2 =	sld [smem:$0x3FD9]  }
0x89: {  	s3 =	sld [smem:$0x3FFE];
	_ =	sdelay $0x1  }
0x8a: {  	s1 =	srdreg.scid  }
0x8b: {  	s0 =	sand.u32 $0x1, s1  }
0x8c: {  	s14 =	sshll.u32 s0, $0xA;
	s2 =	sadd.s32 s3, s2  }
0x8d: {  	s2 =	sadd.s32 s2, s14  }
0x8e: {  	[smem:$0x3FB8] =	sst s2  }
0x8f: {  	_ = 	snop  }
0x90: {  	s2 =	sld [smem:$0x3FD0];
	_ =	sdelay $0x2  }
0x91: {  	s15 =	simm.s32 $0xA;
	s4 =	simm.s32 $0x10  }
0x92: {  	[smem:s4], [sflag:s15] =	dma.local [hbm:s2], $0x1  }
0x93: {  	_ =	swait.eq [sflag:s15], $0x1  }
0x94: {  	[sflag:s15] =	ssyncset.done $0x0  }
0x95: {  	[sflag:s15] =	ssyncadd.s32 $0xFFFFFFFF  }
0x96: {  	s16 =	sld [smem:$0x10];
	(tm) =	ssettm $0x1  }
0x97: {  	s17 =	sld [smem:$0x3FFB];
	_ =	sdelay $0x3  }
0x98: {  	_ =	strace s17  }
0x99: {  	s3 =	sld [smem:$0x3FFC];
	_ =	sdelay $0x3  }
0x9a: {  	_ =	strace s3  }
0x9b: {  	s3 =	sld [smem:$0x3FFD];
	_ =	sdelay $0x3  }
0x9c: {  	_ =	strace s3  }
0x9d: {  	_ =	strace $0x8FFFFFFF  }
0x9e: {  	s18 =	sld [smem:$0x3FDB];
	_ =	sdelay $0x1  }
0x9f: {  	s19 =	simm.s32 $_scs_section_size  }
0xa0: {  	s5 =	simm.s32 $_size__tile_overlayer_lowered;
	s6 =	simm.s32 $_tile_overlayer_lowered  }
0xa1: {  	s22 =	simm.s32 $0x1BFF;
	s21 =	sshll.u32 s6, $0x1;
	s3 =	sadd.s32 s19, s18  }
0xa2: {  	s7 =	simm.s32 $0x0;
	s20 =	sshll.u32 s5, $0x1;
	s5 =	sadd.s32 s21, s3  }
0xa3: {  	[timem:s7], [sflag:s22] =	dma.local [hbm:s5], s20  }
0xa4: {  	_ =	swait.ge [sflag:s22], s20  }
0xa5: {  	s4 =	ssub.s32 $0x0, s20;
	[sflag:s22] =	ssyncset.done $0x0  }
0xa6: {  	[sflag:s22] =	ssyncadd.s32 s4;
	_ =	sdelay $0x1  }
0xa7: {  	s23 =	simm.s32 $0x1B8B  }
0xa8: {  	_ =	swait.ge [sflag:s23], $0x1  }
0xa9: {  	[sflag:s23] =	ssyncset.done $0x0  }
0xaa: {  	s25 =	simm.s32 $0x1B8E;
	s24 =	sld [smem:$0x3FFE];
	[sflag:s23] =	ssyncadd.s32 $0xFFFFFFFF  }
0xab: {  	s26 =	simm.s32 $execute0_lowered;
	[smem:$0x3FD2] =	sst s25  }
0xac: {  	s5 =	sshll.u32 s26, $0x1;
	_ =	strace $0x80000049;
	[dreg:$0x1] =	wrdreg $0xFFFFFFFF  }
0xad: {  	s28 =	simm.s32 $_size_execute0_lowered;
	s3 =	sadd.s32 s3, s5;
	[dreg:$0x0] =	wrdreg $0x0  }
0xae: {  	s5 =	sshll.u32 s28, $0x1;
	[dreg:$0x2] =	wrdreg s3  }
0xaf: {  	[dreg:$0x3] =	wrdreg s5  }
0xb0: {  	[dreg:$0x4] =	wrdreg $0xC0  }
0xb1: {  	_ =	task [dreg:s7], $0x5FFFF  }
0xb2: {  	[dreg:$0x1] =	wrdreg $0xFFFFFFFF  }
0xb3: {  	[dreg:$0x0] =	wrdreg $0x60  }
0xb4: {  	[dreg:$0x2] =	wrdreg s24  }
0xb5: {  	[dreg:$0x3] =	wrdreg s16  }
0xb6: {  	[dreg:$0x4] =	wrdreg $0x0  }
0xb7: {  	[dreg:$0x5] =	wrdreg $0x9  }
0xb8: {  	_ =	task.clear_ibuf [dreg:s7], $0x6FFFF;
	_ =	strace $0x90000049  }
0xb9: {  	s29 =	simm.s32 $0x9;
	_ =	strace $0x8000004B  }
0xba: {  	_ =	swait.ge [sflag:s29], $0x1  }
0xbb: {  	[sflag:s29] =	ssyncadd.s32 $0xFFFFFFFF  }
0xbc: {  	_ =	strace $0x9000004B  }
0xbd: {  	_ =	sfence  }
0xbe: {  	s30 =	sld [smem:$0x0];
	_ =	sdelay $0x2  }
0xbf: {  	s31 =	sshll.u32 s1, $0xD;
	s1 =	sshrl.u32 s1, $0x2  }
0xc0: {  	s3 =	sand.u32 $0x4000, s31;
	s1 =	sadd.s32 s1, s30  }
0xc1: {  	s0 =	sor.u32 s3, s0;
	s1 =	sshll.u32 s1, $0x11  }
0xc2: {  	s0 =	sor.u32 s1, s0  }
0xc3: {  	s0 =	sadd.s32 $0x8F2B, s0  }
0xc4: {  	[sflag:s0] =	ssyncadd.remote.s32 $0x1  }
0xc5: {  	_ =	sfence.sel $0xFFFF  }
0xc6: {  	[dreg:$0x0] =	wrdreg $0xFFFFFFFF;
	(pc) =	sbr.abs _section_cstart, $3  }
0xc7: {  	[dreg:$0x1] =	wrdreg $0xFFFFFFFF  }
0xc8: {  	_ =	task.clear_ibuf [dreg:s7], $0x2FFFF;
	_ =	strace $0x9FFFFFFF  }
0xc9: {  	(tm) =	ssettm $0x7FFFFFFF  }
tec
execute0_lowered:
.L_overlay_start_1:
0x0: {  	(tag) =	ssettag $0x1  }
0x1: {  	s0 =	rddreg [dreg:$0x0]  }
0x2: {  	s3 =	rddreg [dreg:$0x1]  }
0x3: {  	s1 =	rddreg [dreg:$0x2];
	s2 =	simm.s32 $0x0;
	s16 =	stileid.u32  }
0x4: {  	s7 =	srdreg.scid;
	s30 =	simm.s32 $0x6;
	s31 =	simm.s32 $0x4  }
0x5: {  	[smem:$0x7FF] =	sst s2;
	s4 =	sadd.s32 $0x8EE00, s0;
	s9 =	smul.u32 $0x14000, s16  }
0x6: {  	s5 =	sadd.s32 $0xB6000, s0;
	s6 =	sadd.s32 $0x2E00, s0;
	s11 =	smul.u32 $0x50000, s16  }
0x7: {  	s10 =	sand.u32 $0x1, s7;
	s7 =	sadd.s32 $0xCE00, s0;
	s19 =	smul.u32 $0x50, s16  }
0x8: {  	s15 =	sshll.u32 s16, $0x6;
	_ =	strace $0x8000004A;
	s14 =	smul.u32 $0x500, s10  }
0x9: {  	s8 =	ssub.s32 $0x2, s10;
	p0 =	seq.s32 s10, $0x1;
	s26 =	smul.u32 $0x140000, s10  }
0xa: {  	s12 =	sshrl.u32 s9, $0x3;
	s13 =	sshrl.u32 s8, $0x1;
	s11 =	sshrl.u32 s11, $0x2  }
0xb: {  	s0 =	sadd.s32 s12, s0;
	s12 =	ssub.s32 s8, s13;
	s8 =	smul.u32 $0x500, s16  }
0xc: {  	s11 =	sadd.s32 s11, s1;
	s20 =	sadd.s32 s19, s14;
	s9 =	sadd.s32 s9, s26  }
0xd: {  	[dreg:$0x4] =	wrdreg s11;
	s0 =	sadd.s32 $0x16E00, s0;
	s11 =	sor.u32 $0x1C07, s15  }
0xe: {  	s9 =	sshrl.u32 s9, $0x3;
	s15 =	simm.s32 $0x14100;
	[dreg:$0x5] =	wrdreg s0  }
0xf: {  	s21 =	sor.u32 $0x10, s8;
	s3 =	sadd.s32 s3, s9;
	[dreg:$0x6] =	wrdreg s11  }
0x10: {  	s23 =	sor.u32 $0x20, s8;
	s26 =	sadd.s32 s6, s8;
	[dreg:$0xf] =	wrdreg s3  }
0x11: {  	s25 =	sor.u32 $0x30, s8;
	s22 =	sadd.s32 s6, s21;
	[dreg:$0x17] =	wrdreg s26  }
0x12: {  	s0 =	sshll.u32 s20, $0x4;
	s13 =	sadd.s32 s7, s21;
	[dreg:$0x7] =	wrdreg s22  }
0x13: {  	s24 =	sadd.s32 s6, s23;
	s28 =	sadd.s32 s6, s25;
	[dreg:$0x8] =	wrdreg s13  }
0x14: {  	s14 =	sadd.s32 s7, s25;
	s16 =	sadd.s32 s6, s0;
	[dreg:$0x9] =	wrdreg s24  }
0x15: {  	s17 =	sadd.s32 s7, s0;
	s18 =	sor.u32 $0x10, s0;
	[dreg:$0xb] =	wrdreg s28  }
0x16: {  	s21 =	sor.u32 $0x20, s0;
	s0 =	sor.u32 $0x30, s0;
	[dreg:$0xc] =	wrdreg s14  }
0x17: {  	s25 =	smax.u32 s12, $0x1;
	s12 =	simm.s32 $0x14200;
	[dreg:$0xd] =	wrdreg s16  }
0x18: {  	s26 =	simm.s32 $0x3;
	s13 =	sadd.s32 s7, s23;
	[dreg:$0xe] =	wrdreg s17  }
0x19: {  	s19 =	sadd.s32 s6, s18;
	s20 =	sadd.s32 s7, s18;
	[dreg:$0x16] =	wrdreg s25  }
0x1a: {  	s22 =	smul.u32 $0x5000, s10;
	s23 =	sadd.s32 s6, s21;
	[dreg:$0xa] =	wrdreg s13  }
0x1b: {  	s3 =	sadd.s32 s7, s21;
	s24 =	sadd.s32 s6, s0;
	[dreg:$0x10] =	wrdreg s19  }
0x1c: {  	s0 =	sadd.s32 s7, s0;
	s28 =	sadd.s32 s7, s8;
	[dreg:$0x11] =	wrdreg s20  }
0x1d: {  	s14 =	simm.s32 $0x14280;
	s16 =	simm.s32 $0x14300;
	[dreg:$0x12] =	wrdreg s23  }
0x1e: {  	s17 =	simm.s32 $0x14180;
	s18 =	simm.s32 $0x14380;
	[dreg:$0x13] =	wrdreg s3  }
.Ltmp0:
0x1f: {  	s21 =	simm.s32 $0x80;
	[dreg:$0x14] =	wrdreg s24;
	(pc) =	sbr.rel .LBB2_1-.Ltmp0, $4  }
0x20: {  	s25 =	simm.s32 $0x5;
	s10 =	simm.s32 $0x0;
	[dreg:$0x15] =	wrdreg s0  }
0x21: {  	[dreg:$0x18] =	wrdreg s28;
	s0 =	simm.s32 $0x7;
	s3 =	simm.s32 $0x14000  }
0x22: {  	s13 =	simm.s32 $0x14080;
	s19 =	simm.s32 $0x1;
	s23 =	simm.s32 $0x2  }
0x23: {  	s24 =	simm.s32 $0x18400;
	s29 =	sadd.s32 s8, s22;
	s22 =	simm.s32 $0x14400  }
.LBB2_8:
0x24: {  	_ =	swait.ge [sflag:s30], $0x4000  }
0x25: {  	[sflag:s30] =	ssyncset.done $0x0  }
0x26: {  	[sflag:s30] =	ssyncadd.s32 $0xFFFFC000  }
0x27: {  	[spmem:s1] =	stream.indirect.scatter.add.f32 [tilespmem:s24], [sflag:$0x7], $0x80, s18, s21, $0xb8;
	[tilespmem:$0x1C400] =	vst v63  }
0x28: {  	_ =	swait.ge [sflag:s0], $0x4000  }
0x29: {  	[sflag:s0] =	ssyncset.done $0x0  }
0x2a: {  	[sflag:s0] =	ssyncadd.s32 $0xFFFFC000  }
0x2b: {  	[bflag:$0x0] =	sbarrier.arrive $0xFFFF  }
0x2c: {  	s11 =	rddreg [dreg:$0x6]  }
0x2d: {  	s9 =	rddreg [dreg:$0xf]  }
0x2e: {  	s10 =	rddreg [dreg:$0x1a]  }
0x2f: {  	[hbm:s9], [sflag:s11] =	dma.local [spmem:s10], $0x2800  }
0x30: {  	_ =	swait.ge [sflag:s0], $0x2800  }
0x31: {  	s20 =	rddreg [dreg:$0x19]  }
0x32: {  	s28 =	rddreg [dreg:$0x16];
	s10 =	sadd.s32 $0x1, s20  }
0x33: {  	p1 =	sne.s32 s10, s28  }
.Ltmp1:
0x34: {  	_ = 	snop;
	(pc) =	sbr.rel @!p1 .LBB2_9-.Ltmp1, $3  }
0x35: {  	_ =	sdelay $0x1  }
0x36: {  	[sflag:s0] =	ssyncset.done $0x0  }
0x37: {  	[sflag:s0] =	ssyncadd.s32 $0xFFFFD800  }
.LBB2_1:
0x38: {  	[dreg:$0x19] =	wrdreg s10  }
0x39: {  	s9 =	rddreg [dreg:$0x4]  }
0x3a: {  	s28 =	rddreg [dreg:$0x5];
	s20 =	sshrl.u32 s9, $0x3  }
0x3b: {  	[dreg:$0x1a] =	wrdreg s20  }
0x3c: {  	[spmem:s20], [sflag:s11] =	dma.local [hbm:s28], $0x2800  }
.Ltmp2:
0x3d: {  	_ =	swait.ge [sflag:s0], $0x2800;
	(pc) =	sbr.rel @!p0 .LBB2_2-.Ltmp2, $3  }
0x3e: {  	[sflag:s0] =	ssyncset.done $0x0  }
0x3f: {  	[sflag:s0] =	ssyncadd.s32 $0xFFFFD800  }
0x40: {  	[bflag:$0x0] =	sbarrier.arrive $0xFFFF;
	_ =	sdelay $0x1  }
0x41: {  	s9 =	rddreg [dreg:$0xd]  }
0x42: {  	[tilespmem:s3], [sflag:$0x1] =	stream.linear.gather [hbm4b:s9+s2], $0x80, $0x38;
	[tilespmem:$0x1C400] =	vst v63  }
0x43: {  	s11 =	rddreg [dreg:$0xe]  }
0x44: {  	[tilespmem:s12], [sflag:$0x1] =	stream.linear.gather [hbm4b:s11+s2], $0x80, $0x38;
	[tilespmem:$0x1C400] =	vst v63  }
0x45: {  	s20 =	rddreg [dreg:$0x10]  }
0x46: {  	[tilespmem:s13], [sflag:$0x2] =	stream.linear.gather [hbm4b:s20+s2], $0x80, $0x38;
	[tilespmem:$0x1C400] =	vst v63  }
0x47: {  	s28 =	rddreg [dreg:$0x11]  }
0x48: {  	[tilespmem:s14], [sflag:$0x2] =	stream.linear.gather [hbm4b:s28+s2], $0x80, $0x38;
	[tilespmem:$0x1C400] =	vst v63  }
0x49: {  	s10 =	rddreg [dreg:$0x12]  }
0x4a: {  	[tilespmem:s15], [sflag:$0x3] =	stream.linear.gather [hbm4b:s10+s2], $0x80, $0x38;
	[tilespmem:$0x1C400] =	vst v63  }
0x4b: {  	s11 =	rddreg [dreg:$0x13]  }
0x4c: {  	[tilespmem:s16], [sflag:$0x3] =	stream.linear.gather [hbm4b:s11+s2], $0x80, $0x38;
	[tilespmem:$0x1C400] =	vst v63  }
0x4d: {  	s20 =	rddreg [dreg:$0x14]  }
0x4e: {  	[tilespmem:s17], [sflag:$0x4] =	stream.linear.gather [hbm4b:s20+s2], $0x80, $0x38;
	[tilespmem:$0x1C400] =	vst v63  }
0x4f: {  	s28 =	rddreg [dreg:$0x15]  }
0x50: {  	[tilespmem:s18], [sflag:$0x4] =	stream.linear.gather [hbm4b:s28+s2], $0x80, $0x38;
	[tilespmem:$0x1C400] =	vst v63  }
0x51: {  	_ =	swait.ge [sflag:s19], $0x80  }
0x52: {  	[sflag:s19] =	ssyncset.done $0x0  }
0x53: {  	[sflag:s19] =	ssyncadd.s32 $0xFFFFFF80  }
0x54: {  	_ =	swait.ge [sflag:s19], $0x80  }
0x55: {  	[sflag:s19] =	ssyncset.done $0x0  }
0x56: {  	s20 =	simm.s32 $0x70;
	[sflag:s19] =	ssyncadd.s32 $0xFFFFFF80  }
0x57: {  	[tilespmem:s22], [sflag:$0x5] =	stream.indirect.gather [hbm4b:s5+s21], $0x80, s3, s21, $0xb8;
	[tilespmem:$0x1C400] =	vst v63  }
.LBB2_6:
0x58: {  	_ =	swait.ge [sflag:s23], $0x80  }
0x59: {  	[sflag:s23] =	ssyncset.done $0x0  }
0x5a: {  	[sflag:s23] =	ssyncadd.s32 $0xFFFFFF80  }
0x5b: {  	_ =	swait.ge [sflag:s23], $0x80  }
0x5c: {  	[sflag:s23] =	ssyncset.done $0x0  }
0x5d: {  	[sflag:s23] =	ssyncadd.s32 $0xFFFFFF80  }
0x5e: {  	[tilespmem:s24], [sflag:$0x6] =	stream.indirect.gather [hbm4b:s5+s21], $0x80, s13, s21, $0xb8;
	[tilespmem:$0x1C400] =	vst v63  }
0x5f: {  	p1 =	seq.s32 s20, $0x530;
	_ =	swait.ge [sflag:s25], $0x4000  }
0x60: {  	s9 =	sadd.s32 @!p1 $0xFFFFFFD0, s20;
	[sflag:s25] =	ssyncset.done $0x0  }
0x61: {  	s10 =	sadd.s32 @!p1 s29, s9;
	[sflag:s25] =	ssyncadd.s32 $0xFFFFC000  }
0x62: {  	[spmem:s1] =	stream.indirect.scatter.add.f32 [tilespmem:s22], [sflag:$0x7], $0x80, s12, s21, $0xb8;
	[tilespmem:$0x1C400] =	vst v63  }
0x63: {  	s9 =	sand.u32 @!p1 $0x40, s9;
	s10 =	sand.u32 @!p1 $0x1FF80, s10;
	_ =	swait.ge [sflag:s0], $0x4000  }
0x64: {  	s11 =	simm.s32 @!p1 $0x0;
	s9 =	sor.u32 @!p1 s9, s10;
	[sflag:s0] =	ssyncset.done $0x0  }
0x65: {  	s28 =	simm.s32 @!p1 $0x14000;
	s10 =	sadd.s32 @!p1 s6, s9;
	[sflag:s0] =	ssyncadd.s32 $0xFFFFC000  }
0x66: {  	[tilespmem:s28], [sflag:$0x1] =	stream.linear.gather @!p1 [hbm4b:s10+s11], $0x80, $0x38;
	[tilespmem:$0x1C400] =	vst v63  }
0x67: {  	s9 =	sadd.s32 @!p1 s7, s9;
	s10 =	simm.s32 @!p1 $0x14200  }
0x68: {  	[tilespmem:s10], [sflag:$0x1] =	stream.linear.gather @!p1 [hbm4b:s9+s11], $0x80, $0x38;
	[tilespmem:$0x1C400] =	vst v63  }
0x69: {  	_ =	swait.ge [sflag:s26], $0x80  }
0x6a: {  	[sflag:s26] =	ssyncset.done $0x0  }
0x6b: {  	[sflag:s26] =	ssyncadd.s32 $0xFFFFFF80  }
0x6c: {  	_ =	swait.ge [sflag:s26], $0x80  }
0x6d: {  	[sflag:s26] =	ssyncset.done $0x0  }
0x6e: {  	[sflag:s26] =	ssyncadd.s32 $0xFFFFFF80  }
0x6f: {  	[tilespmem:s22], [sflag:$0x5] =	stream.indirect.gather [hbm4b:s5+s21], $0x80, s15, s21, $0xb8;
	[tilespmem:$0x1C400] =	vst v63  }
0x70: {  	_ =	swait.ge [sflag:s30], $0x4000  }
0x71: {  	s9 =	sadd.s32 @!p1 $0xFFFFFFE0, s20;
	[sflag:s30] =	ssyncset.done $0x0  }
0x72: {  	s10 =	sadd.s32 @!p1 s29, s9;
	[sflag:s30] =	ssyncadd.s32 $0xFFFFC000  }
0x73: {  	[spmem:s1] =	stream.indirect.scatter.add.f32 [tilespmem:s24], [sflag:$0x7], $0x80, s14, s21, $0xb8;
	[tilespmem:$0x1C400] =	vst v63  }
0x74: {  	s9 =	sand.u32 @!p1 $0x50, s9;
	s10 =	sand.u32 @!p1 $0x1FF80, s10;
	_ =	swait.ge [sflag:s0], $0x4000  }
0x75: {  	s9 =	sor.u32 @!p1 s9, s10;
	[sflag:s0] =	ssyncset.done $0x0  }
0x76: {  	s28 =	simm.s32 @!p1 $0x14080;
	s10 =	sadd.s32 @!p1 s6, s9;
	[sflag:s0] =	ssyncadd.s32 $0xFFFFC000  }
0x77: {  	[tilespmem:s28], [sflag:$0x2] =	stream.linear.gather @!p1 [hbm4b:s10+s11], $0x80, $0x38;
	[tilespmem:$0x1C400] =	vst v63  }
0x78: {  	s9 =	sadd.s32 @!p1 s7, s9;
	s10 =	simm.s32 @!p1 $0x14280  }
0x79: {  	[tilespmem:s10], [sflag:$0x2] =	stream.linear.gather @!p1 [hbm4b:s9+s11], $0x80, $0x38;
	[tilespmem:$0x1C400] =	vst v63  }
0x7a: {  	_ =	swait.ge [sflag:s31], $0x80  }
0x7b: {  	[sflag:s31] =	ssyncset.done $0x0  }
0x7c: {  	[sflag:s31] =	ssyncadd.s32 $0xFFFFFF80  }
0x7d: {  	_ =	swait.ge [sflag:s31], $0x80  }
0x7e: {  	[sflag:s31] =	ssyncset.done $0x0  }
0x7f: {  	[sflag:s31] =	ssyncadd.s32 $0xFFFFFF80  }
0x80: {  	[tilespmem:s24], [sflag:$0x6] =	stream.indirect.gather [hbm4b:s5+s21], $0x80, s17, s21, $0xb8;
	[tilespmem:$0x1C400] =	vst v63  }
0x81: {  	_ =	swait.ge [sflag:s25], $0x4000  }
0x82: {  	[sflag:s25] =	ssyncset.done $0x0  }
.Ltmp3:
0x83: {  	[sflag:s25] =	ssyncadd.s32 $0xFFFFC000;
	(pc) =	sbr.rel @p1 .LBB2_8-.Ltmp3, $4  }
0x84: {  	[spmem:s1] =	stream.indirect.scatter.add.f32 [tilespmem:s22], [sflag:$0x7], $0x80, s16, s21, $0xb8;
	[tilespmem:$0x1C400] =	vst v63  }
0x85: {  	_ =	swait.ge [sflag:s0], $0x4000  }
0x86: {  	[sflag:s0] =	ssyncset.done $0x0  }
0x87: {  	[sflag:s0] =	ssyncadd.s32 $0xFFFFC000  }
0x88: {  	s9 =	sadd.s32 s20, s29  }
0x89: {  	s11 =	sadd.s32 $0xFFFFFFF0, s20;
	s10 =	sadd.s32 $0xFFFFFFF0, s9  }
0x8a: {  	s11 =	sand.u32 $0x60, s11;
	s10 =	sand.u32 $0x1FF80, s10  }
0x8b: {  	s10 =	sor.u32 s11, s10  }
0x8c: {  	s11 =	sadd.s32 s6, s10  }
0x8d: {  	[tilespmem:s15], [sflag:$0x3] =	stream.linear.gather [hbm4b:s11+s2], $0x80, $0x38;
	[tilespmem:$0x1C400] =	vst v63  }
0x8e: {  	s10 =	sadd.s32 s7, s10  }
0x8f: {  	[tilespmem:s16], [sflag:$0x3] =	stream.linear.gather [hbm4b:s10+s2], $0x80, $0x38;
	[tilespmem:$0x1C400] =	vst v63  }
0x90: {  	_ =	swait.ge [sflag:s19], $0x80  }
0x91: {  	[sflag:s19] =	ssyncset.done $0x0  }
0x92: {  	[sflag:s19] =	ssyncadd.s32 $0xFFFFFF80  }
0x93: {  	_ =	swait.ge [sflag:s19], $0x80  }
0x94: {  	[sflag:s19] =	ssyncset.done $0x0  }
0x95: {  	[sflag:s19] =	ssyncadd.s32 $0xFFFFFF80  }
0x96: {  	[tilespmem:s22], [sflag:$0x5] =	stream.indirect.gather [hbm4b:s5+s21], $0x80, s3, s21, $0xb8;
	[tilespmem:$0x1C400] =	vst v63  }
0x97: {  	_ =	swait.ge [sflag:s30], $0x4000  }
0x98: {  	[sflag:s30] =	ssyncset.done $0x0  }
0x99: {  	[sflag:s30] =	ssyncadd.s32 $0xFFFFC000  }
0x9a: {  	[spmem:s1] =	stream.indirect.scatter.add.f32 [tilespmem:s24], [sflag:$0x7], $0x80, s18, s21, $0xb8;
	[tilespmem:$0x1C400] =	vst v63  }
0x9b: {  	s28 =	sand.u32 $0x70, s20;
	s9 =	sand.u32 $0x1FF80, s9;
	_ =	swait.ge [sflag:s0], $0x4000  }
.Ltmp4:
0x9c: {  	s9 =	sor.u32 s28, s9;
	[sflag:s0] =	ssyncset.done $0x0;
	(pc) =	sbr.rel .LBB2_6-.Ltmp4, $4  }
0x9d: {  	s10 =	sadd.s32 s6, s9;
	[sflag:s0] =	ssyncadd.s32 $0xFFFFC000  }
0x9e: {  	[tilespmem:s17], [sflag:$0x4] =	stream.linear.gather [hbm4b:s10+s2], $0x80, $0x38;
	[tilespmem:$0x1C400] =	vst v63  }
0x9f: {  	s20 =	sadd.s32 $0x40, s20;
	s9 =	sadd.s32 s7, s9  }
0xa0: {  	[tilespmem:s18], [sflag:$0x4] =	stream.linear.gather [hbm4b:s9+s2], $0x80, $0x38;
	[tilespmem:$0x1C400] =	vst v63  }
.LBB2_2:
0xa1: {  	s9 =	rddreg [dreg:$0x17]  }
0xa2: {  	[tilespmem:s3], [sflag:$0x1] =	stream.linear.gather [hbm4b:s9+s2], $0x80, $0x38;
	[tilespmem:$0x1C400] =	vst v63  }
0xa3: {  	s11 =	rddreg [dreg:$0x18]  }
0xa4: {  	[tilespmem:s12], [sflag:$0x1] =	stream.linear.gather [hbm4b:s11+s2], $0x80, $0x38;
	[tilespmem:$0x1C400] =	vst v63  }
0xa5: {  	s20 =	rddreg [dreg:$0x7]  }
0xa6: {  	[tilespmem:s13], [sflag:$0x2] =	stream.linear.gather [hbm4b:s20+s2], $0x80, $0x38;
	[tilespmem:$0x1C400] =	vst v63  }
0xa7: {  	s28 =	rddreg [dreg:$0x8]  }
0xa8: {  	[tilespmem:s14], [sflag:$0x2] =	stream.linear.gather [hbm4b:s28+s2], $0x80, $0x38;
	[tilespmem:$0x1C400] =	vst v63  }
0xa9: {  	s10 =	rddreg [dreg:$0x9]  }
0xaa: {  	[tilespmem:s15], [sflag:$0x3] =	stream.linear.gather [hbm4b:s10+s2], $0x80, $0x38;
	[tilespmem:$0x1C400] =	vst v63  }
0xab: {  	s11 =	rddreg [dreg:$0xa]  }
0xac: {  	[tilespmem:s16], [sflag:$0x3] =	stream.linear.gather [hbm4b:s11+s2], $0x80, $0x38;
	[tilespmem:$0x1C400] =	vst v63  }
0xad: {  	s20 =	rddreg [dreg:$0xb]  }
0xae: {  	[tilespmem:s17], [sflag:$0x4] =	stream.linear.gather [hbm4b:s20+s2], $0x80, $0x38;
	[tilespmem:$0x1C400] =	vst v63  }
0xaf: {  	s28 =	rddreg [dreg:$0xc]  }
0xb0: {  	[tilespmem:s18], [sflag:$0x4] =	stream.linear.gather [hbm4b:s28+s2], $0x80, $0x38;
	[tilespmem:$0x1C400] =	vst v63  }
0xb1: {  	_ =	swait.ge [sflag:s19], $0x80  }
0xb2: {  	[sflag:s19] =	ssyncset.done $0x0  }
0xb3: {  	[sflag:s19] =	ssyncadd.s32 $0xFFFFFF80  }
0xb4: {  	_ =	swait.ge [sflag:s19], $0x80  }
0xb5: {  	[sflag:s19] =	ssyncset.done $0x0  }
0xb6: {  	s20 =	simm.s32 $0x70;
	[sflag:s19] =	ssyncadd.s32 $0xFFFFFF80  }
0xb7: {  	[tilespmem:s22], [sflag:$0x5] =	stream.indirect.gather [hbm4b:s4+s21], $0x80, s3, s21, $0xb8;
	[tilespmem:$0x1C400] =	vst v63  }
.LBB2_3:
0xb8: {  	_ =	swait.ge [sflag:s23], $0x80  }
0xb9: {  	[sflag:s23] =	ssyncset.done $0x0  }
0xba: {  	[sflag:s23] =	ssyncadd.s32 $0xFFFFFF80  }
0xbb: {  	_ =	swait.ge [sflag:s23], $0x80  }
0xbc: {  	[sflag:s23] =	ssyncset.done $0x0  }
0xbd: {  	[sflag:s23] =	ssyncadd.s32 $0xFFFFFF80  }
0xbe: {  	[tilespmem:s24], [sflag:$0x6] =	stream.indirect.gather [hbm4b:s4+s21], $0x80, s13, s21, $0xb8;
	[tilespmem:$0x1C400] =	vst v63  }
0xbf: {  	p1 =	seq.s32 s20, $0x530;
	_ =	swait.ge [sflag:s25], $0x4000  }
0xc0: {  	s28 =	sadd.s32 @!p1 $0xFFFFFFD0, s20;
	[sflag:s25] =	ssyncset.done $0x0  }
0xc1: {  	s11 =	sadd.s32 @!p1 s8, s28;
	[sflag:s25] =	ssyncadd.s32 $0xFFFFC000  }
0xc2: {  	[spmem:s1] =	stream.indirect.scatter.add.f32 [tilespmem:s22], [sflag:$0x7], $0x80, s12, s21, $0xb8;
	[tilespmem:$0x1C400] =	vst v63  }
0xc3: {  	s28 =	sand.u32 @!p1 $0x40, s28;
	s11 =	sand.u32 @!p1 $0xFF80, s11;
	_ =	swait.ge [sflag:s0], $0x4000  }
0xc4: {  	s10 =	simm.s32 @!p1 $0x0;
	s11 =	sor.u32 @!p1 s28, s11;
	[sflag:s0] =	ssyncset.done $0x0  }
0xc5: {  	s9 =	simm.s32 @!p1 $0x14000;
	s28 =	sadd.s32 @!p1 s6, s11;
	[sflag:s0] =	ssyncadd.s32 $0xFFFFC000  }
0xc6: {  	[tilespmem:s9], [sflag:$0x1] =	stream.linear.gather @!p1 [hbm4b:s28+s10], $0x80, $0x38;
	[tilespmem:$0x1C400] =	vst v63  }
0xc7: {  	s9 =	sadd.s32 @!p1 s7, s11;
	s11 =	simm.s32 @!p1 $0x14200  }
0xc8: {  	[tilespmem:s11], [sflag:$0x1] =	stream.linear.gather @!p1 [hbm4b:s9+s10], $0x80, $0x38;
	[tilespmem:$0x1C400] =	vst v63  }
0xc9: {  	_ =	swait.ge [sflag:s26], $0x80  }
0xca: {  	[sflag:s26] =	ssyncset.done $0x0  }
0xcb: {  	[sflag:s26] =	ssyncadd.s32 $0xFFFFFF80  }
0xcc: {  	_ =	swait.ge [sflag:s26], $0x80  }
0xcd: {  	[sflag:s26] =	ssyncset.done $0x0  }
0xce: {  	[sflag:s26] =	ssyncadd.s32 $0xFFFFFF80  }
0xcf: {  	[tilespmem:s22], [sflag:$0x5] =	stream.indirect.gather [hbm4b:s4+s21], $0x80, s15, s21, $0xb8;
	[tilespmem:$0x1C400] =	vst v63  }
0xd0: {  	_ =	swait.ge [sflag:s30], $0x4000  }
0xd1: {  	s9 =	sadd.s32 @!p1 $0xFFFFFFE0, s20;
	[sflag:s30] =	ssyncset.done $0x0  }
0xd2: {  	s11 =	sadd.s32 @!p1 s8, s9;
	[sflag:s30] =	ssyncadd.s32 $0xFFFFC000  }
0xd3: {  	[spmem:s1] =	stream.indirect.scatter.add.f32 [tilespmem:s24], [sflag:$0x7], $0x80, s14, s21, $0xb8;
	[tilespmem:$0x1C400] =	vst v63  }
0xd4: {  	s9 =	sand.u32 @!p1 $0x50, s9;
	s11 =	sand.u32 @!p1 $0xFF80, s11;
	_ =	swait.ge [sflag:s0], $0x4000  }
0xd5: {  	s9 =	sor.u32 @!p1 s9, s11;
	[sflag:s0] =	ssyncset.done $0x0  }
0xd6: {  	s28 =	simm.s32 @!p1 $0x14080;
	s11 =	sadd.s32 @!p1 s6, s9;
	[sflag:s0] =	ssyncadd.s32 $0xFFFFC000  }
0xd7: {  	[tilespmem:s28], [sflag:$0x2] =	stream.linear.gather @!p1 [hbm4b:s11+s10], $0x80, $0x38;
	[tilespmem:$0x1C400] =	vst v63  }
0xd8: {  	s9 =	sadd.s32 @!p1 s7, s9;
	s11 =	simm.s32 @!p1 $0x14280  }
0xd9: {  	[tilespmem:s11], [sflag:$0x2] =	stream.linear.gather @!p1 [hbm4b:s9+s10], $0x80, $0x38;
	[tilespmem:$0x1C400] =	vst v63  }
0xda: {  	_ =	swait.ge [sflag:s31], $0x80  }
0xdb: {  	[sflag:s31] =	ssyncset.done $0x0  }
0xdc: {  	[sflag:s31] =	ssyncadd.s32 $0xFFFFFF80  }
0xdd: {  	_ =	swait.ge [sflag:s31], $0x80  }
0xde: {  	[sflag:s31] =	ssyncset.done $0x0  }
0xdf: {  	[sflag:s31] =	ssyncadd.s32 $0xFFFFFF80  }
0xe0: {  	[tilespmem:s24], [sflag:$0x6] =	stream.indirect.gather [hbm4b:s4+s21], $0x80, s17, s21, $0xb8;
	[tilespmem:$0x1C400] =	vst v63  }
0xe1: {  	_ =	swait.ge [sflag:s25], $0x4000  }
0xe2: {  	[sflag:s25] =	ssyncset.done $0x0  }
.Ltmp5:
0xe3: {  	[sflag:s25] =	ssyncadd.s32 $0xFFFFC000;
	(pc) =	sbr.rel @p1 .LBB2_8-.Ltmp5, $4  }
0xe4: {  	[spmem:s1] =	stream.indirect.scatter.add.f32 [tilespmem:s22], [sflag:$0x7], $0x80, s16, s21, $0xb8;
	[tilespmem:$0x1C400] =	vst v63  }
0xe5: {  	_ =	swait.ge [sflag:s0], $0x4000  }
0xe6: {  	[sflag:s0] =	ssyncset.done $0x0  }
0xe7: {  	[sflag:s0] =	ssyncadd.s32 $0xFFFFC000  }
0xe8: {  	s9 =	sadd.s32 s20, s8  }
0xe9: {  	s11 =	sadd.s32 $0xFFFFFFF0, s20;
	s10 =	sadd.s32 $0xFFFFFFF0, s9  }
0xea: {  	s11 =	sand.u32 $0x60, s11;
	s10 =	sand.u32 $0xFF80, s10  }
0xeb: {  	s10 =	sor.u32 s11, s10  }
0xec: {  	s11 =	sadd.s32 s6, s10  }
0xed: {  	[tilespmem:s15], [sflag:$0x3] =	stream.linear.gather [hbm4b:s11+s2], $0x80, $0x38;
	[tilespmem:$0x1C400] =	vst v63  }
0xee: {  	s10 =	sadd.s32 s7, s10  }
0xef: {  	[tilespmem:s16], [sflag:$0x3] =	stream.linear.gather [hbm4b:s10+s2], $0x80, $0x38;
	[tilespmem:$0x1C400] =	vst v63  }
0xf0: {  	_ =	swait.ge [sflag:s19], $0x80  }
0xf1: {  	[sflag:s19] =	ssyncset.done $0x0  }
0xf2: {  	[sflag:s19] =	ssyncadd.s32 $0xFFFFFF80  }
0xf3: {  	_ =	swait.ge [sflag:s19], $0x80  }
0xf4: {  	[sflag:s19] =	ssyncset.done $0x0  }
0xf5: {  	[sflag:s19] =	ssyncadd.s32 $0xFFFFFF80  }
0xf6: {  	[tilespmem:s22], [sflag:$0x5] =	stream.indirect.gather [hbm4b:s4+s21], $0x80, s3, s21, $0xb8;
	[tilespmem:$0x1C400] =	vst v63  }
0xf7: {  	_ =	swait.ge [sflag:s30], $0x4000  }
0xf8: {  	[sflag:s30] =	ssyncset.done $0x0  }
0xf9: {  	[sflag:s30] =	ssyncadd.s32 $0xFFFFC000  }
0xfa: {  	[spmem:s1] =	stream.indirect.scatter.add.f32 [tilespmem:s24], [sflag:$0x7], $0x80, s18, s21, $0xb8;
	[tilespmem:$0x1C400] =	vst v63  }
0xfb: {  	s28 =	sand.u32 $0x70, s20;
	s9 =	sand.u32 $0xFF80, s9;
	_ =	swait.ge [sflag:s0], $0x4000  }
.Ltmp6:
0xfc: {  	s9 =	sor.u32 s28, s9;
	[sflag:s0] =	ssyncset.done $0x0;
	(pc) =	sbr.rel .LBB2_3-.Ltmp6, $4  }
0xfd: {  	s10 =	sadd.s32 s6, s9;
	[sflag:s0] =	ssyncadd.s32 $0xFFFFC000  }
0xfe: {  	[tilespmem:s17], [sflag:$0x4] =	stream.linear.gather [hbm4b:s10+s2], $0x80, $0x38;
	[tilespmem:$0x1C400] =	vst v63  }
0xff: {  	s20 =	sadd.s32 $0x40, s20;
	s9 =	sadd.s32 s7, s9  }
0x100: {  	[tilespmem:s18], [sflag:$0x4] =	stream.linear.gather [hbm4b:s9+s2], $0x80, $0x38;
	[tilespmem:$0x1C400] =	vst v63  }
.LBB2_9:
0x101: {  	_ =	sfence.sel $0x180000  }
0x102: {  	[bflag:$0x0] =	sbarrier.arrive $0xFFFF  }
0x103: {  	_ =	strace $0x9000004A  }
0x104: {  	s0 =	stileid.u32;
	[bflag:$0x2] =	sbarrier.arrive $0xFFFF  }
0x105: {  	p0 =	sne.s32 s0, $0x0;
	s0 =	rddreg [dreg:$0x3]  }
0x106: {  	s0 =	sadd.s32 @!p0 $0x100000, s0  }
0x107: {  	[sflag:s0] =	ssyncadd.tile.s32 @!p0 $0x1;
	_ =	shalt  }
.Lfunc_end2:
_tile_overlayer_lowered:
.L_overlay_start_2:
0x108: {  	(tag) =	ssettag $0x2  }
0x109: {  	s0 =	rddreg [dreg:$0x0];
	s2 =	stileid.u32  }
0x10a: {  	s1 =	rddreg [dreg:$0x1];
	p0 =	sne.s32 s2, $0x0  }
0x10b: {  	s3 =	rddreg [dreg:$0x2];
	[bflag:$0x3] =	sbarrier.arrive $0xFFFF;
	s2 =	simm.s32 @!p0 $0x1C07  }
0x10c: {  	[timem:s3], [sflag:s2] =	dma.local @!p0 [hbm:s0], s1  }
0x10d: {  	s0 =	simm.s32 @!p0 $0x7  }
0x10e: {  	_ =	swait.ge @!p0 [sflag:s0], s1  }
0x10f: {  	s1 =	ssub.s32 @!p0 $0x0, s1;
	[sflag:s0] =	ssyncset.done @!p0 $0x0  }
0x110: {  	[sflag:s0] =	ssyncadd.s32 @!p0 s1  }
0x111: {  	[bflag:$0x3] =	sbarrier.arrive $0xFFFF  }
0x112: {  	_ =	shalt  }

</sc_bundles>
